<compile_context>
chip_gen: v7x
topology: tpu7x:2x2x1
jax: 0.10.2.dev20260603
libtpu: 0.0.44.dev20260713+nightly
codegen_flags: <defaults>
</compile_context>

<pallas_src>
import functools

import jax
import jax.numpy as jnp
from jax import lax
from jax.experimental import pallas as pl
from jax.experimental.pallas import tpu as pltpu
from jax.experimental.pallas import tpu_sc as plsc

D = 8
GRID = 128
RANK = 32
BATCH = 16384

NC = 2
NS = 16
NW = NC * NS
BPW = BATCH // NW
CH = 32
NCH = BPW // CH
NMID = 6 * NCH


def _vrow(ge):
    return ge // 4, (ge % 4) * 32


def _tt_body(idxe_hbm, idxm_hbm, c0_hbm, cm_hbm, c7_hbm, out_hbm,
             idxv, idxo, vbuf, mats0, mats1, pad0, outv, sem0, sem1):
    wid = lax.axis_index("s") * NC + lax.axis_index("c")

    pltpu.sync_copy(idxe_hbm.at[wid], idxv)
    pltpu.sync_copy(idxm_hbm.at[wid], idxo)

    def eidx(stage, c):
        return idxv.at[stage * 4 + c // 4, pl.ds((c % 4) * 32, CH)]

    def midx(t):
        return idxo.at[t // 4, pl.ds((t % 4) * 32, CH)]


    def s0_chunk(c, _):
        pltpu.async_copy(c0_hbm.at[eidx(0, c)], pad0, sem1).wait()

        def s0_elem(e, __):
            r, o = _vrow(c * CH + e)
            vbuf[r, pl.ds(o, 16)] = pad0[e, pl.ds(0, 16)]
            vbuf[r, pl.ds(o + 16, 16)] = pad0[e, pl.ds(16, 16)]
            return __

        lax.fori_loop(0, CH, s0_elem, None)
        return _

    lax.fori_loop(0, NCH, s0_chunk, None)

    def compute_chunk(t, mats):
        cbase = (t % NCH) * CH
        himask = jnp.full((16,), -65536, jnp.int32)

        def elem(ep, __):
            for sub in range(2):
                e = ep * 2 + sub
                r, o = _vrow(cbase + e)
                r0 = vbuf[r, pl.ds(o, 16)]
                r1 = vbuf[r, pl.ds(o + 16, 16)]
                acc0a = jnp.zeros((16,), jnp.float32)
                acc0b = jnp.zeros((16,), jnp.float32)
                acc1a = jnp.zeros((16,), jnp.float32)
                acc1b = jnp.zeros((16,), jnp.float32)
                for k in range(RANK):
                    vk = r0[k] if k < 16 else r1[k - 16]
                    mw = mats[e, pl.ds(k * 16, 16)]
                    ma = plsc.bitcast(mw << 16, jnp.float32)
                    mb = plsc.bitcast(mw & himask, jnp.float32)
                    if k % 2 == 0:
                        acc0a = acc0a + vk * ma
                        acc1a = acc1a + vk * mb
                    else:
                        acc0b = acc0b + vk * ma
                        acc1b = acc1b + vk * mb
                vbuf[r, pl.ds(o, 16)] = acc0a + acc0b
                vbuf[r, pl.ds(o + 16, 16)] = acc1a + acc1b
            return __

        lax.fori_loop(0, CH // 2, elem, None)

    def mid_pair(t2, _):
        t = 2 * t2
        compute_chunk(t, mats0)
        compute_chunk(t + 1, mats1)
        return _

    lax.fori_loop(0, NMID // 2, mid_pair, None)

    iota16 = lax.iota(jnp.int32, 16)

    def s7_chunk(c, _):
        pltpu.async_copy(c7_hbm.at[eidx(1, c)], pad0, sem1).wait()

        def grp(g, __):
            yvec = jnp.zeros((16,), jnp.float32)
            for j in range(16):
                e = g * 16 + j
                r, o = _vrow(c * CH + e)
                r0 = vbuf[r, pl.ds(o, 16)]
                r1 = vbuf[r, pl.ds(o + 16, 16)]
                prod = (r0 * pad0[e, pl.ds(0, 16)]
                        + r1 * pad0[e, pl.ds(16, 16)])
                s = prod[0]
                for u in range(1, 16):
                    s = s + prod[u]
                yvec = jnp.where(iota16 == j, s, yvec)
            outv[pl.ds(c * CH + g * 16, 16)] = yvec
            return __

        lax.fori_loop(0, 2, grp, None)
        return _

    lax.fori_loop(0, NCH, s7_chunk, None)

    pltpu.sync_copy(outv, out_hbm.at[pl.ds(wid * BPW, BPW)])


@jax.jit
def kernel(indices, core0, core1, core2, core3, core4, core5, core6, core7):
    idx = indices.astype(jnp.int32)
    idxe = jnp.stack([idx[:, 0], idx[:, 7]], 0)
    idxe = idxe.reshape(2, NW, BPW).transpose(1, 0, 2).reshape(NW, 8, 128)
    idxm = (idx[:, 1:7] + jnp.arange(6, dtype=jnp.int32) * GRID).T
    idxm = idxm.reshape(6, NW, BPW).transpose(1, 0, 2).reshape(NW, 24, 128)
    c0 = jnp.pad(core0.reshape(GRID, RANK), ((0, 0), (0, 96)))
    cm = jnp.stack([jnp.transpose(c, (1, 0, 2))
                    for c in (core1, core2, core3, core4, core5, core6)])
    perm = jnp.stack([jnp.arange(16), jnp.arange(16, 32)], 1).reshape(-1)
    cm = cm.reshape(6, GRID, RANK, RANK)[:, :, :, perm].astype(jnp.bfloat16)
    cm = jax.lax.bitcast_convert_type(
        cm.reshape(6 * GRID, RANK * 16, 2), jnp.int32).reshape(6 * GRID, 512)
    c7 = jnp.pad(core7[:, :, 0].T, ((0, 0), (0, 96)))

    mesh = plsc.VectorSubcoreMesh(core_axis_name="c", subcore_axis_name="s",
                                  num_cores=NC, num_subcores=NS)
    run = functools.partial(
        pl.kernel,
        out_type=jax.ShapeDtypeStruct((BATCH,), jnp.float32),
        mesh=mesh,
        compiler_params=pltpu.CompilerParams(needs_layout_passes=False),
        scratch_types=[
            pltpu.VMEM((8, 128), jnp.int32),
            pltpu.VMEM((24, 128), jnp.int32),
            pltpu.VMEM((128, 128), jnp.float32),
            pltpu.VMEM((CH, 512), jnp.int32),
            pltpu.VMEM((CH, 512), jnp.int32),
            pltpu.VMEM((CH, 128), jnp.float32),
            pltpu.VMEM((BPW,), jnp.float32),
            pltpu.SemaphoreType.DMA,
            pltpu.SemaphoreType.DMA,
        ],
    )(_tt_body)
    return run(idxe, idxm, c0, cm, c7)

# --- scband reference (transcript-rebuilt; emitter-appended) ---
"""Pipeline reference for scband-ttregressor-21852793602401 (READ-ONLY COPY).

The authoritative reference and input builder live on the scoring server;
editing this copy changes nothing except your own understanding.
"""

import jax, jax.numpy as jnp
import numpy as np

D = 8
GRID = 128
RANK = 32
BATCH = 16384


def setup_inputs(seed: int = 0) -> dict:
    key = jax.random.key(seed)
    ks = jax.random.split(key, D + 1)
    indices = jax.random.randint(ks[0], (BATCH, D), 0, GRID)
    out = {"indices": indices}
    r_prev = 1
    for i in range(D):
        r_next = RANK if i < D - 1 else 1
        out[f"core{i}"] = jax.random.normal(ks[i + 1], (r_prev, GRID, r_next), dtype=jnp.float32) * 0.01
        r_prev = r_next
    return out


def reference(indices, core0, core1, core2, core3, core4, core5, core6, core7):
    cores = [core0, core1, core2, core3, core4, core5, core6, core7]
    # out = cores[0][0, indices[:, 0], :]  -> [B, r1], then unsqueeze(1) -> [B, 1, r1]
    out = cores[0][0, indices[:, 0], :][:, None, :]
    for i in range(1, D):
        # c = cores[i][:, indices[:, i], :].permute(1, 0, 2)  -> [B, r_prev, r_next]
        c = jnp.transpose(cores[i][:, indices[:, i], :], (1, 0, 2))
        out = jnp.matmul(out, c)  # [B, 1, r_next]
    # squeeze(1).squeeze(1) on [B, 1, 1] -> [B]
    return out[:, 0, 0]

if __name__ == "__main__":
    import jax
    _d = setup_inputs()
    print(jax.jit(kernel)(*tuple(_d.values())))

</pallas_src>

<mosaic_0001>
#map = affine_map<(d0, d1) -> (0, 0, 0)>
#map1 = affine_map<(d0, d1) -> (0, 0)>
#map2 = affine_map<(d0, d1) -> (0)>
module attributes {stable_mosaic.version = 14 : i64} {
  func.func @_tt_body(%arg0: i32, %arg1: i32, %arg2: memref<32x8x128xi32, #tpu.memory_space<hbm>>, %arg3: memref<32x24x128xi32, #tpu.memory_space<hbm>>, %arg4: memref<128x128xf32, #tpu.memory_space<hbm>>, %arg5: memref<768x512xi32, #tpu.memory_space<hbm>>, %arg6: memref<128x128xf32, #tpu.memory_space<hbm>>, %arg7: memref<16384xf32, #tpu.memory_space<hbm>>, %arg8: memref<8x128xi32, #tpu.memory_space<vmem>>, %arg9: memref<24x128xi32, #tpu.memory_space<vmem>>, %arg10: memref<128x128xf32, #tpu.memory_space<vmem>>, %arg11: memref<32x512xi32, #tpu.memory_space<vmem>>, %arg12: memref<32x512xi32, #tpu.memory_space<vmem>>, %arg13: memref<32x128xf32, #tpu.memory_space<vmem>>, %arg14: memref<512xf32, #tpu.memory_space<vmem>>, %arg15: memref<!tpu.dma_semaphore, #tpu.memory_space<semaphore_mem>>, %arg16: memref<!tpu.dma_semaphore, #tpu.memory_space<semaphore_mem>>) attributes {dimension_semantics = [#tpu.dimension_semantics<core_parallel>, #tpu.dimension_semantics<subcore_parallel>], iteration_bounds = array<i64: 2, 16>, scalar_prefetch = 0 : i64, scratch_operands = 9 : i64, tpu.core_type = #tpu.core_type<sc_vector_subcore>, window_params = [{transform_indices = #map}, {transform_indices = #map}, {transform_indices = #map1}, {transform_indices = #map1}, {transform_indices = #map1}, {transform_indices = #map2}]} {
    %mul3A = arith.constant 2 : i32
    %mul3A_0 = arith.muli %arg1, %mul3A : i32
    %add3A = arith.addi %mul3A_0, %arg0 : i32
    "tpu.region"() ({
      %run_scoped3A = tpu.sem_alloc : memref<!tpu.dma_semaphore, #tpu.memory_space<semaphore_mem>>
      %dma_start3A = arith.constant 0 : i32
      %dma_start3A_17 = arith.constant 0 : i32
      %dma_start3A_18 = tpu.memref_slice %arg2[%add3A, %dma_start3A, %dma_start3A_17] : memref<32x8x128xi32, #tpu.memory_space<hbm>> -> memref<1x8x128xi32, #tpu.memory_space<hbm>>
      %dma_start3A_19 = tpu.memref_squeeze %dma_start3A_18 : memref<1x8x128xi32, #tpu.memory_space<hbm>> -> memref<8x128xi32, #tpu.memory_space<hbm>>
      %dma_start3A_20 = arith.constant 0 : i32
      %dma_start3A_21 = arith.constant 0 : i32
      %dma_start3A_22 = tpu.memref_slice %arg2[%add3A, %dma_start3A_20, %dma_start3A_21] : memref<32x8x128xi32, #tpu.memory_space<hbm>> -> memref<1x8x128xi32, #tpu.memory_space<hbm>>
      %dma_start3A_23 = tpu.memref_squeeze %dma_start3A_22 : memref<1x8x128xi32, #tpu.memory_space<hbm>> -> memref<8x128xi32, #tpu.memory_space<hbm>>
      tpu.enqueue_dma source(%dma_start3A_23 : memref<8x128xi32, #tpu.memory_space<hbm>>) target(%arg8 : memref<8x128xi32, #tpu.memory_space<vmem>>) target_semaphore(%run_scoped3A : memref<!tpu.dma_semaphore, #tpu.memory_space<semaphore_mem>>)
      %dma_wait3A = arith.constant 0 : i32
      %dma_wait3A_24 = arith.constant 0 : i32
      %dma_wait3A_25 = tpu.memref_slice %arg2[%add3A, %dma_wait3A, %dma_wait3A_24] : memref<32x8x128xi32, #tpu.memory_space<hbm>> -> memref<1x8x128xi32, #tpu.memory_space<hbm>>
      %dma_wait3A_26 = tpu.memref_squeeze %dma_wait3A_25 : memref<1x8x128xi32, #tpu.memory_space<hbm>> -> memref<8x128xi32, #tpu.memory_space<hbm>>
      %dma_wait3A_27 = arith.constant 0 : i32
      %dma_wait3A_28 = arith.constant 0 : i32
      %dma_wait3A_29 = tpu.memref_slice %arg2[%add3A, %dma_wait3A_27, %dma_wait3A_28] : memref<32x8x128xi32, #tpu.memory_space<hbm>> -> memref<1x8x128xi32, #tpu.memory_space<hbm>>
      %dma_wait3A_30 = tpu.memref_squeeze %dma_wait3A_29 : memref<1x8x128xi32, #tpu.memory_space<hbm>> -> memref<8x128xi32, #tpu.memory_space<hbm>>
      tpu.wait_dma2 semaphore(%run_scoped3A : memref<!tpu.dma_semaphore, #tpu.memory_space<semaphore_mem>>) src(%dma_wait3A_30 : memref<8x128xi32, #tpu.memory_space<hbm>>) dst(%arg8 : memref<8x128xi32, #tpu.memory_space<vmem>>)
      tpu.yield
    }) : () -> ()
    "tpu.region"() ({
      %run_scoped3A = tpu.sem_alloc : memref<!tpu.dma_semaphore, #tpu.memory_space<semaphore_mem>>
      %dma_start3A = arith.constant 0 : i32
      %dma_start3A_17 = arith.constant 0 : i32
      %dma_start3A_18 = tpu.memref_slice %arg3[%add3A, %dma_start3A, %dma_start3A_17] : memref<32x24x128xi32, #tpu.memory_space<hbm>> -> memref<1x24x128xi32, #tpu.memory_space<hbm>>
      %dma_start3A_19 = tpu.memref_squeeze %dma_start3A_18 : memref<1x24x128xi32, #tpu.memory_space<hbm>> -> memref<24x128xi32, #tpu.memory_space<hbm>>
      %dma_start3A_20 = arith.constant 0 : i32
      %dma_start3A_21 = arith.constant 0 : i32
      %dma_start3A_22 = tpu.memref_slice %arg3[%add3A, %dma_start3A_20, %dma_start3A_21] : memref<32x24x128xi32, #tpu.memory_space<hbm>> -> memref<1x24x128xi32, #tpu.memory_space<hbm>>
      %dma_start3A_23 = tpu.memref_squeeze %dma_start3A_22 : memref<1x24x128xi32, #tpu.memory_space<hbm>> -> memref<24x128xi32, #tpu.memory_space<hbm>>
      tpu.enqueue_dma source(%dma_start3A_23 : memref<24x128xi32, #tpu.memory_space<hbm>>) target(%arg9 : memref<24x128xi32, #tpu.memory_space<vmem>>) target_semaphore(%run_scoped3A : memref<!tpu.dma_semaphore, #tpu.memory_space<semaphore_mem>>)
      %dma_wait3A = arith.constant 0 : i32
      %dma_wait3A_24 = arith.constant 0 : i32
      %dma_wait3A_25 = tpu.memref_slice %arg3[%add3A, %dma_wait3A, %dma_wait3A_24] : memref<32x24x128xi32, #tpu.memory_space<hbm>> -> memref<1x24x128xi32, #tpu.memory_space<hbm>>
      %dma_wait3A_26 = tpu.memref_squeeze %dma_wait3A_25 : memref<1x24x128xi32, #tpu.memory_space<hbm>> -> memref<24x128xi32, #tpu.memory_space<hbm>>
      %dma_wait3A_27 = arith.constant 0 : i32
      %dma_wait3A_28 = arith.constant 0 : i32
      %dma_wait3A_29 = tpu.memref_slice %arg3[%add3A, %dma_wait3A_27, %dma_wait3A_28] : memref<32x24x128xi32, #tpu.memory_space<hbm>> -> memref<1x24x128xi32, #tpu.memory_space<hbm>>
      %dma_wait3A_30 = tpu.memref_squeeze %dma_wait3A_29 : memref<1x24x128xi32, #tpu.memory_space<hbm>> -> memref<24x128xi32, #tpu.memory_space<hbm>>
      tpu.wait_dma2 semaphore(%run_scoped3A : memref<!tpu.dma_semaphore, #tpu.memory_space<semaphore_mem>>) src(%dma_wait3A_30 : memref<24x128xi32, #tpu.memory_space<hbm>>) dst(%arg9 : memref<24x128xi32, #tpu.memory_space<vmem>>)
      tpu.yield
    }) : () -> ()
    %scan3A = arith.constant 0 : i32
    %scan3A_1 = arith.constant 16 : i32
    %scan3A_2 = arith.addi %scan3A, %scan3A_1 : i32
    %scan3A_3 = arith.constant 1 : i32
    scf.for %scan3A_17 = %scan3A to %scan3A_2 step %scan3A_3  : i32 {
      %jit3A = arith.constant 4 : i32
      %div3A = arith.divsi %scan3A_17, %jit3A : i32
      %sign3A = arith.constant 0 : i32
      %sign3A_18 = arith.cmpi sgt, %scan3A_17, %sign3A : i32
      %sign3A_19 = arith.extui %sign3A_18 : i1 to i32
      %sign3A_20 = arith.constant 0 : i32
      %sign3A_21 = arith.cmpi slt, %scan3A_17, %sign3A_20 : i32
      %sign3A_22 = arith.extui %sign3A_21 : i1 to i32
      %sign3A_23 = arith.subi %sign3A_19, %sign3A_22 : i32
      %sign3A_24 = arith.constant 0 : i32
      %sign3A_25 = arith.cmpi sgt, %jit3A, %sign3A_24 : i32
      %sign3A_26 = arith.extui %sign3A_25 : i1 to i32
      %sign3A_27 = arith.constant 0 : i32
      %sign3A_28 = arith.cmpi slt, %jit3A, %sign3A_27 : i32
      %sign3A_29 = arith.extui %sign3A_28 : i1 to i32
      %sign3A_30 = arith.subi %sign3A_26, %sign3A_29 : i32
      %ne3A = arith.cmpi ne, %sign3A_23, %sign3A_30 : i32
      %rem3A = arith.remsi %scan3A_17, %jit3A : i32
      %ne3A_31 = arith.constant 0 : i32
      %ne3A_32 = arith.cmpi ne, %rem3A, %ne3A_31 : i32
      %and3A = arith.andi %ne3A, %ne3A_32 : i1
      %sub3A = arith.constant 1 : i32
      %sub3A_33 = arith.subi %div3A, %sub3A : i32
      %select_n3A = arith.select %and3A, %sub3A_33, %div3A : i32
      %add3A_34 = arith.constant 0 : i32
      %add3A_35 = arith.addi %add3A_34, %select_n3A : i32
      %jit3A_36 = arith.constant 4 : i32
      %eq3A = arith.constant 0 : i32
      %eq3A_37 = arith.cmpi eq, %jit3A_36, %eq3A : i32
      %jit3A_38 = arith.constant 1 : i32
      %select_n3A_39 = arith.select %eq3A_37, %jit3A_38, %jit3A_36 : i32
      %rem3A_40 = arith.remsi %scan3A_17, %select_n3A_39 : i32
      %ne3A_41 = arith.constant 0 : i32
      %ne3A_42 = arith.cmpi ne, %rem3A_40, %ne3A_41 : i32
      %lt3A = arith.constant 0 : i32
      %lt3A_43 = arith.cmpi slt, %rem3A_40, %lt3A : i32
      %lt3A_44 = arith.constant 0 : i32
      %lt3A_45 = arith.cmpi slt, %select_n3A_39, %lt3A_44 : i32
      %ne3A_46 = arith.xori %lt3A_43, %lt3A_45 : i1
      %and3A_47 = arith.andi %ne3A_46, %ne3A_42 : i1
      %add3A_48 = arith.addi %rem3A_40, %select_n3A_39 : i32
      %select_n3A_49 = arith.select %and3A_47, %add3A_48, %rem3A_40 : i32
      %mul3A_50 = arith.constant 32 : i32
      %mul3A_51 = arith.muli %select_n3A_49, %mul3A_50 : i32
      %dma_start3A = tpu.memref_slice %arg8[%add3A_35, %mul3A_51] : memref<8x128xi32, #tpu.memory_space<vmem>> -> memref<1x32xi32, #tpu.memory_space<vmem>>
      %dma_start3A_52 = tpu.memref_squeeze %dma_start3A : memref<1x32xi32, #tpu.memory_space<vmem>> -> memref<32xi32, #tpu.memory_space<vmem>>
      %dma_start3A_53 = arith.constant 0 : i32
      %dma_start3A_54 = arith.constant 0 : i32
      %dma_start3A_55 = tpu.memref_slice %arg4[%dma_start3A_53, %dma_start3A_54] : memref<128x128xf32, #tpu.memory_space<hbm>> -> memref<128x128xf32, #tpu.memory_space<hbm>>
      tpu.enqueue_indirect_dma source(%dma_start3A_55 : memref<128x128xf32, #tpu.memory_space<hbm>>) target(%arg13 : memref<32x128xf32, #tpu.memory_space<vmem>>) offsets(%dma_start3A_52 : memref<32xi32, #tpu.memory_space<vmem>>) semaphore(%arg16 : memref<!tpu.dma_semaphore, #tpu.memory_space<semaphore_mem>>)
      %dma_wait3A = tpu.memref_slice %arg8[%add3A_35, %mul3A_51] : memref<8x128xi32, #tpu.memory_space<vmem>> -> memref<1x32xi32, #tpu.memory_space<vmem>>
      %dma_wait3A_56 = tpu.memref_squeeze %dma_wait3A : memref<1x32xi32, #tpu.memory_space<vmem>> -> memref<32xi32, #tpu.memory_space<vmem>>
      %dma_wait3A_57 = arith.constant 0 : i32
      %dma_wait3A_58 = arith.constant 0 : i32
      %dma_wait3A_59 = tpu.memref_slice %arg4[%dma_wait3A_57, %dma_wait3A_58] : memref<128x128xf32, #tpu.memory_space<hbm>> -> memref<128x128xf32, #tpu.memory_space<hbm>>
      tpu.wait_indirect_dma semaphore(%arg16 : memref<!tpu.dma_semaphore, #tpu.memory_space<semaphore_mem>>) src(%dma_wait3A_59 : memref<128x128xf32, #tpu.memory_space<hbm>>) dst(%arg13 : memref<32x128xf32, #tpu.memory_space<vmem>>)
      %scan3A_60 = arith.constant 0 : i32
      %scan3A_61 = arith.constant 32 : i32
      %scan3A_62 = arith.addi %scan3A_60, %scan3A_61 : i32
      %scan3A_63 = arith.constant 1 : i32
      scf.for %scan3A_65 = %scan3A_60 to %scan3A_62 step %scan3A_63  : i32 {
        %mul3A_66 = arith.constant 32 : i32
        %mul3A_67 = arith.muli %scan3A_17, %mul3A_66 : i32
        %add3A_68 = arith.addi %mul3A_67, %scan3A_65 : i32
        %jit3A_69 = arith.constant 4 : i32
        %div3A_70 = arith.divsi %add3A_68, %jit3A_69 : i32
        %sign3A_71 = arith.constant 0 : i32
        %sign3A_72 = arith.cmpi sgt, %add3A_68, %sign3A_71 : i32
        %sign3A_73 = arith.extui %sign3A_72 : i1 to i32
        %sign3A_74 = arith.constant 0 : i32
        %sign3A_75 = arith.cmpi slt, %add3A_68, %sign3A_74 : i32
        %sign3A_76 = arith.extui %sign3A_75 : i1 to i32
        %sign3A_77 = arith.subi %sign3A_73, %sign3A_76 : i32
        %sign3A_78 = arith.constant 0 : i32
        %sign3A_79 = arith.cmpi sgt, %jit3A_69, %sign3A_78 : i32
        %sign3A_80 = arith.extui %sign3A_79 : i1 to i32
        %sign3A_81 = arith.constant 0 : i32
        %sign3A_82 = arith.cmpi slt, %jit3A_69, %sign3A_81 : i32
        %sign3A_83 = arith.extui %sign3A_82 : i1 to i32
        %sign3A_84 = arith.subi %sign3A_80, %sign3A_83 : i32
        %ne3A_85 = arith.cmpi ne, %sign3A_77, %sign3A_84 : i32
        %rem3A_86 = arith.remsi %add3A_68, %jit3A_69 : i32
        %ne3A_87 = arith.constant 0 : i32
        %ne3A_88 = arith.cmpi ne, %rem3A_86, %ne3A_87 : i32
        %and3A_89 = arith.andi %ne3A_85, %ne3A_88 : i1
        %sub3A_90 = arith.constant 1 : i32
        %sub3A_91 = arith.subi %div3A_70, %sub3A_90 : i32
        %select_n3A_92 = arith.select %and3A_89, %sub3A_91, %div3A_70 : i32
        %jit3A_93 = arith.constant 4 : i32
        %eq3A_94 = arith.constant 0 : i32
        %eq3A_95 = arith.cmpi eq, %jit3A_93, %eq3A_94 : i32
        %jit3A_96 = arith.constant 1 : i32
        %select_n3A_97 = arith.select %eq3A_95, %jit3A_96, %jit3A_93 : i32
        %rem3A_98 = arith.remsi %add3A_68, %select_n3A_97 : i32
        %ne3A_99 = arith.constant 0 : i32
        %ne3A_100 = arith.cmpi ne, %rem3A_98, %ne3A_99 : i32
        %lt3A_101 = arith.constant 0 : i32
        %lt3A_102 = arith.cmpi slt, %rem3A_98, %lt3A_101 : i32
        %lt3A_103 = arith.constant 0 : i32
        %lt3A_104 = arith.cmpi slt, %select_n3A_97, %lt3A_103 : i32
        %ne3A_105 = arith.xori %lt3A_102, %lt3A_104 : i1
        %and3A_106 = arith.andi %ne3A_105, %ne3A_100 : i1
        %add3A_107 = arith.addi %rem3A_98, %select_n3A_97 : i32
        %select_n3A_108 = arith.select %and3A_106, %add3A_107, %rem3A_98 : i32
        %mul3A_109 = arith.constant 32 : i32
        %mul3A_110 = arith.muli %select_n3A_108, %mul3A_109 : i32
        %get3A = arith.index_cast %scan3A_65 : i32 to index
        %get3A_111 = arith.constant 0 : index
        %get3A_112 = tpu.vector_load %arg13[%get3A, %get3A_111] {strides = array<i32>} : memref<32x128xf32, #tpu.memory_space<vmem>>, vector<16xf32>,
        %swap3A = arith.index_cast %select_n3A_92 : i32 to index
        %swap3A_113 = arith.index_cast %mul3A_110 : i32 to index
        %swap3A_114 = tpu.vector_load %arg10[%swap3A, %swap3A_113] {strides = array<i32>} : memref<128x128xf32, #tpu.memory_space<vmem>>, vector<16xf32>,
        tpu.vector_store %arg10[%swap3A, %swap3A_113], %get3A_112 {strides = array<i32>} : memref<128x128xf32, #tpu.memory_space<vmem>>, vector<16xf32>,
        %get3A_115 = arith.index_cast %scan3A_65 : i32 to index
        %get3A_116 = arith.constant 16 : index
        %get3A_117 = tpu.vector_load %arg13[%get3A_115, %get3A_116] {strides = array<i32>} : memref<32x128xf32, #tpu.memory_space<vmem>>, vector<16xf32>,
        %add3A_118 = arith.constant 16 : i32
        %add3A_119 = arith.addi %mul3A_110, %add3A_118 : i32
        %swap3A_120 = arith.index_cast %select_n3A_92 : i32 to index
        %swap3A_121 = arith.index_cast %add3A_119 : i32 to index
        %swap3A_122 = tpu.vector_load %arg10[%swap3A_120, %swap3A_121] {strides = array<i32>} : memref<128x128xf32, #tpu.memory_space<vmem>>, vector<16xf32>,
        tpu.vector_store %arg10[%swap3A_120, %swap3A_121], %get3A_117 {strides = array<i32>} : memref<128x128xf32, #tpu.memory_space<vmem>>, vector<16xf32>,
      }
      %scan3A_64 = arith.constant 32 : i32
    }
    %scan3A_4 = arith.constant 16 : i32
    %scan3A_5 = arith.constant 0 : i32
    %scan3A_6 = arith.constant 48 : i32
    %scan3A_7 = arith.addi %scan3A_5, %scan3A_6 : i32
    %scan3A_8 = arith.constant 1 : i32
    scf.for %scan3A_17 = %scan3A_5 to %scan3A_7 step %scan3A_8  : i32 {
      %mul3A_18 = arith.constant 2 : i32
      %mul3A_19 = arith.muli %mul3A_18, %scan3A_17 : i32
      %jit3A = arith.constant 16 : i32
      %eq3A = arith.constant 0 : i32
      %eq3A_20 = arith.cmpi eq, %jit3A, %eq3A : i32
      %jit3A_21 = arith.constant 1 : i32
      %select_n3A = arith.select %eq3A_20, %jit3A_21, %jit3A : i32
      %rem3A = arith.remsi %mul3A_19, %select_n3A : i32
      %ne3A = arith.constant 0 : i32
      %ne3A_22 = arith.cmpi ne, %rem3A, %ne3A : i32
      %lt3A = arith.constant 0 : i32
      %lt3A_23 = arith.cmpi slt, %rem3A, %lt3A : i32
      %lt3A_24 = arith.constant 0 : i32
      %lt3A_25 = arith.cmpi slt, %select_n3A, %lt3A_24 : i32
      %ne3A_26 = arith.xori %lt3A_23, %lt3A_25 : i1
      %and3A = arith.andi %ne3A_26, %ne3A_22 : i1
      %add3A_27 = arith.addi %rem3A, %select_n3A : i32
      %select_n3A_28 = arith.select %and3A, %add3A_27, %rem3A : i32
      %mul3A_29 = arith.constant 32 : i32
      %mul3A_30 = arith.muli %select_n3A_28, %mul3A_29 : i32
      %broadcast_in_dim3A = arith.constant -65536 : i32
      %broadcast_in_dim3A_31 = vector.broadcast %broadcast_in_dim3A : i32 to vector<16xi32>
      %scan3A_32 = arith.constant 0 : i32
      %scan3A_33 = arith.constant 16 : i32
      %scan3A_34 = arith.addi %scan3A_32, %scan3A_33 : i32
      %scan3A_35 = arith.constant 1 : i32
      scf.for %scan3A_64 = %scan3A_32 to %scan3A_34 step %scan3A_35  : i32 {
        %mul3A_65 = arith.constant 2 : i32
        %mul3A_66 = arith.muli %scan3A_64, %mul3A_65 : i32
        %add3A_67 = arith.constant 0 : i32
        %add3A_68 = arith.addi %mul3A_66, %add3A_67 : i32
        %add3A_69 = arith.addi %mul3A_30, %add3A_68 : i32
        %jit3A_70 = arith.constant 4 : i32
        %div3A = arith.divsi %add3A_69, %jit3A_70 : i32
        %sign3A = arith.constant 0 : i32
        %sign3A_71 = arith.cmpi sgt, %add3A_69, %sign3A : i32
        %sign3A_72 = arith.extui %sign3A_71 : i1 to i32
        %sign3A_73 = arith.constant 0 : i32
        %sign3A_74 = arith.cmpi slt, %add3A_69, %sign3A_73 : i32
        %sign3A_75 = arith.extui %sign3A_74 : i1 to i32
        %sign3A_76 = arith.subi %sign3A_72, %sign3A_75 : i32
        %sign3A_77 = arith.constant 0 : i32
        %sign3A_78 = arith.cmpi sgt, %jit3A_70, %sign3A_77 : i32
        %sign3A_79 = arith.extui %sign3A_78 : i1 to i32
        %sign3A_80 = arith.constant 0 : i32
        %sign3A_81 = arith.cmpi slt, %jit3A_70, %sign3A_80 : i32
        %sign3A_82 = arith.extui %sign3A_81 : i1 to i32
        %sign3A_83 = arith.subi %sign3A_79, %sign3A_82 : i32
        %ne3A_84 = arith.cmpi ne, %sign3A_76, %sign3A_83 : i32
        %rem3A_85 = arith.remsi %add3A_69, %jit3A_70 : i32
        %ne3A_86 = arith.constant 0 : i32
        %ne3A_87 = arith.cmpi ne, %rem3A_85, %ne3A_86 : i32
        %and3A_88 = arith.andi %ne3A_84, %ne3A_87 : i1
        %sub3A = arith.constant 1 : i32
        %sub3A_89 = arith.subi %div3A, %sub3A : i32
        %select_n3A_90 = arith.select %and3A_88, %sub3A_89, %div3A : i32
        %jit3A_91 = arith.constant 4 : i32
        %eq3A_92 = arith.constant 0 : i32
        %eq3A_93 = arith.cmpi eq, %jit3A_91, %eq3A_92 : i32
        %jit3A_94 = arith.constant 1 : i32
        %select_n3A_95 = arith.select %eq3A_93, %jit3A_94, %jit3A_91 : i32
        %rem3A_96 = arith.remsi %add3A_69, %select_n3A_95 : i32
        %ne3A_97 = arith.constant 0 : i32
        %ne3A_98 = arith.cmpi ne, %rem3A_96, %ne3A_97 : i32
        %lt3A_99 = arith.constant 0 : i32
        %lt3A_100 = arith.cmpi slt, %rem3A_96, %lt3A_99 : i32
        %lt3A_101 = arith.constant 0 : i32
        %lt3A_102 = arith.cmpi slt, %select_n3A_95, %lt3A_101 : i32
        %ne3A_103 = arith.xori %lt3A_100, %lt3A_102 : i1
        %and3A_104 = arith.andi %ne3A_103, %ne3A_98 : i1
        %add3A_105 = arith.addi %rem3A_96, %select_n3A_95 : i32
        %select_n3A_106 = arith.select %and3A_104, %add3A_105, %rem3A_96 : i32
        %mul3A_107 = arith.constant 32 : i32
        %mul3A_108 = arith.muli %select_n3A_106, %mul3A_107 : i32
        %get3A = arith.index_cast %select_n3A_90 : i32 to index
        %get3A_109 = arith.index_cast %mul3A_108 : i32 to index
        %get3A_110 = tpu.vector_load %arg10[%get3A, %get3A_109] {strides = array<i32>} : memref<128x128xf32, #tpu.memory_space<vmem>>, vector<16xf32>,
        %add3A_111 = arith.constant 16 : i32
        %add3A_112 = arith.addi %mul3A_108, %add3A_111 : i32
        %get3A_113 = arith.index_cast %select_n3A_90 : i32 to index
        %get3A_114 = arith.index_cast %add3A_112 : i32 to index
        %get3A_115 = tpu.vector_load %arg10[%get3A_113, %get3A_114] {strides = array<i32>} : memref<128x128xf32, #tpu.memory_space<vmem>>, vector<16xf32>,
        %broadcast_in_dim3A_116 = arith.constant 0.000000e+00 : f32
        %broadcast_in_dim3A_117 = vector.broadcast %broadcast_in_dim3A_116 : f32 to vector<16xf32>
        %broadcast_in_dim3A_118 = arith.constant 0.000000e+00 : f32
        %broadcast_in_dim3A_119 = vector.broadcast %broadcast_in_dim3A_118 : f32 to vector<16xf32>
        %broadcast_in_dim3A_120 = arith.constant 0.000000e+00 : f32
        %broadcast_in_dim3A_121 = vector.broadcast %broadcast_in_dim3A_120 : f32 to vector<16xf32>
        %broadcast_in_dim3A_122 = arith.constant 0.000000e+00 : f32
        %broadcast_in_dim3A_123 = vector.broadcast %broadcast_in_dim3A_122 : f32 to vector<16xf32>
        %slice3A = vector.extract_strided_slice %get3A_110 {offsets = [0], sizes = [1], strides = [1]} : vector<16xf32> to vector<1xf32>
        %squeeze3A = vector.extract %slice3A[0] : f32 from vector<1xf32>
        %get3A_124 = arith.index_cast %add3A_68 : i32 to index
        %get3A_125 = arith.constant 0 : index
        %get3A_126 = tpu.vector_load %arg11[%get3A_124, %get3A_125] {strides = array<i32>} : memref<32x512xi32, #tpu.memory_space<vmem>>, vector<16xi32>,
        %shift_left3A = arith.constant 16 : i32
        %shift_left3A_127 = vector.broadcast %shift_left3A : i32 to vector<16xi32>
        %shift_left3A_128 = arith.shli %get3A_126, %shift_left3A_127 : vector<16xi32>
        %bitcast3A = vector.bitcast %shift_left3A_128 : vector<16xi32> to vector<16xf32>
        %and3A_129 = arith.andi %get3A_126, %broadcast_in_dim3A_31 : vector<16xi32>
        %bitcast3A_130 = vector.bitcast %and3A_129 : vector<16xi32> to vector<16xf32>
        %mul3A_131 = vector.broadcast %squeeze3A : f32 to vector<16xf32>
        %mul3A_132 = arith.mulf %mul3A_131, %bitcast3A : vector<16xf32>
        %add3A_133 = arith.addf %broadcast_in_dim3A_117, %mul3A_132 : vector<16xf32>
        %mul3A_134 = vector.broadcast %squeeze3A : f32 to vector<16xf32>
        %mul3A_135 = arith.mulf %mul3A_134, %bitcast3A_130 : vector<16xf32>
        %add3A_136 = arith.addf %broadcast_in_dim3A_121, %mul3A_135 : vector<16xf32>
        %slice3A_137 = vector.extract_strided_slice %get3A_110 {offsets = [1], sizes = [1], strides = [1]} : vector<16xf32> to vector<1xf32>
        %squeeze3A_138 = vector.extract %slice3A_137[0] : f32 from vector<1xf32>
        %get3A_139 = arith.index_cast %add3A_68 : i32 to index
        %get3A_140 = arith.constant 16 : index
        %get3A_141 = tpu.vector_load %arg11[%get3A_139, %get3A_140] {strides = array<i32>} : memref<32x512xi32, #tpu.memory_space<vmem>>, vector<16xi32>,
        %shift_left3A_142 = arith.constant 16 : i32
        %shift_left3A_143 = vector.broadcast %shift_left3A_142 : i32 to vector<16xi32>
        %shift_left3A_144 = arith.shli %get3A_141, %shift_left3A_143 : vector<16xi32>
        %bitcast3A_145 = vector.bitcast %shift_left3A_144 : vector<16xi32> to vector<16xf32>
        %and3A_146 = arith.andi %get3A_141, %broadcast_in_dim3A_31 : vector<16xi32>
        %bitcast3A_147 = vector.bitcast %and3A_146 : vector<16xi32> to vector<16xf32>
        %mul3A_148 = vector.broadcast %squeeze3A_138 : f32 to vector<16xf32>
        %mul3A_149 = arith.mulf %mul3A_148, %bitcast3A_145 : vector<16xf32>
        %add3A_150 = arith.addf %broadcast_in_dim3A_119, %mul3A_149 : vector<16xf32>
        %mul3A_151 = vector.broadcast %squeeze3A_138 : f32 to vector<16xf32>
        %mul3A_152 = arith.mulf %mul3A_151, %bitcast3A_147 : vector<16xf32>
        %add3A_153 = arith.addf %broadcast_in_dim3A_123, %mul3A_152 : vector<16xf32>
        %slice3A_154 = vector.extract_strided_slice %get3A_110 {offsets = [2], sizes = [1], strides = [1]} : vector<16xf32> to vector<1xf32>
        %squeeze3A_155 = vector.extract %slice3A_154[0] : f32 from vector<1xf32>
        %get3A_156 = arith.index_cast %add3A_68 : i32 to index
        %get3A_157 = arith.constant 32 : index
        %get3A_158 = tpu.vector_load %arg11[%get3A_156, %get3A_157] {strides = array<i32>} : memref<32x512xi32, #tpu.memory_space<vmem>>, vector<16xi32>,
        %shift_left3A_159 = arith.constant 16 : i32
        %shift_left3A_160 = vector.broadcast %shift_left3A_159 : i32 to vector<16xi32>
        %shift_left3A_161 = arith.shli %get3A_158, %shift_left3A_160 : vector<16xi32>
        %bitcast3A_162 = vector.bitcast %shift_left3A_161 : vector<16xi32> to vector<16xf32>
        %and3A_163 = arith.andi %get3A_158, %broadcast_in_dim3A_31 : vector<16xi32>
        %bitcast3A_164 = vector.bitcast %and3A_163 : vector<16xi32> to vector<16xf32>
        %mul3A_165 = vector.broadcast %squeeze3A_155 : f32 to vector<16xf32>
        %mul3A_166 = arith.mulf %mul3A_165, %bitcast3A_162 : vector<16xf32>
        %add3A_167 = arith.addf %add3A_133, %mul3A_166 : vector<16xf32>
        %mul3A_168 = vector.broadcast %squeeze3A_155 : f32 to vector<16xf32>
        %mul3A_169 = arith.mulf %mul3A_168, %bitcast3A_164 : vector<16xf32>
        %add3A_170 = arith.addf %add3A_136, %mul3A_169 : vector<16xf32>
        %slice3A_171 = vector.extract_strided_slice %get3A_110 {offsets = [3], sizes = [1], strides = [1]} : vector<16xf32> to vector<1xf32>
        %squeeze3A_172 = vector.extract %slice3A_171[0] : f32 from vector<1xf32>
        %get3A_173 = arith.index_cast %add3A_68 : i32 to index
        %get3A_174 = arith.constant 48 : index
        %get3A_175 = tpu.vector_load %arg11[%get3A_173, %get3A_174] {strides = array<i32>} : memref<32x512xi32, #tpu.memory_space<vmem>>, vector<16xi32>,
        %shift_left3A_176 = arith.constant 16 : i32
        %shift_left3A_177 = vector.broadcast %shift_left3A_176 : i32 to vector<16xi32>
        %shift_left3A_178 = arith.shli %get3A_175, %shift_left3A_177 : vector<16xi32>
        %bitcast3A_179 = vector.bitcast %shift_left3A_178 : vector<16xi32> to vector<16xf32>
        %and3A_180 = arith.andi %get3A_175, %broadcast_in_dim3A_31 : vector<16xi32>
        %bitcast3A_181 = vector.bitcast %and3A_180 : vector<16xi32> to vector<16xf32>
        %mul3A_182 = vector.broadcast %squeeze3A_172 : f32 to vector<16xf32>
        %mul3A_183 = arith.mulf %mul3A_182, %bitcast3A_179 : vector<16xf32>
        %add3A_184 = arith.addf %add3A_150, %mul3A_183 : vector<16xf32>
        %mul3A_185 = vector.broadcast %squeeze3A_172 : f32 to vector<16xf32>
        %mul3A_186 = arith.mulf %mul3A_185, %bitcast3A_181 : vector<16xf32>
        %add3A_187 = arith.addf %add3A_153, %mul3A_186 : vector<16xf32>
        %slice3A_188 = vector.extract_strided_slice %get3A_110 {offsets = [4], sizes = [1], strides = [1]} : vector<16xf32> to vector<1xf32>
        %squeeze3A_189 = vector.extract %slice3A_188[0] : f32 from vector<1xf32>
        %get3A_190 = arith.index_cast %add3A_68 : i32 to index
        %get3A_191 = arith.constant 64 : index
        %get3A_192 = tpu.vector_load %arg11[%get3A_190, %get3A_191] {strides = array<i32>} : memref<32x512xi32, #tpu.memory_space<vmem>>, vector<16xi32>,
        %shift_left3A_193 = arith.constant 16 : i32
        %shift_left3A_194 = vector.broadcast %shift_left3A_193 : i32 to vector<16xi32>
        %shift_left3A_195 = arith.shli %get3A_192, %shift_left3A_194 : vector<16xi32>
        %bitcast3A_196 = vector.bitcast %shift_left3A_195 : vector<16xi32> to vector<16xf32>
        %and3A_197 = arith.andi %get3A_192, %broadcast_in_dim3A_31 : vector<16xi32>
        %bitcast3A_198 = vector.bitcast %and3A_197 : vector<16xi32> to vector<16xf32>
        %mul3A_199 = vector.broadcast %squeeze3A_189 : f32 to vector<16xf32>
        %mul3A_200 = arith.mulf %mul3A_199, %bitcast3A_196 : vector<16xf32>
        %add3A_201 = arith.addf %add3A_167, %mul3A_200 : vector<16xf32>
        %mul3A_202 = vector.broadcast %squeeze3A_189 : f32 to vector<16xf32>
        %mul3A_203 = arith.mulf %mul3A_202, %bitcast3A_198 : vector<16xf32>
        %add3A_204 = arith.addf %add3A_170, %mul3A_203 : vector<16xf32>
        %slice3A_205 = vector.extract_strided_slice %get3A_110 {offsets = [5], sizes = [1], strides = [1]} : vector<16xf32> to vector<1xf32>
        %squeeze3A_206 = vector.extract %slice3A_205[0] : f32 from vector<1xf32>
        %get3A_207 = arith.index_cast %add3A_68 : i32 to index
        %get3A_208 = arith.constant 80 : index
        %get3A_209 = tpu.vector_load %arg11[%get3A_207, %get3A_208] {strides = array<i32>} : memref<32x512xi32, #tpu.memory_space<vmem>>, vector<16xi32>,
        %shift_left3A_210 = arith.constant 16 : i32
        %shift_left3A_211 = vector.broadcast %shift_left3A_210 : i32 to vector<16xi32>
        %shift_left3A_212 = arith.shli %get3A_209, %shift_left3A_211 : vector<16xi32>
        %bitcast3A_213 = vector.bitcast %shift_left3A_212 : vector<16xi32> to vector<16xf32>
        %and3A_214 = arith.andi %get3A_209, %broadcast_in_dim3A_31 : vector<16xi32>
        %bitcast3A_215 = vector.bitcast %and3A_214 : vector<16xi32> to vector<16xf32>
        %mul3A_216 = vector.broadcast %squeeze3A_206 : f32 to vector<16xf32>
        %mul3A_217 = arith.mulf %mul3A_216, %bitcast3A_213 : vector<16xf32>
        %add3A_218 = arith.addf %add3A_184, %mul3A_217 : vector<16xf32>
        %mul3A_219 = vector.broadcast %squeeze3A_206 : f32 to vector<16xf32>
        %mul3A_220 = arith.mulf %mul3A_219, %bitcast3A_215 : vector<16xf32>
        %add3A_221 = arith.addf %add3A_187, %mul3A_220 : vector<16xf32>
        %slice3A_222 = vector.extract_strided_slice %get3A_110 {offsets = [6], sizes = [1], strides = [1]} : vector<16xf32> to vector<1xf32>
        %squeeze3A_223 = vector.extract %slice3A_222[0] : f32 from vector<1xf32>
        %get3A_224 = arith.index_cast %add3A_68 : i32 to index
        %get3A_225 = arith.constant 96 : index
        %get3A_226 = tpu.vector_load %arg11[%get3A_224, %get3A_225] {strides = array<i32>} : memref<32x512xi32, #tpu.memory_space<vmem>>, vector<16xi32>,
        %shift_left3A_227 = arith.constant 16 : i32
        %shift_left3A_228 = vector.broadcast %shift_left3A_227 : i32 to vector<16xi32>
        %shift_left3A_229 = arith.shli %get3A_226, %shift_left3A_228 : vector<16xi32>
        %bitcast3A_230 = vector.bitcast %shift_left3A_229 : vector<16xi32> to vector<16xf32>
        %and3A_231 = arith.andi %get3A_226, %broadcast_in_dim3A_31 : vector<16xi32>
        %bitcast3A_232 = vector.bitcast %and3A_231 : vector<16xi32> to vector<16xf32>
        %mul3A_233 = vector.broadcast %squeeze3A_223 : f32 to vector<16xf32>
        %mul3A_234 = arith.mulf %mul3A_233, %bitcast3A_230 : vector<16xf32>
        %add3A_235 = arith.addf %add3A_201, %mul3A_234 : vector<16xf32>
        %mul3A_236 = vector.broadcast %squeeze3A_223 : f32 to vector<16xf32>
        %mul3A_237 = arith.mulf %mul3A_236, %bitcast3A_232 : vector<16xf32>
        %add3A_238 = arith.addf %add3A_204, %mul3A_237 : vector<16xf32>
        %slice3A_239 = vector.extract_strided_slice %get3A_110 {offsets = [7], sizes = [1], strides = [1]} : vector<16xf32> to vector<1xf32>
        %squeeze3A_240 = vector.extract %slice3A_239[0] : f32 from vector<1xf32>
        %get3A_241 = arith.index_cast %add3A_68 : i32 to index
        %get3A_242 = arith.constant 112 : index
        %get3A_243 = tpu.vector_load %arg11[%get3A_241, %get3A_242] {strides = array<i32>} : memref<32x512xi32, #tpu.memory_space<vmem>>, vector<16xi32>,
        %shift_left3A_244 = arith.constant 16 : i32
        %shift_left3A_245 = vector.broadcast %shift_left3A_244 : i32 to vector<16xi32>
        %shift_left3A_246 = arith.shli %get3A_243, %shift_left3A_245 : vector<16xi32>
        %bitcast3A_247 = vector.bitcast %shift_left3A_246 : vector<16xi32> to vector<16xf32>
        %and3A_248 = arith.andi %get3A_243, %broadcast_in_dim3A_31 : vector<16xi32>
        %bitcast3A_249 = vector.bitcast %and3A_248 : vector<16xi32> to vector<16xf32>
        %mul3A_250 = vector.broadcast %squeeze3A_240 : f32 to vector<16xf32>
        %mul3A_251 = arith.mulf %mul3A_250, %bitcast3A_247 : vector<16xf32>
        %add3A_252 = arith.addf %add3A_218, %mul3A_251 : vector<16xf32>
        %mul3A_253 = vector.broadcast %squeeze3A_240 : f32 to vector<16xf32>
        %mul3A_254 = arith.mulf %mul3A_253, %bitcast3A_249 : vector<16xf32>
        %add3A_255 = arith.addf %add3A_221, %mul3A_254 : vector<16xf32>
        %slice3A_256 = vector.extract_strided_slice %get3A_110 {offsets = [8], sizes = [1], strides = [1]} : vector<16xf32> to vector<1xf32>
        %squeeze3A_257 = vector.extract %slice3A_256[0] : f32 from vector<1xf32>
        %get3A_258 = arith.index_cast %add3A_68 : i32 to index
        %get3A_259 = arith.constant 128 : index
        %get3A_260 = tpu.vector_load %arg11[%get3A_258, %get3A_259] {strides = array<i32>} : memref<32x512xi32, #tpu.memory_space<vmem>>, vector<16xi32>,
        %shift_left3A_261 = arith.constant 16 : i32
        %shift_left3A_262 = vector.broadcast %shift_left3A_261 : i32 to vector<16xi32>
        %shift_left3A_263 = arith.shli %get3A_260, %shift_left3A_262 : vector<16xi32>
        %bitcast3A_264 = vector.bitcast %shift_left3A_263 : vector<16xi32> to vector<16xf32>
        %and3A_265 = arith.andi %get3A_260, %broadcast_in_dim3A_31 : vector<16xi32>
        %bitcast3A_266 = vector.bitcast %and3A_265 : vector<16xi32> to vector<16xf32>
        %mul3A_267 = vector.broadcast %squeeze3A_257 : f32 to vector<16xf32>
        %mul3A_268 = arith.mulf %mul3A_267, %bitcast3A_264 : vector<16xf32>
        %add3A_269 = arith.addf %add3A_235, %mul3A_268 : vector<16xf32>
        %mul3A_270 = vector.broadcast %squeeze3A_257 : f32 to vector<16xf32>
        %mul3A_271 = arith.mulf %mul3A_270, %bitcast3A_266 : vector<16xf32>
        %add3A_272 = arith.addf %add3A_238, %mul3A_271 : vector<16xf32>
        %slice3A_273 = vector.extract_strided_slice %get3A_110 {offsets = [9], sizes = [1], strides = [1]} : vector<16xf32> to vector<1xf32>
        %squeeze3A_274 = vector.extract %slice3A_273[0] : f32 from vector<1xf32>
        %get3A_275 = arith.index_cast %add3A_68 : i32 to index
        %get3A_276 = arith.constant 144 : index
        %get3A_277 = tpu.vector_load %arg11[%get3A_275, %get3A_276] {strides = array<i32>} : memref<32x512xi32, #tpu.memory_space<vmem>>, vector<16xi32>,
        %shift_left3A_278 = arith.constant 16 : i32
        %shift_left3A_279 = vector.broadcast %shift_left3A_278 : i32 to vector<16xi32>
        %shift_left3A_280 = arith.shli %get3A_277, %shift_left3A_279 : vector<16xi32>
        %bitcast3A_281 = vector.bitcast %shift_left3A_280 : vector<16xi32> to vector<16xf32>
        %and3A_282 = arith.andi %get3A_277, %broadcast_in_dim3A_31 : vector<16xi32>
        %bitcast3A_283 = vector.bitcast %and3A_282 : vector<16xi32> to vector<16xf32>
        %mul3A_284 = vector.broadcast %squeeze3A_274 : f32 to vector<16xf32>
        %mul3A_285 = arith.mulf %mul3A_284, %bitcast3A_281 : vector<16xf32>
        %add3A_286 = arith.addf %add3A_252, %mul3A_285 : vector<16xf32>
        %mul3A_287 = vector.broadcast %squeeze3A_274 : f32 to vector<16xf32>
        %mul3A_288 = arith.mulf %mul3A_287, %bitcast3A_283 : vector<16xf32>
        %add3A_289 = arith.addf %add3A_255, %mul3A_288 : vector<16xf32>
        %slice3A_290 = vector.extract_strided_slice %get3A_110 {offsets = [10], sizes = [1], strides = [1]} : vector<16xf32> to vector<1xf32>
        %squeeze3A_291 = vector.extract %slice3A_290[0] : f32 from vector<1xf32>
        %get3A_292 = arith.index_cast %add3A_68 : i32 to index
        %get3A_293 = arith.constant 160 : index
        %get3A_294 = tpu.vector_load %arg11[%get3A_292, %get3A_293] {strides = array<i32>} : memref<32x512xi32, #tpu.memory_space<vmem>>, vector<16xi32>,
        %shift_left3A_295 = arith.constant 16 : i32
        %shift_left3A_296 = vector.broadcast %shift_left3A_295 : i32 to vector<16xi32>
        %shift_left3A_297 = arith.shli %get3A_294, %shift_left3A_296 : vector<16xi32>
        %bitcast3A_298 = vector.bitcast %shift_left3A_297 : vector<16xi32> to vector<16xf32>
        %and3A_299 = arith.andi %get3A_294, %broadcast_in_dim3A_31 : vector<16xi32>
        %bitcast3A_300 = vector.bitcast %and3A_299 : vector<16xi32> to vector<16xf32>
        %mul3A_301 = vector.broadcast %squeeze3A_291 : f32 to vector<16xf32>
        %mul3A_302 = arith.mulf %mul3A_301, %bitcast3A_298 : vector<16xf32>
        %add3A_303 = arith.addf %add3A_269, %mul3A_302 : vector<16xf32>
        %mul3A_304 = vector.broadcast %squeeze3A_291 : f32 to vector<16xf32>
        %mul3A_305 = arith.mulf %mul3A_304, %bitcast3A_300 : vector<16xf32>
        %add3A_306 = arith.addf %add3A_272, %mul3A_305 : vector<16xf32>
        %slice3A_307 = vector.extract_strided_slice %get3A_110 {offsets = [11], sizes = [1], strides = [1]} : vector<16xf32> to vector<1xf32>
        %squeeze3A_308 = vector.extract %slice3A_307[0] : f32 from vector<1xf32>
        %get3A_309 = arith.index_cast %add3A_68 : i32 to index
        %get3A_310 = arith.constant 176 : index
        %get3A_311 = tpu.vector_load %arg11[%get3A_309, %get3A_310] {strides = array<i32>} : memref<32x512xi32, #tpu.memory_space<vmem>>, vector<16xi32>,
        %shift_left3A_312 = arith.constant 16 : i32
        %shift_left3A_313 = vector.broadcast %shift_left3A_312 : i32 to vector<16xi32>
        %shift_left3A_314 = arith.shli %get3A_311, %shift_left3A_313 : vector<16xi32>
        %bitcast3A_315 = vector.bitcast %shift_left3A_314 : vector<16xi32> to vector<16xf32>
        %and3A_316 = arith.andi %get3A_311, %broadcast_in_dim3A_31 : vector<16xi32>
        %bitcast3A_317 = vector.bitcast %and3A_316 : vector<16xi32> to vector<16xf32>
        %mul3A_318 = vector.broadcast %squeeze3A_308 : f32 to vector<16xf32>
        %mul3A_319 = arith.mulf %mul3A_318, %bitcast3A_315 : vector<16xf32>
        %add3A_320 = arith.addf %add3A_286, %mul3A_319 : vector<16xf32>
        %mul3A_321 = vector.broadcast %squeeze3A_308 : f32 to vector<16xf32>
        %mul3A_322 = arith.mulf %mul3A_321, %bitcast3A_317 : vector<16xf32>
        %add3A_323 = arith.addf %add3A_289, %mul3A_322 : vector<16xf32>
        %slice3A_324 = vector.extract_strided_slice %get3A_110 {offsets = [12], sizes = [1], strides = [1]} : vector<16xf32> to vector<1xf32>
        %squeeze3A_325 = vector.extract %slice3A_324[0] : f32 from vector<1xf32>
        %get3A_326 = arith.index_cast %add3A_68 : i32 to index
        %get3A_327 = arith.constant 192 : index
        %get3A_328 = tpu.vector_load %arg11[%get3A_326, %get3A_327] {strides = array<i32>} : memref<32x512xi32, #tpu.memory_space<vmem>>, vector<16xi32>,
        %shift_left3A_329 = arith.constant 16 : i32
        %shift_left3A_330 = vector.broadcast %shift_left3A_329 : i32 to vector<16xi32>
        %shift_left3A_331 = arith.shli %get3A_328, %shift_left3A_330 : vector<16xi32>
        %bitcast3A_332 = vector.bitcast %shift_left3A_331 : vector<16xi32> to vector<16xf32>
        %and3A_333 = arith.andi %get3A_328, %broadcast_in_dim3A_31 : vector<16xi32>
        %bitcast3A_334 = vector.bitcast %and3A_333 : vector<16xi32> to vector<16xf32>
        %mul3A_335 = vector.broadcast %squeeze3A_325 : f32 to vector<16xf32>
        %mul3A_336 = arith.mulf %mul3A_335, %bitcast3A_332 : vector<16xf32>
        %add3A_337 = arith.addf %add3A_303, %mul3A_336 : vector<16xf32>
        %mul3A_338 = vector.broadcast %squeeze3A_325 : f32 to vector<16xf32>
        %mul3A_339 = arith.mulf %mul3A_338, %bitcast3A_334 : vector<16xf32>
        %add3A_340 = arith.addf %add3A_306, %mul3A_339 : vector<16xf32>
        %slice3A_341 = vector.extract_strided_slice %get3A_110 {offsets = [13], sizes = [1], strides = [1]} : vector<16xf32> to vector<1xf32>
        %squeeze3A_342 = vector.extract %slice3A_341[0] : f32 from vector<1xf32>
        %get3A_343 = arith.index_cast %add3A_68 : i32 to index
        %get3A_344 = arith.constant 208 : index
        %get3A_345 = tpu.vector_load %arg11[%get3A_343, %get3A_344] {strides = array<i32>} : memref<32x512xi32, #tpu.memory_space<vmem>>, vector<16xi32>,
        %shift_left3A_346 = arith.constant 16 : i32
        %shift_left3A_347 = vector.broadcast %shift_left3A_346 : i32 to vector<16xi32>
        %shift_left3A_348 = arith.shli %get3A_345, %shift_left3A_347 : vector<16xi32>
        %bitcast3A_349 = vector.bitcast %shift_left3A_348 : vector<16xi32> to vector<16xf32>
        %and3A_350 = arith.andi %get3A_345, %broadcast_in_dim3A_31 : vector<16xi32>
        %bitcast3A_351 = vector.bitcast %and3A_350 : vector<16xi32> to vector<16xf32>
        %mul3A_352 = vector.broadcast %squeeze3A_342 : f32 to vector<16xf32>
        %mul3A_353 = arith.mulf %mul3A_352, %bitcast3A_349 : vector<16xf32>
        %add3A_354 = arith.addf %add3A_320, %mul3A_353 : vector<16xf32>
        %mul3A_355 = vector.broadcast %squeeze3A_342 : f32 to vector<16xf32>
        %mul3A_356 = arith.mulf %mul3A_355, %bitcast3A_351 : vector<16xf32>
        %add3A_357 = arith.addf %add3A_323, %mul3A_356 : vector<16xf32>
        %slice3A_358 = vector.extract_strided_slice %get3A_110 {offsets = [14], sizes = [1], strides = [1]} : vector<16xf32> to vector<1xf32>
        %squeeze3A_359 = vector.extract %slice3A_358[0] : f32 from vector<1xf32>
        %get3A_360 = arith.index_cast %add3A_68 : i32 to index
        %get3A_361 = arith.constant 224 : index
        %get3A_362 = tpu.vector_load %arg11[%get3A_360, %get3A_361] {strides = array<i32>} : memref<32x512xi32, #tpu.memory_space<vmem>>, vector<16xi32>,
        %shift_left3A_363 = arith.constant 16 : i32
        %shift_left3A_364 = vector.broadcast %shift_left3A_363 : i32 to vector<16xi32>
        %shift_left3A_365 = arith.shli %get3A_362, %shift_left3A_364 : vector<16xi32>
        %bitcast3A_366 = vector.bitcast %shift_left3A_365 : vector<16xi32> to vector<16xf32>
        %and3A_367 = arith.andi %get3A_362, %broadcast_in_dim3A_31 : vector<16xi32>
        %bitcast3A_368 = vector.bitcast %and3A_367 : vector<16xi32> to vector<16xf32>
        %mul3A_369 = vector.broadcast %squeeze3A_359 : f32 to vector<16xf32>
        %mul3A_370 = arith.mulf %mul3A_369, %bitcast3A_366 : vector<16xf32>
        %add3A_371 = arith.addf %add3A_337, %mul3A_370 : vector<16xf32>
        %mul3A_372 = vector.broadcast %squeeze3A_359 : f32 to vector<16xf32>
        %mul3A_373 = arith.mulf %mul3A_372, %bitcast3A_368 : vector<16xf32>
        %add3A_374 = arith.addf %add3A_340, %mul3A_373 : vector<16xf32>
        %slice3A_375 = vector.extract_strided_slice %get3A_110 {offsets = [15], sizes = [1], strides = [1]} : vector<16xf32> to vector<1xf32>
        %squeeze3A_376 = vector.extract %slice3A_375[0] : f32 from vector<1xf32>
        %get3A_377 = arith.index_cast %add3A_68 : i32 to index
        %get3A_378 = arith.constant 240 : index
        %get3A_379 = tpu.vector_load %arg11[%get3A_377, %get3A_378] {strides = array<i32>} : memref<32x512xi32, #tpu.memory_space<vmem>>, vector<16xi32>,
        %shift_left3A_380 = arith.constant 16 : i32
        %shift_left3A_381 = vector.broadcast %shift_left3A_380 : i32 to vector<16xi32>
        %shift_left3A_382 = arith.shli %get3A_379, %shift_left3A_381 : vector<16xi32>
        %bitcast3A_383 = vector.bitcast %shift_left3A_382 : vector<16xi32> to vector<16xf32>
        %and3A_384 = arith.andi %get3A_379, %broadcast_in_dim3A_31 : vector<16xi32>
        %bitcast3A_385 = vector.bitcast %and3A_384 : vector<16xi32> to vector<16xf32>
        %mul3A_386 = vector.broadcast %squeeze3A_376 : f32 to vector<16xf32>
        %mul3A_387 = arith.mulf %mul3A_386, %bitcast3A_383 : vector<16xf32>
        %add3A_388 = arith.addf %add3A_354, %mul3A_387 : vector<16xf32>
        %mul3A_389 = vector.broadcast %squeeze3A_376 : f32 to vector<16xf32>
        %mul3A_390 = arith.mulf %mul3A_389, %bitcast3A_385 : vector<16xf32>
        %add3A_391 = arith.addf %add3A_357, %mul3A_390 : vector<16xf32>
        %slice3A_392 = vector.extract_strided_slice %get3A_115 {offsets = [0], sizes = [1], strides = [1]} : vector<16xf32> to vector<1xf32>
        %squeeze3A_393 = vector.extract %slice3A_392[0] : f32 from vector<1xf32>
        %get3A_394 = arith.index_cast %add3A_68 : i32 to index
        %get3A_395 = arith.constant 256 : index
        %get3A_396 = tpu.vector_load %arg11[%get3A_394, %get3A_395] {strides = array<i32>} : memref<32x512xi32, #tpu.memory_space<vmem>>, vector<16xi32>,
        %shift_left3A_397 = arith.constant 16 : i32
        %shift_left3A_398 = vector.broadcast %shift_left3A_397 : i32 to vector<16xi32>
        %shift_left3A_399 = arith.shli %get3A_396, %shift_left3A_398 : vector<16xi32>
        %bitcast3A_400 = vector.bitcast %shift_left3A_399 : vector<16xi32> to vector<16xf32>
        %and3A_401 = arith.andi %get3A_396, %broadcast_in_dim3A_31 : vector<16xi32>
        %bitcast3A_402 = vector.bitcast %and3A_401 : vector<16xi32> to vector<16xf32>
        %mul3A_403 = vector.broadcast %squeeze3A_393 : f32 to vector<16xf32>
        %mul3A_404 = arith.mulf %mul3A_403, %bitcast3A_400 : vector<16xf32>
        %add3A_405 = arith.addf %add3A_371, %mul3A_404 : vector<16xf32>
        %mul3A_406 = vector.broadcast %squeeze3A_393 : f32 to vector<16xf32>
        %mul3A_407 = arith.mulf %mul3A_406, %bitcast3A_402 : vector<16xf32>
        %add3A_408 = arith.addf %add3A_374, %mul3A_407 : vector<16xf32>
        %slice3A_409 = vector.extract_strided_slice %get3A_115 {offsets = [1], sizes = [1], strides = [1]} : vector<16xf32> to vector<1xf32>
        %squeeze3A_410 = vector.extract %slice3A_409[0] : f32 from vector<1xf32>
        %get3A_411 = arith.index_cast %add3A_68 : i32 to index
        %get3A_412 = arith.constant 272 : index
        %get3A_413 = tpu.vector_load %arg11[%get3A_411, %get3A_412] {strides = array<i32>} : memref<32x512xi32, #tpu.memory_space<vmem>>, vector<16xi32>,
        %shift_left3A_414 = arith.constant 16 : i32
        %shift_left3A_415 = vector.broadcast %shift_left3A_414 : i32 to vector<16xi32>
        %shift_left3A_416 = arith.shli %get3A_413, %shift_left3A_415 : vector<16xi32>
        %bitcast3A_417 = vector.bitcast %shift_left3A_416 : vector<16xi32> to vector<16xf32>
        %and3A_418 = arith.andi %get3A_413, %broadcast_in_dim3A_31 : vector<16xi32>
        %bitcast3A_419 = vector.bitcast %and3A_418 : vector<16xi32> to vector<16xf32>
        %mul3A_420 = vector.broadcast %squeeze3A_410 : f32 to vector<16xf32>
        %mul3A_421 = arith.mulf %mul3A_420, %bitcast3A_417 : vector<16xf32>
        %add3A_422 = arith.addf %add3A_388, %mul3A_421 : vector<16xf32>
        %mul3A_423 = vector.broadcast %squeeze3A_410 : f32 to vector<16xf32>
        %mul3A_424 = arith.mulf %mul3A_423, %bitcast3A_419 : vector<16xf32>
        %add3A_425 = arith.addf %add3A_391, %mul3A_424 : vector<16xf32>
        %slice3A_426 = vector.extract_strided_slice %get3A_115 {offsets = [2], sizes = [1], strides = [1]} : vector<16xf32> to vector<1xf32>
        %squeeze3A_427 = vector.extract %slice3A_426[0] : f32 from vector<1xf32>
        %get3A_428 = arith.index_cast %add3A_68 : i32 to index
        %get3A_429 = arith.constant 288 : index
        %get3A_430 = tpu.vector_load %arg11[%get3A_428, %get3A_429] {strides = array<i32>} : memref<32x512xi32, #tpu.memory_space<vmem>>, vector<16xi32>,
        %shift_left3A_431 = arith.constant 16 : i32
        %shift_left3A_432 = vector.broadcast %shift_left3A_431 : i32 to vector<16xi32>
        %shift_left3A_433 = arith.shli %get3A_430, %shift_left3A_432 : vector<16xi32>
        %bitcast3A_434 = vector.bitcast %shift_left3A_433 : vector<16xi32> to vector<16xf32>
        %and3A_435 = arith.andi %get3A_430, %broadcast_in_dim3A_31 : vector<16xi32>
        %bitcast3A_436 = vector.bitcast %and3A_435 : vector<16xi32> to vector<16xf32>
        %mul3A_437 = vector.broadcast %squeeze3A_427 : f32 to vector<16xf32>
        %mul3A_438 = arith.mulf %mul3A_437, %bitcast3A_434 : vector<16xf32>
        %add3A_439 = arith.addf %add3A_405, %mul3A_438 : vector<16xf32>
        %mul3A_440 = vector.broadcast %squeeze3A_427 : f32 to vector<16xf32>
        %mul3A_441 = arith.mulf %mul3A_440, %bitcast3A_436 : vector<16xf32>
        %add3A_442 = arith.addf %add3A_408, %mul3A_441 : vector<16xf32>
        %slice3A_443 = vector.extract_strided_slice %get3A_115 {offsets = [3], sizes = [1], strides = [1]} : vector<16xf32> to vector<1xf32>
        %squeeze3A_444 = vector.extract %slice3A_443[0] : f32 from vector<1xf32>
        %get3A_445 = arith.index_cast %add3A_68 : i32 to index
        %get3A_446 = arith.constant 304 : index
        %get3A_447 = tpu.vector_load %arg11[%get3A_445, %get3A_446] {strides = array<i32>} : memref<32x512xi32, #tpu.memory_space<vmem>>, vector<16xi32>,
        %shift_left3A_448 = arith.constant 16 : i32
        %shift_left3A_449 = vector.broadcast %shift_left3A_448 : i32 to vector<16xi32>
        %shift_left3A_450 = arith.shli %get3A_447, %shift_left3A_449 : vector<16xi32>
        %bitcast3A_451 = vector.bitcast %shift_left3A_450 : vector<16xi32> to vector<16xf32>
        %and3A_452 = arith.andi %get3A_447, %broadcast_in_dim3A_31 : vector<16xi32>
        %bitcast3A_453 = vector.bitcast %and3A_452 : vector<16xi32> to vector<16xf32>
        %mul3A_454 = vector.broadcast %squeeze3A_444 : f32 to vector<16xf32>
        %mul3A_455 = arith.mulf %mul3A_454, %bitcast3A_451 : vector<16xf32>
        %add3A_456 = arith.addf %add3A_422, %mul3A_455 : vector<16xf32>
        %mul3A_457 = vector.broadcast %squeeze3A_444 : f32 to vector<16xf32>
        %mul3A_458 = arith.mulf %mul3A_457, %bitcast3A_453 : vector<16xf32>
        %add3A_459 = arith.addf %add3A_425, %mul3A_458 : vector<16xf32>
        %slice3A_460 = vector.extract_strided_slice %get3A_115 {offsets = [4], sizes = [1], strides = [1]} : vector<16xf32> to vector<1xf32>
        %squeeze3A_461 = vector.extract %slice3A_460[0] : f32 from vector<1xf32>
        %get3A_462 = arith.index_cast %add3A_68 : i32 to index
        %get3A_463 = arith.constant 320 : index
        %get3A_464 = tpu.vector_load %arg11[%get3A_462, %get3A_463] {strides = array<i32>} : memref<32x512xi32, #tpu.memory_space<vmem>>, vector<16xi32>,
        %shift_left3A_465 = arith.constant 16 : i32
        %shift_left3A_466 = vector.broadcast %shift_left3A_465 : i32 to vector<16xi32>
        %shift_left3A_467 = arith.shli %get3A_464, %shift_left3A_466 : vector<16xi32>
        %bitcast3A_468 = vector.bitcast %shift_left3A_467 : vector<16xi32> to vector<16xf32>
        %and3A_469 = arith.andi %get3A_464, %broadcast_in_dim3A_31 : vector<16xi32>
        %bitcast3A_470 = vector.bitcast %and3A_469 : vector<16xi32> to vector<16xf32>
        %mul3A_471 = vector.broadcast %squeeze3A_461 : f32 to vector<16xf32>
        %mul3A_472 = arith.mulf %mul3A_471, %bitcast3A_468 : vector<16xf32>
        %add3A_473 = arith.addf %add3A_439, %mul3A_472 : vector<16xf32>
        %mul3A_474 = vector.broadcast %squeeze3A_461 : f32 to vector<16xf32>
        %mul3A_475 = arith.mulf %mul3A_474, %bitcast3A_470 : vector<16xf32>
        %add3A_476 = arith.addf %add3A_442, %mul3A_475 : vector<16xf32>
        %slice3A_477 = vector.extract_strided_slice %get3A_115 {offsets = [5], sizes = [1], strides = [1]} : vector<16xf32> to vector<1xf32>
        %squeeze3A_478 = vector.extract %slice3A_477[0] : f32 from vector<1xf32>
        %get3A_479 = arith.index_cast %add3A_68 : i32 to index
        %get3A_480 = arith.constant 336 : index
        %get3A_481 = tpu.vector_load %arg11[%get3A_479, %get3A_480] {strides = array<i32>} : memref<32x512xi32, #tpu.memory_space<vmem>>, vector<16xi32>,
        %shift_left3A_482 = arith.constant 16 : i32
        %shift_left3A_483 = vector.broadcast %shift_left3A_482 : i32 to vector<16xi32>
        %shift_left3A_484 = arith.shli %get3A_481, %shift_left3A_483 : vector<16xi32>
        %bitcast3A_485 = vector.bitcast %shift_left3A_484 : vector<16xi32> to vector<16xf32>
        %and3A_486 = arith.andi %get3A_481, %broadcast_in_dim3A_31 : vector<16xi32>
        %bitcast3A_487 = vector.bitcast %and3A_486 : vector<16xi32> to vector<16xf32>
        %mul3A_488 = vector.broadcast %squeeze3A_478 : f32 to vector<16xf32>
        %mul3A_489 = arith.mulf %mul3A_488, %bitcast3A_485 : vector<16xf32>
        %add3A_490 = arith.addf %add3A_456, %mul3A_489 : vector<16xf32>
        %mul3A_491 = vector.broadcast %squeeze3A_478 : f32 to vector<16xf32>
        %mul3A_492 = arith.mulf %mul3A_491, %bitcast3A_487 : vector<16xf32>
        %add3A_493 = arith.addf %add3A_459, %mul3A_492 : vector<16xf32>
        %slice3A_494 = vector.extract_strided_slice %get3A_115 {offsets = [6], sizes = [1], strides = [1]} : vector<16xf32> to vector<1xf32>
        %squeeze3A_495 = vector.extract %slice3A_494[0] : f32 from vector<1xf32>
        %get3A_496 = arith.index_cast %add3A_68 : i32 to index
        %get3A_497 = arith.constant 352 : index
        %get3A_498 = tpu.vector_load %arg11[%get3A_496, %get3A_497] {strides = array<i32>} : memref<32x512xi32, #tpu.memory_space<vmem>>, vector<16xi32>,
        %shift_left3A_499 = arith.constant 16 : i32
        %shift_left3A_500 = vector.broadcast %shift_left3A_499 : i32 to vector<16xi32>
        %shift_left3A_501 = arith.shli %get3A_498, %shift_left3A_500 : vector<16xi32>
        %bitcast3A_502 = vector.bitcast %shift_left3A_501 : vector<16xi32> to vector<16xf32>
        %and3A_503 = arith.andi %get3A_498, %broadcast_in_dim3A_31 : vector<16xi32>
        %bitcast3A_504 = vector.bitcast %and3A_503 : vector<16xi32> to vector<16xf32>
        %mul3A_505 = vector.broadcast %squeeze3A_495 : f32 to vector<16xf32>
        %mul3A_506 = arith.mulf %mul3A_505, %bitcast3A_502 : vector<16xf32>
        %add3A_507 = arith.addf %add3A_473, %mul3A_506 : vector<16xf32>
        %mul3A_508 = vector.broadcast %squeeze3A_495 : f32 to vector<16xf32>
        %mul3A_509 = arith.mulf %mul3A_508, %bitcast3A_504 : vector<16xf32>
        %add3A_510 = arith.addf %add3A_476, %mul3A_509 : vector<16xf32>
        %slice3A_511 = vector.extract_strided_slice %get3A_115 {offsets = [7], sizes = [1], strides = [1]} : vector<16xf32> to vector<1xf32>
        %squeeze3A_512 = vector.extract %slice3A_511[0] : f32 from vector<1xf32>
        %get3A_513 = arith.index_cast %add3A_68 : i32 to index
        %get3A_514 = arith.constant 368 : index
        %get3A_515 = tpu.vector_load %arg11[%get3A_513, %get3A_514] {strides = array<i32>} : memref<32x512xi32, #tpu.memory_space<vmem>>, vector<16xi32>,
        %shift_left3A_516 = arith.constant 16 : i32
        %shift_left3A_517 = vector.broadcast %shift_left3A_516 : i32 to vector<16xi32>
        %shift_left3A_518 = arith.shli %get3A_515, %shift_left3A_517 : vector<16xi32>
        %bitcast3A_519 = vector.bitcast %shift_left3A_518 : vector<16xi32> to vector<16xf32>
        %and3A_520 = arith.andi %get3A_515, %broadcast_in_dim3A_31 : vector<16xi32>
        %bitcast3A_521 = vector.bitcast %and3A_520 : vector<16xi32> to vector<16xf32>
        %mul3A_522 = vector.broadcast %squeeze3A_512 : f32 to vector<16xf32>
        %mul3A_523 = arith.mulf %mul3A_522, %bitcast3A_519 : vector<16xf32>
        %add3A_524 = arith.addf %add3A_490, %mul3A_523 : vector<16xf32>
        %mul3A_525 = vector.broadcast %squeeze3A_512 : f32 to vector<16xf32>
        %mul3A_526 = arith.mulf %mul3A_525, %bitcast3A_521 : vector<16xf32>
        %add3A_527 = arith.addf %add3A_493, %mul3A_526 : vector<16xf32>
        %slice3A_528 = vector.extract_strided_slice %get3A_115 {offsets = [8], sizes = [1], strides = [1]} : vector<16xf32> to vector<1xf32>
        %squeeze3A_529 = vector.extract %slice3A_528[0] : f32 from vector<1xf32>
        %get3A_530 = arith.index_cast %add3A_68 : i32 to index
        %get3A_531 = arith.constant 384 : index
        %get3A_532 = tpu.vector_load %arg11[%get3A_530, %get3A_531] {strides = array<i32>} : memref<32x512xi32, #tpu.memory_space<vmem>>, vector<16xi32>,
        %shift_left3A_533 = arith.constant 16 : i32
        %shift_left3A_534 = vector.broadcast %shift_left3A_533 : i32 to vector<16xi32>
        %shift_left3A_535 = arith.shli %get3A_532, %shift_left3A_534 : vector<16xi32>
        %bitcast3A_536 = vector.bitcast %shift_left3A_535 : vector<16xi32> to vector<16xf32>
        %and3A_537 = arith.andi %get3A_532, %broadcast_in_dim3A_31 : vector<16xi32>
        %bitcast3A_538 = vector.bitcast %and3A_537 : vector<16xi32> to vector<16xf32>
        %mul3A_539 = vector.broadcast %squeeze3A_529 : f32 to vector<16xf32>
        %mul3A_540 = arith.mulf %mul3A_539, %bitcast3A_536 : vector<16xf32>
        %add3A_541 = arith.addf %add3A_507, %mul3A_540 : vector<16xf32>
        %mul3A_542 = vector.broadcast %squeeze3A_529 : f32 to vector<16xf32>
        %mul3A_543 = arith.mulf %mul3A_542, %bitcast3A_538 : vector<16xf32>
        %add3A_544 = arith.addf %add3A_510, %mul3A_543 : vector<16xf32>
        %slice3A_545 = vector.extract_strided_slice %get3A_115 {offsets = [9], sizes = [1], strides = [1]} : vector<16xf32> to vector<1xf32>
        %squeeze3A_546 = vector.extract %slice3A_545[0] : f32 from vector<1xf32>
        %get3A_547 = arith.index_cast %add3A_68 : i32 to index
        %get3A_548 = arith.constant 400 : index
        %get3A_549 = tpu.vector_load %arg11[%get3A_547, %get3A_548] {strides = array<i32>} : memref<32x512xi32, #tpu.memory_space<vmem>>, vector<16xi32>,
        %shift_left3A_550 = arith.constant 16 : i32
        %shift_left3A_551 = vector.broadcast %shift_left3A_550 : i32 to vector<16xi32>
        %shift_left3A_552 = arith.shli %get3A_549, %shift_left3A_551 : vector<16xi32>
        %bitcast3A_553 = vector.bitcast %shift_left3A_552 : vector<16xi32> to vector<16xf32>
        %and3A_554 = arith.andi %get3A_549, %broadcast_in_dim3A_31 : vector<16xi32>
        %bitcast3A_555 = vector.bitcast %and3A_554 : vector<16xi32> to vector<16xf32>
        %mul3A_556 = vector.broadcast %squeeze3A_546 : f32 to vector<16xf32>
        %mul3A_557 = arith.mulf %mul3A_556, %bitcast3A_553 : vector<16xf32>
        %add3A_558 = arith.addf %add3A_524, %mul3A_557 : vector<16xf32>
        %mul3A_559 = vector.broadcast %squeeze3A_546 : f32 to vector<16xf32>
        %mul3A_560 = arith.mulf %mul3A_559, %bitcast3A_555 : vector<16xf32>
        %add3A_561 = arith.addf %add3A_527, %mul3A_560 : vector<16xf32>
        %slice3A_562 = vector.extract_strided_slice %get3A_115 {offsets = [10], sizes = [1], strides = [1]} : vector<16xf32> to vector<1xf32>
        %squeeze3A_563 = vector.extract %slice3A_562[0] : f32 from vector<1xf32>
        %get3A_564 = arith.index_cast %add3A_68 : i32 to index
        %get3A_565 = arith.constant 416 : index
        %get3A_566 = tpu.vector_load %arg11[%get3A_564, %get3A_565] {strides = array<i32>} : memref<32x512xi32, #tpu.memory_space<vmem>>, vector<16xi32>,
        %shift_left3A_567 = arith.constant 16 : i32
        %shift_left3A_568 = vector.broadcast %shift_left3A_567 : i32 to vector<16xi32>
        %shift_left3A_569 = arith.shli %get3A_566, %shift_left3A_568 : vector<16xi32>
        %bitcast3A_570 = vector.bitcast %shift_left3A_569 : vector<16xi32> to vector<16xf32>
        %and3A_571 = arith.andi %get3A_566, %broadcast_in_dim3A_31 : vector<16xi32>
        %bitcast3A_572 = vector.bitcast %and3A_571 : vector<16xi32> to vector<16xf32>
        %mul3A_573 = vector.broadcast %squeeze3A_563 : f32 to vector<16xf32>
        %mul3A_574 = arith.mulf %mul3A_573, %bitcast3A_570 : vector<16xf32>
        %add3A_575 = arith.addf %add3A_541, %mul3A_574 : vector<16xf32>
        %mul3A_576 = vector.broadcast %squeeze3A_563 : f32 to vector<16xf32>
        %mul3A_577 = arith.mulf %mul3A_576, %bitcast3A_572 : vector<16xf32>
        %add3A_578 = arith.addf %add3A_544, %mul3A_577 : vector<16xf32>
        %slice3A_579 = vector.extract_strided_slice %get3A_115 {offsets = [11], sizes = [1], strides = [1]} : vector<16xf32> to vector<1xf32>
        %squeeze3A_580 = vector.extract %slice3A_579[0] : f32 from vector<1xf32>
        %get3A_581 = arith.index_cast %add3A_68 : i32 to index
        %get3A_582 = arith.constant 432 : index
        %get3A_583 = tpu.vector_load %arg11[%get3A_581, %get3A_582] {strides = array<i32>} : memref<32x512xi32, #tpu.memory_space<vmem>>, vector<16xi32>,
        %shift_left3A_584 = arith.constant 16 : i32
        %shift_left3A_585 = vector.broadcast %shift_left3A_584 : i32 to vector<16xi32>
        %shift_left3A_586 = arith.shli %get3A_583, %shift_left3A_585 : vector<16xi32>
        %bitcast3A_587 = vector.bitcast %shift_left3A_586 : vector<16xi32> to vector<16xf32>
        %and3A_588 = arith.andi %get3A_583, %broadcast_in_dim3A_31 : vector<16xi32>
        %bitcast3A_589 = vector.bitcast %and3A_588 : vector<16xi32> to vector<16xf32>
        %mul3A_590 = vector.broadcast %squeeze3A_580 : f32 to vector<16xf32>
        %mul3A_591 = arith.mulf %mul3A_590, %bitcast3A_587 : vector<16xf32>
        %add3A_592 = arith.addf %add3A_558, %mul3A_591 : vector<16xf32>
        %mul3A_593 = vector.broadcast %squeeze3A_580 : f32 to vector<16xf32>
        %mul3A_594 = arith.mulf %mul3A_593, %bitcast3A_589 : vector<16xf32>
        %add3A_595 = arith.addf %add3A_561, %mul3A_594 : vector<16xf32>
        %slice3A_596 = vector.extract_strided_slice %get3A_115 {offsets = [12], sizes = [1], strides = [1]} : vector<16xf32> to vector<1xf32>
        %squeeze3A_597 = vector.extract %slice3A_596[0] : f32 from vector<1xf32>
        %get3A_598 = arith.index_cast %add3A_68 : i32 to index
        %get3A_599 = arith.constant 448 : index
        %get3A_600 = tpu.vector_load %arg11[%get3A_598, %get3A_599] {strides = array<i32>} : memref<32x512xi32, #tpu.memory_space<vmem>>, vector<16xi32>,
        %shift_left3A_601 = arith.constant 16 : i32
        %shift_left3A_602 = vector.broadcast %shift_left3A_601 : i32 to vector<16xi32>
        %shift_left3A_603 = arith.shli %get3A_600, %shift_left3A_602 : vector<16xi32>
        %bitcast3A_604 = vector.bitcast %shift_left3A_603 : vector<16xi32> to vector<16xf32>
        %and3A_605 = arith.andi %get3A_600, %broadcast_in_dim3A_31 : vector<16xi32>
        %bitcast3A_606 = vector.bitcast %and3A_605 : vector<16xi32> to vector<16xf32>
        %mul3A_607 = vector.broadcast %squeeze3A_597 : f32 to vector<16xf32>
        %mul3A_608 = arith.mulf %mul3A_607, %bitcast3A_604 : vector<16xf32>
        %add3A_609 = arith.addf %add3A_575, %mul3A_608 : vector<16xf32>
        %mul3A_610 = vector.broadcast %squeeze3A_597 : f32 to vector<16xf32>
        %mul3A_611 = arith.mulf %mul3A_610, %bitcast3A_606 : vector<16xf32>
        %add3A_612 = arith.addf %add3A_578, %mul3A_611 : vector<16xf32>
        %slice3A_613 = vector.extract_strided_slice %get3A_115 {offsets = [13], sizes = [1], strides = [1]} : vector<16xf32> to vector<1xf32>
        %squeeze3A_614 = vector.extract %slice3A_613[0] : f32 from vector<1xf32>
        %get3A_615 = arith.index_cast %add3A_68 : i32 to index
        %get3A_616 = arith.constant 464 : index
        %get3A_617 = tpu.vector_load %arg11[%get3A_615, %get3A_616] {strides = array<i32>} : memref<32x512xi32, #tpu.memory_space<vmem>>, vector<16xi32>,
        %shift_left3A_618 = arith.constant 16 : i32
        %shift_left3A_619 = vector.broadcast %shift_left3A_618 : i32 to vector<16xi32>
        %shift_left3A_620 = arith.shli %get3A_617, %shift_left3A_619 : vector<16xi32>
        %bitcast3A_621 = vector.bitcast %shift_left3A_620 : vector<16xi32> to vector<16xf32>
        %and3A_622 = arith.andi %get3A_617, %broadcast_in_dim3A_31 : vector<16xi32>
        %bitcast3A_623 = vector.bitcast %and3A_622 : vector<16xi32> to vector<16xf32>
        %mul3A_624 = vector.broadcast %squeeze3A_614 : f32 to vector<16xf32>
        %mul3A_625 = arith.mulf %mul3A_624, %bitcast3A_621 : vector<16xf32>
        %add3A_626 = arith.addf %add3A_592, %mul3A_625 : vector<16xf32>
        %mul3A_627 = vector.broadcast %squeeze3A_614 : f32 to vector<16xf32>
        %mul3A_628 = arith.mulf %mul3A_627, %bitcast3A_623 : vector<16xf32>
        %add3A_629 = arith.addf %add3A_595, %mul3A_628 : vector<16xf32>
        %slice3A_630 = vector.extract_strided_slice %get3A_115 {offsets = [14], sizes = [1], strides = [1]} : vector<16xf32> to vector<1xf32>
        %squeeze3A_631 = vector.extract %slice3A_630[0] : f32 from vector<1xf32>
        %get3A_632 = arith.index_cast %add3A_68 : i32 to index
        %get3A_633 = arith.constant 480 : index
        %get3A_634 = tpu.vector_load %arg11[%get3A_632, %get3A_633] {strides = array<i32>} : memref<32x512xi32, #tpu.memory_space<vmem>>, vector<16xi32>,
        %shift_left3A_635 = arith.constant 16 : i32
        %shift_left3A_636 = vector.broadcast %shift_left3A_635 : i32 to vector<16xi32>
        %shift_left3A_637 = arith.shli %get3A_634, %shift_left3A_636 : vector<16xi32>
        %bitcast3A_638 = vector.bitcast %shift_left3A_637 : vector<16xi32> to vector<16xf32>
        %and3A_639 = arith.andi %get3A_634, %broadcast_in_dim3A_31 : vector<16xi32>
        %bitcast3A_640 = vector.bitcast %and3A_639 : vector<16xi32> to vector<16xf32>
        %mul3A_641 = vector.broadcast %squeeze3A_631 : f32 to vector<16xf32>
        %mul3A_642 = arith.mulf %mul3A_641, %bitcast3A_638 : vector<16xf32>
        %add3A_643 = arith.addf %add3A_609, %mul3A_642 : vector<16xf32>
        %mul3A_644 = vector.broadcast %squeeze3A_631 : f32 to vector<16xf32>
        %mul3A_645 = arith.mulf %mul3A_644, %bitcast3A_640 : vector<16xf32>
        %add3A_646 = arith.addf %add3A_612, %mul3A_645 : vector<16xf32>
        %slice3A_647 = vector.extract_strided_slice %get3A_115 {offsets = [15], sizes = [1], strides = [1]} : vector<16xf32> to vector<1xf32>
        %squeeze3A_648 = vector.extract %slice3A_647[0] : f32 from vector<1xf32>
        %get3A_649 = arith.index_cast %add3A_68 : i32 to index
        %get3A_650 = arith.constant 496 : index
        %get3A_651 = tpu.vector_load %arg11[%get3A_649, %get3A_650] {strides = array<i32>} : memref<32x512xi32, #tpu.memory_space<vmem>>, vector<16xi32>,
        %shift_left3A_652 = arith.constant 16 : i32
        %shift_left3A_653 = vector.broadcast %shift_left3A_652 : i32 to vector<16xi32>
        %shift_left3A_654 = arith.shli %get3A_651, %shift_left3A_653 : vector<16xi32>
        %bitcast3A_655 = vector.bitcast %shift_left3A_654 : vector<16xi32> to vector<16xf32>
        %and3A_656 = arith.andi %get3A_651, %broadcast_in_dim3A_31 : vector<16xi32>
        %bitcast3A_657 = vector.bitcast %and3A_656 : vector<16xi32> to vector<16xf32>
        %mul3A_658 = vector.broadcast %squeeze3A_648 : f32 to vector<16xf32>
        %mul3A_659 = arith.mulf %mul3A_658, %bitcast3A_655 : vector<16xf32>
        %add3A_660 = arith.addf %add3A_626, %mul3A_659 : vector<16xf32>
        %mul3A_661 = vector.broadcast %squeeze3A_648 : f32 to vector<16xf32>
        %mul3A_662 = arith.mulf %mul3A_661, %bitcast3A_657 : vector<16xf32>
        %add3A_663 = arith.addf %add3A_629, %mul3A_662 : vector<16xf32>
        %add3A_664 = arith.addf %add3A_643, %add3A_660 : vector<16xf32>
        %swap3A = arith.index_cast %select_n3A_90 : i32 to index
        %swap3A_665 = arith.index_cast %mul3A_108 : i32 to index
        %swap3A_666 = tpu.vector_load %arg10[%swap3A, %swap3A_665] {strides = array<i32>} : memref<128x128xf32, #tpu.memory_space<vmem>>, vector<16xf32>,
        tpu.vector_store %arg10[%swap3A, %swap3A_665], %add3A_664 {strides = array<i32>} : memref<128x128xf32, #tpu.memory_space<vmem>>, vector<16xf32>,
        %add3A_667 = arith.addf %add3A_646, %add3A_663 : vector<16xf32>
        %add3A_668 = arith.constant 16 : i32
        %add3A_669 = arith.addi %mul3A_108, %add3A_668 : i32
        %swap3A_670 = arith.index_cast %select_n3A_90 : i32 to index
        %swap3A_671 = arith.index_cast %add3A_669 : i32 to index
        %swap3A_672 = tpu.vector_load %arg10[%swap3A_670, %swap3A_671] {strides = array<i32>} : memref<128x128xf32, #tpu.memory_space<vmem>>, vector<16xf32>,
        tpu.vector_store %arg10[%swap3A_670, %swap3A_671], %add3A_667 {strides = array<i32>} : memref<128x128xf32, #tpu.memory_space<vmem>>, vector<16xf32>,
        %mul3A_673 = arith.constant 2 : i32
        %mul3A_674 = arith.muli %scan3A_64, %mul3A_673 : i32
        %add3A_675 = arith.constant 1 : i32
        %add3A_676 = arith.addi %mul3A_674, %add3A_675 : i32
        %add3A_677 = arith.addi %mul3A_30, %add3A_676 : i32
        %jit3A_678 = arith.constant 4 : i32
        %div3A_679 = arith.divsi %add3A_677, %jit3A_678 : i32
        %sign3A_680 = arith.constant 0 : i32
        %sign3A_681 = arith.cmpi sgt, %add3A_677, %sign3A_680 : i32
        %sign3A_682 = arith.extui %sign3A_681 : i1 to i32
        %sign3A_683 = arith.constant 0 : i32
        %sign3A_684 = arith.cmpi slt, %add3A_677, %sign3A_683 : i32
        %sign3A_685 = arith.extui %sign3A_684 : i1 to i32
        %sign3A_686 = arith.subi %sign3A_682, %sign3A_685 : i32
        %sign3A_687 = arith.constant 0 : i32
        %sign3A_688 = arith.cmpi sgt, %jit3A_678, %sign3A_687 : i32
        %sign3A_689 = arith.extui %sign3A_688 : i1 to i32
        %sign3A_690 = arith.constant 0 : i32
        %sign3A_691 = arith.cmpi slt, %jit3A_678, %sign3A_690 : i32
        %sign3A_692 = arith.extui %sign3A_691 : i1 to i32
        %sign3A_693 = arith.subi %sign3A_689, %sign3A_692 : i32
        %ne3A_694 = arith.cmpi ne, %sign3A_686, %sign3A_693 : i32
        %rem3A_695 = arith.remsi %add3A_677, %jit3A_678 : i32
        %ne3A_696 = arith.constant 0 : i32
        %ne3A_697 = arith.cmpi ne, %rem3A_695, %ne3A_696 : i32
        %and3A_698 = arith.andi %ne3A_694, %ne3A_697 : i1
        %sub3A_699 = arith.constant 1 : i32
        %sub3A_700 = arith.subi %div3A_679, %sub3A_699 : i32
        %select_n3A_701 = arith.select %and3A_698, %sub3A_700, %div3A_679 : i32
        %jit3A_702 = arith.constant 4 : i32
        %eq3A_703 = arith.constant 0 : i32
        %eq3A_704 = arith.cmpi eq, %jit3A_702, %eq3A_703 : i32
        %jit3A_705 = arith.constant 1 : i32
        %select_n3A_706 = arith.select %eq3A_704, %jit3A_705, %jit3A_702 : i32
        %rem3A_707 = arith.remsi %add3A_677, %select_n3A_706 : i32
        %ne3A_708 = arith.constant 0 : i32
        %ne3A_709 = arith.cmpi ne, %rem3A_707, %ne3A_708 : i32
        %lt3A_710 = arith.constant 0 : i32
        %lt3A_711 = arith.cmpi slt, %rem3A_707, %lt3A_710 : i32
        %lt3A_712 = arith.constant 0 : i32
        %lt3A_713 = arith.cmpi slt, %select_n3A_706, %lt3A_712 : i32
        %ne3A_714 = arith.xori %lt3A_711, %lt3A_713 : i1
        %and3A_715 = arith.andi %ne3A_714, %ne3A_709 : i1
        %add3A_716 = arith.addi %rem3A_707, %select_n3A_706 : i32
        %select_n3A_717 = arith.select %and3A_715, %add3A_716, %rem3A_707 : i32
        %mul3A_718 = arith.constant 32 : i32
        %mul3A_719 = arith.muli %select_n3A_717, %mul3A_718 : i32
        %get3A_720 = arith.index_cast %select_n3A_701 : i32 to index
        %get3A_721 = arith.index_cast %mul3A_719 : i32 to index
        %get3A_722 = tpu.vector_load %arg10[%get3A_720, %get3A_721] {strides = array<i32>} : memref<128x128xf32, #tpu.memory_space<vmem>>, vector<16xf32>,
        %add3A_723 = arith.constant 16 : i32
        %add3A_724 = arith.addi %mul3A_719, %add3A_723 : i32
        %get3A_725 = arith.index_cast %select_n3A_701 : i32 to index
        %get3A_726 = arith.index_cast %add3A_724 : i32 to index
        %get3A_727 = tpu.vector_load %arg10[%get3A_725, %get3A_726] {strides = array<i32>} : memref<128x128xf32, #tpu.memory_space<vmem>>, vector<16xf32>,
        %broadcast_in_dim3A_728 = arith.constant 0.000000e+00 : f32
        %broadcast_in_dim3A_729 = vector.broadcast %broadcast_in_dim3A_728 : f32 to vector<16xf32>
        %broadcast_in_dim3A_730 = arith.constant 0.000000e+00 : f32
        %broadcast_in_dim3A_731 = vector.broadcast %broadcast_in_dim3A_730 : f32 to vector<16xf32>
        %broadcast_in_dim3A_732 = arith.constant 0.000000e+00 : f32
        %broadcast_in_dim3A_733 = vector.broadcast %broadcast_in_dim3A_732 : f32 to vector<16xf32>
        %broadcast_in_dim3A_734 = arith.constant 0.000000e+00 : f32
        %broadcast_in_dim3A_735 = vector.broadcast %broadcast_in_dim3A_734 : f32 to vector<16xf32>
        %slice3A_736 = vector.extract_strided_slice %get3A_722 {offsets = [0], sizes = [1], strides = [1]} : vector<16xf32> to vector<1xf32>
        %squeeze3A_737 = vector.extract %slice3A_736[0] : f32 from vector<1xf32>
        %get3A_738 = arith.index_cast %add3A_676 : i32 to index
        %get3A_739 = arith.constant 0 : index
        %get3A_740 = tpu.vector_load %arg11[%get3A_738, %get3A_739] {strides = array<i32>} : memref<32x512xi32, #tpu.memory_space<vmem>>, vector<16xi32>,
        %shift_left3A_741 = arith.constant 16 : i32
        %shift_left3A_742 = vector.broadcast %shift_left3A_741 : i32 to vector<16xi32>
        %shift_left3A_743 = arith.shli %get3A_740, %shift_left3A_742 : vector<16xi32>
        %bitcast3A_744 = vector.bitcast %shift_left3A_743 : vector<16xi32> to vector<16xf32>
        %and3A_745 = arith.andi %get3A_740, %broadcast_in_dim3A_31 : vector<16xi32>
        %bitcast3A_746 = vector.bitcast %and3A_745 : vector<16xi32> to vector<16xf32>
        %mul3A_747 = vector.broadcast %squeeze3A_737 : f32 to vector<16xf32>
        %mul3A_748 = arith.mulf %mul3A_747, %bitcast3A_744 : vector<16xf32>
        %add3A_749 = arith.addf %broadcast_in_dim3A_729, %mul3A_748 : vector<16xf32>
        %mul3A_750 = vector.broadcast %squeeze3A_737 : f32 to vector<16xf32>
        %mul3A_751 = arith.mulf %mul3A_750, %bitcast3A_746 : vector<16xf32>
        %add3A_752 = arith.addf %broadcast_in_dim3A_733, %mul3A_751 : vector<16xf32>
        %slice3A_753 = vector.extract_strided_slice %get3A_722 {offsets = [1], sizes = [1], strides = [1]} : vector<16xf32> to vector<1xf32>
        %squeeze3A_754 = vector.extract %slice3A_753[0] : f32 from vector<1xf32>
        %get3A_755 = arith.index_cast %add3A_676 : i32 to index
        %get3A_756 = arith.constant 16 : index
        %get3A_757 = tpu.vector_load %arg11[%get3A_755, %get3A_756] {strides = array<i32>} : memref<32x512xi32, #tpu.memory_space<vmem>>, vector<16xi32>,
        %shift_left3A_758 = arith.constant 16 : i32
        %shift_left3A_759 = vector.broadcast %shift_left3A_758 : i32 to vector<16xi32>
        %shift_left3A_760 = arith.shli %get3A_757, %shift_left3A_759 : vector<16xi32>
        %bitcast3A_761 = vector.bitcast %shift_left3A_760 : vector<16xi32> to vector<16xf32>
        %and3A_762 = arith.andi %get3A_757, %broadcast_in_dim3A_31 : vector<16xi32>
        %bitcast3A_763 = vector.bitcast %and3A_762 : vector<16xi32> to vector<16xf32>
        %mul3A_764 = vector.broadcast %squeeze3A_754 : f32 to vector<16xf32>
        %mul3A_765 = arith.mulf %mul3A_764, %bitcast3A_761 : vector<16xf32>
        %add3A_766 = arith.addf %broadcast_in_dim3A_731, %mul3A_765 : vector<16xf32>
        %mul3A_767 = vector.broadcast %squeeze3A_754 : f32 to vector<16xf32>
        %mul3A_768 = arith.mulf %mul3A_767, %bitcast3A_763 : vector<16xf32>
        %add3A_769 = arith.addf %broadcast_in_dim3A_735, %mul3A_768 : vector<16xf32>
        %slice3A_770 = vector.extract_strided_slice %get3A_722 {offsets = [2], sizes = [1], strides = [1]} : vector<16xf32> to vector<1xf32>
        %squeeze3A_771 = vector.extract %slice3A_770[0] : f32 from vector<1xf32>
        %get3A_772 = arith.index_cast %add3A_676 : i32 to index
        %get3A_773 = arith.constant 32 : index
        %get3A_774 = tpu.vector_load %arg11[%get3A_772, %get3A_773] {strides = array<i32>} : memref<32x512xi32, #tpu.memory_space<vmem>>, vector<16xi32>,
        %shift_left3A_775 = arith.constant 16 : i32
        %shift_left3A_776 = vector.broadcast %shift_left3A_775 : i32 to vector<16xi32>
        %shift_left3A_777 = arith.shli %get3A_774, %shift_left3A_776 : vector<16xi32>
        %bitcast3A_778 = vector.bitcast %shift_left3A_777 : vector<16xi32> to vector<16xf32>
        %and3A_779 = arith.andi %get3A_774, %broadcast_in_dim3A_31 : vector<16xi32>
        %bitcast3A_780 = vector.bitcast %and3A_779 : vector<16xi32> to vector<16xf32>
        %mul3A_781 = vector.broadcast %squeeze3A_771 : f32 to vector<16xf32>
        %mul3A_782 = arith.mulf %mul3A_781, %bitcast3A_778 : vector<16xf32>
        %add3A_783 = arith.addf %add3A_749, %mul3A_782 : vector<16xf32>
        %mul3A_784 = vector.broadcast %squeeze3A_771 : f32 to vector<16xf32>
        %mul3A_785 = arith.mulf %mul3A_784, %bitcast3A_780 : vector<16xf32>
        %add3A_786 = arith.addf %add3A_752, %mul3A_785 : vector<16xf32>
        %slice3A_787 = vector.extract_strided_slice %get3A_722 {offsets = [3], sizes = [1], strides = [1]} : vector<16xf32> to vector<1xf32>
        %squeeze3A_788 = vector.extract %slice3A_787[0] : f32 from vector<1xf32>
        %get3A_789 = arith.index_cast %add3A_676 : i32 to index
        %get3A_790 = arith.constant 48 : index
        %get3A_791 = tpu.vector_load %arg11[%get3A_789, %get3A_790] {strides = array<i32>} : memref<32x512xi32, #tpu.memory_space<vmem>>, vector<16xi32>,
        %shift_left3A_792 = arith.constant 16 : i32
        %shift_left3A_793 = vector.broadcast %shift_left3A_792 : i32 to vector<16xi32>
        %shift_left3A_794 = arith.shli %get3A_791, %shift_left3A_793 : vector<16xi32>
        %bitcast3A_795 = vector.bitcast %shift_left3A_794 : vector<16xi32> to vector<16xf32>
        %and3A_796 = arith.andi %get3A_791, %broadcast_in_dim3A_31 : vector<16xi32>
        %bitcast3A_797 = vector.bitcast %and3A_796 : vector<16xi32> to vector<16xf32>
        %mul3A_798 = vector.broadcast %squeeze3A_788 : f32 to vector<16xf32>
        %mul3A_799 = arith.mulf %mul3A_798, %bitcast3A_795 : vector<16xf32>
        %add3A_800 = arith.addf %add3A_766, %mul3A_799 : vector<16xf32>
        %mul3A_801 = vector.broadcast %squeeze3A_788 : f32 to vector<16xf32>
        %mul3A_802 = arith.mulf %mul3A_801, %bitcast3A_797 : vector<16xf32>
        %add3A_803 = arith.addf %add3A_769, %mul3A_802 : vector<16xf32>
        %slice3A_804 = vector.extract_strided_slice %get3A_722 {offsets = [4], sizes = [1], strides = [1]} : vector<16xf32> to vector<1xf32>
        %squeeze3A_805 = vector.extract %slice3A_804[0] : f32 from vector<1xf32>
        %get3A_806 = arith.index_cast %add3A_676 : i32 to index
        %get3A_807 = arith.constant 64 : index
        %get3A_808 = tpu.vector_load %arg11[%get3A_806, %get3A_807] {strides = array<i32>} : memref<32x512xi32, #tpu.memory_space<vmem>>, vector<16xi32>,
        %shift_left3A_809 = arith.constant 16 : i32
        %shift_left3A_810 = vector.broadcast %shift_left3A_809 : i32 to vector<16xi32>
        %shift_left3A_811 = arith.shli %get3A_808, %shift_left3A_810 : vector<16xi32>
        %bitcast3A_812 = vector.bitcast %shift_left3A_811 : vector<16xi32> to vector<16xf32>
        %and3A_813 = arith.andi %get3A_808, %broadcast_in_dim3A_31 : vector<16xi32>
        %bitcast3A_814 = vector.bitcast %and3A_813 : vector<16xi32> to vector<16xf32>
        %mul3A_815 = vector.broadcast %squeeze3A_805 : f32 to vector<16xf32>
        %mul3A_816 = arith.mulf %mul3A_815, %bitcast3A_812 : vector<16xf32>
        %add3A_817 = arith.addf %add3A_783, %mul3A_816 : vector<16xf32>
        %mul3A_818 = vector.broadcast %squeeze3A_805 : f32 to vector<16xf32>
        %mul3A_819 = arith.mulf %mul3A_818, %bitcast3A_814 : vector<16xf32>
        %add3A_820 = arith.addf %add3A_786, %mul3A_819 : vector<16xf32>
        %slice3A_821 = vector.extract_strided_slice %get3A_722 {offsets = [5], sizes = [1], strides = [1]} : vector<16xf32> to vector<1xf32>
        %squeeze3A_822 = vector.extract %slice3A_821[0] : f32 from vector<1xf32>
        %get3A_823 = arith.index_cast %add3A_676 : i32 to index
        %get3A_824 = arith.constant 80 : index
        %get3A_825 = tpu.vector_load %arg11[%get3A_823, %get3A_824] {strides = array<i32>} : memref<32x512xi32, #tpu.memory_space<vmem>>, vector<16xi32>,
        %shift_left3A_826 = arith.constant 16 : i32
        %shift_left3A_827 = vector.broadcast %shift_left3A_826 : i32 to vector<16xi32>
        %shift_left3A_828 = arith.shli %get3A_825, %shift_left3A_827 : vector<16xi32>
        %bitcast3A_829 = vector.bitcast %shift_left3A_828 : vector<16xi32> to vector<16xf32>
        %and3A_830 = arith.andi %get3A_825, %broadcast_in_dim3A_31 : vector<16xi32>
        %bitcast3A_831 = vector.bitcast %and3A_830 : vector<16xi32> to vector<16xf32>
        %mul3A_832 = vector.broadcast %squeeze3A_822 : f32 to vector<16xf32>
        %mul3A_833 = arith.mulf %mul3A_832, %bitcast3A_829 : vector<16xf32>
        %add3A_834 = arith.addf %add3A_800, %mul3A_833 : vector<16xf32>
        %mul3A_835 = vector.broadcast %squeeze3A_822 : f32 to vector<16xf32>
        %mul3A_836 = arith.mulf %mul3A_835, %bitcast3A_831 : vector<16xf32>
        %add3A_837 = arith.addf %add3A_803, %mul3A_836 : vector<16xf32>
        %slice3A_838 = vector.extract_strided_slice %get3A_722 {offsets = [6], sizes = [1], strides = [1]} : vector<16xf32> to vector<1xf32>
        %squeeze3A_839 = vector.extract %slice3A_838[0] : f32 from vector<1xf32>
        %get3A_840 = arith.index_cast %add3A_676 : i32 to index
        %get3A_841 = arith.constant 96 : index
        %get3A_842 = tpu.vector_load %arg11[%get3A_840, %get3A_841] {strides = array<i32>} : memref<32x512xi32, #tpu.memory_space<vmem>>, vector<16xi32>,
        %shift_left3A_843 = arith.constant 16 : i32
        %shift_left3A_844 = vector.broadcast %shift_left3A_843 : i32 to vector<16xi32>
        %shift_left3A_845 = arith.shli %get3A_842, %shift_left3A_844 : vector<16xi32>
        %bitcast3A_846 = vector.bitcast %shift_left3A_845 : vector<16xi32> to vector<16xf32>
        %and3A_847 = arith.andi %get3A_842, %broadcast_in_dim3A_31 : vector<16xi32>
        %bitcast3A_848 = vector.bitcast %and3A_847 : vector<16xi32> to vector<16xf32>
        %mul3A_849 = vector.broadcast %squeeze3A_839 : f32 to vector<16xf32>
        %mul3A_850 = arith.mulf %mul3A_849, %bitcast3A_846 : vector<16xf32>
        %add3A_851 = arith.addf %add3A_817, %mul3A_850 : vector<16xf32>
        %mul3A_852 = vector.broadcast %squeeze3A_839 : f32 to vector<16xf32>
        %mul3A_853 = arith.mulf %mul3A_852, %bitcast3A_848 : vector<16xf32>
        %add3A_854 = arith.addf %add3A_820, %mul3A_853 : vector<16xf32>
        %slice3A_855 = vector.extract_strided_slice %get3A_722 {offsets = [7], sizes = [1], strides = [1]} : vector<16xf32> to vector<1xf32>
        %squeeze3A_856 = vector.extract %slice3A_855[0] : f32 from vector<1xf32>
        %get3A_857 = arith.index_cast %add3A_676 : i32 to index
        %get3A_858 = arith.constant 112 : index
        %get3A_859 = tpu.vector_load %arg11[%get3A_857, %get3A_858] {strides = array<i32>} : memref<32x512xi32, #tpu.memory_space<vmem>>, vector<16xi32>,
        %shift_left3A_860 = arith.constant 16 : i32
        %shift_left3A_861 = vector.broadcast %shift_left3A_860 : i32 to vector<16xi32>
        %shift_left3A_862 = arith.shli %get3A_859, %shift_left3A_861 : vector<16xi32>
        %bitcast3A_863 = vector.bitcast %shift_left3A_862 : vector<16xi32> to vector<16xf32>
        %and3A_864 = arith.andi %get3A_859, %broadcast_in_dim3A_31 : vector<16xi32>
        %bitcast3A_865 = vector.bitcast %and3A_864 : vector<16xi32> to vector<16xf32>
        %mul3A_866 = vector.broadcast %squeeze3A_856 : f32 to vector<16xf32>
        %mul3A_867 = arith.mulf %mul3A_866, %bitcast3A_863 : vector<16xf32>
        %add3A_868 = arith.addf %add3A_834, %mul3A_867 : vector<16xf32>
        %mul3A_869 = vector.broadcast %squeeze3A_856 : f32 to vector<16xf32>
        %mul3A_870 = arith.mulf %mul3A_869, %bitcast3A_865 : vector<16xf32>
        %add3A_871 = arith.addf %add3A_837, %mul3A_870 : vector<16xf32>
        %slice3A_872 = vector.extract_strided_slice %get3A_722 {offsets = [8], sizes = [1], strides = [1]} : vector<16xf32> to vector<1xf32>
        %squeeze3A_873 = vector.extract %slice3A_872[0] : f32 from vector<1xf32>
        %get3A_874 = arith.index_cast %add3A_676 : i32 to index
        %get3A_875 = arith.constant 128 : index
        %get3A_876 = tpu.vector_load %arg11[%get3A_874, %get3A_875] {strides = array<i32>} : memref<32x512xi32, #tpu.memory_space<vmem>>, vector<16xi32>,
        %shift_left3A_877 = arith.constant 16 : i32
        %shift_left3A_878 = vector.broadcast %shift_left3A_877 : i32 to vector<16xi32>
        %shift_left3A_879 = arith.shli %get3A_876, %shift_left3A_878 : vector<16xi32>
        %bitcast3A_880 = vector.bitcast %shift_left3A_879 : vector<16xi32> to vector<16xf32>
        %and3A_881 = arith.andi %get3A_876, %broadcast_in_dim3A_31 : vector<16xi32>
        %bitcast3A_882 = vector.bitcast %and3A_881 : vector<16xi32> to vector<16xf32>
        %mul3A_883 = vector.broadcast %squeeze3A_873 : f32 to vector<16xf32>
        %mul3A_884 = arith.mulf %mul3A_883, %bitcast3A_880 : vector<16xf32>
        %add3A_885 = arith.addf %add3A_851, %mul3A_884 : vector<16xf32>
        %mul3A_886 = vector.broadcast %squeeze3A_873 : f32 to vector<16xf32>
        %mul3A_887 = arith.mulf %mul3A_886, %bitcast3A_882 : vector<16xf32>
        %add3A_888 = arith.addf %add3A_854, %mul3A_887 : vector<16xf32>
        %slice3A_889 = vector.extract_strided_slice %get3A_722 {offsets = [9], sizes = [1], strides = [1]} : vector<16xf32> to vector<1xf32>
        %squeeze3A_890 = vector.extract %slice3A_889[0] : f32 from vector<1xf32>
        %get3A_891 = arith.index_cast %add3A_676 : i32 to index
        %get3A_892 = arith.constant 144 : index
        %get3A_893 = tpu.vector_load %arg11[%get3A_891, %get3A_892] {strides = array<i32>} : memref<32x512xi32, #tpu.memory_space<vmem>>, vector<16xi32>,
        %shift_left3A_894 = arith.constant 16 : i32
        %shift_left3A_895 = vector.broadcast %shift_left3A_894 : i32 to vector<16xi32>
        %shift_left3A_896 = arith.shli %get3A_893, %shift_left3A_895 : vector<16xi32>
        %bitcast3A_897 = vector.bitcast %shift_left3A_896 : vector<16xi32> to vector<16xf32>
        %and3A_898 = arith.andi %get3A_893, %broadcast_in_dim3A_31 : vector<16xi32>
        %bitcast3A_899 = vector.bitcast %and3A_898 : vector<16xi32> to vector<16xf32>
        %mul3A_900 = vector.broadcast %squeeze3A_890 : f32 to vector<16xf32>
        %mul3A_901 = arith.mulf %mul3A_900, %bitcast3A_897 : vector<16xf32>
        %add3A_902 = arith.addf %add3A_868, %mul3A_901 : vector<16xf32>
        %mul3A_903 = vector.broadcast %squeeze3A_890 : f32 to vector<16xf32>
        %mul3A_904 = arith.mulf %mul3A_903, %bitcast3A_899 : vector<16xf32>
        %add3A_905 = arith.addf %add3A_871, %mul3A_904 : vector<16xf32>
        %slice3A_906 = vector.extract_strided_slice %get3A_722 {offsets = [10], sizes = [1], strides = [1]} : vector<16xf32> to vector<1xf32>
        %squeeze3A_907 = vector.extract %slice3A_906[0] : f32 from vector<1xf32>
        %get3A_908 = arith.index_cast %add3A_676 : i32 to index
        %get3A_909 = arith.constant 160 : index
        %get3A_910 = tpu.vector_load %arg11[%get3A_908, %get3A_909] {strides = array<i32>} : memref<32x512xi32, #tpu.memory_space<vmem>>, vector<16xi32>,
        %shift_left3A_911 = arith.constant 16 : i32
        %shift_left3A_912 = vector.broadcast %shift_left3A_911 : i32 to vector<16xi32>
        %shift_left3A_913 = arith.shli %get3A_910, %shift_left3A_912 : vector<16xi32>
        %bitcast3A_914 = vector.bitcast %shift_left3A_913 : vector<16xi32> to vector<16xf32>
        %and3A_915 = arith.andi %get3A_910, %broadcast_in_dim3A_31 : vector<16xi32>
        %bitcast3A_916 = vector.bitcast %and3A_915 : vector<16xi32> to vector<16xf32>
        %mul3A_917 = vector.broadcast %squeeze3A_907 : f32 to vector<16xf32>
        %mul3A_918 = arith.mulf %mul3A_917, %bitcast3A_914 : vector<16xf32>
        %add3A_919 = arith.addf %add3A_885, %mul3A_918 : vector<16xf32>
        %mul3A_920 = vector.broadcast %squeeze3A_907 : f32 to vector<16xf32>
        %mul3A_921 = arith.mulf %mul3A_920, %bitcast3A_916 : vector<16xf32>
        %add3A_922 = arith.addf %add3A_888, %mul3A_921 : vector<16xf32>
        %slice3A_923 = vector.extract_strided_slice %get3A_722 {offsets = [11], sizes = [1], strides = [1]} : vector<16xf32> to vector<1xf32>
        %squeeze3A_924 = vector.extract %slice3A_923[0] : f32 from vector<1xf32>
        %get3A_925 = arith.index_cast %add3A_676 : i32 to index
        %get3A_926 = arith.constant 176 : index
        %get3A_927 = tpu.vector_load %arg11[%get3A_925, %get3A_926] {strides = array<i32>} : memref<32x512xi32, #tpu.memory_space<vmem>>, vector<16xi32>,
        %shift_left3A_928 = arith.constant 16 : i32
        %shift_left3A_929 = vector.broadcast %shift_left3A_928 : i32 to vector<16xi32>
        %shift_left3A_930 = arith.shli %get3A_927, %shift_left3A_929 : vector<16xi32>
        %bitcast3A_931 = vector.bitcast %shift_left3A_930 : vector<16xi32> to vector<16xf32>
        %and3A_932 = arith.andi %get3A_927, %broadcast_in_dim3A_31 : vector<16xi32>
        %bitcast3A_933 = vector.bitcast %and3A_932 : vector<16xi32> to vector<16xf32>
        %mul3A_934 = vector.broadcast %squeeze3A_924 : f32 to vector<16xf32>
        %mul3A_935 = arith.mulf %mul3A_934, %bitcast3A_931 : vector<16xf32>
        %add3A_936 = arith.addf %add3A_902, %mul3A_935 : vector<16xf32>
        %mul3A_937 = vector.broadcast %squeeze3A_924 : f32 to vector<16xf32>
        %mul3A_938 = arith.mulf %mul3A_937, %bitcast3A_933 : vector<16xf32>
        %add3A_939 = arith.addf %add3A_905, %mul3A_938 : vector<16xf32>
        %slice3A_940 = vector.extract_strided_slice %get3A_722 {offsets = [12], sizes = [1], strides = [1]} : vector<16xf32> to vector<1xf32>
        %squeeze3A_941 = vector.extract %slice3A_940[0] : f32 from vector<1xf32>
        %get3A_942 = arith.index_cast %add3A_676 : i32 to index
        %get3A_943 = arith.constant 192 : index
        %get3A_944 = tpu.vector_load %arg11[%get3A_942, %get3A_943] {strides = array<i32>} : memref<32x512xi32, #tpu.memory_space<vmem>>, vector<16xi32>,
        %shift_left3A_945 = arith.constant 16 : i32
        %shift_left3A_946 = vector.broadcast %shift_left3A_945 : i32 to vector<16xi32>
        %shift_left3A_947 = arith.shli %get3A_944, %shift_left3A_946 : vector<16xi32>
        %bitcast3A_948 = vector.bitcast %shift_left3A_947 : vector<16xi32> to vector<16xf32>
        %and3A_949 = arith.andi %get3A_944, %broadcast_in_dim3A_31 : vector<16xi32>
        %bitcast3A_950 = vector.bitcast %and3A_949 : vector<16xi32> to vector<16xf32>
        %mul3A_951 = vector.broadcast %squeeze3A_941 : f32 to vector<16xf32>
        %mul3A_952 = arith.mulf %mul3A_951, %bitcast3A_948 : vector<16xf32>
        %add3A_953 = arith.addf %add3A_919, %mul3A_952 : vector<16xf32>
        %mul3A_954 = vector.broadcast %squeeze3A_941 : f32 to vector<16xf32>
        %mul3A_955 = arith.mulf %mul3A_954, %bitcast3A_950 : vector<16xf32>
        %add3A_956 = arith.addf %add3A_922, %mul3A_955 : vector<16xf32>
        %slice3A_957 = vector.extract_strided_slice %get3A_722 {offsets = [13], sizes = [1], strides = [1]} : vector<16xf32> to vector<1xf32>
        %squeeze3A_958 = vector.extract %slice3A_957[0] : f32 from vector<1xf32>
        %get3A_959 = arith.index_cast %add3A_676 : i32 to index
        %get3A_960 = arith.constant 208 : index
        %get3A_961 = tpu.vector_load %arg11[%get3A_959, %get3A_960] {strides = array<i32>} : memref<32x512xi32, #tpu.memory_space<vmem>>, vector<16xi32>,
        %shift_left3A_962 = arith.constant 16 : i32
        %shift_left3A_963 = vector.broadcast %shift_left3A_962 : i32 to vector<16xi32>
        %shift_left3A_964 = arith.shli %get3A_961, %shift_left3A_963 : vector<16xi32>
        %bitcast3A_965 = vector.bitcast %shift_left3A_964 : vector<16xi32> to vector<16xf32>
        %and3A_966 = arith.andi %get3A_961, %broadcast_in_dim3A_31 : vector<16xi32>
        %bitcast3A_967 = vector.bitcast %and3A_966 : vector<16xi32> to vector<16xf32>
        %mul3A_968 = vector.broadcast %squeeze3A_958 : f32 to vector<16xf32>
        %mul3A_969 = arith.mulf %mul3A_968, %bitcast3A_965 : vector<16xf32>
        %add3A_970 = arith.addf %add3A_936, %mul3A_969 : vector<16xf32>
        %mul3A_971 = vector.broadcast %squeeze3A_958 : f32 to vector<16xf32>
        %mul3A_972 = arith.mulf %mul3A_971, %bitcast3A_967 : vector<16xf32>
        %add3A_973 = arith.addf %add3A_939, %mul3A_972 : vector<16xf32>
        %slice3A_974 = vector.extract_strided_slice %get3A_722 {offsets = [14], sizes = [1], strides = [1]} : vector<16xf32> to vector<1xf32>
        %squeeze3A_975 = vector.extract %slice3A_974[0] : f32 from vector<1xf32>
        %get3A_976 = arith.index_cast %add3A_676 : i32 to index
        %get3A_977 = arith.constant 224 : index
        %get3A_978 = tpu.vector_load %arg11[%get3A_976, %get3A_977] {strides = array<i32>} : memref<32x512xi32, #tpu.memory_space<vmem>>, vector<16xi32>,
        %shift_left3A_979 = arith.constant 16 : i32
        %shift_left3A_980 = vector.broadcast %shift_left3A_979 : i32 to vector<16xi32>
        %shift_left3A_981 = arith.shli %get3A_978, %shift_left3A_980 : vector<16xi32>
        %bitcast3A_982 = vector.bitcast %shift_left3A_981 : vector<16xi32> to vector<16xf32>
        %and3A_983 = arith.andi %get3A_978, %broadcast_in_dim3A_31 : vector<16xi32>
        %bitcast3A_984 = vector.bitcast %and3A_983 : vector<16xi32> to vector<16xf32>
        %mul3A_985 = vector.broadcast %squeeze3A_975 : f32 to vector<16xf32>
        %mul3A_986 = arith.mulf %mul3A_985, %bitcast3A_982 : vector<16xf32>
        %add3A_987 = arith.addf %add3A_953, %mul3A_986 : vector<16xf32>
        %mul3A_988 = vector.broadcast %squeeze3A_975 : f32 to vector<16xf32>
        %mul3A_989 = arith.mulf %mul3A_988, %bitcast3A_984 : vector<16xf32>
        %add3A_990 = arith.addf %add3A_956, %mul3A_989 : vector<16xf32>
        %slice3A_991 = vector.extract_strided_slice %get3A_722 {offsets = [15], sizes = [1], strides = [1]} : vector<16xf32> to vector<1xf32>
        %squeeze3A_992 = vector.extract %slice3A_991[0] : f32 from vector<1xf32>
        %get3A_993 = arith.index_cast %add3A_676 : i32 to index
        %get3A_994 = arith.constant 240 : index
        %get3A_995 = tpu.vector_load %arg11[%get3A_993, %get3A_994] {strides = array<i32>} : memref<32x512xi32, #tpu.memory_space<vmem>>, vector<16xi32>,
        %shift_left3A_996 = arith.constant 16 : i32
        %shift_left3A_997 = vector.broadcast %shift_left3A_996 : i32 to vector<16xi32>
        %shift_left3A_998 = arith.shli %get3A_995, %shift_left3A_997 : vector<16xi32>
        %bitcast3A_999 = vector.bitcast %shift_left3A_998 : vector<16xi32> to vector<16xf32>
        %and3A_1000 = arith.andi %get3A_995, %broadcast_in_dim3A_31 : vector<16xi32>
        %bitcast3A_1001 = vector.bitcast %and3A_1000 : vector<16xi32> to vector<16xf32>
        %mul3A_1002 = vector.broadcast %squeeze3A_992 : f32 to vector<16xf32>
        %mul3A_1003 = arith.mulf %mul3A_1002, %bitcast3A_999 : vector<16xf32>
        %add3A_1004 = arith.addf %add3A_970, %mul3A_1003 : vector<16xf32>
        %mul3A_1005 = vector.broadcast %squeeze3A_992 : f32 to vector<16xf32>
        %mul3A_1006 = arith.mulf %mul3A_1005, %bitcast3A_1001 : vector<16xf32>
        %add3A_1007 = arith.addf %add3A_973, %mul3A_1006 : vector<16xf32>
        %slice3A_1008 = vector.extract_strided_slice %get3A_727 {offsets = [0], sizes = [1], strides = [1]} : vector<16xf32> to vector<1xf32>
        %squeeze3A_1009 = vector.extract %slice3A_1008[0] : f32 from vector<1xf32>
        %get3A_1010 = arith.index_cast %add3A_676 : i32 to index
        %get3A_1011 = arith.constant 256 : index
        %get3A_1012 = tpu.vector_load %arg11[%get3A_1010, %get3A_1011] {strides = array<i32>} : memref<32x512xi32, #tpu.memory_space<vmem>>, vector<16xi32>,
        %shift_left3A_1013 = arith.constant 16 : i32
        %shift_left3A_1014 = vector.broadcast %shift_left3A_1013 : i32 to vector<16xi32>
        %shift_left3A_1015 = arith.shli %get3A_1012, %shift_left3A_1014 : vector<16xi32>
        %bitcast3A_1016 = vector.bitcast %shift_left3A_1015 : vector<16xi32> to vector<16xf32>
        %and3A_1017 = arith.andi %get3A_1012, %broadcast_in_dim3A_31 : vector<16xi32>
        %bitcast3A_1018 = vector.bitcast %and3A_1017 : vector<16xi32> to vector<16xf32>
        %mul3A_1019 = vector.broadcast %squeeze3A_1009 : f32 to vector<16xf32>
        %mul3A_1020 = arith.mulf %mul3A_1019, %bitcast3A_1016 : vector<16xf32>
        %add3A_1021 = arith.addf %add3A_987, %mul3A_1020 : vector<16xf32>
        %mul3A_1022 = vector.broadcast %squeeze3A_1009 : f32 to vector<16xf32>
        %mul3A_1023 = arith.mulf %mul3A_1022, %bitcast3A_1018 : vector<16xf32>
        %add3A_1024 = arith.addf %add3A_990, %mul3A_1023 : vector<16xf32>
        %slice3A_1025 = vector.extract_strided_slice %get3A_727 {offsets = [1], sizes = [1], strides = [1]} : vector<16xf32> to vector<1xf32>
        %squeeze3A_1026 = vector.extract %slice3A_1025[0] : f32 from vector<1xf32>
        %get3A_1027 = arith.index_cast %add3A_676 : i32 to index
        %get3A_1028 = arith.constant 272 : index
        %get3A_1029 = tpu.vector_load %arg11[%get3A_1027, %get3A_1028] {strides = array<i32>} : memref<32x512xi32, #tpu.memory_space<vmem>>, vector<16xi32>,
        %shift_left3A_1030 = arith.constant 16 : i32
        %shift_left3A_1031 = vector.broadcast %shift_left3A_1030 : i32 to vector<16xi32>
        %shift_left3A_1032 = arith.shli %get3A_1029, %shift_left3A_1031 : vector<16xi32>
        %bitcast3A_1033 = vector.bitcast %shift_left3A_1032 : vector<16xi32> to vector<16xf32>
        %and3A_1034 = arith.andi %get3A_1029, %broadcast_in_dim3A_31 : vector<16xi32>
        %bitcast3A_1035 = vector.bitcast %and3A_1034 : vector<16xi32> to vector<16xf32>
        %mul3A_1036 = vector.broadcast %squeeze3A_1026 : f32 to vector<16xf32>
        %mul3A_1037 = arith.mulf %mul3A_1036, %bitcast3A_1033 : vector<16xf32>
        %add3A_1038 = arith.addf %add3A_1004, %mul3A_1037 : vector<16xf32>
        %mul3A_1039 = vector.broadcast %squeeze3A_1026 : f32 to vector<16xf32>
        %mul3A_1040 = arith.mulf %mul3A_1039, %bitcast3A_1035 : vector<16xf32>
        %add3A_1041 = arith.addf %add3A_1007, %mul3A_1040 : vector<16xf32>
        %slice3A_1042 = vector.extract_strided_slice %get3A_727 {offsets = [2], sizes = [1], strides = [1]} : vector<16xf32> to vector<1xf32>
        %squeeze3A_1043 = vector.extract %slice3A_1042[0] : f32 from vector<1xf32>
        %get3A_1044 = arith.index_cast %add3A_676 : i32 to index
        %get3A_1045 = arith.constant 288 : index
        %get3A_1046 = tpu.vector_load %arg11[%get3A_1044, %get3A_1045] {strides = array<i32>} : memref<32x512xi32, #tpu.memory_space<vmem>>, vector<16xi32>,
        %shift_left3A_1047 = arith.constant 16 : i32
        %shift_left3A_1048 = vector.broadcast %shift_left3A_1047 : i32 to vector<16xi32>
        %shift_left3A_1049 = arith.shli %get3A_1046, %shift_left3A_1048 : vector<16xi32>
        %bitcast3A_1050 = vector.bitcast %shift_left3A_1049 : vector<16xi32> to vector<16xf32>
        %and3A_1051 = arith.andi %get3A_1046, %broadcast_in_dim3A_31 : vector<16xi32>
        %bitcast3A_1052 = vector.bitcast %and3A_1051 : vector<16xi32> to vector<16xf32>
        %mul3A_1053 = vector.broadcast %squeeze3A_1043 : f32 to vector<16xf32>
        %mul3A_1054 = arith.mulf %mul3A_1053, %bitcast3A_1050 : vector<16xf32>
        %add3A_1055 = arith.addf %add3A_1021, %mul3A_1054 : vector<16xf32>
        %mul3A_1056 = vector.broadcast %squeeze3A_1043 : f32 to vector<16xf32>
        %mul3A_1057 = arith.mulf %mul3A_1056, %bitcast3A_1052 : vector<16xf32>
        %add3A_1058 = arith.addf %add3A_1024, %mul3A_1057 : vector<16xf32>
        %slice3A_1059 = vector.extract_strided_slice %get3A_727 {offsets = [3], sizes = [1], strides = [1]} : vector<16xf32> to vector<1xf32>
        %squeeze3A_1060 = vector.extract %slice3A_1059[0] : f32 from vector<1xf32>
        %get3A_1061 = arith.index_cast %add3A_676 : i32 to index
        %get3A_1062 = arith.constant 304 : index
        %get3A_1063 = tpu.vector_load %arg11[%get3A_1061, %get3A_1062] {strides = array<i32>} : memref<32x512xi32, #tpu.memory_space<vmem>>, vector<16xi32>,
        %shift_left3A_1064 = arith.constant 16 : i32
        %shift_left3A_1065 = vector.broadcast %shift_left3A_1064 : i32 to vector<16xi32>
        %shift_left3A_1066 = arith.shli %get3A_1063, %shift_left3A_1065 : vector<16xi32>
        %bitcast3A_1067 = vector.bitcast %shift_left3A_1066 : vector<16xi32> to vector<16xf32>
        %and3A_1068 = arith.andi %get3A_1063, %broadcast_in_dim3A_31 : vector<16xi32>
        %bitcast3A_1069 = vector.bitcast %and3A_1068 : vector<16xi32> to vector<16xf32>
        %mul3A_1070 = vector.broadcast %squeeze3A_1060 : f32 to vector<16xf32>
        %mul3A_1071 = arith.mulf %mul3A_1070, %bitcast3A_1067 : vector<16xf32>
        %add3A_1072 = arith.addf %add3A_1038, %mul3A_1071 : vector<16xf32>
        %mul3A_1073 = vector.broadcast %squeeze3A_1060 : f32 to vector<16xf32>
        %mul3A_1074 = arith.mulf %mul3A_1073, %bitcast3A_1069 : vector<16xf32>
        %add3A_1075 = arith.addf %add3A_1041, %mul3A_1074 : vector<16xf32>
        %slice3A_1076 = vector.extract_strided_slice %get3A_727 {offsets = [4], sizes = [1], strides = [1]} : vector<16xf32> to vector<1xf32>
        %squeeze3A_1077 = vector.extract %slice3A_1076[0] : f32 from vector<1xf32>
        %get3A_1078 = arith.index_cast %add3A_676 : i32 to index
        %get3A_1079 = arith.constant 320 : index
        %get3A_1080 = tpu.vector_load %arg11[%get3A_1078, %get3A_1079] {strides = array<i32>} : memref<32x512xi32, #tpu.memory_space<vmem>>, vector<16xi32>,
        %shift_left3A_1081 = arith.constant 16 : i32
        %shift_left3A_1082 = vector.broadcast %shift_left3A_1081 : i32 to vector<16xi32>
        %shift_left3A_1083 = arith.shli %get3A_1080, %shift_left3A_1082 : vector<16xi32>
        %bitcast3A_1084 = vector.bitcast %shift_left3A_1083 : vector<16xi32> to vector<16xf32>
        %and3A_1085 = arith.andi %get3A_1080, %broadcast_in_dim3A_31 : vector<16xi32>
        %bitcast3A_1086 = vector.bitcast %and3A_1085 : vector<16xi32> to vector<16xf32>
        %mul3A_1087 = vector.broadcast %squeeze3A_1077 : f32 to vector<16xf32>
        %mul3A_1088 = arith.mulf %mul3A_1087, %bitcast3A_1084 : vector<16xf32>
        %add3A_1089 = arith.addf %add3A_1055, %mul3A_1088 : vector<16xf32>
        %mul3A_1090 = vector.broadcast %squeeze3A_1077 : f32 to vector<16xf32>
        %mul3A_1091 = arith.mulf %mul3A_1090, %bitcast3A_1086 : vector<16xf32>
        %add3A_1092 = arith.addf %add3A_1058, %mul3A_1091 : vector<16xf32>
        %slice3A_1093 = vector.extract_strided_slice %get3A_727 {offsets = [5], sizes = [1], strides = [1]} : vector<16xf32> to vector<1xf32>
        %squeeze3A_1094 = vector.extract %slice3A_1093[0] : f32 from vector<1xf32>
        %get3A_1095 = arith.index_cast %add3A_676 : i32 to index
        %get3A_1096 = arith.constant 336 : index
        %get3A_1097 = tpu.vector_load %arg11[%get3A_1095, %get3A_1096] {strides = array<i32>} : memref<32x512xi32, #tpu.memory_space<vmem>>, vector<16xi32>,
        %shift_left3A_1098 = arith.constant 16 : i32
        %shift_left3A_1099 = vector.broadcast %shift_left3A_1098 : i32 to vector<16xi32>
        %shift_left3A_1100 = arith.shli %get3A_1097, %shift_left3A_1099 : vector<16xi32>
        %bitcast3A_1101 = vector.bitcast %shift_left3A_1100 : vector<16xi32> to vector<16xf32>
        %and3A_1102 = arith.andi %get3A_1097, %broadcast_in_dim3A_31 : vector<16xi32>
        %bitcast3A_1103 = vector.bitcast %and3A_1102 : vector<16xi32> to vector<16xf32>
        %mul3A_1104 = vector.broadcast %squeeze3A_1094 : f32 to vector<16xf32>
        %mul3A_1105 = arith.mulf %mul3A_1104, %bitcast3A_1101 : vector<16xf32>
        %add3A_1106 = arith.addf %add3A_1072, %mul3A_1105 : vector<16xf32>
        %mul3A_1107 = vector.broadcast %squeeze3A_1094 : f32 to vector<16xf32>
        %mul3A_1108 = arith.mulf %mul3A_1107, %bitcast3A_1103 : vector<16xf32>
        %add3A_1109 = arith.addf %add3A_1075, %mul3A_1108 : vector<16xf32>
        %slice3A_1110 = vector.extract_strided_slice %get3A_727 {offsets = [6], sizes = [1], strides = [1]} : vector<16xf32> to vector<1xf32>
        %squeeze3A_1111 = vector.extract %slice3A_1110[0] : f32 from vector<1xf32>
        %get3A_1112 = arith.index_cast %add3A_676 : i32 to index
        %get3A_1113 = arith.constant 352 : index
        %get3A_1114 = tpu.vector_load %arg11[%get3A_1112, %get3A_1113] {strides = array<i32>} : memref<32x512xi32, #tpu.memory_space<vmem>>, vector<16xi32>,
        %shift_left3A_1115 = arith.constant 16 : i32
        %shift_left3A_1116 = vector.broadcast %shift_left3A_1115 : i32 to vector<16xi32>
        %shift_left3A_1117 = arith.shli %get3A_1114, %shift_left3A_1116 : vector<16xi32>
        %bitcast3A_1118 = vector.bitcast %shift_left3A_1117 : vector<16xi32> to vector<16xf32>
        %and3A_1119 = arith.andi %get3A_1114, %broadcast_in_dim3A_31 : vector<16xi32>
        %bitcast3A_1120 = vector.bitcast %and3A_1119 : vector<16xi32> to vector<16xf32>
        %mul3A_1121 = vector.broadcast %squeeze3A_1111 : f32 to vector<16xf32>
        %mul3A_1122 = arith.mulf %mul3A_1121, %bitcast3A_1118 : vector<16xf32>
        %add3A_1123 = arith.addf %add3A_1089, %mul3A_1122 : vector<16xf32>
        %mul3A_1124 = vector.broadcast %squeeze3A_1111 : f32 to vector<16xf32>
        %mul3A_1125 = arith.mulf %mul3A_1124, %bitcast3A_1120 : vector<16xf32>
        %add3A_1126 = arith.addf %add3A_1092, %mul3A_1125 : vector<16xf32>
        %slice3A_1127 = vector.extract_strided_slice %get3A_727 {offsets = [7], sizes = [1], strides = [1]} : vector<16xf32> to vector<1xf32>
        %squeeze3A_1128 = vector.extract %slice3A_1127[0] : f32 from vector<1xf32>
        %get3A_1129 = arith.index_cast %add3A_676 : i32 to index
        %get3A_1130 = arith.constant 368 : index
        %get3A_1131 = tpu.vector_load %arg11[%get3A_1129, %get3A_1130] {strides = array<i32>} : memref<32x512xi32, #tpu.memory_space<vmem>>, vector<16xi32>,
        %shift_left3A_1132 = arith.constant 16 : i32
        %shift_left3A_1133 = vector.broadcast %shift_left3A_1132 : i32 to vector<16xi32>
        %shift_left3A_1134 = arith.shli %get3A_1131, %shift_left3A_1133 : vector<16xi32>
        %bitcast3A_1135 = vector.bitcast %shift_left3A_1134 : vector<16xi32> to vector<16xf32>
        %and3A_1136 = arith.andi %get3A_1131, %broadcast_in_dim3A_31 : vector<16xi32>
        %bitcast3A_1137 = vector.bitcast %and3A_1136 : vector<16xi32> to vector<16xf32>
        %mul3A_1138 = vector.broadcast %squeeze3A_1128 : f32 to vector<16xf32>
        %mul3A_1139 = arith.mulf %mul3A_1138, %bitcast3A_1135 : vector<16xf32>
        %add3A_1140 = arith.addf %add3A_1106, %mul3A_1139 : vector<16xf32>
        %mul3A_1141 = vector.broadcast %squeeze3A_1128 : f32 to vector<16xf32>
        %mul3A_1142 = arith.mulf %mul3A_1141, %bitcast3A_1137 : vector<16xf32>
        %add3A_1143 = arith.addf %add3A_1109, %mul3A_1142 : vector<16xf32>
        %slice3A_1144 = vector.extract_strided_slice %get3A_727 {offsets = [8], sizes = [1], strides = [1]} : vector<16xf32> to vector<1xf32>
        %squeeze3A_1145 = vector.extract %slice3A_1144[0] : f32 from vector<1xf32>
        %get3A_1146 = arith.index_cast %add3A_676 : i32 to index
        %get3A_1147 = arith.constant 384 : index
        %get3A_1148 = tpu.vector_load %arg11[%get3A_1146, %get3A_1147] {strides = array<i32>} : memref<32x512xi32, #tpu.memory_space<vmem>>, vector<16xi32>,
        %shift_left3A_1149 = arith.constant 16 : i32
        %shift_left3A_1150 = vector.broadcast %shift_left3A_1149 : i32 to vector<16xi32>
        %shift_left3A_1151 = arith.shli %get3A_1148, %shift_left3A_1150 : vector<16xi32>
        %bitcast3A_1152 = vector.bitcast %shift_left3A_1151 : vector<16xi32> to vector<16xf32>
        %and3A_1153 = arith.andi %get3A_1148, %broadcast_in_dim3A_31 : vector<16xi32>
        %bitcast3A_1154 = vector.bitcast %and3A_1153 : vector<16xi32> to vector<16xf32>
        %mul3A_1155 = vector.broadcast %squeeze3A_1145 : f32 to vector<16xf32>
        %mul3A_1156 = arith.mulf %mul3A_1155, %bitcast3A_1152 : vector<16xf32>
        %add3A_1157 = arith.addf %add3A_1123, %mul3A_1156 : vector<16xf32>
        %mul3A_1158 = vector.broadcast %squeeze3A_1145 : f32 to vector<16xf32>
        %mul3A_1159 = arith.mulf %mul3A_1158, %bitcast3A_1154 : vector<16xf32>
        %add3A_1160 = arith.addf %add3A_1126, %mul3A_1159 : vector<16xf32>
        %slice3A_1161 = vector.extract_strided_slice %get3A_727 {offsets = [9], sizes = [1], strides = [1]} : vector<16xf32> to vector<1xf32>
        %squeeze3A_1162 = vector.extract %slice3A_1161[0] : f32 from vector<1xf32>
        %get3A_1163 = arith.index_cast %add3A_676 : i32 to index
        %get3A_1164 = arith.constant 400 : index
        %get3A_1165 = tpu.vector_load %arg11[%get3A_1163, %get3A_1164] {strides = array<i32>} : memref<32x512xi32, #tpu.memory_space<vmem>>, vector<16xi32>,
        %shift_left3A_1166 = arith.constant 16 : i32
        %shift_left3A_1167 = vector.broadcast %shift_left3A_1166 : i32 to vector<16xi32>
        %shift_left3A_1168 = arith.shli %get3A_1165, %shift_left3A_1167 : vector<16xi32>
        %bitcast3A_1169 = vector.bitcast %shift_left3A_1168 : vector<16xi32> to vector<16xf32>
        %and3A_1170 = arith.andi %get3A_1165, %broadcast_in_dim3A_31 : vector<16xi32>
        %bitcast3A_1171 = vector.bitcast %and3A_1170 : vector<16xi32> to vector<16xf32>
        %mul3A_1172 = vector.broadcast %squeeze3A_1162 : f32 to vector<16xf32>
        %mul3A_1173 = arith.mulf %mul3A_1172, %bitcast3A_1169 : vector<16xf32>
        %add3A_1174 = arith.addf %add3A_1140, %mul3A_1173 : vector<16xf32>
        %mul3A_1175 = vector.broadcast %squeeze3A_1162 : f32 to vector<16xf32>
        %mul3A_1176 = arith.mulf %mul3A_1175, %bitcast3A_1171 : vector<16xf32>
        %add3A_1177 = arith.addf %add3A_1143, %mul3A_1176 : vector<16xf32>
        %slice3A_1178 = vector.extract_strided_slice %get3A_727 {offsets = [10], sizes = [1], strides = [1]} : vector<16xf32> to vector<1xf32>
        %squeeze3A_1179 = vector.extract %slice3A_1178[0] : f32 from vector<1xf32>
        %get3A_1180 = arith.index_cast %add3A_676 : i32 to index
        %get3A_1181 = arith.constant 416 : index
        %get3A_1182 = tpu.vector_load %arg11[%get3A_1180, %get3A_1181] {strides = array<i32>} : memref<32x512xi32, #tpu.memory_space<vmem>>, vector<16xi32>,
        %shift_left3A_1183 = arith.constant 16 : i32
        %shift_left3A_1184 = vector.broadcast %shift_left3A_1183 : i32 to vector<16xi32>
        %shift_left3A_1185 = arith.shli %get3A_1182, %shift_left3A_1184 : vector<16xi32>
        %bitcast3A_1186 = vector.bitcast %shift_left3A_1185 : vector<16xi32> to vector<16xf32>
        %and3A_1187 = arith.andi %get3A_1182, %broadcast_in_dim3A_31 : vector<16xi32>
        %bitcast3A_1188 = vector.bitcast %and3A_1187 : vector<16xi32> to vector<16xf32>
        %mul3A_1189 = vector.broadcast %squeeze3A_1179 : f32 to vector<16xf32>
        %mul3A_1190 = arith.mulf %mul3A_1189, %bitcast3A_1186 : vector<16xf32>
        %add3A_1191 = arith.addf %add3A_1157, %mul3A_1190 : vector<16xf32>
        %mul3A_1192 = vector.broadcast %squeeze3A_1179 : f32 to vector<16xf32>
        %mul3A_1193 = arith.mulf %mul3A_1192, %bitcast3A_1188 : vector<16xf32>
        %add3A_1194 = arith.addf %add3A_1160, %mul3A_1193 : vector<16xf32>
        %slice3A_1195 = vector.extract_strided_slice %get3A_727 {offsets = [11], sizes = [1], strides = [1]} : vector<16xf32> to vector<1xf32>
        %squeeze3A_1196 = vector.extract %slice3A_1195[0] : f32 from vector<1xf32>
        %get3A_1197 = arith.index_cast %add3A_676 : i32 to index
        %get3A_1198 = arith.constant 432 : index
        %get3A_1199 = tpu.vector_load %arg11[%get3A_1197, %get3A_1198] {strides = array<i32>} : memref<32x512xi32, #tpu.memory_space<vmem>>, vector<16xi32>,
        %shift_left3A_1200 = arith.constant 16 : i32
        %shift_left3A_1201 = vector.broadcast %shift_left3A_1200 : i32 to vector<16xi32>
        %shift_left3A_1202 = arith.shli %get3A_1199, %shift_left3A_1201 : vector<16xi32>
        %bitcast3A_1203 = vector.bitcast %shift_left3A_1202 : vector<16xi32> to vector<16xf32>
        %and3A_1204 = arith.andi %get3A_1199, %broadcast_in_dim3A_31 : vector<16xi32>
        %bitcast3A_1205 = vector.bitcast %and3A_1204 : vector<16xi32> to vector<16xf32>
        %mul3A_1206 = vector.broadcast %squeeze3A_1196 : f32 to vector<16xf32>
        %mul3A_1207 = arith.mulf %mul3A_1206, %bitcast3A_1203 : vector<16xf32>
        %add3A_1208 = arith.addf %add3A_1174, %mul3A_1207 : vector<16xf32>
        %mul3A_1209 = vector.broadcast %squeeze3A_1196 : f32 to vector<16xf32>
        %mul3A_1210 = arith.mulf %mul3A_1209, %bitcast3A_1205 : vector<16xf32>
        %add3A_1211 = arith.addf %add3A_1177, %mul3A_1210 : vector<16xf32>
        %slice3A_1212 = vector.extract_strided_slice %get3A_727 {offsets = [12], sizes = [1], strides = [1]} : vector<16xf32> to vector<1xf32>
        %squeeze3A_1213 = vector.extract %slice3A_1212[0] : f32 from vector<1xf32>
        %get3A_1214 = arith.index_cast %add3A_676 : i32 to index
        %get3A_1215 = arith.constant 448 : index
        %get3A_1216 = tpu.vector_load %arg11[%get3A_1214, %get3A_1215] {strides = array<i32>} : memref<32x512xi32, #tpu.memory_space<vmem>>, vector<16xi32>,
        %shift_left3A_1217 = arith.constant 16 : i32
        %shift_left3A_1218 = vector.broadcast %shift_left3A_1217 : i32 to vector<16xi32>
        %shift_left3A_1219 = arith.shli %get3A_1216, %shift_left3A_1218 : vector<16xi32>
        %bitcast3A_1220 = vector.bitcast %shift_left3A_1219 : vector<16xi32> to vector<16xf32>
        %and3A_1221 = arith.andi %get3A_1216, %broadcast_in_dim3A_31 : vector<16xi32>
        %bitcast3A_1222 = vector.bitcast %and3A_1221 : vector<16xi32> to vector<16xf32>
        %mul3A_1223 = vector.broadcast %squeeze3A_1213 : f32 to vector<16xf32>
        %mul3A_1224 = arith.mulf %mul3A_1223, %bitcast3A_1220 : vector<16xf32>
        %add3A_1225 = arith.addf %add3A_1191, %mul3A_1224 : vector<16xf32>
        %mul3A_1226 = vector.broadcast %squeeze3A_1213 : f32 to vector<16xf32>
        %mul3A_1227 = arith.mulf %mul3A_1226, %bitcast3A_1222 : vector<16xf32>
        %add3A_1228 = arith.addf %add3A_1194, %mul3A_1227 : vector<16xf32>
        %slice3A_1229 = vector.extract_strided_slice %get3A_727 {offsets = [13], sizes = [1], strides = [1]} : vector<16xf32> to vector<1xf32>
        %squeeze3A_1230 = vector.extract %slice3A_1229[0] : f32 from vector<1xf32>
        %get3A_1231 = arith.index_cast %add3A_676 : i32 to index
        %get3A_1232 = arith.constant 464 : index
        %get3A_1233 = tpu.vector_load %arg11[%get3A_1231, %get3A_1232] {strides = array<i32>} : memref<32x512xi32, #tpu.memory_space<vmem>>, vector<16xi32>,
        %shift_left3A_1234 = arith.constant 16 : i32
        %shift_left3A_1235 = vector.broadcast %shift_left3A_1234 : i32 to vector<16xi32>
        %shift_left3A_1236 = arith.shli %get3A_1233, %shift_left3A_1235 : vector<16xi32>
        %bitcast3A_1237 = vector.bitcast %shift_left3A_1236 : vector<16xi32> to vector<16xf32>
        %and3A_1238 = arith.andi %get3A_1233, %broadcast_in_dim3A_31 : vector<16xi32>
        %bitcast3A_1239 = vector.bitcast %and3A_1238 : vector<16xi32> to vector<16xf32>
        %mul3A_1240 = vector.broadcast %squeeze3A_1230 : f32 to vector<16xf32>
        %mul3A_1241 = arith.mulf %mul3A_1240, %bitcast3A_1237 : vector<16xf32>
        %add3A_1242 = arith.addf %add3A_1208, %mul3A_1241 : vector<16xf32>
        %mul3A_1243 = vector.broadcast %squeeze3A_1230 : f32 to vector<16xf32>
        %mul3A_1244 = arith.mulf %mul3A_1243, %bitcast3A_1239 : vector<16xf32>
        %add3A_1245 = arith.addf %add3A_1211, %mul3A_1244 : vector<16xf32>
        %slice3A_1246 = vector.extract_strided_slice %get3A_727 {offsets = [14], sizes = [1], strides = [1]} : vector<16xf32> to vector<1xf32>
        %squeeze3A_1247 = vector.extract %slice3A_1246[0] : f32 from vector<1xf32>
        %get3A_1248 = arith.index_cast %add3A_676 : i32 to index
        %get3A_1249 = arith.constant 480 : index
        %get3A_1250 = tpu.vector_load %arg11[%get3A_1248, %get3A_1249] {strides = array<i32>} : memref<32x512xi32, #tpu.memory_space<vmem>>, vector<16xi32>,
        %shift_left3A_1251 = arith.constant 16 : i32
        %shift_left3A_1252 = vector.broadcast %shift_left3A_1251 : i32 to vector<16xi32>
        %shift_left3A_1253 = arith.shli %get3A_1250, %shift_left3A_1252 : vector<16xi32>
        %bitcast3A_1254 = vector.bitcast %shift_left3A_1253 : vector<16xi32> to vector<16xf32>
        %and3A_1255 = arith.andi %get3A_1250, %broadcast_in_dim3A_31 : vector<16xi32>
        %bitcast3A_1256 = vector.bitcast %and3A_1255 : vector<16xi32> to vector<16xf32>
        %mul3A_1257 = vector.broadcast %squeeze3A_1247 : f32 to vector<16xf32>
        %mul3A_1258 = arith.mulf %mul3A_1257, %bitcast3A_1254 : vector<16xf32>
        %add3A_1259 = arith.addf %add3A_1225, %mul3A_1258 : vector<16xf32>
        %mul3A_1260 = vector.broadcast %squeeze3A_1247 : f32 to vector<16xf32>
        %mul3A_1261 = arith.mulf %mul3A_1260, %bitcast3A_1256 : vector<16xf32>
        %add3A_1262 = arith.addf %add3A_1228, %mul3A_1261 : vector<16xf32>
        %slice3A_1263 = vector.extract_strided_slice %get3A_727 {offsets = [15], sizes = [1], strides = [1]} : vector<16xf32> to vector<1xf32>
        %squeeze3A_1264 = vector.extract %slice3A_1263[0] : f32 from vector<1xf32>
        %get3A_1265 = arith.index_cast %add3A_676 : i32 to index
        %get3A_1266 = arith.constant 496 : index
        %get3A_1267 = tpu.vector_load %arg11[%get3A_1265, %get3A_1266] {strides = array<i32>} : memref<32x512xi32, #tpu.memory_space<vmem>>, vector<16xi32>,
        %shift_left3A_1268 = arith.constant 16 : i32
        %shift_left3A_1269 = vector.broadcast %shift_left3A_1268 : i32 to vector<16xi32>
        %shift_left3A_1270 = arith.shli %get3A_1267, %shift_left3A_1269 : vector<16xi32>
        %bitcast3A_1271 = vector.bitcast %shift_left3A_1270 : vector<16xi32> to vector<16xf32>
        %and3A_1272 = arith.andi %get3A_1267, %broadcast_in_dim3A_31 : vector<16xi32>
        %bitcast3A_1273 = vector.bitcast %and3A_1272 : vector<16xi32> to vector<16xf32>
        %mul3A_1274 = vector.broadcast %squeeze3A_1264 : f32 to vector<16xf32>
        %mul3A_1275 = arith.mulf %mul3A_1274, %bitcast3A_1271 : vector<16xf32>
        %add3A_1276 = arith.addf %add3A_1242, %mul3A_1275 : vector<16xf32>
        %mul3A_1277 = vector.broadcast %squeeze3A_1264 : f32 to vector<16xf32>
        %mul3A_1278 = arith.mulf %mul3A_1277, %bitcast3A_1273 : vector<16xf32>
        %add3A_1279 = arith.addf %add3A_1245, %mul3A_1278 : vector<16xf32>
        %add3A_1280 = arith.addf %add3A_1259, %add3A_1276 : vector<16xf32>
        %swap3A_1281 = arith.index_cast %select_n3A_701 : i32 to index
        %swap3A_1282 = arith.index_cast %mul3A_719 : i32 to index
        %swap3A_1283 = tpu.vector_load %arg10[%swap3A_1281, %swap3A_1282] {strides = array<i32>} : memref<128x128xf32, #tpu.memory_space<vmem>>, vector<16xf32>,
        tpu.vector_store %arg10[%swap3A_1281, %swap3A_1282], %add3A_1280 {strides = array<i32>} : memref<128x128xf32, #tpu.memory_space<vmem>>, vector<16xf32>,
        %add3A_1284 = arith.addf %add3A_1262, %add3A_1279 : vector<16xf32>
        %add3A_1285 = arith.constant 16 : i32
        %add3A_1286 = arith.addi %mul3A_719, %add3A_1285 : i32
        %swap3A_1287 = arith.index_cast %select_n3A_701 : i32 to index
        %swap3A_1288 = arith.index_cast %add3A_1286 : i32 to index
        %swap3A_1289 = tpu.vector_load %arg10[%swap3A_1287, %swap3A_1288] {strides = array<i32>} : memref<128x128xf32, #tpu.memory_space<vmem>>, vector<16xf32>,
        tpu.vector_store %arg10[%swap3A_1287, %swap3A_1288], %add3A_1284 {strides = array<i32>} : memref<128x128xf32, #tpu.memory_space<vmem>>, vector<16xf32>,
      }
      %scan3A_36 = arith.constant 16 : i32
      %add3A_37 = arith.constant 1 : i32
      %add3A_38 = arith.addi %mul3A_19, %add3A_37 : i32
      %jit3A_39 = arith.constant 16 : i32
      %eq3A_40 = arith.constant 0 : i32
      %eq3A_41 = arith.cmpi eq, %jit3A_39, %eq3A_40 : i32
      %jit3A_42 = arith.constant 1 : i32
      %select_n3A_43 = arith.select %eq3A_41, %jit3A_42, %jit3A_39 : i32
      %rem3A_44 = arith.remsi %add3A_38, %select_n3A_43 : i32
      %ne3A_45 = arith.constant 0 : i32
      %ne3A_46 = arith.cmpi ne, %rem3A_44, %ne3A_45 : i32
      %lt3A_47 = arith.constant 0 : i32
      %lt3A_48 = arith.cmpi slt, %rem3A_44, %lt3A_47 : i32
      %lt3A_49 = arith.constant 0 : i32
      %lt3A_50 = arith.cmpi slt, %select_n3A_43, %lt3A_49 : i32
      %ne3A_51 = arith.xori %lt3A_48, %lt3A_50 : i1
      %and3A_52 = arith.andi %ne3A_51, %ne3A_46 : i1
      %add3A_53 = arith.addi %rem3A_44, %select_n3A_43 : i32
      %select_n3A_54 = arith.select %and3A_52, %add3A_53, %rem3A_44 : i32
      %mul3A_55 = arith.constant 32 : i32
      %mul3A_56 = arith.muli %select_n3A_54, %mul3A_55 : i32
      %broadcast_in_dim3A_57 = arith.constant -65536 : i32
      %broadcast_in_dim3A_58 = vector.broadcast %broadcast_in_dim3A_57 : i32 to vector<16xi32>
      %scan3A_59 = arith.constant 0 : i32
      %scan3A_60 = arith.constant 16 : i32
      %scan3A_61 = arith.addi %scan3A_59, %scan3A_60 : i32
      %scan3A_62 = arith.constant 1 : i32
      scf.for %scan3A_64 = %scan3A_59 to %scan3A_61 step %scan3A_62  : i32 {
        %mul3A_65 = arith.constant 2 : i32
        %mul3A_66 = arith.muli %scan3A_64, %mul3A_65 : i32
        %add3A_67 = arith.constant 0 : i32
        %add3A_68 = arith.addi %mul3A_66, %add3A_67 : i32
        %add3A_69 = arith.addi %mul3A_56, %add3A_68 : i32
        %jit3A_70 = arith.constant 4 : i32
        %div3A = arith.divsi %add3A_69, %jit3A_70 : i32
        %sign3A = arith.constant 0 : i32
        %sign3A_71 = arith.cmpi sgt, %add3A_69, %sign3A : i32
        %sign3A_72 = arith.extui %sign3A_71 : i1 to i32
        %sign3A_73 = arith.constant 0 : i32
        %sign3A_74 = arith.cmpi slt, %add3A_69, %sign3A_73 : i32
        %sign3A_75 = arith.extui %sign3A_74 : i1 to i32
        %sign3A_76 = arith.subi %sign3A_72, %sign3A_75 : i32
        %sign3A_77 = arith.constant 0 : i32
        %sign3A_78 = arith.cmpi sgt, %jit3A_70, %sign3A_77 : i32
        %sign3A_79 = arith.extui %sign3A_78 : i1 to i32
        %sign3A_80 = arith.constant 0 : i32
        %sign3A_81 = arith.cmpi slt, %jit3A_70, %sign3A_80 : i32
        %sign3A_82 = arith.extui %sign3A_81 : i1 to i32
        %sign3A_83 = arith.subi %sign3A_79, %sign3A_82 : i32
        %ne3A_84 = arith.cmpi ne, %sign3A_76, %sign3A_83 : i32
        %rem3A_85 = arith.remsi %add3A_69, %jit3A_70 : i32
        %ne3A_86 = arith.constant 0 : i32
        %ne3A_87 = arith.cmpi ne, %rem3A_85, %ne3A_86 : i32
        %and3A_88 = arith.andi %ne3A_84, %ne3A_87 : i1
        %sub3A = arith.constant 1 : i32
        %sub3A_89 = arith.subi %div3A, %sub3A : i32
        %select_n3A_90 = arith.select %and3A_88, %sub3A_89, %div3A : i32
        %jit3A_91 = arith.constant 4 : i32
        %eq3A_92 = arith.constant 0 : i32
        %eq3A_93 = arith.cmpi eq, %jit3A_91, %eq3A_92 : i32
        %jit3A_94 = arith.constant 1 : i32
        %select_n3A_95 = arith.select %eq3A_93, %jit3A_94, %jit3A_91 : i32
        %rem3A_96 = arith.remsi %add3A_69, %select_n3A_95 : i32
        %ne3A_97 = arith.constant 0 : i32
        %ne3A_98 = arith.cmpi ne, %rem3A_96, %ne3A_97 : i32
        %lt3A_99 = arith.constant 0 : i32
        %lt3A_100 = arith.cmpi slt, %rem3A_96, %lt3A_99 : i32
        %lt3A_101 = arith.constant 0 : i32
        %lt3A_102 = arith.cmpi slt, %select_n3A_95, %lt3A_101 : i32
        %ne3A_103 = arith.xori %lt3A_100, %lt3A_102 : i1
        %and3A_104 = arith.andi %ne3A_103, %ne3A_98 : i1
        %add3A_105 = arith.addi %rem3A_96, %select_n3A_95 : i32
        %select_n3A_106 = arith.select %and3A_104, %add3A_105, %rem3A_96 : i32
        %mul3A_107 = arith.constant 32 : i32
        %mul3A_108 = arith.muli %select_n3A_106, %mul3A_107 : i32
        %get3A = arith.index_cast %select_n3A_90 : i32 to index
        %get3A_109 = arith.index_cast %mul3A_108 : i32 to index
        %get3A_110 = tpu.vector_load %arg10[%get3A, %get3A_109] {strides = array<i32>} : memref<128x128xf32, #tpu.memory_space<vmem>>, vector<16xf32>,
        %add3A_111 = arith.constant 16 : i32
        %add3A_112 = arith.addi %mul3A_108, %add3A_111 : i32
        %get3A_113 = arith.index_cast %select_n3A_90 : i32 to index
        %get3A_114 = arith.index_cast %add3A_112 : i32 to index
        %get3A_115 = tpu.vector_load %arg10[%get3A_113, %get3A_114] {strides = array<i32>} : memref<128x128xf32, #tpu.memory_space<vmem>>, vector<16xf32>,
        %broadcast_in_dim3A_116 = arith.constant 0.000000e+00 : f32
        %broadcast_in_dim3A_117 = vector.broadcast %broadcast_in_dim3A_116 : f32 to vector<16xf32>
        %broadcast_in_dim3A_118 = arith.constant 0.000000e+00 : f32
        %broadcast_in_dim3A_119 = vector.broadcast %broadcast_in_dim3A_118 : f32 to vector<16xf32>
        %broadcast_in_dim3A_120 = arith.constant 0.000000e+00 : f32
        %broadcast_in_dim3A_121 = vector.broadcast %broadcast_in_dim3A_120 : f32 to vector<16xf32>
        %broadcast_in_dim3A_122 = arith.constant 0.000000e+00 : f32
        %broadcast_in_dim3A_123 = vector.broadcast %broadcast_in_dim3A_122 : f32 to vector<16xf32>
        %slice3A = vector.extract_strided_slice %get3A_110 {offsets = [0], sizes = [1], strides = [1]} : vector<16xf32> to vector<1xf32>
        %squeeze3A = vector.extract %slice3A[0] : f32 from vector<1xf32>
        %get3A_124 = arith.index_cast %add3A_68 : i32 to index
        %get3A_125 = arith.constant 0 : index
        %get3A_126 = tpu.vector_load %arg12[%get3A_124, %get3A_125] {strides = array<i32>} : memref<32x512xi32, #tpu.memory_space<vmem>>, vector<16xi32>,
        %shift_left3A = arith.constant 16 : i32
        %shift_left3A_127 = vector.broadcast %shift_left3A : i32 to vector<16xi32>
        %shift_left3A_128 = arith.shli %get3A_126, %shift_left3A_127 : vector<16xi32>
        %bitcast3A = vector.bitcast %shift_left3A_128 : vector<16xi32> to vector<16xf32>
        %and3A_129 = arith.andi %get3A_126, %broadcast_in_dim3A_58 : vector<16xi32>
        %bitcast3A_130 = vector.bitcast %and3A_129 : vector<16xi32> to vector<16xf32>
        %mul3A_131 = vector.broadcast %squeeze3A : f32 to vector<16xf32>
        %mul3A_132 = arith.mulf %mul3A_131, %bitcast3A : vector<16xf32>
        %add3A_133 = arith.addf %broadcast_in_dim3A_117, %mul3A_132 : vector<16xf32>
        %mul3A_134 = vector.broadcast %squeeze3A : f32 to vector<16xf32>
        %mul3A_135 = arith.mulf %mul3A_134, %bitcast3A_130 : vector<16xf32>
        %add3A_136 = arith.addf %broadcast_in_dim3A_121, %mul3A_135 : vector<16xf32>
        %slice3A_137 = vector.extract_strided_slice %get3A_110 {offsets = [1], sizes = [1], strides = [1]} : vector<16xf32> to vector<1xf32>
        %squeeze3A_138 = vector.extract %slice3A_137[0] : f32 from vector<1xf32>
        %get3A_139 = arith.index_cast %add3A_68 : i32 to index
        %get3A_140 = arith.constant 16 : index
        %get3A_141 = tpu.vector_load %arg12[%get3A_139, %get3A_140] {strides = array<i32>} : memref<32x512xi32, #tpu.memory_space<vmem>>, vector<16xi32>,
        %shift_left3A_142 = arith.constant 16 : i32
        %shift_left3A_143 = vector.broadcast %shift_left3A_142 : i32 to vector<16xi32>
        %shift_left3A_144 = arith.shli %get3A_141, %shift_left3A_143 : vector<16xi32>
        %bitcast3A_145 = vector.bitcast %shift_left3A_144 : vector<16xi32> to vector<16xf32>
        %and3A_146 = arith.andi %get3A_141, %broadcast_in_dim3A_58 : vector<16xi32>
        %bitcast3A_147 = vector.bitcast %and3A_146 : vector<16xi32> to vector<16xf32>
        %mul3A_148 = vector.broadcast %squeeze3A_138 : f32 to vector<16xf32>
        %mul3A_149 = arith.mulf %mul3A_148, %bitcast3A_145 : vector<16xf32>
        %add3A_150 = arith.addf %broadcast_in_dim3A_119, %mul3A_149 : vector<16xf32>
        %mul3A_151 = vector.broadcast %squeeze3A_138 : f32 to vector<16xf32>
        %mul3A_152 = arith.mulf %mul3A_151, %bitcast3A_147 : vector<16xf32>
        %add3A_153 = arith.addf %broadcast_in_dim3A_123, %mul3A_152 : vector<16xf32>
        %slice3A_154 = vector.extract_strided_slice %get3A_110 {offsets = [2], sizes = [1], strides = [1]} : vector<16xf32> to vector<1xf32>
        %squeeze3A_155 = vector.extract %slice3A_154[0] : f32 from vector<1xf32>
        %get3A_156 = arith.index_cast %add3A_68 : i32 to index
        %get3A_157 = arith.constant 32 : index
        %get3A_158 = tpu.vector_load %arg12[%get3A_156, %get3A_157] {strides = array<i32>} : memref<32x512xi32, #tpu.memory_space<vmem>>, vector<16xi32>,
        %shift_left3A_159 = arith.constant 16 : i32
        %shift_left3A_160 = vector.broadcast %shift_left3A_159 : i32 to vector<16xi32>
        %shift_left3A_161 = arith.shli %get3A_158, %shift_left3A_160 : vector<16xi32>
        %bitcast3A_162 = vector.bitcast %shift_left3A_161 : vector<16xi32> to vector<16xf32>
        %and3A_163 = arith.andi %get3A_158, %broadcast_in_dim3A_58 : vector<16xi32>
        %bitcast3A_164 = vector.bitcast %and3A_163 : vector<16xi32> to vector<16xf32>
        %mul3A_165 = vector.broadcast %squeeze3A_155 : f32 to vector<16xf32>
        %mul3A_166 = arith.mulf %mul3A_165, %bitcast3A_162 : vector<16xf32>
        %add3A_167 = arith.addf %add3A_133, %mul3A_166 : vector<16xf32>
        %mul3A_168 = vector.broadcast %squeeze3A_155 : f32 to vector<16xf32>
        %mul3A_169 = arith.mulf %mul3A_168, %bitcast3A_164 : vector<16xf32>
        %add3A_170 = arith.addf %add3A_136, %mul3A_169 : vector<16xf32>
        %slice3A_171 = vector.extract_strided_slice %get3A_110 {offsets = [3], sizes = [1], strides = [1]} : vector<16xf32> to vector<1xf32>
        %squeeze3A_172 = vector.extract %slice3A_171[0] : f32 from vector<1xf32>
        %get3A_173 = arith.index_cast %add3A_68 : i32 to index
        %get3A_174 = arith.constant 48 : index
        %get3A_175 = tpu.vector_load %arg12[%get3A_173, %get3A_174] {strides = array<i32>} : memref<32x512xi32, #tpu.memory_space<vmem>>, vector<16xi32>,
        %shift_left3A_176 = arith.constant 16 : i32
        %shift_left3A_177 = vector.broadcast %shift_left3A_176 : i32 to vector<16xi32>
        %shift_left3A_178 = arith.shli %get3A_175, %shift_left3A_177 : vector<16xi32>
        %bitcast3A_179 = vector.bitcast %shift_left3A_178 : vector<16xi32> to vector<16xf32>
        %and3A_180 = arith.andi %get3A_175, %broadcast_in_dim3A_58 : vector<16xi32>
        %bitcast3A_181 = vector.bitcast %and3A_180 : vector<16xi32> to vector<16xf32>
        %mul3A_182 = vector.broadcast %squeeze3A_172 : f32 to vector<16xf32>
        %mul3A_183 = arith.mulf %mul3A_182, %bitcast3A_179 : vector<16xf32>
        %add3A_184 = arith.addf %add3A_150, %mul3A_183 : vector<16xf32>
        %mul3A_185 = vector.broadcast %squeeze3A_172 : f32 to vector<16xf32>
        %mul3A_186 = arith.mulf %mul3A_185, %bitcast3A_181 : vector<16xf32>
        %add3A_187 = arith.addf %add3A_153, %mul3A_186 : vector<16xf32>
        %slice3A_188 = vector.extract_strided_slice %get3A_110 {offsets = [4], sizes = [1], strides = [1]} : vector<16xf32> to vector<1xf32>
        %squeeze3A_189 = vector.extract %slice3A_188[0] : f32 from vector<1xf32>
        %get3A_190 = arith.index_cast %add3A_68 : i32 to index
        %get3A_191 = arith.constant 64 : index
        %get3A_192 = tpu.vector_load %arg12[%get3A_190, %get3A_191] {strides = array<i32>} : memref<32x512xi32, #tpu.memory_space<vmem>>, vector<16xi32>,
        %shift_left3A_193 = arith.constant 16 : i32
        %shift_left3A_194 = vector.broadcast %shift_left3A_193 : i32 to vector<16xi32>
        %shift_left3A_195 = arith.shli %get3A_192, %shift_left3A_194 : vector<16xi32>
        %bitcast3A_196 = vector.bitcast %shift_left3A_195 : vector<16xi32> to vector<16xf32>
        %and3A_197 = arith.andi %get3A_192, %broadcast_in_dim3A_58 : vector<16xi32>
        %bitcast3A_198 = vector.bitcast %and3A_197 : vector<16xi32> to vector<16xf32>
        %mul3A_199 = vector.broadcast %squeeze3A_189 : f32 to vector<16xf32>
        %mul3A_200 = arith.mulf %mul3A_199, %bitcast3A_196 : vector<16xf32>
        %add3A_201 = arith.addf %add3A_167, %mul3A_200 : vector<16xf32>
        %mul3A_202 = vector.broadcast %squeeze3A_189 : f32 to vector<16xf32>
        %mul3A_203 = arith.mulf %mul3A_202, %bitcast3A_198 : vector<16xf32>
        %add3A_204 = arith.addf %add3A_170, %mul3A_203 : vector<16xf32>
        %slice3A_205 = vector.extract_strided_slice %get3A_110 {offsets = [5], sizes = [1], strides = [1]} : vector<16xf32> to vector<1xf32>
        %squeeze3A_206 = vector.extract %slice3A_205[0] : f32 from vector<1xf32>
        %get3A_207 = arith.index_cast %add3A_68 : i32 to index
        %get3A_208 = arith.constant 80 : index
        %get3A_209 = tpu.vector_load %arg12[%get3A_207, %get3A_208] {strides = array<i32>} : memref<32x512xi32, #tpu.memory_space<vmem>>, vector<16xi32>,
        %shift_left3A_210 = arith.constant 16 : i32
        %shift_left3A_211 = vector.broadcast %shift_left3A_210 : i32 to vector<16xi32>
        %shift_left3A_212 = arith.shli %get3A_209, %shift_left3A_211 : vector<16xi32>
        %bitcast3A_213 = vector.bitcast %shift_left3A_212 : vector<16xi32> to vector<16xf32>
        %and3A_214 = arith.andi %get3A_209, %broadcast_in_dim3A_58 : vector<16xi32>
        %bitcast3A_215 = vector.bitcast %and3A_214 : vector<16xi32> to vector<16xf32>
        %mul3A_216 = vector.broadcast %squeeze3A_206 : f32 to vector<16xf32>
        %mul3A_217 = arith.mulf %mul3A_216, %bitcast3A_213 : vector<16xf32>
        %add3A_218 = arith.addf %add3A_184, %mul3A_217 : vector<16xf32>
        %mul3A_219 = vector.broadcast %squeeze3A_206 : f32 to vector<16xf32>
        %mul3A_220 = arith.mulf %mul3A_219, %bitcast3A_215 : vector<16xf32>
        %add3A_221 = arith.addf %add3A_187, %mul3A_220 : vector<16xf32>
        %slice3A_222 = vector.extract_strided_slice %get3A_110 {offsets = [6], sizes = [1], strides = [1]} : vector<16xf32> to vector<1xf32>
        %squeeze3A_223 = vector.extract %slice3A_222[0] : f32 from vector<1xf32>
        %get3A_224 = arith.index_cast %add3A_68 : i32 to index
        %get3A_225 = arith.constant 96 : index
        %get3A_226 = tpu.vector_load %arg12[%get3A_224, %get3A_225] {strides = array<i32>} : memref<32x512xi32, #tpu.memory_space<vmem>>, vector<16xi32>,
        %shift_left3A_227 = arith.constant 16 : i32
        %shift_left3A_228 = vector.broadcast %shift_left3A_227 : i32 to vector<16xi32>
        %shift_left3A_229 = arith.shli %get3A_226, %shift_left3A_228 : vector<16xi32>
        %bitcast3A_230 = vector.bitcast %shift_left3A_229 : vector<16xi32> to vector<16xf32>
        %and3A_231 = arith.andi %get3A_226, %broadcast_in_dim3A_58 : vector<16xi32>
        %bitcast3A_232 = vector.bitcast %and3A_231 : vector<16xi32> to vector<16xf32>
        %mul3A_233 = vector.broadcast %squeeze3A_223 : f32 to vector<16xf32>
        %mul3A_234 = arith.mulf %mul3A_233, %bitcast3A_230 : vector<16xf32>
        %add3A_235 = arith.addf %add3A_201, %mul3A_234 : vector<16xf32>
        %mul3A_236 = vector.broadcast %squeeze3A_223 : f32 to vector<16xf32>
        %mul3A_237 = arith.mulf %mul3A_236, %bitcast3A_232 : vector<16xf32>
        %add3A_238 = arith.addf %add3A_204, %mul3A_237 : vector<16xf32>
        %slice3A_239 = vector.extract_strided_slice %get3A_110 {offsets = [7], sizes = [1], strides = [1]} : vector<16xf32> to vector<1xf32>
        %squeeze3A_240 = vector.extract %slice3A_239[0] : f32 from vector<1xf32>
        %get3A_241 = arith.index_cast %add3A_68 : i32 to index
        %get3A_242 = arith.constant 112 : index
        %get3A_243 = tpu.vector_load %arg12[%get3A_241, %get3A_242] {strides = array<i32>} : memref<32x512xi32, #tpu.memory_space<vmem>>, vector<16xi32>,
        %shift_left3A_244 = arith.constant 16 : i32
        %shift_left3A_245 = vector.broadcast %shift_left3A_244 : i32 to vector<16xi32>
        %shift_left3A_246 = arith.shli %get3A_243, %shift_left3A_245 : vector<16xi32>
        %bitcast3A_247 = vector.bitcast %shift_left3A_246 : vector<16xi32> to vector<16xf32>
        %and3A_248 = arith.andi %get3A_243, %broadcast_in_dim3A_58 : vector<16xi32>
        %bitcast3A_249 = vector.bitcast %and3A_248 : vector<16xi32> to vector<16xf32>
        %mul3A_250 = vector.broadcast %squeeze3A_240 : f32 to vector<16xf32>
        %mul3A_251 = arith.mulf %mul3A_250, %bitcast3A_247 : vector<16xf32>
        %add3A_252 = arith.addf %add3A_218, %mul3A_251 : vector<16xf32>
        %mul3A_253 = vector.broadcast %squeeze3A_240 : f32 to vector<16xf32>
        %mul3A_254 = arith.mulf %mul3A_253, %bitcast3A_249 : vector<16xf32>
        %add3A_255 = arith.addf %add3A_221, %mul3A_254 : vector<16xf32>
        %slice3A_256 = vector.extract_strided_slice %get3A_110 {offsets = [8], sizes = [1], strides = [1]} : vector<16xf32> to vector<1xf32>
        %squeeze3A_257 = vector.extract %slice3A_256[0] : f32 from vector<1xf32>
        %get3A_258 = arith.index_cast %add3A_68 : i32 to index
        %get3A_259 = arith.constant 128 : index
        %get3A_260 = tpu.vector_load %arg12[%get3A_258, %get3A_259] {strides = array<i32>} : memref<32x512xi32, #tpu.memory_space<vmem>>, vector<16xi32>,
        %shift_left3A_261 = arith.constant 16 : i32
        %shift_left3A_262 = vector.broadcast %shift_left3A_261 : i32 to vector<16xi32>
        %shift_left3A_263 = arith.shli %get3A_260, %shift_left3A_262 : vector<16xi32>
        %bitcast3A_264 = vector.bitcast %shift_left3A_263 : vector<16xi32> to vector<16xf32>
        %and3A_265 = arith.andi %get3A_260, %broadcast_in_dim3A_58 : vector<16xi32>
        %bitcast3A_266 = vector.bitcast %and3A_265 : vector<16xi32> to vector<16xf32>
        %mul3A_267 = vector.broadcast %squeeze3A_257 : f32 to vector<16xf32>
        %mul3A_268 = arith.mulf %mul3A_267, %bitcast3A_264 : vector<16xf32>
        %add3A_269 = arith.addf %add3A_235, %mul3A_268 : vector<16xf32>
        %mul3A_270 = vector.broadcast %squeeze3A_257 : f32 to vector<16xf32>
        %mul3A_271 = arith.mulf %mul3A_270, %bitcast3A_266 : vector<16xf32>
        %add3A_272 = arith.addf %add3A_238, %mul3A_271 : vector<16xf32>
        %slice3A_273 = vector.extract_strided_slice %get3A_110 {offsets = [9], sizes = [1], strides = [1]} : vector<16xf32> to vector<1xf32>
        %squeeze3A_274 = vector.extract %slice3A_273[0] : f32 from vector<1xf32>
        %get3A_275 = arith.index_cast %add3A_68 : i32 to index
        %get3A_276 = arith.constant 144 : index
        %get3A_277 = tpu.vector_load %arg12[%get3A_275, %get3A_276] {strides = array<i32>} : memref<32x512xi32, #tpu.memory_space<vmem>>, vector<16xi32>,
        %shift_left3A_278 = arith.constant 16 : i32
        %shift_left3A_279 = vector.broadcast %shift_left3A_278 : i32 to vector<16xi32>
        %shift_left3A_280 = arith.shli %get3A_277, %shift_left3A_279 : vector<16xi32>
        %bitcast3A_281 = vector.bitcast %shift_left3A_280 : vector<16xi32> to vector<16xf32>
        %and3A_282 = arith.andi %get3A_277, %broadcast_in_dim3A_58 : vector<16xi32>
        %bitcast3A_283 = vector.bitcast %and3A_282 : vector<16xi32> to vector<16xf32>
        %mul3A_284 = vector.broadcast %squeeze3A_274 : f32 to vector<16xf32>
        %mul3A_285 = arith.mulf %mul3A_284, %bitcast3A_281 : vector<16xf32>
        %add3A_286 = arith.addf %add3A_252, %mul3A_285 : vector<16xf32>
        %mul3A_287 = vector.broadcast %squeeze3A_274 : f32 to vector<16xf32>
        %mul3A_288 = arith.mulf %mul3A_287, %bitcast3A_283 : vector<16xf32>
        %add3A_289 = arith.addf %add3A_255, %mul3A_288 : vector<16xf32>
        %slice3A_290 = vector.extract_strided_slice %get3A_110 {offsets = [10], sizes = [1], strides = [1]} : vector<16xf32> to vector<1xf32>
        %squeeze3A_291 = vector.extract %slice3A_290[0] : f32 from vector<1xf32>
        %get3A_292 = arith.index_cast %add3A_68 : i32 to index
        %get3A_293 = arith.constant 160 : index
        %get3A_294 = tpu.vector_load %arg12[%get3A_292, %get3A_293] {strides = array<i32>} : memref<32x512xi32, #tpu.memory_space<vmem>>, vector<16xi32>,
        %shift_left3A_295 = arith.constant 16 : i32
        %shift_left3A_296 = vector.broadcast %shift_left3A_295 : i32 to vector<16xi32>
        %shift_left3A_297 = arith.shli %get3A_294, %shift_left3A_296 : vector<16xi32>
        %bitcast3A_298 = vector.bitcast %shift_left3A_297 : vector<16xi32> to vector<16xf32>
        %and3A_299 = arith.andi %get3A_294, %broadcast_in_dim3A_58 : vector<16xi32>
        %bitcast3A_300 = vector.bitcast %and3A_299 : vector<16xi32> to vector<16xf32>
        %mul3A_301 = vector.broadcast %squeeze3A_291 : f32 to vector<16xf32>
        %mul3A_302 = arith.mulf %mul3A_301, %bitcast3A_298 : vector<16xf32>
        %add3A_303 = arith.addf %add3A_269, %mul3A_302 : vector<16xf32>
        %mul3A_304 = vector.broadcast %squeeze3A_291 : f32 to vector<16xf32>
        %mul3A_305 = arith.mulf %mul3A_304, %bitcast3A_300 : vector<16xf32>
        %add3A_306 = arith.addf %add3A_272, %mul3A_305 : vector<16xf32>
        %slice3A_307 = vector.extract_strided_slice %get3A_110 {offsets = [11], sizes = [1], strides = [1]} : vector<16xf32> to vector<1xf32>
        %squeeze3A_308 = vector.extract %slice3A_307[0] : f32 from vector<1xf32>
        %get3A_309 = arith.index_cast %add3A_68 : i32 to index
        %get3A_310 = arith.constant 176 : index
        %get3A_311 = tpu.vector_load %arg12[%get3A_309, %get3A_310] {strides = array<i32>} : memref<32x512xi32, #tpu.memory_space<vmem>>, vector<16xi32>,
        %shift_left3A_312 = arith.constant 16 : i32
        %shift_left3A_313 = vector.broadcast %shift_left3A_312 : i32 to vector<16xi32>
        %shift_left3A_314 = arith.shli %get3A_311, %shift_left3A_313 : vector<16xi32>
        %bitcast3A_315 = vector.bitcast %shift_left3A_314 : vector<16xi32> to vector<16xf32>
        %and3A_316 = arith.andi %get3A_311, %broadcast_in_dim3A_58 : vector<16xi32>
        %bitcast3A_317 = vector.bitcast %and3A_316 : vector<16xi32> to vector<16xf32>
        %mul3A_318 = vector.broadcast %squeeze3A_308 : f32 to vector<16xf32>
        %mul3A_319 = arith.mulf %mul3A_318, %bitcast3A_315 : vector<16xf32>
        %add3A_320 = arith.addf %add3A_286, %mul3A_319 : vector<16xf32>
        %mul3A_321 = vector.broadcast %squeeze3A_308 : f32 to vector<16xf32>
        %mul3A_322 = arith.mulf %mul3A_321, %bitcast3A_317 : vector<16xf32>
        %add3A_323 = arith.addf %add3A_289, %mul3A_322 : vector<16xf32>
        %slice3A_324 = vector.extract_strided_slice %get3A_110 {offsets = [12], sizes = [1], strides = [1]} : vector<16xf32> to vector<1xf32>
        %squeeze3A_325 = vector.extract %slice3A_324[0] : f32 from vector<1xf32>
        %get3A_326 = arith.index_cast %add3A_68 : i32 to index
        %get3A_327 = arith.constant 192 : index
        %get3A_328 = tpu.vector_load %arg12[%get3A_326, %get3A_327] {strides = array<i32>} : memref<32x512xi32, #tpu.memory_space<vmem>>, vector<16xi32>,
        %shift_left3A_329 = arith.constant 16 : i32
        %shift_left3A_330 = vector.broadcast %shift_left3A_329 : i32 to vector<16xi32>
        %shift_left3A_331 = arith.shli %get3A_328, %shift_left3A_330 : vector<16xi32>
        %bitcast3A_332 = vector.bitcast %shift_left3A_331 : vector<16xi32> to vector<16xf32>
        %and3A_333 = arith.andi %get3A_328, %broadcast_in_dim3A_58 : vector<16xi32>
        %bitcast3A_334 = vector.bitcast %and3A_333 : vector<16xi32> to vector<16xf32>
        %mul3A_335 = vector.broadcast %squeeze3A_325 : f32 to vector<16xf32>
        %mul3A_336 = arith.mulf %mul3A_335, %bitcast3A_332 : vector<16xf32>
        %add3A_337 = arith.addf %add3A_303, %mul3A_336 : vector<16xf32>
        %mul3A_338 = vector.broadcast %squeeze3A_325 : f32 to vector<16xf32>
        %mul3A_339 = arith.mulf %mul3A_338, %bitcast3A_334 : vector<16xf32>
        %add3A_340 = arith.addf %add3A_306, %mul3A_339 : vector<16xf32>
        %slice3A_341 = vector.extract_strided_slice %get3A_110 {offsets = [13], sizes = [1], strides = [1]} : vector<16xf32> to vector<1xf32>
        %squeeze3A_342 = vector.extract %slice3A_341[0] : f32 from vector<1xf32>
        %get3A_343 = arith.index_cast %add3A_68 : i32 to index
        %get3A_344 = arith.constant 208 : index
        %get3A_345 = tpu.vector_load %arg12[%get3A_343, %get3A_344] {strides = array<i32>} : memref<32x512xi32, #tpu.memory_space<vmem>>, vector<16xi32>,
        %shift_left3A_346 = arith.constant 16 : i32
        %shift_left3A_347 = vector.broadcast %shift_left3A_346 : i32 to vector<16xi32>
        %shift_left3A_348 = arith.shli %get3A_345, %shift_left3A_347 : vector<16xi32>
        %bitcast3A_349 = vector.bitcast %shift_left3A_348 : vector<16xi32> to vector<16xf32>
        %and3A_350 = arith.andi %get3A_345, %broadcast_in_dim3A_58 : vector<16xi32>
        %bitcast3A_351 = vector.bitcast %and3A_350 : vector<16xi32> to vector<16xf32>
        %mul3A_352 = vector.broadcast %squeeze3A_342 : f32 to vector<16xf32>
        %mul3A_353 = arith.mulf %mul3A_352, %bitcast3A_349 : vector<16xf32>
        %add3A_354 = arith.addf %add3A_320, %mul3A_353 : vector<16xf32>
        %mul3A_355 = vector.broadcast %squeeze3A_342 : f32 to vector<16xf32>
        %mul3A_356 = arith.mulf %mul3A_355, %bitcast3A_351 : vector<16xf32>
        %add3A_357 = arith.addf %add3A_323, %mul3A_356 : vector<16xf32>
        %slice3A_358 = vector.extract_strided_slice %get3A_110 {offsets = [14], sizes = [1], strides = [1]} : vector<16xf32> to vector<1xf32>
        %squeeze3A_359 = vector.extract %slice3A_358[0] : f32 from vector<1xf32>
        %get3A_360 = arith.index_cast %add3A_68 : i32 to index
        %get3A_361 = arith.constant 224 : index
        %get3A_362 = tpu.vector_load %arg12[%get3A_360, %get3A_361] {strides = array<i32>} : memref<32x512xi32, #tpu.memory_space<vmem>>, vector<16xi32>,
        %shift_left3A_363 = arith.constant 16 : i32
        %shift_left3A_364 = vector.broadcast %shift_left3A_363 : i32 to vector<16xi32>
        %shift_left3A_365 = arith.shli %get3A_362, %shift_left3A_364 : vector<16xi32>
        %bitcast3A_366 = vector.bitcast %shift_left3A_365 : vector<16xi32> to vector<16xf32>
        %and3A_367 = arith.andi %get3A_362, %broadcast_in_dim3A_58 : vector<16xi32>
        %bitcast3A_368 = vector.bitcast %and3A_367 : vector<16xi32> to vector<16xf32>
        %mul3A_369 = vector.broadcast %squeeze3A_359 : f32 to vector<16xf32>
        %mul3A_370 = arith.mulf %mul3A_369, %bitcast3A_366 : vector<16xf32>
        %add3A_371 = arith.addf %add3A_337, %mul3A_370 : vector<16xf32>
        %mul3A_372 = vector.broadcast %squeeze3A_359 : f32 to vector<16xf32>
        %mul3A_373 = arith.mulf %mul3A_372, %bitcast3A_368 : vector<16xf32>
        %add3A_374 = arith.addf %add3A_340, %mul3A_373 : vector<16xf32>
        %slice3A_375 = vector.extract_strided_slice %get3A_110 {offsets = [15], sizes = [1], strides = [1]} : vector<16xf32> to vector<1xf32>
        %squeeze3A_376 = vector.extract %slice3A_375[0] : f32 from vector<1xf32>
        %get3A_377 = arith.index_cast %add3A_68 : i32 to index
        %get3A_378 = arith.constant 240 : index
        %get3A_379 = tpu.vector_load %arg12[%get3A_377, %get3A_378] {strides = array<i32>} : memref<32x512xi32, #tpu.memory_space<vmem>>, vector<16xi32>,
        %shift_left3A_380 = arith.constant 16 : i32
        %shift_left3A_381 = vector.broadcast %shift_left3A_380 : i32 to vector<16xi32>
        %shift_left3A_382 = arith.shli %get3A_379, %shift_left3A_381 : vector<16xi32>
        %bitcast3A_383 = vector.bitcast %shift_left3A_382 : vector<16xi32> to vector<16xf32>
        %and3A_384 = arith.andi %get3A_379, %broadcast_in_dim3A_58 : vector<16xi32>
        %bitcast3A_385 = vector.bitcast %and3A_384 : vector<16xi32> to vector<16xf32>
        %mul3A_386 = vector.broadcast %squeeze3A_376 : f32 to vector<16xf32>
        %mul3A_387 = arith.mulf %mul3A_386, %bitcast3A_383 : vector<16xf32>
        %add3A_388 = arith.addf %add3A_354, %mul3A_387 : vector<16xf32>
        %mul3A_389 = vector.broadcast %squeeze3A_376 : f32 to vector<16xf32>
        %mul3A_390 = arith.mulf %mul3A_389, %bitcast3A_385 : vector<16xf32>
        %add3A_391 = arith.addf %add3A_357, %mul3A_390 : vector<16xf32>
        %slice3A_392 = vector.extract_strided_slice %get3A_115 {offsets = [0], sizes = [1], strides = [1]} : vector<16xf32> to vector<1xf32>
        %squeeze3A_393 = vector.extract %slice3A_392[0] : f32 from vector<1xf32>
        %get3A_394 = arith.index_cast %add3A_68 : i32 to index
        %get3A_395 = arith.constant 256 : index
        %get3A_396 = tpu.vector_load %arg12[%get3A_394, %get3A_395] {strides = array<i32>} : memref<32x512xi32, #tpu.memory_space<vmem>>, vector<16xi32>,
        %shift_left3A_397 = arith.constant 16 : i32
        %shift_left3A_398 = vector.broadcast %shift_left3A_397 : i32 to vector<16xi32>
        %shift_left3A_399 = arith.shli %get3A_396, %shift_left3A_398 : vector<16xi32>
        %bitcast3A_400 = vector.bitcast %shift_left3A_399 : vector<16xi32> to vector<16xf32>
        %and3A_401 = arith.andi %get3A_396, %broadcast_in_dim3A_58 : vector<16xi32>
        %bitcast3A_402 = vector.bitcast %and3A_401 : vector<16xi32> to vector<16xf32>
        %mul3A_403 = vector.broadcast %squeeze3A_393 : f32 to vector<16xf32>
        %mul3A_404 = arith.mulf %mul3A_403, %bitcast3A_400 : vector<16xf32>
        %add3A_405 = arith.addf %add3A_371, %mul3A_404 : vector<16xf32>
        %mul3A_406 = vector.broadcast %squeeze3A_393 : f32 to vector<16xf32>
        %mul3A_407 = arith.mulf %mul3A_406, %bitcast3A_402 : vector<16xf32>
        %add3A_408 = arith.addf %add3A_374, %mul3A_407 : vector<16xf32>
        %slice3A_409 = vector.extract_strided_slice %get3A_115 {offsets = [1], sizes = [1], strides = [1]} : vector<16xf32> to vector<1xf32>
        %squeeze3A_410 = vector.extract %slice3A_409[0] : f32 from vector<1xf32>
        %get3A_411 = arith.index_cast %add3A_68 : i32 to index
        %get3A_412 = arith.constant 272 : index
        %get3A_413 = tpu.vector_load %arg12[%get3A_411, %get3A_412] {strides = array<i32>} : memref<32x512xi32, #tpu.memory_space<vmem>>, vector<16xi32>,
        %shift_left3A_414 = arith.constant 16 : i32
        %shift_left3A_415 = vector.broadcast %shift_left3A_414 : i32 to vector<16xi32>
        %shift_left3A_416 = arith.shli %get3A_413, %shift_left3A_415 : vector<16xi32>
        %bitcast3A_417 = vector.bitcast %shift_left3A_416 : vector<16xi32> to vector<16xf32>
        %and3A_418 = arith.andi %get3A_413, %broadcast_in_dim3A_58 : vector<16xi32>
        %bitcast3A_419 = vector.bitcast %and3A_418 : vector<16xi32> to vector<16xf32>
        %mul3A_420 = vector.broadcast %squeeze3A_410 : f32 to vector<16xf32>
        %mul3A_421 = arith.mulf %mul3A_420, %bitcast3A_417 : vector<16xf32>
        %add3A_422 = arith.addf %add3A_388, %mul3A_421 : vector<16xf32>
        %mul3A_423 = vector.broadcast %squeeze3A_410 : f32 to vector<16xf32>
        %mul3A_424 = arith.mulf %mul3A_423, %bitcast3A_419 : vector<16xf32>
        %add3A_425 = arith.addf %add3A_391, %mul3A_424 : vector<16xf32>
        %slice3A_426 = vector.extract_strided_slice %get3A_115 {offsets = [2], sizes = [1], strides = [1]} : vector<16xf32> to vector<1xf32>
        %squeeze3A_427 = vector.extract %slice3A_426[0] : f32 from vector<1xf32>
        %get3A_428 = arith.index_cast %add3A_68 : i32 to index
        %get3A_429 = arith.constant 288 : index
        %get3A_430 = tpu.vector_load %arg12[%get3A_428, %get3A_429] {strides = array<i32>} : memref<32x512xi32, #tpu.memory_space<vmem>>, vector<16xi32>,
        %shift_left3A_431 = arith.constant 16 : i32
        %shift_left3A_432 = vector.broadcast %shift_left3A_431 : i32 to vector<16xi32>
        %shift_left3A_433 = arith.shli %get3A_430, %shift_left3A_432 : vector<16xi32>
        %bitcast3A_434 = vector.bitcast %shift_left3A_433 : vector<16xi32> to vector<16xf32>
        %and3A_435 = arith.andi %get3A_430, %broadcast_in_dim3A_58 : vector<16xi32>
        %bitcast3A_436 = vector.bitcast %and3A_435 : vector<16xi32> to vector<16xf32>
        %mul3A_437 = vector.broadcast %squeeze3A_427 : f32 to vector<16xf32>
        %mul3A_438 = arith.mulf %mul3A_437, %bitcast3A_434 : vector<16xf32>
        %add3A_439 = arith.addf %add3A_405, %mul3A_438 : vector<16xf32>
        %mul3A_440 = vector.broadcast %squeeze3A_427 : f32 to vector<16xf32>
        %mul3A_441 = arith.mulf %mul3A_440, %bitcast3A_436 : vector<16xf32>
        %add3A_442 = arith.addf %add3A_408, %mul3A_441 : vector<16xf32>
        %slice3A_443 = vector.extract_strided_slice %get3A_115 {offsets = [3], sizes = [1], strides = [1]} : vector<16xf32> to vector<1xf32>
        %squeeze3A_444 = vector.extract %slice3A_443[0] : f32 from vector<1xf32>
        %get3A_445 = arith.index_cast %add3A_68 : i32 to index
        %get3A_446 = arith.constant 304 : index
        %get3A_447 = tpu.vector_load %arg12[%get3A_445, %get3A_446] {strides = array<i32>} : memref<32x512xi32, #tpu.memory_space<vmem>>, vector<16xi32>,
        %shift_left3A_448 = arith.constant 16 : i32
        %shift_left3A_449 = vector.broadcast %shift_left3A_448 : i32 to vector<16xi32>
        %shift_left3A_450 = arith.shli %get3A_447, %shift_left3A_449 : vector<16xi32>
        %bitcast3A_451 = vector.bitcast %shift_left3A_450 : vector<16xi32> to vector<16xf32>
        %and3A_452 = arith.andi %get3A_447, %broadcast_in_dim3A_58 : vector<16xi32>
        %bitcast3A_453 = vector.bitcast %and3A_452 : vector<16xi32> to vector<16xf32>
        %mul3A_454 = vector.broadcast %squeeze3A_444 : f32 to vector<16xf32>
        %mul3A_455 = arith.mulf %mul3A_454, %bitcast3A_451 : vector<16xf32>
        %add3A_456 = arith.addf %add3A_422, %mul3A_455 : vector<16xf32>
        %mul3A_457 = vector.broadcast %squeeze3A_444 : f32 to vector<16xf32>
        %mul3A_458 = arith.mulf %mul3A_457, %bitcast3A_453 : vector<16xf32>
        %add3A_459 = arith.addf %add3A_425, %mul3A_458 : vector<16xf32>
        %slice3A_460 = vector.extract_strided_slice %get3A_115 {offsets = [4], sizes = [1], strides = [1]} : vector<16xf32> to vector<1xf32>
        %squeeze3A_461 = vector.extract %slice3A_460[0] : f32 from vector<1xf32>
        %get3A_462 = arith.index_cast %add3A_68 : i32 to index
        %get3A_463 = arith.constant 320 : index
        %get3A_464 = tpu.vector_load %arg12[%get3A_462, %get3A_463] {strides = array<i32>} : memref<32x512xi32, #tpu.memory_space<vmem>>, vector<16xi32>,
        %shift_left3A_465 = arith.constant 16 : i32
        %shift_left3A_466 = vector.broadcast %shift_left3A_465 : i32 to vector<16xi32>
        %shift_left3A_467 = arith.shli %get3A_464, %shift_left3A_466 : vector<16xi32>
        %bitcast3A_468 = vector.bitcast %shift_left3A_467 : vector<16xi32> to vector<16xf32>
        %and3A_469 = arith.andi %get3A_464, %broadcast_in_dim3A_58 : vector<16xi32>
        %bitcast3A_470 = vector.bitcast %and3A_469 : vector<16xi32> to vector<16xf32>
        %mul3A_471 = vector.broadcast %squeeze3A_461 : f32 to vector<16xf32>
        %mul3A_472 = arith.mulf %mul3A_471, %bitcast3A_468 : vector<16xf32>
        %add3A_473 = arith.addf %add3A_439, %mul3A_472 : vector<16xf32>
        %mul3A_474 = vector.broadcast %squeeze3A_461 : f32 to vector<16xf32>
        %mul3A_475 = arith.mulf %mul3A_474, %bitcast3A_470 : vector<16xf32>
        %add3A_476 = arith.addf %add3A_442, %mul3A_475 : vector<16xf32>
        %slice3A_477 = vector.extract_strided_slice %get3A_115 {offsets = [5], sizes = [1], strides = [1]} : vector<16xf32> to vector<1xf32>
        %squeeze3A_478 = vector.extract %slice3A_477[0] : f32 from vector<1xf32>
        %get3A_479 = arith.index_cast %add3A_68 : i32 to index
        %get3A_480 = arith.constant 336 : index
        %get3A_481 = tpu.vector_load %arg12[%get3A_479, %get3A_480] {strides = array<i32>} : memref<32x512xi32, #tpu.memory_space<vmem>>, vector<16xi32>,
        %shift_left3A_482 = arith.constant 16 : i32
        %shift_left3A_483 = vector.broadcast %shift_left3A_482 : i32 to vector<16xi32>
        %shift_left3A_484 = arith.shli %get3A_481, %shift_left3A_483 : vector<16xi32>
        %bitcast3A_485 = vector.bitcast %shift_left3A_484 : vector<16xi32> to vector<16xf32>
        %and3A_486 = arith.andi %get3A_481, %broadcast_in_dim3A_58 : vector<16xi32>
        %bitcast3A_487 = vector.bitcast %and3A_486 : vector<16xi32> to vector<16xf32>
        %mul3A_488 = vector.broadcast %squeeze3A_478 : f32 to vector<16xf32>
        %mul3A_489 = arith.mulf %mul3A_488, %bitcast3A_485 : vector<16xf32>
        %add3A_490 = arith.addf %add3A_456, %mul3A_489 : vector<16xf32>
        %mul3A_491 = vector.broadcast %squeeze3A_478 : f32 to vector<16xf32>
        %mul3A_492 = arith.mulf %mul3A_491, %bitcast3A_487 : vector<16xf32>
        %add3A_493 = arith.addf %add3A_459, %mul3A_492 : vector<16xf32>
        %slice3A_494 = vector.extract_strided_slice %get3A_115 {offsets = [6], sizes = [1], strides = [1]} : vector<16xf32> to vector<1xf32>
        %squeeze3A_495 = vector.extract %slice3A_494[0] : f32 from vector<1xf32>
        %get3A_496 = arith.index_cast %add3A_68 : i32 to index
        %get3A_497 = arith.constant 352 : index
        %get3A_498 = tpu.vector_load %arg12[%get3A_496, %get3A_497] {strides = array<i32>} : memref<32x512xi32, #tpu.memory_space<vmem>>, vector<16xi32>,
        %shift_left3A_499 = arith.constant 16 : i32
        %shift_left3A_500 = vector.broadcast %shift_left3A_499 : i32 to vector<16xi32>
        %shift_left3A_501 = arith.shli %get3A_498, %shift_left3A_500 : vector<16xi32>
        %bitcast3A_502 = vector.bitcast %shift_left3A_501 : vector<16xi32> to vector<16xf32>
        %and3A_503 = arith.andi %get3A_498, %broadcast_in_dim3A_58 : vector<16xi32>
        %bitcast3A_504 = vector.bitcast %and3A_503 : vector<16xi32> to vector<16xf32>
        %mul3A_505 = vector.broadcast %squeeze3A_495 : f32 to vector<16xf32>
        %mul3A_506 = arith.mulf %mul3A_505, %bitcast3A_502 : vector<16xf32>
        %add3A_507 = arith.addf %add3A_473, %mul3A_506 : vector<16xf32>
        %mul3A_508 = vector.broadcast %squeeze3A_495 : f32 to vector<16xf32>
        %mul3A_509 = arith.mulf %mul3A_508, %bitcast3A_504 : vector<16xf32>
        %add3A_510 = arith.addf %add3A_476, %mul3A_509 : vector<16xf32>
        %slice3A_511 = vector.extract_strided_slice %get3A_115 {offsets = [7], sizes = [1], strides = [1]} : vector<16xf32> to vector<1xf32>
        %squeeze3A_512 = vector.extract %slice3A_511[0] : f32 from vector<1xf32>
        %get3A_513 = arith.index_cast %add3A_68 : i32 to index
        %get3A_514 = arith.constant 368 : index
        %get3A_515 = tpu.vector_load %arg12[%get3A_513, %get3A_514] {strides = array<i32>} : memref<32x512xi32, #tpu.memory_space<vmem>>, vector<16xi32>,
        %shift_left3A_516 = arith.constant 16 : i32
        %shift_left3A_517 = vector.broadcast %shift_left3A_516 : i32 to vector<16xi32>
        %shift_left3A_518 = arith.shli %get3A_515, %shift_left3A_517 : vector<16xi32>
        %bitcast3A_519 = vector.bitcast %shift_left3A_518 : vector<16xi32> to vector<16xf32>
        %and3A_520 = arith.andi %get3A_515, %broadcast_in_dim3A_58 : vector<16xi32>
        %bitcast3A_521 = vector.bitcast %and3A_520 : vector<16xi32> to vector<16xf32>
        %mul3A_522 = vector.broadcast %squeeze3A_512 : f32 to vector<16xf32>
        %mul3A_523 = arith.mulf %mul3A_522, %bitcast3A_519 : vector<16xf32>
        %add3A_524 = arith.addf %add3A_490, %mul3A_523 : vector<16xf32>
        %mul3A_525 = vector.broadcast %squeeze3A_512 : f32 to vector<16xf32>
        %mul3A_526 = arith.mulf %mul3A_525, %bitcast3A_521 : vector<16xf32>
        %add3A_527 = arith.addf %add3A_493, %mul3A_526 : vector<16xf32>
        %slice3A_528 = vector.extract_strided_slice %get3A_115 {offsets = [8], sizes = [1], strides = [1]} : vector<16xf32> to vector<1xf32>
        %squeeze3A_529 = vector.extract %slice3A_528[0] : f32 from vector<1xf32>
        %get3A_530 = arith.index_cast %add3A_68 : i32 to index
        %get3A_531 = arith.constant 384 : index
        %get3A_532 = tpu.vector_load %arg12[%get3A_530, %get3A_531] {strides = array<i32>} : memref<32x512xi32, #tpu.memory_space<vmem>>, vector<16xi32>,
        %shift_left3A_533 = arith.constant 16 : i32
        %shift_left3A_534 = vector.broadcast %shift_left3A_533 : i32 to vector<16xi32>
        %shift_left3A_535 = arith.shli %get3A_532, %shift_left3A_534 : vector<16xi32>
        %bitcast3A_536 = vector.bitcast %shift_left3A_535 : vector<16xi32> to vector<16xf32>
        %and3A_537 = arith.andi %get3A_532, %broadcast_in_dim3A_58 : vector<16xi32>
        %bitcast3A_538 = vector.bitcast %and3A_537 : vector<16xi32> to vector<16xf32>
        %mul3A_539 = vector.broadcast %squeeze3A_529 : f32 to vector<16xf32>
        %mul3A_540 = arith.mulf %mul3A_539, %bitcast3A_536 : vector<16xf32>
        %add3A_541 = arith.addf %add3A_507, %mul3A_540 : vector<16xf32>
        %mul3A_542 = vector.broadcast %squeeze3A_529 : f32 to vector<16xf32>
        %mul3A_543 = arith.mulf %mul3A_542, %bitcast3A_538 : vector<16xf32>
        %add3A_544 = arith.addf %add3A_510, %mul3A_543 : vector<16xf32>
        %slice3A_545 = vector.extract_strided_slice %get3A_115 {offsets = [9], sizes = [1], strides = [1]} : vector<16xf32> to vector<1xf32>
        %squeeze3A_546 = vector.extract %slice3A_545[0] : f32 from vector<1xf32>
        %get3A_547 = arith.index_cast %add3A_68 : i32 to index
        %get3A_548 = arith.constant 400 : index
        %get3A_549 = tpu.vector_load %arg12[%get3A_547, %get3A_548] {strides = array<i32>} : memref<32x512xi32, #tpu.memory_space<vmem>>, vector<16xi32>,
        %shift_left3A_550 = arith.constant 16 : i32
        %shift_left3A_551 = vector.broadcast %shift_left3A_550 : i32 to vector<16xi32>
        %shift_left3A_552 = arith.shli %get3A_549, %shift_left3A_551 : vector<16xi32>
        %bitcast3A_553 = vector.bitcast %shift_left3A_552 : vector<16xi32> to vector<16xf32>
        %and3A_554 = arith.andi %get3A_549, %broadcast_in_dim3A_58 : vector<16xi32>
        %bitcast3A_555 = vector.bitcast %and3A_554 : vector<16xi32> to vector<16xf32>
        %mul3A_556 = vector.broadcast %squeeze3A_546 : f32 to vector<16xf32>
        %mul3A_557 = arith.mulf %mul3A_556, %bitcast3A_553 : vector<16xf32>
        %add3A_558 = arith.addf %add3A_524, %mul3A_557 : vector<16xf32>
        %mul3A_559 = vector.broadcast %squeeze3A_546 : f32 to vector<16xf32>
        %mul3A_560 = arith.mulf %mul3A_559, %bitcast3A_555 : vector<16xf32>
        %add3A_561 = arith.addf %add3A_527, %mul3A_560 : vector<16xf32>
        %slice3A_562 = vector.extract_strided_slice %get3A_115 {offsets = [10], sizes = [1], strides = [1]} : vector<16xf32> to vector<1xf32>
        %squeeze3A_563 = vector.extract %slice3A_562[0] : f32 from vector<1xf32>
        %get3A_564 = arith.index_cast %add3A_68 : i32 to index
        %get3A_565 = arith.constant 416 : index
        %get3A_566 = tpu.vector_load %arg12[%get3A_564, %get3A_565] {strides = array<i32>} : memref<32x512xi32, #tpu.memory_space<vmem>>, vector<16xi32>,
        %shift_left3A_567 = arith.constant 16 : i32
        %shift_left3A_568 = vector.broadcast %shift_left3A_567 : i32 to vector<16xi32>
        %shift_left3A_569 = arith.shli %get3A_566, %shift_left3A_568 : vector<16xi32>
        %bitcast3A_570 = vector.bitcast %shift_left3A_569 : vector<16xi32> to vector<16xf32>
        %and3A_571 = arith.andi %get3A_566, %broadcast_in_dim3A_58 : vector<16xi32>
        %bitcast3A_572 = vector.bitcast %and3A_571 : vector<16xi32> to vector<16xf32>
        %mul3A_573 = vector.broadcast %squeeze3A_563 : f32 to vector<16xf32>
        %mul3A_574 = arith.mulf %mul3A_573, %bitcast3A_570 : vector<16xf32>
        %add3A_575 = arith.addf %add3A_541, %mul3A_574 : vector<16xf32>
        %mul3A_576 = vector.broadcast %squeeze3A_563 : f32 to vector<16xf32>
        %mul3A_577 = arith.mulf %mul3A_576, %bitcast3A_572 : vector<16xf32>
        %add3A_578 = arith.addf %add3A_544, %mul3A_577 : vector<16xf32>
        %slice3A_579 = vector.extract_strided_slice %get3A_115 {offsets = [11], sizes = [1], strides = [1]} : vector<16xf32> to vector<1xf32>
        %squeeze3A_580 = vector.extract %slice3A_579[0] : f32 from vector<1xf32>
        %get3A_581 = arith.index_cast %add3A_68 : i32 to index
        %get3A_582 = arith.constant 432 : index
        %get3A_583 = tpu.vector_load %arg12[%get3A_581, %get3A_582] {strides = array<i32>} : memref<32x512xi32, #tpu.memory_space<vmem>>, vector<16xi32>,
        %shift_left3A_584 = arith.constant 16 : i32
        %shift_left3A_585 = vector.broadcast %shift_left3A_584 : i32 to vector<16xi32>
        %shift_left3A_586 = arith.shli %get3A_583, %shift_left3A_585 : vector<16xi32>
        %bitcast3A_587 = vector.bitcast %shift_left3A_586 : vector<16xi32> to vector<16xf32>
        %and3A_588 = arith.andi %get3A_583, %broadcast_in_dim3A_58 : vector<16xi32>
        %bitcast3A_589 = vector.bitcast %and3A_588 : vector<16xi32> to vector<16xf32>
        %mul3A_590 = vector.broadcast %squeeze3A_580 : f32 to vector<16xf32>
        %mul3A_591 = arith.mulf %mul3A_590, %bitcast3A_587 : vector<16xf32>
        %add3A_592 = arith.addf %add3A_558, %mul3A_591 : vector<16xf32>
        %mul3A_593 = vector.broadcast %squeeze3A_580 : f32 to vector<16xf32>
        %mul3A_594 = arith.mulf %mul3A_593, %bitcast3A_589 : vector<16xf32>
        %add3A_595 = arith.addf %add3A_561, %mul3A_594 : vector<16xf32>
        %slice3A_596 = vector.extract_strided_slice %get3A_115 {offsets = [12], sizes = [1], strides = [1]} : vector<16xf32> to vector<1xf32>
        %squeeze3A_597 = vector.extract %slice3A_596[0] : f32 from vector<1xf32>
        %get3A_598 = arith.index_cast %add3A_68 : i32 to index
        %get3A_599 = arith.constant 448 : index
        %get3A_600 = tpu.vector_load %arg12[%get3A_598, %get3A_599] {strides = array<i32>} : memref<32x512xi32, #tpu.memory_space<vmem>>, vector<16xi32>,
        %shift_left3A_601 = arith.constant 16 : i32
        %shift_left3A_602 = vector.broadcast %shift_left3A_601 : i32 to vector<16xi32>
        %shift_left3A_603 = arith.shli %get3A_600, %shift_left3A_602 : vector<16xi32>
        %bitcast3A_604 = vector.bitcast %shift_left3A_603 : vector<16xi32> to vector<16xf32>
        %and3A_605 = arith.andi %get3A_600, %broadcast_in_dim3A_58 : vector<16xi32>
        %bitcast3A_606 = vector.bitcast %and3A_605 : vector<16xi32> to vector<16xf32>
        %mul3A_607 = vector.broadcast %squeeze3A_597 : f32 to vector<16xf32>
        %mul3A_608 = arith.mulf %mul3A_607, %bitcast3A_604 : vector<16xf32>
        %add3A_609 = arith.addf %add3A_575, %mul3A_608 : vector<16xf32>
        %mul3A_610 = vector.broadcast %squeeze3A_597 : f32 to vector<16xf32>
        %mul3A_611 = arith.mulf %mul3A_610, %bitcast3A_606 : vector<16xf32>
        %add3A_612 = arith.addf %add3A_578, %mul3A_611 : vector<16xf32>
        %slice3A_613 = vector.extract_strided_slice %get3A_115 {offsets = [13], sizes = [1], strides = [1]} : vector<16xf32> to vector<1xf32>
        %squeeze3A_614 = vector.extract %slice3A_613[0] : f32 from vector<1xf32>
        %get3A_615 = arith.index_cast %add3A_68 : i32 to index
        %get3A_616 = arith.constant 464 : index
        %get3A_617 = tpu.vector_load %arg12[%get3A_615, %get3A_616] {strides = array<i32>} : memref<32x512xi32, #tpu.memory_space<vmem>>, vector<16xi32>,
        %shift_left3A_618 = arith.constant 16 : i32
        %shift_left3A_619 = vector.broadcast %shift_left3A_618 : i32 to vector<16xi32>
        %shift_left3A_620 = arith.shli %get3A_617, %shift_left3A_619 : vector<16xi32>
        %bitcast3A_621 = vector.bitcast %shift_left3A_620 : vector<16xi32> to vector<16xf32>
        %and3A_622 = arith.andi %get3A_617, %broadcast_in_dim3A_58 : vector<16xi32>
        %bitcast3A_623 = vector.bitcast %and3A_622 : vector<16xi32> to vector<16xf32>
        %mul3A_624 = vector.broadcast %squeeze3A_614 : f32 to vector<16xf32>
        %mul3A_625 = arith.mulf %mul3A_624, %bitcast3A_621 : vector<16xf32>
        %add3A_626 = arith.addf %add3A_592, %mul3A_625 : vector<16xf32>
        %mul3A_627 = vector.broadcast %squeeze3A_614 : f32 to vector<16xf32>
        %mul3A_628 = arith.mulf %mul3A_627, %bitcast3A_623 : vector<16xf32>
        %add3A_629 = arith.addf %add3A_595, %mul3A_628 : vector<16xf32>
        %slice3A_630 = vector.extract_strided_slice %get3A_115 {offsets = [14], sizes = [1], strides = [1]} : vector<16xf32> to vector<1xf32>
        %squeeze3A_631 = vector.extract %slice3A_630[0] : f32 from vector<1xf32>
        %get3A_632 = arith.index_cast %add3A_68 : i32 to index
        %get3A_633 = arith.constant 480 : index
        %get3A_634 = tpu.vector_load %arg12[%get3A_632, %get3A_633] {strides = array<i32>} : memref<32x512xi32, #tpu.memory_space<vmem>>, vector<16xi32>,
        %shift_left3A_635 = arith.constant 16 : i32
        %shift_left3A_636 = vector.broadcast %shift_left3A_635 : i32 to vector<16xi32>
        %shift_left3A_637 = arith.shli %get3A_634, %shift_left3A_636 : vector<16xi32>
        %bitcast3A_638 = vector.bitcast %shift_left3A_637 : vector<16xi32> to vector<16xf32>
        %and3A_639 = arith.andi %get3A_634, %broadcast_in_dim3A_58 : vector<16xi32>
        %bitcast3A_640 = vector.bitcast %and3A_639 : vector<16xi32> to vector<16xf32>
        %mul3A_641 = vector.broadcast %squeeze3A_631 : f32 to vector<16xf32>
        %mul3A_642 = arith.mulf %mul3A_641, %bitcast3A_638 : vector<16xf32>
        %add3A_643 = arith.addf %add3A_609, %mul3A_642 : vector<16xf32>
        %mul3A_644 = vector.broadcast %squeeze3A_631 : f32 to vector<16xf32>
        %mul3A_645 = arith.mulf %mul3A_644, %bitcast3A_640 : vector<16xf32>
        %add3A_646 = arith.addf %add3A_612, %mul3A_645 : vector<16xf32>
        %slice3A_647 = vector.extract_strided_slice %get3A_115 {offsets = [15], sizes = [1], strides = [1]} : vector<16xf32> to vector<1xf32>
        %squeeze3A_648 = vector.extract %slice3A_647[0] : f32 from vector<1xf32>
        %get3A_649 = arith.index_cast %add3A_68 : i32 to index
        %get3A_650 = arith.constant 496 : index
        %get3A_651 = tpu.vector_load %arg12[%get3A_649, %get3A_650] {strides = array<i32>} : memref<32x512xi32, #tpu.memory_space<vmem>>, vector<16xi32>,
        %shift_left3A_652 = arith.constant 16 : i32
        %shift_left3A_653 = vector.broadcast %shift_left3A_652 : i32 to vector<16xi32>
        %shift_left3A_654 = arith.shli %get3A_651, %shift_left3A_653 : vector<16xi32>
        %bitcast3A_655 = vector.bitcast %shift_left3A_654 : vector<16xi32> to vector<16xf32>
        %and3A_656 = arith.andi %get3A_651, %broadcast_in_dim3A_58 : vector<16xi32>
        %bitcast3A_657 = vector.bitcast %and3A_656 : vector<16xi32> to vector<16xf32>
        %mul3A_658 = vector.broadcast %squeeze3A_648 : f32 to vector<16xf32>
        %mul3A_659 = arith.mulf %mul3A_658, %bitcast3A_655 : vector<16xf32>
        %add3A_660 = arith.addf %add3A_626, %mul3A_659 : vector<16xf32>
        %mul3A_661 = vector.broadcast %squeeze3A_648 : f32 to vector<16xf32>
        %mul3A_662 = arith.mulf %mul3A_661, %bitcast3A_657 : vector<16xf32>
        %add3A_663 = arith.addf %add3A_629, %mul3A_662 : vector<16xf32>
        %add3A_664 = arith.addf %add3A_643, %add3A_660 : vector<16xf32>
        %swap3A = arith.index_cast %select_n3A_90 : i32 to index
        %swap3A_665 = arith.index_cast %mul3A_108 : i32 to index
        %swap3A_666 = tpu.vector_load %arg10[%swap3A, %swap3A_665] {strides = array<i32>} : memref<128x128xf32, #tpu.memory_space<vmem>>, vector<16xf32>,
        tpu.vector_store %arg10[%swap3A, %swap3A_665], %add3A_664 {strides = array<i32>} : memref<128x128xf32, #tpu.memory_space<vmem>>, vector<16xf32>,
        %add3A_667 = arith.addf %add3A_646, %add3A_663 : vector<16xf32>
        %add3A_668 = arith.constant 16 : i32
        %add3A_669 = arith.addi %mul3A_108, %add3A_668 : i32
        %swap3A_670 = arith.index_cast %select_n3A_90 : i32 to index
        %swap3A_671 = arith.index_cast %add3A_669 : i32 to index
        %swap3A_672 = tpu.vector_load %arg10[%swap3A_670, %swap3A_671] {strides = array<i32>} : memref<128x128xf32, #tpu.memory_space<vmem>>, vector<16xf32>,
        tpu.vector_store %arg10[%swap3A_670, %swap3A_671], %add3A_667 {strides = array<i32>} : memref<128x128xf32, #tpu.memory_space<vmem>>, vector<16xf32>,
        %mul3A_673 = arith.constant 2 : i32
        %mul3A_674 = arith.muli %scan3A_64, %mul3A_673 : i32
        %add3A_675 = arith.constant 1 : i32
        %add3A_676 = arith.addi %mul3A_674, %add3A_675 : i32
        %add3A_677 = arith.addi %mul3A_56, %add3A_676 : i32
        %jit3A_678 = arith.constant 4 : i32
        %div3A_679 = arith.divsi %add3A_677, %jit3A_678 : i32
        %sign3A_680 = arith.constant 0 : i32
        %sign3A_681 = arith.cmpi sgt, %add3A_677, %sign3A_680 : i32
        %sign3A_682 = arith.extui %sign3A_681 : i1 to i32
        %sign3A_683 = arith.constant 0 : i32
        %sign3A_684 = arith.cmpi slt, %add3A_677, %sign3A_683 : i32
        %sign3A_685 = arith.extui %sign3A_684 : i1 to i32
        %sign3A_686 = arith.subi %sign3A_682, %sign3A_685 : i32
        %sign3A_687 = arith.constant 0 : i32
        %sign3A_688 = arith.cmpi sgt, %jit3A_678, %sign3A_687 : i32
        %sign3A_689 = arith.extui %sign3A_688 : i1 to i32
        %sign3A_690 = arith.constant 0 : i32
        %sign3A_691 = arith.cmpi slt, %jit3A_678, %sign3A_690 : i32
        %sign3A_692 = arith.extui %sign3A_691 : i1 to i32
        %sign3A_693 = arith.subi %sign3A_689, %sign3A_692 : i32
        %ne3A_694 = arith.cmpi ne, %sign3A_686, %sign3A_693 : i32
        %rem3A_695 = arith.remsi %add3A_677, %jit3A_678 : i32
        %ne3A_696 = arith.constant 0 : i32
        %ne3A_697 = arith.cmpi ne, %rem3A_695, %ne3A_696 : i32
        %and3A_698 = arith.andi %ne3A_694, %ne3A_697 : i1
        %sub3A_699 = arith.constant 1 : i32
        %sub3A_700 = arith.subi %div3A_679, %sub3A_699 : i32
        %select_n3A_701 = arith.select %and3A_698, %sub3A_700, %div3A_679 : i32
        %jit3A_702 = arith.constant 4 : i32
        %eq3A_703 = arith.constant 0 : i32
        %eq3A_704 = arith.cmpi eq, %jit3A_702, %eq3A_703 : i32
        %jit3A_705 = arith.constant 1 : i32
        %select_n3A_706 = arith.select %eq3A_704, %jit3A_705, %jit3A_702 : i32
        %rem3A_707 = arith.remsi %add3A_677, %select_n3A_706 : i32
        %ne3A_708 = arith.constant 0 : i32
        %ne3A_709 = arith.cmpi ne, %rem3A_707, %ne3A_708 : i32
        %lt3A_710 = arith.constant 0 : i32
        %lt3A_711 = arith.cmpi slt, %rem3A_707, %lt3A_710 : i32
        %lt3A_712 = arith.constant 0 : i32
        %lt3A_713 = arith.cmpi slt, %select_n3A_706, %lt3A_712 : i32
        %ne3A_714 = arith.xori %lt3A_711, %lt3A_713 : i1
        %and3A_715 = arith.andi %ne3A_714, %ne3A_709 : i1
        %add3A_716 = arith.addi %rem3A_707, %select_n3A_706 : i32
        %select_n3A_717 = arith.select %and3A_715, %add3A_716, %rem3A_707 : i32
        %mul3A_718 = arith.constant 32 : i32
        %mul3A_719 = arith.muli %select_n3A_717, %mul3A_718 : i32
        %get3A_720 = arith.index_cast %select_n3A_701 : i32 to index
        %get3A_721 = arith.index_cast %mul3A_719 : i32 to index
        %get3A_722 = tpu.vector_load %arg10[%get3A_720, %get3A_721] {strides = array<i32>} : memref<128x128xf32, #tpu.memory_space<vmem>>, vector<16xf32>,
        %add3A_723 = arith.constant 16 : i32
        %add3A_724 = arith.addi %mul3A_719, %add3A_723 : i32
        %get3A_725 = arith.index_cast %select_n3A_701 : i32 to index
        %get3A_726 = arith.index_cast %add3A_724 : i32 to index
        %get3A_727 = tpu.vector_load %arg10[%get3A_725, %get3A_726] {strides = array<i32>} : memref<128x128xf32, #tpu.memory_space<vmem>>, vector<16xf32>,
        %broadcast_in_dim3A_728 = arith.constant 0.000000e+00 : f32
        %broadcast_in_dim3A_729 = vector.broadcast %broadcast_in_dim3A_728 : f32 to vector<16xf32>
        %broadcast_in_dim3A_730 = arith.constant 0.000000e+00 : f32
        %broadcast_in_dim3A_731 = vector.broadcast %broadcast_in_dim3A_730 : f32 to vector<16xf32>
        %broadcast_in_dim3A_732 = arith.constant 0.000000e+00 : f32
        %broadcast_in_dim3A_733 = vector.broadcast %broadcast_in_dim3A_732 : f32 to vector<16xf32>
        %broadcast_in_dim3A_734 = arith.constant 0.000000e+00 : f32
        %broadcast_in_dim3A_735 = vector.broadcast %broadcast_in_dim3A_734 : f32 to vector<16xf32>
        %slice3A_736 = vector.extract_strided_slice %get3A_722 {offsets = [0], sizes = [1], strides = [1]} : vector<16xf32> to vector<1xf32>
        %squeeze3A_737 = vector.extract %slice3A_736[0] : f32 from vector<1xf32>
        %get3A_738 = arith.index_cast %add3A_676 : i32 to index
        %get3A_739 = arith.constant 0 : index
        %get3A_740 = tpu.vector_load %arg12[%get3A_738, %get3A_739] {strides = array<i32>} : memref<32x512xi32, #tpu.memory_space<vmem>>, vector<16xi32>,
        %shift_left3A_741 = arith.constant 16 : i32
        %shift_left3A_742 = vector.broadcast %shift_left3A_741 : i32 to vector<16xi32>
        %shift_left3A_743 = arith.shli %get3A_740, %shift_left3A_742 : vector<16xi32>
        %bitcast3A_744 = vector.bitcast %shift_left3A_743 : vector<16xi32> to vector<16xf32>
        %and3A_745 = arith.andi %get3A_740, %broadcast_in_dim3A_58 : vector<16xi32>
        %bitcast3A_746 = vector.bitcast %and3A_745 : vector<16xi32> to vector<16xf32>
        %mul3A_747 = vector.broadcast %squeeze3A_737 : f32 to vector<16xf32>
        %mul3A_748 = arith.mulf %mul3A_747, %bitcast3A_744 : vector<16xf32>
        %add3A_749 = arith.addf %broadcast_in_dim3A_729, %mul3A_748 : vector<16xf32>
        %mul3A_750 = vector.broadcast %squeeze3A_737 : f32 to vector<16xf32>
        %mul3A_751 = arith.mulf %mul3A_750, %bitcast3A_746 : vector<16xf32>
        %add3A_752 = arith.addf %broadcast_in_dim3A_733, %mul3A_751 : vector<16xf32>
        %slice3A_753 = vector.extract_strided_slice %get3A_722 {offsets = [1], sizes = [1], strides = [1]} : vector<16xf32> to vector<1xf32>
        %squeeze3A_754 = vector.extract %slice3A_753[0] : f32 from vector<1xf32>
        %get3A_755 = arith.index_cast %add3A_676 : i32 to index
        %get3A_756 = arith.constant 16 : index
        %get3A_757 = tpu.vector_load %arg12[%get3A_755, %get3A_756] {strides = array<i32>} : memref<32x512xi32, #tpu.memory_space<vmem>>, vector<16xi32>,
        %shift_left3A_758 = arith.constant 16 : i32
        %shift_left3A_759 = vector.broadcast %shift_left3A_758 : i32 to vector<16xi32>
        %shift_left3A_760 = arith.shli %get3A_757, %shift_left3A_759 : vector<16xi32>
        %bitcast3A_761 = vector.bitcast %shift_left3A_760 : vector<16xi32> to vector<16xf32>
        %and3A_762 = arith.andi %get3A_757, %broadcast_in_dim3A_58 : vector<16xi32>
        %bitcast3A_763 = vector.bitcast %and3A_762 : vector<16xi32> to vector<16xf32>
        %mul3A_764 = vector.broadcast %squeeze3A_754 : f32 to vector<16xf32>
        %mul3A_765 = arith.mulf %mul3A_764, %bitcast3A_761 : vector<16xf32>
        %add3A_766 = arith.addf %broadcast_in_dim3A_731, %mul3A_765 : vector<16xf32>
        %mul3A_767 = vector.broadcast %squeeze3A_754 : f32 to vector<16xf32>
        %mul3A_768 = arith.mulf %mul3A_767, %bitcast3A_763 : vector<16xf32>
        %add3A_769 = arith.addf %broadcast_in_dim3A_735, %mul3A_768 : vector<16xf32>
        %slice3A_770 = vector.extract_strided_slice %get3A_722 {offsets = [2], sizes = [1], strides = [1]} : vector<16xf32> to vector<1xf32>
        %squeeze3A_771 = vector.extract %slice3A_770[0] : f32 from vector<1xf32>
        %get3A_772 = arith.index_cast %add3A_676 : i32 to index
        %get3A_773 = arith.constant 32 : index
        %get3A_774 = tpu.vector_load %arg12[%get3A_772, %get3A_773] {strides = array<i32>} : memref<32x512xi32, #tpu.memory_space<vmem>>, vector<16xi32>,
        %shift_left3A_775 = arith.constant 16 : i32
        %shift_left3A_776 = vector.broadcast %shift_left3A_775 : i32 to vector<16xi32>
        %shift_left3A_777 = arith.shli %get3A_774, %shift_left3A_776 : vector<16xi32>
        %bitcast3A_778 = vector.bitcast %shift_left3A_777 : vector<16xi32> to vector<16xf32>
        %and3A_779 = arith.andi %get3A_774, %broadcast_in_dim3A_58 : vector<16xi32>
        %bitcast3A_780 = vector.bitcast %and3A_779 : vector<16xi32> to vector<16xf32>
        %mul3A_781 = vector.broadcast %squeeze3A_771 : f32 to vector<16xf32>
        %mul3A_782 = arith.mulf %mul3A_781, %bitcast3A_778 : vector<16xf32>
        %add3A_783 = arith.addf %add3A_749, %mul3A_782 : vector<16xf32>
        %mul3A_784 = vector.broadcast %squeeze3A_771 : f32 to vector<16xf32>
        %mul3A_785 = arith.mulf %mul3A_784, %bitcast3A_780 : vector<16xf32>
        %add3A_786 = arith.addf %add3A_752, %mul3A_785 : vector<16xf32>
        %slice3A_787 = vector.extract_strided_slice %get3A_722 {offsets = [3], sizes = [1], strides = [1]} : vector<16xf32> to vector<1xf32>
        %squeeze3A_788 = vector.extract %slice3A_787[0] : f32 from vector<1xf32>
        %get3A_789 = arith.index_cast %add3A_676 : i32 to index
        %get3A_790 = arith.constant 48 : index
        %get3A_791 = tpu.vector_load %arg12[%get3A_789, %get3A_790] {strides = array<i32>} : memref<32x512xi32, #tpu.memory_space<vmem>>, vector<16xi32>,
        %shift_left3A_792 = arith.constant 16 : i32
        %shift_left3A_793 = vector.broadcast %shift_left3A_792 : i32 to vector<16xi32>
        %shift_left3A_794 = arith.shli %get3A_791, %shift_left3A_793 : vector<16xi32>
        %bitcast3A_795 = vector.bitcast %shift_left3A_794 : vector<16xi32> to vector<16xf32>
        %and3A_796 = arith.andi %get3A_791, %broadcast_in_dim3A_58 : vector<16xi32>
        %bitcast3A_797 = vector.bitcast %and3A_796 : vector<16xi32> to vector<16xf32>
        %mul3A_798 = vector.broadcast %squeeze3A_788 : f32 to vector<16xf32>
        %mul3A_799 = arith.mulf %mul3A_798, %bitcast3A_795 : vector<16xf32>
        %add3A_800 = arith.addf %add3A_766, %mul3A_799 : vector<16xf32>
        %mul3A_801 = vector.broadcast %squeeze3A_788 : f32 to vector<16xf32>
        %mul3A_802 = arith.mulf %mul3A_801, %bitcast3A_797 : vector<16xf32>
        %add3A_803 = arith.addf %add3A_769, %mul3A_802 : vector<16xf32>
        %slice3A_804 = vector.extract_strided_slice %get3A_722 {offsets = [4], sizes = [1], strides = [1]} : vector<16xf32> to vector<1xf32>
        %squeeze3A_805 = vector.extract %slice3A_804[0] : f32 from vector<1xf32>
        %get3A_806 = arith.index_cast %add3A_676 : i32 to index
        %get3A_807 = arith.constant 64 : index
        %get3A_808 = tpu.vector_load %arg12[%get3A_806, %get3A_807] {strides = array<i32>} : memref<32x512xi32, #tpu.memory_space<vmem>>, vector<16xi32>,
        %shift_left3A_809 = arith.constant 16 : i32
        %shift_left3A_810 = vector.broadcast %shift_left3A_809 : i32 to vector<16xi32>
        %shift_left3A_811 = arith.shli %get3A_808, %shift_left3A_810 : vector<16xi32>
        %bitcast3A_812 = vector.bitcast %shift_left3A_811 : vector<16xi32> to vector<16xf32>
        %and3A_813 = arith.andi %get3A_808, %broadcast_in_dim3A_58 : vector<16xi32>
        %bitcast3A_814 = vector.bitcast %and3A_813 : vector<16xi32> to vector<16xf32>
        %mul3A_815 = vector.broadcast %squeeze3A_805 : f32 to vector<16xf32>
        %mul3A_816 = arith.mulf %mul3A_815, %bitcast3A_812 : vector<16xf32>
        %add3A_817 = arith.addf %add3A_783, %mul3A_816 : vector<16xf32>
        %mul3A_818 = vector.broadcast %squeeze3A_805 : f32 to vector<16xf32>
        %mul3A_819 = arith.mulf %mul3A_818, %bitcast3A_814 : vector<16xf32>
        %add3A_820 = arith.addf %add3A_786, %mul3A_819 : vector<16xf32>
        %slice3A_821 = vector.extract_strided_slice %get3A_722 {offsets = [5], sizes = [1], strides = [1]} : vector<16xf32> to vector<1xf32>
        %squeeze3A_822 = vector.extract %slice3A_821[0] : f32 from vector<1xf32>
        %get3A_823 = arith.index_cast %add3A_676 : i32 to index
        %get3A_824 = arith.constant 80 : index
        %get3A_825 = tpu.vector_load %arg12[%get3A_823, %get3A_824] {strides = array<i32>} : memref<32x512xi32, #tpu.memory_space<vmem>>, vector<16xi32>,
        %shift_left3A_826 = arith.constant 16 : i32
        %shift_left3A_827 = vector.broadcast %shift_left3A_826 : i32 to vector<16xi32>
        %shift_left3A_828 = arith.shli %get3A_825, %shift_left3A_827 : vector<16xi32>
        %bitcast3A_829 = vector.bitcast %shift_left3A_828 : vector<16xi32> to vector<16xf32>
        %and3A_830 = arith.andi %get3A_825, %broadcast_in_dim3A_58 : vector<16xi32>
        %bitcast3A_831 = vector.bitcast %and3A_830 : vector<16xi32> to vector<16xf32>
        %mul3A_832 = vector.broadcast %squeeze3A_822 : f32 to vector<16xf32>
        %mul3A_833 = arith.mulf %mul3A_832, %bitcast3A_829 : vector<16xf32>
        %add3A_834 = arith.addf %add3A_800, %mul3A_833 : vector<16xf32>
        %mul3A_835 = vector.broadcast %squeeze3A_822 : f32 to vector<16xf32>
        %mul3A_836 = arith.mulf %mul3A_835, %bitcast3A_831 : vector<16xf32>
        %add3A_837 = arith.addf %add3A_803, %mul3A_836 : vector<16xf32>
        %slice3A_838 = vector.extract_strided_slice %get3A_722 {offsets = [6], sizes = [1], strides = [1]} : vector<16xf32> to vector<1xf32>
        %squeeze3A_839 = vector.extract %slice3A_838[0] : f32 from vector<1xf32>
        %get3A_840 = arith.index_cast %add3A_676 : i32 to index
        %get3A_841 = arith.constant 96 : index
        %get3A_842 = tpu.vector_load %arg12[%get3A_840, %get3A_841] {strides = array<i32>} : memref<32x512xi32, #tpu.memory_space<vmem>>, vector<16xi32>,
        %shift_left3A_843 = arith.constant 16 : i32
        %shift_left3A_844 = vector.broadcast %shift_left3A_843 : i32 to vector<16xi32>
        %shift_left3A_845 = arith.shli %get3A_842, %shift_left3A_844 : vector<16xi32>
        %bitcast3A_846 = vector.bitcast %shift_left3A_845 : vector<16xi32> to vector<16xf32>
        %and3A_847 = arith.andi %get3A_842, %broadcast_in_dim3A_58 : vector<16xi32>
        %bitcast3A_848 = vector.bitcast %and3A_847 : vector<16xi32> to vector<16xf32>
        %mul3A_849 = vector.broadcast %squeeze3A_839 : f32 to vector<16xf32>
        %mul3A_850 = arith.mulf %mul3A_849, %bitcast3A_846 : vector<16xf32>
        %add3A_851 = arith.addf %add3A_817, %mul3A_850 : vector<16xf32>
        %mul3A_852 = vector.broadcast %squeeze3A_839 : f32 to vector<16xf32>
        %mul3A_853 = arith.mulf %mul3A_852, %bitcast3A_848 : vector<16xf32>
        %add3A_854 = arith.addf %add3A_820, %mul3A_853 : vector<16xf32>
        %slice3A_855 = vector.extract_strided_slice %get3A_722 {offsets = [7], sizes = [1], strides = [1]} : vector<16xf32> to vector<1xf32>
        %squeeze3A_856 = vector.extract %slice3A_855[0] : f32 from vector<1xf32>
        %get3A_857 = arith.index_cast %add3A_676 : i32 to index
        %get3A_858 = arith.constant 112 : index
        %get3A_859 = tpu.vector_load %arg12[%get3A_857, %get3A_858] {strides = array<i32>} : memref<32x512xi32, #tpu.memory_space<vmem>>, vector<16xi32>,
        %shift_left3A_860 = arith.constant 16 : i32
        %shift_left3A_861 = vector.broadcast %shift_left3A_860 : i32 to vector<16xi32>
        %shift_left3A_862 = arith.shli %get3A_859, %shift_left3A_861 : vector<16xi32>
        %bitcast3A_863 = vector.bitcast %shift_left3A_862 : vector<16xi32> to vector<16xf32>
        %and3A_864 = arith.andi %get3A_859, %broadcast_in_dim3A_58 : vector<16xi32>
        %bitcast3A_865 = vector.bitcast %and3A_864 : vector<16xi32> to vector<16xf32>
        %mul3A_866 = vector.broadcast %squeeze3A_856 : f32 to vector<16xf32>
        %mul3A_867 = arith.mulf %mul3A_866, %bitcast3A_863 : vector<16xf32>
        %add3A_868 = arith.addf %add3A_834, %mul3A_867 : vector<16xf32>
        %mul3A_869 = vector.broadcast %squeeze3A_856 : f32 to vector<16xf32>
        %mul3A_870 = arith.mulf %mul3A_869, %bitcast3A_865 : vector<16xf32>
        %add3A_871 = arith.addf %add3A_837, %mul3A_870 : vector<16xf32>
        %slice3A_872 = vector.extract_strided_slice %get3A_722 {offsets = [8], sizes = [1], strides = [1]} : vector<16xf32> to vector<1xf32>
        %squeeze3A_873 = vector.extract %slice3A_872[0] : f32 from vector<1xf32>
        %get3A_874 = arith.index_cast %add3A_676 : i32 to index
        %get3A_875 = arith.constant 128 : index
        %get3A_876 = tpu.vector_load %arg12[%get3A_874, %get3A_875] {strides = array<i32>} : memref<32x512xi32, #tpu.memory_space<vmem>>, vector<16xi32>,
        %shift_left3A_877 = arith.constant 16 : i32
        %shift_left3A_878 = vector.broadcast %shift_left3A_877 : i32 to vector<16xi32>
        %shift_left3A_879 = arith.shli %get3A_876, %shift_left3A_878 : vector<16xi32>
        %bitcast3A_880 = vector.bitcast %shift_left3A_879 : vector<16xi32> to vector<16xf32>
        %and3A_881 = arith.andi %get3A_876, %broadcast_in_dim3A_58 : vector<16xi32>
        %bitcast3A_882 = vector.bitcast %and3A_881 : vector<16xi32> to vector<16xf32>
        %mul3A_883 = vector.broadcast %squeeze3A_873 : f32 to vector<16xf32>
        %mul3A_884 = arith.mulf %mul3A_883, %bitcast3A_880 : vector<16xf32>
        %add3A_885 = arith.addf %add3A_851, %mul3A_884 : vector<16xf32>
        %mul3A_886 = vector.broadcast %squeeze3A_873 : f32 to vector<16xf32>
        %mul3A_887 = arith.mulf %mul3A_886, %bitcast3A_882 : vector<16xf32>
        %add3A_888 = arith.addf %add3A_854, %mul3A_887 : vector<16xf32>
        %slice3A_889 = vector.extract_strided_slice %get3A_722 {offsets = [9], sizes = [1], strides = [1]} : vector<16xf32> to vector<1xf32>
        %squeeze3A_890 = vector.extract %slice3A_889[0] : f32 from vector<1xf32>
        %get3A_891 = arith.index_cast %add3A_676 : i32 to index
        %get3A_892 = arith.constant 144 : index
        %get3A_893 = tpu.vector_load %arg12[%get3A_891, %get3A_892] {strides = array<i32>} : memref<32x512xi32, #tpu.memory_space<vmem>>, vector<16xi32>,
        %shift_left3A_894 = arith.constant 16 : i32
        %shift_left3A_895 = vector.broadcast %shift_left3A_894 : i32 to vector<16xi32>
        %shift_left3A_896 = arith.shli %get3A_893, %shift_left3A_895 : vector<16xi32>
        %bitcast3A_897 = vector.bitcast %shift_left3A_896 : vector<16xi32> to vector<16xf32>
        %and3A_898 = arith.andi %get3A_893, %broadcast_in_dim3A_58 : vector<16xi32>
        %bitcast3A_899 = vector.bitcast %and3A_898 : vector<16xi32> to vector<16xf32>
        %mul3A_900 = vector.broadcast %squeeze3A_890 : f32 to vector<16xf32>
        %mul3A_901 = arith.mulf %mul3A_900, %bitcast3A_897 : vector<16xf32>
        %add3A_902 = arith.addf %add3A_868, %mul3A_901 : vector<16xf32>
        %mul3A_903 = vector.broadcast %squeeze3A_890 : f32 to vector<16xf32>
        %mul3A_904 = arith.mulf %mul3A_903, %bitcast3A_899 : vector<16xf32>
        %add3A_905 = arith.addf %add3A_871, %mul3A_904 : vector<16xf32>
        %slice3A_906 = vector.extract_strided_slice %get3A_722 {offsets = [10], sizes = [1], strides = [1]} : vector<16xf32> to vector<1xf32>
        %squeeze3A_907 = vector.extract %slice3A_906[0] : f32 from vector<1xf32>
        %get3A_908 = arith.index_cast %add3A_676 : i32 to index
        %get3A_909 = arith.constant 160 : index
        %get3A_910 = tpu.vector_load %arg12[%get3A_908, %get3A_909] {strides = array<i32>} : memref<32x512xi32, #tpu.memory_space<vmem>>, vector<16xi32>,
        %shift_left3A_911 = arith.constant 16 : i32
        %shift_left3A_912 = vector.broadcast %shift_left3A_911 : i32 to vector<16xi32>
        %shift_left3A_913 = arith.shli %get3A_910, %shift_left3A_912 : vector<16xi32>
        %bitcast3A_914 = vector.bitcast %shift_left3A_913 : vector<16xi32> to vector<16xf32>
        %and3A_915 = arith.andi %get3A_910, %broadcast_in_dim3A_58 : vector<16xi32>
        %bitcast3A_916 = vector.bitcast %and3A_915 : vector<16xi32> to vector<16xf32>
        %mul3A_917 = vector.broadcast %squeeze3A_907 : f32 to vector<16xf32>
        %mul3A_918 = arith.mulf %mul3A_917, %bitcast3A_914 : vector<16xf32>
        %add3A_919 = arith.addf %add3A_885, %mul3A_918 : vector<16xf32>
        %mul3A_920 = vector.broadcast %squeeze3A_907 : f32 to vector<16xf32>
        %mul3A_921 = arith.mulf %mul3A_920, %bitcast3A_916 : vector<16xf32>
        %add3A_922 = arith.addf %add3A_888, %mul3A_921 : vector<16xf32>
        %slice3A_923 = vector.extract_strided_slice %get3A_722 {offsets = [11], sizes = [1], strides = [1]} : vector<16xf32> to vector<1xf32>
        %squeeze3A_924 = vector.extract %slice3A_923[0] : f32 from vector<1xf32>
        %get3A_925 = arith.index_cast %add3A_676 : i32 to index
        %get3A_926 = arith.constant 176 : index
        %get3A_927 = tpu.vector_load %arg12[%get3A_925, %get3A_926] {strides = array<i32>} : memref<32x512xi32, #tpu.memory_space<vmem>>, vector<16xi32>,
        %shift_left3A_928 = arith.constant 16 : i32
        %shift_left3A_929 = vector.broadcast %shift_left3A_928 : i32 to vector<16xi32>
        %shift_left3A_930 = arith.shli %get3A_927, %shift_left3A_929 : vector<16xi32>
        %bitcast3A_931 = vector.bitcast %shift_left3A_930 : vector<16xi32> to vector<16xf32>
        %and3A_932 = arith.andi %get3A_927, %broadcast_in_dim3A_58 : vector<16xi32>
        %bitcast3A_933 = vector.bitcast %and3A_932 : vector<16xi32> to vector<16xf32>
        %mul3A_934 = vector.broadcast %squeeze3A_924 : f32 to vector<16xf32>
        %mul3A_935 = arith.mulf %mul3A_934, %bitcast3A_931 : vector<16xf32>
        %add3A_936 = arith.addf %add3A_902, %mul3A_935 : vector<16xf32>
        %mul3A_937 = vector.broadcast %squeeze3A_924 : f32 to vector<16xf32>
        %mul3A_938 = arith.mulf %mul3A_937, %bitcast3A_933 : vector<16xf32>
        %add3A_939 = arith.addf %add3A_905, %mul3A_938 : vector<16xf32>
        %slice3A_940 = vector.extract_strided_slice %get3A_722 {offsets = [12], sizes = [1], strides = [1]} : vector<16xf32> to vector<1xf32>
        %squeeze3A_941 = vector.extract %slice3A_940[0] : f32 from vector<1xf32>
        %get3A_942 = arith.index_cast %add3A_676 : i32 to index
        %get3A_943 = arith.constant 192 : index
        %get3A_944 = tpu.vector_load %arg12[%get3A_942, %get3A_943] {strides = array<i32>} : memref<32x512xi32, #tpu.memory_space<vmem>>, vector<16xi32>,
        %shift_left3A_945 = arith.constant 16 : i32
        %shift_left3A_946 = vector.broadcast %shift_left3A_945 : i32 to vector<16xi32>
        %shift_left3A_947 = arith.shli %get3A_944, %shift_left3A_946 : vector<16xi32>
        %bitcast3A_948 = vector.bitcast %shift_left3A_947 : vector<16xi32> to vector<16xf32>
        %and3A_949 = arith.andi %get3A_944, %broadcast_in_dim3A_58 : vector<16xi32>
        %bitcast3A_950 = vector.bitcast %and3A_949 : vector<16xi32> to vector<16xf32>
        %mul3A_951 = vector.broadcast %squeeze3A_941 : f32 to vector<16xf32>
        %mul3A_952 = arith.mulf %mul3A_951, %bitcast3A_948 : vector<16xf32>
        %add3A_953 = arith.addf %add3A_919, %mul3A_952 : vector<16xf32>
        %mul3A_954 = vector.broadcast %squeeze3A_941 : f32 to vector<16xf32>
        %mul3A_955 = arith.mulf %mul3A_954, %bitcast3A_950 : vector<16xf32>
        %add3A_956 = arith.addf %add3A_922, %mul3A_955 : vector<16xf32>
        %slice3A_957 = vector.extract_strided_slice %get3A_722 {offsets = [13], sizes = [1], strides = [1]} : vector<16xf32> to vector<1xf32>
        %squeeze3A_958 = vector.extract %slice3A_957[0] : f32 from vector<1xf32>
        %get3A_959 = arith.index_cast %add3A_676 : i32 to index
        %get3A_960 = arith.constant 208 : index
        %get3A_961 = tpu.vector_load %arg12[%get3A_959, %get3A_960] {strides = array<i32>} : memref<32x512xi32, #tpu.memory_space<vmem>>, vector<16xi32>,
        %shift_left3A_962 = arith.constant 16 : i32
        %shift_left3A_963 = vector.broadcast %shift_left3A_962 : i32 to vector<16xi32>
        %shift_left3A_964 = arith.shli %get3A_961, %shift_left3A_963 : vector<16xi32>
        %bitcast3A_965 = vector.bitcast %shift_left3A_964 : vector<16xi32> to vector<16xf32>
        %and3A_966 = arith.andi %get3A_961, %broadcast_in_dim3A_58 : vector<16xi32>
        %bitcast3A_967 = vector.bitcast %and3A_966 : vector<16xi32> to vector<16xf32>
        %mul3A_968 = vector.broadcast %squeeze3A_958 : f32 to vector<16xf32>
        %mul3A_969 = arith.mulf %mul3A_968, %bitcast3A_965 : vector<16xf32>
        %add3A_970 = arith.addf %add3A_936, %mul3A_969 : vector<16xf32>
        %mul3A_971 = vector.broadcast %squeeze3A_958 : f32 to vector<16xf32>
        %mul3A_972 = arith.mulf %mul3A_971, %bitcast3A_967 : vector<16xf32>
        %add3A_973 = arith.addf %add3A_939, %mul3A_972 : vector<16xf32>
        %slice3A_974 = vector.extract_strided_slice %get3A_722 {offsets = [14], sizes = [1], strides = [1]} : vector<16xf32> to vector<1xf32>
        %squeeze3A_975 = vector.extract %slice3A_974[0] : f32 from vector<1xf32>
        %get3A_976 = arith.index_cast %add3A_676 : i32 to index
        %get3A_977 = arith.constant 224 : index
        %get3A_978 = tpu.vector_load %arg12[%get3A_976, %get3A_977] {strides = array<i32>} : memref<32x512xi32, #tpu.memory_space<vmem>>, vector<16xi32>,
        %shift_left3A_979 = arith.constant 16 : i32
        %shift_left3A_980 = vector.broadcast %shift_left3A_979 : i32 to vector<16xi32>
        %shift_left3A_981 = arith.shli %get3A_978, %shift_left3A_980 : vector<16xi32>
        %bitcast3A_982 = vector.bitcast %shift_left3A_981 : vector<16xi32> to vector<16xf32>
        %and3A_983 = arith.andi %get3A_978, %broadcast_in_dim3A_58 : vector<16xi32>
        %bitcast3A_984 = vector.bitcast %and3A_983 : vector<16xi32> to vector<16xf32>
        %mul3A_985 = vector.broadcast %squeeze3A_975 : f32 to vector<16xf32>
        %mul3A_986 = arith.mulf %mul3A_985, %bitcast3A_982 : vector<16xf32>
        %add3A_987 = arith.addf %add3A_953, %mul3A_986 : vector<16xf32>
        %mul3A_988 = vector.broadcast %squeeze3A_975 : f32 to vector<16xf32>
        %mul3A_989 = arith.mulf %mul3A_988, %bitcast3A_984 : vector<16xf32>
        %add3A_990 = arith.addf %add3A_956, %mul3A_989 : vector<16xf32>
        %slice3A_991 = vector.extract_strided_slice %get3A_722 {offsets = [15], sizes = [1], strides = [1]} : vector<16xf32> to vector<1xf32>
        %squeeze3A_992 = vector.extract %slice3A_991[0] : f32 from vector<1xf32>
        %get3A_993 = arith.index_cast %add3A_676 : i32 to index
        %get3A_994 = arith.constant 240 : index
        %get3A_995 = tpu.vector_load %arg12[%get3A_993, %get3A_994] {strides = array<i32>} : memref<32x512xi32, #tpu.memory_space<vmem>>, vector<16xi32>,
        %shift_left3A_996 = arith.constant 16 : i32
        %shift_left3A_997 = vector.broadcast %shift_left3A_996 : i32 to vector<16xi32>
        %shift_left3A_998 = arith.shli %get3A_995, %shift_left3A_997 : vector<16xi32>
        %bitcast3A_999 = vector.bitcast %shift_left3A_998 : vector<16xi32> to vector<16xf32>
        %and3A_1000 = arith.andi %get3A_995, %broadcast_in_dim3A_58 : vector<16xi32>
        %bitcast3A_1001 = vector.bitcast %and3A_1000 : vector<16xi32> to vector<16xf32>
        %mul3A_1002 = vector.broadcast %squeeze3A_992 : f32 to vector<16xf32>
        %mul3A_1003 = arith.mulf %mul3A_1002, %bitcast3A_999 : vector<16xf32>
        %add3A_1004 = arith.addf %add3A_970, %mul3A_1003 : vector<16xf32>
        %mul3A_1005 = vector.broadcast %squeeze3A_992 : f32 to vector<16xf32>
        %mul3A_1006 = arith.mulf %mul3A_1005, %bitcast3A_1001 : vector<16xf32>
        %add3A_1007 = arith.addf %add3A_973, %mul3A_1006 : vector<16xf32>
        %slice3A_1008 = vector.extract_strided_slice %get3A_727 {offsets = [0], sizes = [1], strides = [1]} : vector<16xf32> to vector<1xf32>
        %squeeze3A_1009 = vector.extract %slice3A_1008[0] : f32 from vector<1xf32>
        %get3A_1010 = arith.index_cast %add3A_676 : i32 to index
        %get3A_1011 = arith.constant 256 : index
        %get3A_1012 = tpu.vector_load %arg12[%get3A_1010, %get3A_1011] {strides = array<i32>} : memref<32x512xi32, #tpu.memory_space<vmem>>, vector<16xi32>,
        %shift_left3A_1013 = arith.constant 16 : i32
        %shift_left3A_1014 = vector.broadcast %shift_left3A_1013 : i32 to vector<16xi32>
        %shift_left3A_1015 = arith.shli %get3A_1012, %shift_left3A_1014 : vector<16xi32>
        %bitcast3A_1016 = vector.bitcast %shift_left3A_1015 : vector<16xi32> to vector<16xf32>
        %and3A_1017 = arith.andi %get3A_1012, %broadcast_in_dim3A_58 : vector<16xi32>
        %bitcast3A_1018 = vector.bitcast %and3A_1017 : vector<16xi32> to vector<16xf32>
        %mul3A_1019 = vector.broadcast %squeeze3A_1009 : f32 to vector<16xf32>
        %mul3A_1020 = arith.mulf %mul3A_1019, %bitcast3A_1016 : vector<16xf32>
        %add3A_1021 = arith.addf %add3A_987, %mul3A_1020 : vector<16xf32>
        %mul3A_1022 = vector.broadcast %squeeze3A_1009 : f32 to vector<16xf32>
        %mul3A_1023 = arith.mulf %mul3A_1022, %bitcast3A_1018 : vector<16xf32>
        %add3A_1024 = arith.addf %add3A_990, %mul3A_1023 : vector<16xf32>
        %slice3A_1025 = vector.extract_strided_slice %get3A_727 {offsets = [1], sizes = [1], strides = [1]} : vector<16xf32> to vector<1xf32>
        %squeeze3A_1026 = vector.extract %slice3A_1025[0] : f32 from vector<1xf32>
        %get3A_1027 = arith.index_cast %add3A_676 : i32 to index
        %get3A_1028 = arith.constant 272 : index
        %get3A_1029 = tpu.vector_load %arg12[%get3A_1027, %get3A_1028] {strides = array<i32>} : memref<32x512xi32, #tpu.memory_space<vmem>>, vector<16xi32>,
        %shift_left3A_1030 = arith.constant 16 : i32
        %shift_left3A_1031 = vector.broadcast %shift_left3A_1030 : i32 to vector<16xi32>
        %shift_left3A_1032 = arith.shli %get3A_1029, %shift_left3A_1031 : vector<16xi32>
        %bitcast3A_1033 = vector.bitcast %shift_left3A_1032 : vector<16xi32> to vector<16xf32>
        %and3A_1034 = arith.andi %get3A_1029, %broadcast_in_dim3A_58 : vector<16xi32>
        %bitcast3A_1035 = vector.bitcast %and3A_1034 : vector<16xi32> to vector<16xf32>
        %mul3A_1036 = vector.broadcast %squeeze3A_1026 : f32 to vector<16xf32>
        %mul3A_1037 = arith.mulf %mul3A_1036, %bitcast3A_1033 : vector<16xf32>
        %add3A_1038 = arith.addf %add3A_1004, %mul3A_1037 : vector<16xf32>
        %mul3A_1039 = vector.broadcast %squeeze3A_1026 : f32 to vector<16xf32>
        %mul3A_1040 = arith.mulf %mul3A_1039, %bitcast3A_1035 : vector<16xf32>
        %add3A_1041 = arith.addf %add3A_1007, %mul3A_1040 : vector<16xf32>
        %slice3A_1042 = vector.extract_strided_slice %get3A_727 {offsets = [2], sizes = [1], strides = [1]} : vector<16xf32> to vector<1xf32>
        %squeeze3A_1043 = vector.extract %slice3A_1042[0] : f32 from vector<1xf32>
        %get3A_1044 = arith.index_cast %add3A_676 : i32 to index
        %get3A_1045 = arith.constant 288 : index
        %get3A_1046 = tpu.vector_load %arg12[%get3A_1044, %get3A_1045] {strides = array<i32>} : memref<32x512xi32, #tpu.memory_space<vmem>>, vector<16xi32>,
        %shift_left3A_1047 = arith.constant 16 : i32
        %shift_left3A_1048 = vector.broadcast %shift_left3A_1047 : i32 to vector<16xi32>
        %shift_left3A_1049 = arith.shli %get3A_1046, %shift_left3A_1048 : vector<16xi32>
        %bitcast3A_1050 = vector.bitcast %shift_left3A_1049 : vector<16xi32> to vector<16xf32>
        %and3A_1051 = arith.andi %get3A_1046, %broadcast_in_dim3A_58 : vector<16xi32>
        %bitcast3A_1052 = vector.bitcast %and3A_1051 : vector<16xi32> to vector<16xf32>
        %mul3A_1053 = vector.broadcast %squeeze3A_1043 : f32 to vector<16xf32>
        %mul3A_1054 = arith.mulf %mul3A_1053, %bitcast3A_1050 : vector<16xf32>
        %add3A_1055 = arith.addf %add3A_1021, %mul3A_1054 : vector<16xf32>
        %mul3A_1056 = vector.broadcast %squeeze3A_1043 : f32 to vector<16xf32>
        %mul3A_1057 = arith.mulf %mul3A_1056, %bitcast3A_1052 : vector<16xf32>
        %add3A_1058 = arith.addf %add3A_1024, %mul3A_1057 : vector<16xf32>
        %slice3A_1059 = vector.extract_strided_slice %get3A_727 {offsets = [3], sizes = [1], strides = [1]} : vector<16xf32> to vector<1xf32>
        %squeeze3A_1060 = vector.extract %slice3A_1059[0] : f32 from vector<1xf32>
        %get3A_1061 = arith.index_cast %add3A_676 : i32 to index
        %get3A_1062 = arith.constant 304 : index
        %get3A_1063 = tpu.vector_load %arg12[%get3A_1061, %get3A_1062] {strides = array<i32>} : memref<32x512xi32, #tpu.memory_space<vmem>>, vector<16xi32>,
        %shift_left3A_1064 = arith.constant 16 : i32
        %shift_left3A_1065 = vector.broadcast %shift_left3A_1064 : i32 to vector<16xi32>
        %shift_left3A_1066 = arith.shli %get3A_1063, %shift_left3A_1065 : vector<16xi32>
        %bitcast3A_1067 = vector.bitcast %shift_left3A_1066 : vector<16xi32> to vector<16xf32>
        %and3A_1068 = arith.andi %get3A_1063, %broadcast_in_dim3A_58 : vector<16xi32>
        %bitcast3A_1069 = vector.bitcast %and3A_1068 : vector<16xi32> to vector<16xf32>
        %mul3A_1070 = vector.broadcast %squeeze3A_1060 : f32 to vector<16xf32>
        %mul3A_1071 = arith.mulf %mul3A_1070, %bitcast3A_1067 : vector<16xf32>
        %add3A_1072 = arith.addf %add3A_1038, %mul3A_1071 : vector<16xf32>
        %mul3A_1073 = vector.broadcast %squeeze3A_1060 : f32 to vector<16xf32>
        %mul3A_1074 = arith.mulf %mul3A_1073, %bitcast3A_1069 : vector<16xf32>
        %add3A_1075 = arith.addf %add3A_1041, %mul3A_1074 : vector<16xf32>
        %slice3A_1076 = vector.extract_strided_slice %get3A_727 {offsets = [4], sizes = [1], strides = [1]} : vector<16xf32> to vector<1xf32>
        %squeeze3A_1077 = vector.extract %slice3A_1076[0] : f32 from vector<1xf32>
        %get3A_1078 = arith.index_cast %add3A_676 : i32 to index
        %get3A_1079 = arith.constant 320 : index
        %get3A_1080 = tpu.vector_load %arg12[%get3A_1078, %get3A_1079] {strides = array<i32>} : memref<32x512xi32, #tpu.memory_space<vmem>>, vector<16xi32>,
        %shift_left3A_1081 = arith.constant 16 : i32
        %shift_left3A_1082 = vector.broadcast %shift_left3A_1081 : i32 to vector<16xi32>
        %shift_left3A_1083 = arith.shli %get3A_1080, %shift_left3A_1082 : vector<16xi32>
        %bitcast3A_1084 = vector.bitcast %shift_left3A_1083 : vector<16xi32> to vector<16xf32>
        %and3A_1085 = arith.andi %get3A_1080, %broadcast_in_dim3A_58 : vector<16xi32>
        %bitcast3A_1086 = vector.bitcast %and3A_1085 : vector<16xi32> to vector<16xf32>
        %mul3A_1087 = vector.broadcast %squeeze3A_1077 : f32 to vector<16xf32>
        %mul3A_1088 = arith.mulf %mul3A_1087, %bitcast3A_1084 : vector<16xf32>
        %add3A_1089 = arith.addf %add3A_1055, %mul3A_1088 : vector<16xf32>
        %mul3A_1090 = vector.broadcast %squeeze3A_1077 : f32 to vector<16xf32>
        %mul3A_1091 = arith.mulf %mul3A_1090, %bitcast3A_1086 : vector<16xf32>
        %add3A_1092 = arith.addf %add3A_1058, %mul3A_1091 : vector<16xf32>
        %slice3A_1093 = vector.extract_strided_slice %get3A_727 {offsets = [5], sizes = [1], strides = [1]} : vector<16xf32> to vector<1xf32>
        %squeeze3A_1094 = vector.extract %slice3A_1093[0] : f32 from vector<1xf32>
        %get3A_1095 = arith.index_cast %add3A_676 : i32 to index
        %get3A_1096 = arith.constant 336 : index
        %get3A_1097 = tpu.vector_load %arg12[%get3A_1095, %get3A_1096] {strides = array<i32>} : memref<32x512xi32, #tpu.memory_space<vmem>>, vector<16xi32>,
        %shift_left3A_1098 = arith.constant 16 : i32
        %shift_left3A_1099 = vector.broadcast %shift_left3A_1098 : i32 to vector<16xi32>
        %shift_left3A_1100 = arith.shli %get3A_1097, %shift_left3A_1099 : vector<16xi32>
        %bitcast3A_1101 = vector.bitcast %shift_left3A_1100 : vector<16xi32> to vector<16xf32>
        %and3A_1102 = arith.andi %get3A_1097, %broadcast_in_dim3A_58 : vector<16xi32>
        %bitcast3A_1103 = vector.bitcast %and3A_1102 : vector<16xi32> to vector<16xf32>
        %mul3A_1104 = vector.broadcast %squeeze3A_1094 : f32 to vector<16xf32>
        %mul3A_1105 = arith.mulf %mul3A_1104, %bitcast3A_1101 : vector<16xf32>
        %add3A_1106 = arith.addf %add3A_1072, %mul3A_1105 : vector<16xf32>
        %mul3A_1107 = vector.broadcast %squeeze3A_1094 : f32 to vector<16xf32>
        %mul3A_1108 = arith.mulf %mul3A_1107, %bitcast3A_1103 : vector<16xf32>
        %add3A_1109 = arith.addf %add3A_1075, %mul3A_1108 : vector<16xf32>
        %slice3A_1110 = vector.extract_strided_slice %get3A_727 {offsets = [6], sizes = [1], strides = [1]} : vector<16xf32> to vector<1xf32>
        %squeeze3A_1111 = vector.extract %slice3A_1110[0] : f32 from vector<1xf32>
        %get3A_1112 = arith.index_cast %add3A_676 : i32 to index
        %get3A_1113 = arith.constant 352 : index
        %get3A_1114 = tpu.vector_load %arg12[%get3A_1112, %get3A_1113] {strides = array<i32>} : memref<32x512xi32, #tpu.memory_space<vmem>>, vector<16xi32>,
        %shift_left3A_1115 = arith.constant 16 : i32
        %shift_left3A_1116 = vector.broadcast %shift_left3A_1115 : i32 to vector<16xi32>
        %shift_left3A_1117 = arith.shli %get3A_1114, %shift_left3A_1116 : vector<16xi32>
        %bitcast3A_1118 = vector.bitcast %shift_left3A_1117 : vector<16xi32> to vector<16xf32>
        %and3A_1119 = arith.andi %get3A_1114, %broadcast_in_dim3A_58 : vector<16xi32>
        %bitcast3A_1120 = vector.bitcast %and3A_1119 : vector<16xi32> to vector<16xf32>
        %mul3A_1121 = vector.broadcast %squeeze3A_1111 : f32 to vector<16xf32>
        %mul3A_1122 = arith.mulf %mul3A_1121, %bitcast3A_1118 : vector<16xf32>
        %add3A_1123 = arith.addf %add3A_1089, %mul3A_1122 : vector<16xf32>
        %mul3A_1124 = vector.broadcast %squeeze3A_1111 : f32 to vector<16xf32>
        %mul3A_1125 = arith.mulf %mul3A_1124, %bitcast3A_1120 : vector<16xf32>
        %add3A_1126 = arith.addf %add3A_1092, %mul3A_1125 : vector<16xf32>
        %slice3A_1127 = vector.extract_strided_slice %get3A_727 {offsets = [7], sizes = [1], strides = [1]} : vector<16xf32> to vector<1xf32>
        %squeeze3A_1128 = vector.extract %slice3A_1127[0] : f32 from vector<1xf32>
        %get3A_1129 = arith.index_cast %add3A_676 : i32 to index
        %get3A_1130 = arith.constant 368 : index
        %get3A_1131 = tpu.vector_load %arg12[%get3A_1129, %get3A_1130] {strides = array<i32>} : memref<32x512xi32, #tpu.memory_space<vmem>>, vector<16xi32>,
        %shift_left3A_1132 = arith.constant 16 : i32
        %shift_left3A_1133 = vector.broadcast %shift_left3A_1132 : i32 to vector<16xi32>
        %shift_left3A_1134 = arith.shli %get3A_1131, %shift_left3A_1133 : vector<16xi32>
        %bitcast3A_1135 = vector.bitcast %shift_left3A_1134 : vector<16xi32> to vector<16xf32>
        %and3A_1136 = arith.andi %get3A_1131, %broadcast_in_dim3A_58 : vector<16xi32>
        %bitcast3A_1137 = vector.bitcast %and3A_1136 : vector<16xi32> to vector<16xf32>
        %mul3A_1138 = vector.broadcast %squeeze3A_1128 : f32 to vector<16xf32>
        %mul3A_1139 = arith.mulf %mul3A_1138, %bitcast3A_1135 : vector<16xf32>
        %add3A_1140 = arith.addf %add3A_1106, %mul3A_1139 : vector<16xf32>
        %mul3A_1141 = vector.broadcast %squeeze3A_1128 : f32 to vector<16xf32>
        %mul3A_1142 = arith.mulf %mul3A_1141, %bitcast3A_1137 : vector<16xf32>
        %add3A_1143 = arith.addf %add3A_1109, %mul3A_1142 : vector<16xf32>
        %slice3A_1144 = vector.extract_strided_slice %get3A_727 {offsets = [8], sizes = [1], strides = [1]} : vector<16xf32> to vector<1xf32>
        %squeeze3A_1145 = vector.extract %slice3A_1144[0] : f32 from vector<1xf32>
        %get3A_1146 = arith.index_cast %add3A_676 : i32 to index
        %get3A_1147 = arith.constant 384 : index
        %get3A_1148 = tpu.vector_load %arg12[%get3A_1146, %get3A_1147] {strides = array<i32>} : memref<32x512xi32, #tpu.memory_space<vmem>>, vector<16xi32>,
        %shift_left3A_1149 = arith.constant 16 : i32
        %shift_left3A_1150 = vector.broadcast %shift_left3A_1149 : i32 to vector<16xi32>
        %shift_left3A_1151 = arith.shli %get3A_1148, %shift_left3A_1150 : vector<16xi32>
        %bitcast3A_1152 = vector.bitcast %shift_left3A_1151 : vector<16xi32> to vector<16xf32>
        %and3A_1153 = arith.andi %get3A_1148, %broadcast_in_dim3A_58 : vector<16xi32>
        %bitcast3A_1154 = vector.bitcast %and3A_1153 : vector<16xi32> to vector<16xf32>
        %mul3A_1155 = vector.broadcast %squeeze3A_1145 : f32 to vector<16xf32>
        %mul3A_1156 = arith.mulf %mul3A_1155, %bitcast3A_1152 : vector<16xf32>
        %add3A_1157 = arith.addf %add3A_1123, %mul3A_1156 : vector<16xf32>
        %mul3A_1158 = vector.broadcast %squeeze3A_1145 : f32 to vector<16xf32>
        %mul3A_1159 = arith.mulf %mul3A_1158, %bitcast3A_1154 : vector<16xf32>
        %add3A_1160 = arith.addf %add3A_1126, %mul3A_1159 : vector<16xf32>
        %slice3A_1161 = vector.extract_strided_slice %get3A_727 {offsets = [9], sizes = [1], strides = [1]} : vector<16xf32> to vector<1xf32>
        %squeeze3A_1162 = vector.extract %slice3A_1161[0] : f32 from vector<1xf32>
        %get3A_1163 = arith.index_cast %add3A_676 : i32 to index
        %get3A_1164 = arith.constant 400 : index
        %get3A_1165 = tpu.vector_load %arg12[%get3A_1163, %get3A_1164] {strides = array<i32>} : memref<32x512xi32, #tpu.memory_space<vmem>>, vector<16xi32>,
        %shift_left3A_1166 = arith.constant 16 : i32
        %shift_left3A_1167 = vector.broadcast %shift_left3A_1166 : i32 to vector<16xi32>
        %shift_left3A_1168 = arith.shli %get3A_1165, %shift_left3A_1167 : vector<16xi32>
        %bitcast3A_1169 = vector.bitcast %shift_left3A_1168 : vector<16xi32> to vector<16xf32>
        %and3A_1170 = arith.andi %get3A_1165, %broadcast_in_dim3A_58 : vector<16xi32>
        %bitcast3A_1171 = vector.bitcast %and3A_1170 : vector<16xi32> to vector<16xf32>
        %mul3A_1172 = vector.broadcast %squeeze3A_1162 : f32 to vector<16xf32>
        %mul3A_1173 = arith.mulf %mul3A_1172, %bitcast3A_1169 : vector<16xf32>
        %add3A_1174 = arith.addf %add3A_1140, %mul3A_1173 : vector<16xf32>
        %mul3A_1175 = vector.broadcast %squeeze3A_1162 : f32 to vector<16xf32>
        %mul3A_1176 = arith.mulf %mul3A_1175, %bitcast3A_1171 : vector<16xf32>
        %add3A_1177 = arith.addf %add3A_1143, %mul3A_1176 : vector<16xf32>
        %slice3A_1178 = vector.extract_strided_slice %get3A_727 {offsets = [10], sizes = [1], strides = [1]} : vector<16xf32> to vector<1xf32>
        %squeeze3A_1179 = vector.extract %slice3A_1178[0] : f32 from vector<1xf32>
        %get3A_1180 = arith.index_cast %add3A_676 : i32 to index
        %get3A_1181 = arith.constant 416 : index
        %get3A_1182 = tpu.vector_load %arg12[%get3A_1180, %get3A_1181] {strides = array<i32>} : memref<32x512xi32, #tpu.memory_space<vmem>>, vector<16xi32>,
        %shift_left3A_1183 = arith.constant 16 : i32
        %shift_left3A_1184 = vector.broadcast %shift_left3A_1183 : i32 to vector<16xi32>
        %shift_left3A_1185 = arith.shli %get3A_1182, %shift_left3A_1184 : vector<16xi32>
        %bitcast3A_1186 = vector.bitcast %shift_left3A_1185 : vector<16xi32> to vector<16xf32>
        %and3A_1187 = arith.andi %get3A_1182, %broadcast_in_dim3A_58 : vector<16xi32>
        %bitcast3A_1188 = vector.bitcast %and3A_1187 : vector<16xi32> to vector<16xf32>
        %mul3A_1189 = vector.broadcast %squeeze3A_1179 : f32 to vector<16xf32>
        %mul3A_1190 = arith.mulf %mul3A_1189, %bitcast3A_1186 : vector<16xf32>
        %add3A_1191 = arith.addf %add3A_1157, %mul3A_1190 : vector<16xf32>
        %mul3A_1192 = vector.broadcast %squeeze3A_1179 : f32 to vector<16xf32>
        %mul3A_1193 = arith.mulf %mul3A_1192, %bitcast3A_1188 : vector<16xf32>
        %add3A_1194 = arith.addf %add3A_1160, %mul3A_1193 : vector<16xf32>
        %slice3A_1195 = vector.extract_strided_slice %get3A_727 {offsets = [11], sizes = [1], strides = [1]} : vector<16xf32> to vector<1xf32>
        %squeeze3A_1196 = vector.extract %slice3A_1195[0] : f32 from vector<1xf32>
        %get3A_1197 = arith.index_cast %add3A_676 : i32 to index
        %get3A_1198 = arith.constant 432 : index
        %get3A_1199 = tpu.vector_load %arg12[%get3A_1197, %get3A_1198] {strides = array<i32>} : memref<32x512xi32, #tpu.memory_space<vmem>>, vector<16xi32>,
        %shift_left3A_1200 = arith.constant 16 : i32
        %shift_left3A_1201 = vector.broadcast %shift_left3A_1200 : i32 to vector<16xi32>
        %shift_left3A_1202 = arith.shli %get3A_1199, %shift_left3A_1201 : vector<16xi32>
        %bitcast3A_1203 = vector.bitcast %shift_left3A_1202 : vector<16xi32> to vector<16xf32>
        %and3A_1204 = arith.andi %get3A_1199, %broadcast_in_dim3A_58 : vector<16xi32>
        %bitcast3A_1205 = vector.bitcast %and3A_1204 : vector<16xi32> to vector<16xf32>
        %mul3A_1206 = vector.broadcast %squeeze3A_1196 : f32 to vector<16xf32>
        %mul3A_1207 = arith.mulf %mul3A_1206, %bitcast3A_1203 : vector<16xf32>
        %add3A_1208 = arith.addf %add3A_1174, %mul3A_1207 : vector<16xf32>
        %mul3A_1209 = vector.broadcast %squeeze3A_1196 : f32 to vector<16xf32>
        %mul3A_1210 = arith.mulf %mul3A_1209, %bitcast3A_1205 : vector<16xf32>
        %add3A_1211 = arith.addf %add3A_1177, %mul3A_1210 : vector<16xf32>
        %slice3A_1212 = vector.extract_strided_slice %get3A_727 {offsets = [12], sizes = [1], strides = [1]} : vector<16xf32> to vector<1xf32>
        %squeeze3A_1213 = vector.extract %slice3A_1212[0] : f32 from vector<1xf32>
        %get3A_1214 = arith.index_cast %add3A_676 : i32 to index
        %get3A_1215 = arith.constant 448 : index
        %get3A_1216 = tpu.vector_load %arg12[%get3A_1214, %get3A_1215] {strides = array<i32>} : memref<32x512xi32, #tpu.memory_space<vmem>>, vector<16xi32>,
        %shift_left3A_1217 = arith.constant 16 : i32
        %shift_left3A_1218 = vector.broadcast %shift_left3A_1217 : i32 to vector<16xi32>
        %shift_left3A_1219 = arith.shli %get3A_1216, %shift_left3A_1218 : vector<16xi32>
        %bitcast3A_1220 = vector.bitcast %shift_left3A_1219 : vector<16xi32> to vector<16xf32>
        %and3A_1221 = arith.andi %get3A_1216, %broadcast_in_dim3A_58 : vector<16xi32>
        %bitcast3A_1222 = vector.bitcast %and3A_1221 : vector<16xi32> to vector<16xf32>
        %mul3A_1223 = vector.broadcast %squeeze3A_1213 : f32 to vector<16xf32>
        %mul3A_1224 = arith.mulf %mul3A_1223, %bitcast3A_1220 : vector<16xf32>
        %add3A_1225 = arith.addf %add3A_1191, %mul3A_1224 : vector<16xf32>
        %mul3A_1226 = vector.broadcast %squeeze3A_1213 : f32 to vector<16xf32>
        %mul3A_1227 = arith.mulf %mul3A_1226, %bitcast3A_1222 : vector<16xf32>
        %add3A_1228 = arith.addf %add3A_1194, %mul3A_1227 : vector<16xf32>
        %slice3A_1229 = vector.extract_strided_slice %get3A_727 {offsets = [13], sizes = [1], strides = [1]} : vector<16xf32> to vector<1xf32>
        %squeeze3A_1230 = vector.extract %slice3A_1229[0] : f32 from vector<1xf32>
        %get3A_1231 = arith.index_cast %add3A_676 : i32 to index
        %get3A_1232 = arith.constant 464 : index
        %get3A_1233 = tpu.vector_load %arg12[%get3A_1231, %get3A_1232] {strides = array<i32>} : memref<32x512xi32, #tpu.memory_space<vmem>>, vector<16xi32>,
        %shift_left3A_1234 = arith.constant 16 : i32
        %shift_left3A_1235 = vector.broadcast %shift_left3A_1234 : i32 to vector<16xi32>
        %shift_left3A_1236 = arith.shli %get3A_1233, %shift_left3A_1235 : vector<16xi32>
        %bitcast3A_1237 = vector.bitcast %shift_left3A_1236 : vector<16xi32> to vector<16xf32>
        %and3A_1238 = arith.andi %get3A_1233, %broadcast_in_dim3A_58 : vector<16xi32>
        %bitcast3A_1239 = vector.bitcast %and3A_1238 : vector<16xi32> to vector<16xf32>
        %mul3A_1240 = vector.broadcast %squeeze3A_1230 : f32 to vector<16xf32>
        %mul3A_1241 = arith.mulf %mul3A_1240, %bitcast3A_1237 : vector<16xf32>
        %add3A_1242 = arith.addf %add3A_1208, %mul3A_1241 : vector<16xf32>
        %mul3A_1243 = vector.broadcast %squeeze3A_1230 : f32 to vector<16xf32>
        %mul3A_1244 = arith.mulf %mul3A_1243, %bitcast3A_1239 : vector<16xf32>
        %add3A_1245 = arith.addf %add3A_1211, %mul3A_1244 : vector<16xf32>
        %slice3A_1246 = vector.extract_strided_slice %get3A_727 {offsets = [14], sizes = [1], strides = [1]} : vector<16xf32> to vector<1xf32>
        %squeeze3A_1247 = vector.extract %slice3A_1246[0] : f32 from vector<1xf32>
        %get3A_1248 = arith.index_cast %add3A_676 : i32 to index
        %get3A_1249 = arith.constant 480 : index
        %get3A_1250 = tpu.vector_load %arg12[%get3A_1248, %get3A_1249] {strides = array<i32>} : memref<32x512xi32, #tpu.memory_space<vmem>>, vector<16xi32>,
        %shift_left3A_1251 = arith.constant 16 : i32
        %shift_left3A_1252 = vector.broadcast %shift_left3A_1251 : i32 to vector<16xi32>
        %shift_left3A_1253 = arith.shli %get3A_1250, %shift_left3A_1252 : vector<16xi32>
        %bitcast3A_1254 = vector.bitcast %shift_left3A_1253 : vector<16xi32> to vector<16xf32>
        %and3A_1255 = arith.andi %get3A_1250, %broadcast_in_dim3A_58 : vector<16xi32>
        %bitcast3A_1256 = vector.bitcast %and3A_1255 : vector<16xi32> to vector<16xf32>
        %mul3A_1257 = vector.broadcast %squeeze3A_1247 : f32 to vector<16xf32>
        %mul3A_1258 = arith.mulf %mul3A_1257, %bitcast3A_1254 : vector<16xf32>
        %add3A_1259 = arith.addf %add3A_1225, %mul3A_1258 : vector<16xf32>
        %mul3A_1260 = vector.broadcast %squeeze3A_1247 : f32 to vector<16xf32>
        %mul3A_1261 = arith.mulf %mul3A_1260, %bitcast3A_1256 : vector<16xf32>
        %add3A_1262 = arith.addf %add3A_1228, %mul3A_1261 : vector<16xf32>
        %slice3A_1263 = vector.extract_strided_slice %get3A_727 {offsets = [15], sizes = [1], strides = [1]} : vector<16xf32> to vector<1xf32>
        %squeeze3A_1264 = vector.extract %slice3A_1263[0] : f32 from vector<1xf32>
        %get3A_1265 = arith.index_cast %add3A_676 : i32 to index
        %get3A_1266 = arith.constant 496 : index
        %get3A_1267 = tpu.vector_load %arg12[%get3A_1265, %get3A_1266] {strides = array<i32>} : memref<32x512xi32, #tpu.memory_space<vmem>>, vector<16xi32>,
        %shift_left3A_1268 = arith.constant 16 : i32
        %shift_left3A_1269 = vector.broadcast %shift_left3A_1268 : i32 to vector<16xi32>
        %shift_left3A_1270 = arith.shli %get3A_1267, %shift_left3A_1269 : vector<16xi32>
        %bitcast3A_1271 = vector.bitcast %shift_left3A_1270 : vector<16xi32> to vector<16xf32>
        %and3A_1272 = arith.andi %get3A_1267, %broadcast_in_dim3A_58 : vector<16xi32>
        %bitcast3A_1273 = vector.bitcast %and3A_1272 : vector<16xi32> to vector<16xf32>
        %mul3A_1274 = vector.broadcast %squeeze3A_1264 : f32 to vector<16xf32>
        %mul3A_1275 = arith.mulf %mul3A_1274, %bitcast3A_1271 : vector<16xf32>
        %add3A_1276 = arith.addf %add3A_1242, %mul3A_1275 : vector<16xf32>
        %mul3A_1277 = vector.broadcast %squeeze3A_1264 : f32 to vector<16xf32>
        %mul3A_1278 = arith.mulf %mul3A_1277, %bitcast3A_1273 : vector<16xf32>
        %add3A_1279 = arith.addf %add3A_1245, %mul3A_1278 : vector<16xf32>
        %add3A_1280 = arith.addf %add3A_1259, %add3A_1276 : vector<16xf32>
        %swap3A_1281 = arith.index_cast %select_n3A_701 : i32 to index
        %swap3A_1282 = arith.index_cast %mul3A_719 : i32 to index
        %swap3A_1283 = tpu.vector_load %arg10[%swap3A_1281, %swap3A_1282] {strides = array<i32>} : memref<128x128xf32, #tpu.memory_space<vmem>>, vector<16xf32>,
        tpu.vector_store %arg10[%swap3A_1281, %swap3A_1282], %add3A_1280 {strides = array<i32>} : memref<128x128xf32, #tpu.memory_space<vmem>>, vector<16xf32>,
        %add3A_1284 = arith.addf %add3A_1262, %add3A_1279 : vector<16xf32>
        %add3A_1285 = arith.constant 16 : i32
        %add3A_1286 = arith.addi %mul3A_719, %add3A_1285 : i32
        %swap3A_1287 = arith.index_cast %select_n3A_701 : i32 to index
        %swap3A_1288 = arith.index_cast %add3A_1286 : i32 to index
        %swap3A_1289 = tpu.vector_load %arg10[%swap3A_1287, %swap3A_1288] {strides = array<i32>} : memref<128x128xf32, #tpu.memory_space<vmem>>, vector<16xf32>,
        tpu.vector_store %arg10[%swap3A_1287, %swap3A_1288], %add3A_1284 {strides = array<i32>} : memref<128x128xf32, #tpu.memory_space<vmem>>, vector<16xf32>,
      }
      %scan3A_63 = arith.constant 16 : i32
    }
    %scan3A_9 = arith.constant 48 : i32
    %iota3A = tpu.iota {dimensions = array<i32: 0>} : vector<16xi32>
    %scan3A_10 = arith.constant 0 : i32
    %scan3A_11 = arith.constant 16 : i32
    %scan3A_12 = arith.addi %scan3A_10, %scan3A_11 : i32
    %scan3A_13 = arith.constant 1 : i32
    scf.for %scan3A_17 = %scan3A_10 to %scan3A_12 step %scan3A_13  : i32 {
      %jit3A = arith.constant 4 : i32
      %div3A = arith.divsi %scan3A_17, %jit3A : i32
      %sign3A = arith.constant 0 : i32
      %sign3A_18 = arith.cmpi sgt, %scan3A_17, %sign3A : i32
      %sign3A_19 = arith.extui %sign3A_18 : i1 to i32
      %sign3A_20 = arith.constant 0 : i32
      %sign3A_21 = arith.cmpi slt, %scan3A_17, %sign3A_20 : i32
      %sign3A_22 = arith.extui %sign3A_21 : i1 to i32
      %sign3A_23 = arith.subi %sign3A_19, %sign3A_22 : i32
      %sign3A_24 = arith.constant 0 : i32
      %sign3A_25 = arith.cmpi sgt, %jit3A, %sign3A_24 : i32
      %sign3A_26 = arith.extui %sign3A_25 : i1 to i32
      %sign3A_27 = arith.constant 0 : i32
      %sign3A_28 = arith.cmpi slt, %jit3A, %sign3A_27 : i32
      %sign3A_29 = arith.extui %sign3A_28 : i1 to i32
      %sign3A_30 = arith.subi %sign3A_26, %sign3A_29 : i32
      %ne3A = arith.cmpi ne, %sign3A_23, %sign3A_30 : i32
      %rem3A = arith.remsi %scan3A_17, %jit3A : i32
      %ne3A_31 = arith.constant 0 : i32
      %ne3A_32 = arith.cmpi ne, %rem3A, %ne3A_31 : i32
      %and3A = arith.andi %ne3A, %ne3A_32 : i1
      %sub3A = arith.constant 1 : i32
      %sub3A_33 = arith.subi %div3A, %sub3A : i32
      %select_n3A = arith.select %and3A, %sub3A_33, %div3A : i32
      %add3A_34 = arith.constant 4 : i32
      %add3A_35 = arith.addi %add3A_34, %select_n3A : i32
      %jit3A_36 = arith.constant 4 : i32
      %eq3A = arith.constant 0 : i32
      %eq3A_37 = arith.cmpi eq, %jit3A_36, %eq3A : i32
      %jit3A_38 = arith.constant 1 : i32
      %select_n3A_39 = arith.select %eq3A_37, %jit3A_38, %jit3A_36 : i32
      %rem3A_40 = arith.remsi %scan3A_17, %select_n3A_39 : i32
      %ne3A_41 = arith.constant 0 : i32
      %ne3A_42 = arith.cmpi ne, %rem3A_40, %ne3A_41 : i32
      %lt3A = arith.constant 0 : i32
      %lt3A_43 = arith.cmpi slt, %rem3A_40, %lt3A : i32
      %lt3A_44 = arith.constant 0 : i32
      %lt3A_45 = arith.cmpi slt, %select_n3A_39, %lt3A_44 : i32
      %ne3A_46 = arith.xori %lt3A_43, %lt3A_45 : i1
      %and3A_47 = arith.andi %ne3A_46, %ne3A_42 : i1
      %add3A_48 = arith.addi %rem3A_40, %select_n3A_39 : i32
      %select_n3A_49 = arith.select %and3A_47, %add3A_48, %rem3A_40 : i32
      %mul3A_50 = arith.constant 32 : i32
      %mul3A_51 = arith.muli %select_n3A_49, %mul3A_50 : i32
      %dma_start3A = tpu.memref_slice %arg8[%add3A_35, %mul3A_51] : memref<8x128xi32, #tpu.memory_space<vmem>> -> memref<1x32xi32, #tpu.memory_space<vmem>>
      %dma_start3A_52 = tpu.memref_squeeze %dma_start3A : memref<1x32xi32, #tpu.memory_space<vmem>> -> memref<32xi32, #tpu.memory_space<vmem>>
      %dma_start3A_53 = arith.constant 0 : i32
      %dma_start3A_54 = arith.constant 0 : i32
      %dma_start3A_55 = tpu.memref_slice %arg6[%dma_start3A_53, %dma_start3A_54] : memref<128x128xf32, #tpu.memory_space<hbm>> -> memref<128x128xf32, #tpu.memory_space<hbm>>
      tpu.enqueue_indirect_dma source(%dma_start3A_55 : memref<128x128xf32, #tpu.memory_space<hbm>>) target(%arg13 : memref<32x128xf32, #tpu.memory_space<vmem>>) offsets(%dma_start3A_52 : memref<32xi32, #tpu.memory_space<vmem>>) semaphore(%arg16 : memref<!tpu.dma_semaphore, #tpu.memory_space<semaphore_mem>>)
      %dma_wait3A = tpu.memref_slice %arg8[%add3A_35, %mul3A_51] : memref<8x128xi32, #tpu.memory_space<vmem>> -> memref<1x32xi32, #tpu.memory_space<vmem>>
      %dma_wait3A_56 = tpu.memref_squeeze %dma_wait3A : memref<1x32xi32, #tpu.memory_space<vmem>> -> memref<32xi32, #tpu.memory_space<vmem>>
      %dma_wait3A_57 = arith.constant 0 : i32
      %dma_wait3A_58 = arith.constant 0 : i32
      %dma_wait3A_59 = tpu.memref_slice %arg6[%dma_wait3A_57, %dma_wait3A_58] : memref<128x128xf32, #tpu.memory_space<hbm>> -> memref<128x128xf32, #tpu.memory_space<hbm>>
      tpu.wait_indirect_dma semaphore(%arg16 : memref<!tpu.dma_semaphore, #tpu.memory_space<semaphore_mem>>) src(%dma_wait3A_59 : memref<128x128xf32, #tpu.memory_space<hbm>>) dst(%arg13 : memref<32x128xf32, #tpu.memory_space<vmem>>)
      %scan3A_60 = arith.constant 0 : i32
      %scan3A_61 = arith.constant 2 : i32
      %scan3A_62 = arith.addi %scan3A_60, %scan3A_61 : i32
      %scan3A_63 = arith.constant 1 : i32
      scf.for %scan3A_65 = %scan3A_60 to %scan3A_62 step %scan3A_63  : i32 {
        %broadcast_in_dim3A = arith.constant 0.000000e+00 : f32
        %broadcast_in_dim3A_66 = vector.broadcast %broadcast_in_dim3A : f32 to vector<16xf32>
        %mul3A_67 = arith.constant 16 : i32
        %mul3A_68 = arith.muli %scan3A_65, %mul3A_67 : i32
        %add3A_69 = arith.constant 0 : i32
        %add3A_70 = arith.addi %mul3A_68, %add3A_69 : i32
        %mul3A_71 = arith.constant 32 : i32
        %mul3A_72 = arith.muli %scan3A_17, %mul3A_71 : i32
        %add3A_73 = arith.addi %mul3A_72, %add3A_70 : i32
        %jit3A_74 = arith.constant 4 : i32
        %div3A_75 = arith.divsi %add3A_73, %jit3A_74 : i32
        %sign3A_76 = arith.constant 0 : i32
        %sign3A_77 = arith.cmpi sgt, %add3A_73, %sign3A_76 : i32
        %sign3A_78 = arith.extui %sign3A_77 : i1 to i32
        %sign3A_79 = arith.constant 0 : i32
        %sign3A_80 = arith.cmpi slt, %add3A_73, %sign3A_79 : i32
        %sign3A_81 = arith.extui %sign3A_80 : i1 to i32
        %sign3A_82 = arith.subi %sign3A_78, %sign3A_81 : i32
        %sign3A_83 = arith.constant 0 : i32
        %sign3A_84 = arith.cmpi sgt, %jit3A_74, %sign3A_83 : i32
        %sign3A_85 = arith.extui %sign3A_84 : i1 to i32
        %sign3A_86 = arith.constant 0 : i32
        %sign3A_87 = arith.cmpi slt, %jit3A_74, %sign3A_86 : i32
        %sign3A_88 = arith.extui %sign3A_87 : i1 to i32
        %sign3A_89 = arith.subi %sign3A_85, %sign3A_88 : i32
        %ne3A_90 = arith.cmpi ne, %sign3A_82, %sign3A_89 : i32
        %rem3A_91 = arith.remsi %add3A_73, %jit3A_74 : i32
        %ne3A_92 = arith.constant 0 : i32
        %ne3A_93 = arith.cmpi ne, %rem3A_91, %ne3A_92 : i32
        %and3A_94 = arith.andi %ne3A_90, %ne3A_93 : i1
        %sub3A_95 = arith.constant 1 : i32
        %sub3A_96 = arith.subi %div3A_75, %sub3A_95 : i32
        %select_n3A_97 = arith.select %and3A_94, %sub3A_96, %div3A_75 : i32
        %jit3A_98 = arith.constant 4 : i32
        %eq3A_99 = arith.constant 0 : i32
        %eq3A_100 = arith.cmpi eq, %jit3A_98, %eq3A_99 : i32
        %jit3A_101 = arith.constant 1 : i32
        %select_n3A_102 = arith.select %eq3A_100, %jit3A_101, %jit3A_98 : i32
        %rem3A_103 = arith.remsi %add3A_73, %select_n3A_102 : i32
        %ne3A_104 = arith.constant 0 : i32
        %ne3A_105 = arith.cmpi ne, %rem3A_103, %ne3A_104 : i32
        %lt3A_106 = arith.constant 0 : i32
        %lt3A_107 = arith.cmpi slt, %rem3A_103, %lt3A_106 : i32
        %lt3A_108 = arith.constant 0 : i32
        %lt3A_109 = arith.cmpi slt, %select_n3A_102, %lt3A_108 : i32
        %ne3A_110 = arith.xori %lt3A_107, %lt3A_109 : i1
        %and3A_111 = arith.andi %ne3A_110, %ne3A_105 : i1
        %add3A_112 = arith.addi %rem3A_103, %select_n3A_102 : i32
        %select_n3A_113 = arith.select %and3A_111, %add3A_112, %rem3A_103 : i32
        %mul3A_114 = arith.constant 32 : i32
        %mul3A_115 = arith.muli %select_n3A_113, %mul3A_114 : i32
        %get3A = arith.index_cast %select_n3A_97 : i32 to index
        %get3A_116 = arith.index_cast %mul3A_115 : i32 to index
        %get3A_117 = tpu.vector_load %arg10[%get3A, %get3A_116] {strides = array<i32>} : memref<128x128xf32, #tpu.memory_space<vmem>>, vector<16xf32>,
        %add3A_118 = arith.constant 16 : i32
        %add3A_119 = arith.addi %mul3A_115, %add3A_118 : i32
        %get3A_120 = arith.index_cast %select_n3A_97 : i32 to index
        %get3A_121 = arith.index_cast %add3A_119 : i32 to index
        %get3A_122 = tpu.vector_load %arg10[%get3A_120, %get3A_121] {strides = array<i32>} : memref<128x128xf32, #tpu.memory_space<vmem>>, vector<16xf32>,
        %get3A_123 = arith.index_cast %add3A_70 : i32 to index
        %get3A_124 = arith.constant 0 : index
        %get3A_125 = tpu.vector_load %arg13[%get3A_123, %get3A_124] {strides = array<i32>} : memref<32x128xf32, #tpu.memory_space<vmem>>, vector<16xf32>,
        %mul3A_126 = arith.mulf %get3A_117, %get3A_125 : vector<16xf32>
        %get3A_127 = arith.index_cast %add3A_70 : i32 to index
        %get3A_128 = arith.constant 16 : index
        %get3A_129 = tpu.vector_load %arg13[%get3A_127, %get3A_128] {strides = array<i32>} : memref<32x128xf32, #tpu.memory_space<vmem>>, vector<16xf32>,
        %mul3A_130 = arith.mulf %get3A_122, %get3A_129 : vector<16xf32>
        %add3A_131 = arith.addf %mul3A_126, %mul3A_130 : vector<16xf32>
        %slice3A = vector.extract_strided_slice %add3A_131 {offsets = [0], sizes = [1], strides = [1]} : vector<16xf32> to vector<1xf32>
        %squeeze3A = vector.extract %slice3A[0] : f32 from vector<1xf32>
        %slice3A_132 = vector.extract_strided_slice %add3A_131 {offsets = [1], sizes = [1], strides = [1]} : vector<16xf32> to vector<1xf32>
        %squeeze3A_133 = vector.extract %slice3A_132[0] : f32 from vector<1xf32>
        %add3A_134 = arith.addf %squeeze3A, %squeeze3A_133 : f32
        %slice3A_135 = vector.extract_strided_slice %add3A_131 {offsets = [2], sizes = [1], strides = [1]} : vector<16xf32> to vector<1xf32>
        %squeeze3A_136 = vector.extract %slice3A_135[0] : f32 from vector<1xf32>
        %add3A_137 = arith.addf %add3A_134, %squeeze3A_136 : f32
        %slice3A_138 = vector.extract_strided_slice %add3A_131 {offsets = [3], sizes = [1], strides = [1]} : vector<16xf32> to vector<1xf32>
        %squeeze3A_139 = vector.extract %slice3A_138[0] : f32 from vector<1xf32>
        %add3A_140 = arith.addf %add3A_137, %squeeze3A_139 : f32
        %slice3A_141 = vector.extract_strided_slice %add3A_131 {offsets = [4], sizes = [1], strides = [1]} : vector<16xf32> to vector<1xf32>
        %squeeze3A_142 = vector.extract %slice3A_141[0] : f32 from vector<1xf32>
        %add3A_143 = arith.addf %add3A_140, %squeeze3A_142 : f32
        %slice3A_144 = vector.extract_strided_slice %add3A_131 {offsets = [5], sizes = [1], strides = [1]} : vector<16xf32> to vector<1xf32>
        %squeeze3A_145 = vector.extract %slice3A_144[0] : f32 from vector<1xf32>
        %add3A_146 = arith.addf %add3A_143, %squeeze3A_145 : f32
        %slice3A_147 = vector.extract_strided_slice %add3A_131 {offsets = [6], sizes = [1], strides = [1]} : vector<16xf32> to vector<1xf32>
        %squeeze3A_148 = vector.extract %slice3A_147[0] : f32 from vector<1xf32>
        %add3A_149 = arith.addf %add3A_146, %squeeze3A_148 : f32
        %slice3A_150 = vector.extract_strided_slice %add3A_131 {offsets = [7], sizes = [1], strides = [1]} : vector<16xf32> to vector<1xf32>
        %squeeze3A_151 = vector.extract %slice3A_150[0] : f32 from vector<1xf32>
        %add3A_152 = arith.addf %add3A_149, %squeeze3A_151 : f32
        %slice3A_153 = vector.extract_strided_slice %add3A_131 {offsets = [8], sizes = [1], strides = [1]} : vector<16xf32> to vector<1xf32>
        %squeeze3A_154 = vector.extract %slice3A_153[0] : f32 from vector<1xf32>
        %add3A_155 = arith.addf %add3A_152, %squeeze3A_154 : f32
        %slice3A_156 = vector.extract_strided_slice %add3A_131 {offsets = [9], sizes = [1], strides = [1]} : vector<16xf32> to vector<1xf32>
        %squeeze3A_157 = vector.extract %slice3A_156[0] : f32 from vector<1xf32>
        %add3A_158 = arith.addf %add3A_155, %squeeze3A_157 : f32
        %slice3A_159 = vector.extract_strided_slice %add3A_131 {offsets = [10], sizes = [1], strides = [1]} : vector<16xf32> to vector<1xf32>
        %squeeze3A_160 = vector.extract %slice3A_159[0] : f32 from vector<1xf32>
        %add3A_161 = arith.addf %add3A_158, %squeeze3A_160 : f32
        %slice3A_162 = vector.extract_strided_slice %add3A_131 {offsets = [11], sizes = [1], strides = [1]} : vector<16xf32> to vector<1xf32>
        %squeeze3A_163 = vector.extract %slice3A_162[0] : f32 from vector<1xf32>
        %add3A_164 = arith.addf %add3A_161, %squeeze3A_163 : f32
        %slice3A_165 = vector.extract_strided_slice %add3A_131 {offsets = [12], sizes = [1], strides = [1]} : vector<16xf32> to vector<1xf32>
        %squeeze3A_166 = vector.extract %slice3A_165[0] : f32 from vector<1xf32>
        %add3A_167 = arith.addf %add3A_164, %squeeze3A_166 : f32
        %slice3A_168 = vector.extract_strided_slice %add3A_131 {offsets = [13], sizes = [1], strides = [1]} : vector<16xf32> to vector<1xf32>
        %squeeze3A_169 = vector.extract %slice3A_168[0] : f32 from vector<1xf32>
        %add3A_170 = arith.addf %add3A_167, %squeeze3A_169 : f32
        %slice3A_171 = vector.extract_strided_slice %add3A_131 {offsets = [14], sizes = [1], strides = [1]} : vector<16xf32> to vector<1xf32>
        %squeeze3A_172 = vector.extract %slice3A_171[0] : f32 from vector<1xf32>
        %add3A_173 = arith.addf %add3A_170, %squeeze3A_172 : f32
        %slice3A_174 = vector.extract_strided_slice %add3A_131 {offsets = [15], sizes = [1], strides = [1]} : vector<16xf32> to vector<1xf32>
        %squeeze3A_175 = vector.extract %slice3A_174[0] : f32 from vector<1xf32>
        %add3A_176 = arith.addf %add3A_173, %squeeze3A_175 : f32
        %eq3A_177 = arith.constant 0 : i32
        %eq3A_178 = vector.broadcast %eq3A_177 : i32 to vector<16xi32>
        %eq3A_179 = arith.cmpi eq, %iota3A, %eq3A_178 : vector<16xi32>
        %broadcast_in_dim3A_180 = vector.broadcast %add3A_176 : f32 to vector<16xf32>
        %select_n3A_181 = arith.select %eq3A_179, %broadcast_in_dim3A_180, %broadcast_in_dim3A_66 : vector<16xi1>, vector<16xf32>
        %mul3A_182 = arith.constant 16 : i32
        %mul3A_183 = arith.muli %scan3A_65, %mul3A_182 : i32
        %add3A_184 = arith.constant 1 : i32
        %add3A_185 = arith.addi %mul3A_183, %add3A_184 : i32
        %mul3A_186 = arith.constant 32 : i32
        %mul3A_187 = arith.muli %scan3A_17, %mul3A_186 : i32
        %add3A_188 = arith.addi %mul3A_187, %add3A_185 : i32
        %jit3A_189 = arith.constant 4 : i32
        %div3A_190 = arith.divsi %add3A_188, %jit3A_189 : i32
        %sign3A_191 = arith.constant 0 : i32
        %sign3A_192 = arith.cmpi sgt, %add3A_188, %sign3A_191 : i32
        %sign3A_193 = arith.extui %sign3A_192 : i1 to i32
        %sign3A_194 = arith.constant 0 : i32
        %sign3A_195 = arith.cmpi slt, %add3A_188, %sign3A_194 : i32
        %sign3A_196 = arith.extui %sign3A_195 : i1 to i32
        %sign3A_197 = arith.subi %sign3A_193, %sign3A_196 : i32
        %sign3A_198 = arith.constant 0 : i32
        %sign3A_199 = arith.cmpi sgt, %jit3A_189, %sign3A_198 : i32
        %sign3A_200 = arith.extui %sign3A_199 : i1 to i32
        %sign3A_201 = arith.constant 0 : i32
        %sign3A_202 = arith.cmpi slt, %jit3A_189, %sign3A_201 : i32
        %sign3A_203 = arith.extui %sign3A_202 : i1 to i32
        %sign3A_204 = arith.subi %sign3A_200, %sign3A_203 : i32
        %ne3A_205 = arith.cmpi ne, %sign3A_197, %sign3A_204 : i32
        %rem3A_206 = arith.remsi %add3A_188, %jit3A_189 : i32
        %ne3A_207 = arith.constant 0 : i32
        %ne3A_208 = arith.cmpi ne, %rem3A_206, %ne3A_207 : i32
        %and3A_209 = arith.andi %ne3A_205, %ne3A_208 : i1
        %sub3A_210 = arith.constant 1 : i32
        %sub3A_211 = arith.subi %div3A_190, %sub3A_210 : i32
        %select_n3A_212 = arith.select %and3A_209, %sub3A_211, %div3A_190 : i32
        %jit3A_213 = arith.constant 4 : i32
        %eq3A_214 = arith.constant 0 : i32
        %eq3A_215 = arith.cmpi eq, %jit3A_213, %eq3A_214 : i32
        %jit3A_216 = arith.constant 1 : i32
        %select_n3A_217 = arith.select %eq3A_215, %jit3A_216, %jit3A_213 : i32
        %rem3A_218 = arith.remsi %add3A_188, %select_n3A_217 : i32
        %ne3A_219 = arith.constant 0 : i32
        %ne3A_220 = arith.cmpi ne, %rem3A_218, %ne3A_219 : i32
        %lt3A_221 = arith.constant 0 : i32
        %lt3A_222 = arith.cmpi slt, %rem3A_218, %lt3A_221 : i32
        %lt3A_223 = arith.constant 0 : i32
        %lt3A_224 = arith.cmpi slt, %select_n3A_217, %lt3A_223 : i32
        %ne3A_225 = arith.xori %lt3A_222, %lt3A_224 : i1
        %and3A_226 = arith.andi %ne3A_225, %ne3A_220 : i1
        %add3A_227 = arith.addi %rem3A_218, %select_n3A_217 : i32
        %select_n3A_228 = arith.select %and3A_226, %add3A_227, %rem3A_218 : i32
        %mul3A_229 = arith.constant 32 : i32
        %mul3A_230 = arith.muli %select_n3A_228, %mul3A_229 : i32
        %get3A_231 = arith.index_cast %select_n3A_212 : i32 to index
        %get3A_232 = arith.index_cast %mul3A_230 : i32 to index
        %get3A_233 = tpu.vector_load %arg10[%get3A_231, %get3A_232] {strides = array<i32>} : memref<128x128xf32, #tpu.memory_space<vmem>>, vector<16xf32>,
        %add3A_234 = arith.constant 16 : i32
        %add3A_235 = arith.addi %mul3A_230, %add3A_234 : i32
        %get3A_236 = arith.index_cast %select_n3A_212 : i32 to index
        %get3A_237 = arith.index_cast %add3A_235 : i32 to index
        %get3A_238 = tpu.vector_load %arg10[%get3A_236, %get3A_237] {strides = array<i32>} : memref<128x128xf32, #tpu.memory_space<vmem>>, vector<16xf32>,
        %get3A_239 = arith.index_cast %add3A_185 : i32 to index
        %get3A_240 = arith.constant 0 : index
        %get3A_241 = tpu.vector_load %arg13[%get3A_239, %get3A_240] {strides = array<i32>} : memref<32x128xf32, #tpu.memory_space<vmem>>, vector<16xf32>,
        %mul3A_242 = arith.mulf %get3A_233, %get3A_241 : vector<16xf32>
        %get3A_243 = arith.index_cast %add3A_185 : i32 to index
        %get3A_244 = arith.constant 16 : index
        %get3A_245 = tpu.vector_load %arg13[%get3A_243, %get3A_244] {strides = array<i32>} : memref<32x128xf32, #tpu.memory_space<vmem>>, vector<16xf32>,
        %mul3A_246 = arith.mulf %get3A_238, %get3A_245 : vector<16xf32>
        %add3A_247 = arith.addf %mul3A_242, %mul3A_246 : vector<16xf32>
        %slice3A_248 = vector.extract_strided_slice %add3A_247 {offsets = [0], sizes = [1], strides = [1]} : vector<16xf32> to vector<1xf32>
        %squeeze3A_249 = vector.extract %slice3A_248[0] : f32 from vector<1xf32>
        %slice3A_250 = vector.extract_strided_slice %add3A_247 {offsets = [1], sizes = [1], strides = [1]} : vector<16xf32> to vector<1xf32>
        %squeeze3A_251 = vector.extract %slice3A_250[0] : f32 from vector<1xf32>
        %add3A_252 = arith.addf %squeeze3A_249, %squeeze3A_251 : f32
        %slice3A_253 = vector.extract_strided_slice %add3A_247 {offsets = [2], sizes = [1], strides = [1]} : vector<16xf32> to vector<1xf32>
        %squeeze3A_254 = vector.extract %slice3A_253[0] : f32 from vector<1xf32>
        %add3A_255 = arith.addf %add3A_252, %squeeze3A_254 : f32
        %slice3A_256 = vector.extract_strided_slice %add3A_247 {offsets = [3], sizes = [1], strides = [1]} : vector<16xf32> to vector<1xf32>
        %squeeze3A_257 = vector.extract %slice3A_256[0] : f32 from vector<1xf32>
        %add3A_258 = arith.addf %add3A_255, %squeeze3A_257 : f32
        %slice3A_259 = vector.extract_strided_slice %add3A_247 {offsets = [4], sizes = [1], strides = [1]} : vector<16xf32> to vector<1xf32>
        %squeeze3A_260 = vector.extract %slice3A_259[0] : f32 from vector<1xf32>
        %add3A_261 = arith.addf %add3A_258, %squeeze3A_260 : f32
        %slice3A_262 = vector.extract_strided_slice %add3A_247 {offsets = [5], sizes = [1], strides = [1]} : vector<16xf32> to vector<1xf32>
        %squeeze3A_263 = vector.extract %slice3A_262[0] : f32 from vector<1xf32>
        %add3A_264 = arith.addf %add3A_261, %squeeze3A_263 : f32
        %slice3A_265 = vector.extract_strided_slice %add3A_247 {offsets = [6], sizes = [1], strides = [1]} : vector<16xf32> to vector<1xf32>
        %squeeze3A_266 = vector.extract %slice3A_265[0] : f32 from vector<1xf32>
        %add3A_267 = arith.addf %add3A_264, %squeeze3A_266 : f32
        %slice3A_268 = vector.extract_strided_slice %add3A_247 {offsets = [7], sizes = [1], strides = [1]} : vector<16xf32> to vector<1xf32>
        %squeeze3A_269 = vector.extract %slice3A_268[0] : f32 from vector<1xf32>
        %add3A_270 = arith.addf %add3A_267, %squeeze3A_269 : f32
        %slice3A_271 = vector.extract_strided_slice %add3A_247 {offsets = [8], sizes = [1], strides = [1]} : vector<16xf32> to vector<1xf32>
        %squeeze3A_272 = vector.extract %slice3A_271[0] : f32 from vector<1xf32>
        %add3A_273 = arith.addf %add3A_270, %squeeze3A_272 : f32
        %slice3A_274 = vector.extract_strided_slice %add3A_247 {offsets = [9], sizes = [1], strides = [1]} : vector<16xf32> to vector<1xf32>
        %squeeze3A_275 = vector.extract %slice3A_274[0] : f32 from vector<1xf32>
        %add3A_276 = arith.addf %add3A_273, %squeeze3A_275 : f32
        %slice3A_277 = vector.extract_strided_slice %add3A_247 {offsets = [10], sizes = [1], strides = [1]} : vector<16xf32> to vector<1xf32>
        %squeeze3A_278 = vector.extract %slice3A_277[0] : f32 from vector<1xf32>
        %add3A_279 = arith.addf %add3A_276, %squeeze3A_278 : f32
        %slice3A_280 = vector.extract_strided_slice %add3A_247 {offsets = [11], sizes = [1], strides = [1]} : vector<16xf32> to vector<1xf32>
        %squeeze3A_281 = vector.extract %slice3A_280[0] : f32 from vector<1xf32>
        %add3A_282 = arith.addf %add3A_279, %squeeze3A_281 : f32
        %slice3A_283 = vector.extract_strided_slice %add3A_247 {offsets = [12], sizes = [1], strides = [1]} : vector<16xf32> to vector<1xf32>
        %squeeze3A_284 = vector.extract %slice3A_283[0] : f32 from vector<1xf32>
        %add3A_285 = arith.addf %add3A_282, %squeeze3A_284 : f32
        %slice3A_286 = vector.extract_strided_slice %add3A_247 {offsets = [13], sizes = [1], strides = [1]} : vector<16xf32> to vector<1xf32>
        %squeeze3A_287 = vector.extract %slice3A_286[0] : f32 from vector<1xf32>
        %add3A_288 = arith.addf %add3A_285, %squeeze3A_287 : f32
        %slice3A_289 = vector.extract_strided_slice %add3A_247 {offsets = [14], sizes = [1], strides = [1]} : vector<16xf32> to vector<1xf32>
        %squeeze3A_290 = vector.extract %slice3A_289[0] : f32 from vector<1xf32>
        %add3A_291 = arith.addf %add3A_288, %squeeze3A_290 : f32
        %slice3A_292 = vector.extract_strided_slice %add3A_247 {offsets = [15], sizes = [1], strides = [1]} : vector<16xf32> to vector<1xf32>
        %squeeze3A_293 = vector.extract %slice3A_292[0] : f32 from vector<1xf32>
        %add3A_294 = arith.addf %add3A_291, %squeeze3A_293 : f32
        %eq3A_295 = arith.constant 1 : i32
        %eq3A_296 = vector.broadcast %eq3A_295 : i32 to vector<16xi32>
        %eq3A_297 = arith.cmpi eq, %iota3A, %eq3A_296 : vector<16xi32>
        %broadcast_in_dim3A_298 = vector.broadcast %add3A_294 : f32 to vector<16xf32>
        %select_n3A_299 = arith.select %eq3A_297, %broadcast_in_dim3A_298, %select_n3A_181 : vector<16xi1>, vector<16xf32>
        %mul3A_300 = arith.constant 16 : i32
        %mul3A_301 = arith.muli %scan3A_65, %mul3A_300 : i32
        %add3A_302 = arith.constant 2 : i32
        %add3A_303 = arith.addi %mul3A_301, %add3A_302 : i32
        %mul3A_304 = arith.constant 32 : i32
        %mul3A_305 = arith.muli %scan3A_17, %mul3A_304 : i32
        %add3A_306 = arith.addi %mul3A_305, %add3A_303 : i32
        %jit3A_307 = arith.constant 4 : i32
        %div3A_308 = arith.divsi %add3A_306, %jit3A_307 : i32
        %sign3A_309 = arith.constant 0 : i32
        %sign3A_310 = arith.cmpi sgt, %add3A_306, %sign3A_309 : i32
        %sign3A_311 = arith.extui %sign3A_310 : i1 to i32
        %sign3A_312 = arith.constant 0 : i32
        %sign3A_313 = arith.cmpi slt, %add3A_306, %sign3A_312 : i32
        %sign3A_314 = arith.extui %sign3A_313 : i1 to i32
        %sign3A_315 = arith.subi %sign3A_311, %sign3A_314 : i32
        %sign3A_316 = arith.constant 0 : i32
        %sign3A_317 = arith.cmpi sgt, %jit3A_307, %sign3A_316 : i32
        %sign3A_318 = arith.extui %sign3A_317 : i1 to i32
        %sign3A_319 = arith.constant 0 : i32
        %sign3A_320 = arith.cmpi slt, %jit3A_307, %sign3A_319 : i32
        %sign3A_321 = arith.extui %sign3A_320 : i1 to i32
        %sign3A_322 = arith.subi %sign3A_318, %sign3A_321 : i32
        %ne3A_323 = arith.cmpi ne, %sign3A_315, %sign3A_322 : i32
        %rem3A_324 = arith.remsi %add3A_306, %jit3A_307 : i32
        %ne3A_325 = arith.constant 0 : i32
        %ne3A_326 = arith.cmpi ne, %rem3A_324, %ne3A_325 : i32
        %and3A_327 = arith.andi %ne3A_323, %ne3A_326 : i1
        %sub3A_328 = arith.constant 1 : i32
        %sub3A_329 = arith.subi %div3A_308, %sub3A_328 : i32
        %select_n3A_330 = arith.select %and3A_327, %sub3A_329, %div3A_308 : i32
        %jit3A_331 = arith.constant 4 : i32
        %eq3A_332 = arith.constant 0 : i32
        %eq3A_333 = arith.cmpi eq, %jit3A_331, %eq3A_332 : i32
        %jit3A_334 = arith.constant 1 : i32
        %select_n3A_335 = arith.select %eq3A_333, %jit3A_334, %jit3A_331 : i32
        %rem3A_336 = arith.remsi %add3A_306, %select_n3A_335 : i32
        %ne3A_337 = arith.constant 0 : i32
        %ne3A_338 = arith.cmpi ne, %rem3A_336, %ne3A_337 : i32
        %lt3A_339 = arith.constant 0 : i32
        %lt3A_340 = arith.cmpi slt, %rem3A_336, %lt3A_339 : i32
        %lt3A_341 = arith.constant 0 : i32
        %lt3A_342 = arith.cmpi slt, %select_n3A_335, %lt3A_341 : i32
        %ne3A_343 = arith.xori %lt3A_340, %lt3A_342 : i1
        %and3A_344 = arith.andi %ne3A_343, %ne3A_338 : i1
        %add3A_345 = arith.addi %rem3A_336, %select_n3A_335 : i32
        %select_n3A_346 = arith.select %and3A_344, %add3A_345, %rem3A_336 : i32
        %mul3A_347 = arith.constant 32 : i32
        %mul3A_348 = arith.muli %select_n3A_346, %mul3A_347 : i32
        %get3A_349 = arith.index_cast %select_n3A_330 : i32 to index
        %get3A_350 = arith.index_cast %mul3A_348 : i32 to index
        %get3A_351 = tpu.vector_load %arg10[%get3A_349, %get3A_350] {strides = array<i32>} : memref<128x128xf32, #tpu.memory_space<vmem>>, vector<16xf32>,
        %add3A_352 = arith.constant 16 : i32
        %add3A_353 = arith.addi %mul3A_348, %add3A_352 : i32
        %get3A_354 = arith.index_cast %select_n3A_330 : i32 to index
        %get3A_355 = arith.index_cast %add3A_353 : i32 to index
        %get3A_356 = tpu.vector_load %arg10[%get3A_354, %get3A_355] {strides = array<i32>} : memref<128x128xf32, #tpu.memory_space<vmem>>, vector<16xf32>,
        %get3A_357 = arith.index_cast %add3A_303 : i32 to index
        %get3A_358 = arith.constant 0 : index
        %get3A_359 = tpu.vector_load %arg13[%get3A_357, %get3A_358] {strides = array<i32>} : memref<32x128xf32, #tpu.memory_space<vmem>>, vector<16xf32>,
        %mul3A_360 = arith.mulf %get3A_351, %get3A_359 : vector<16xf32>
        %get3A_361 = arith.index_cast %add3A_303 : i32 to index
        %get3A_362 = arith.constant 16 : index
        %get3A_363 = tpu.vector_load %arg13[%get3A_361, %get3A_362] {strides = array<i32>} : memref<32x128xf32, #tpu.memory_space<vmem>>, vector<16xf32>,
        %mul3A_364 = arith.mulf %get3A_356, %get3A_363 : vector<16xf32>
        %add3A_365 = arith.addf %mul3A_360, %mul3A_364 : vector<16xf32>
        %slice3A_366 = vector.extract_strided_slice %add3A_365 {offsets = [0], sizes = [1], strides = [1]} : vector<16xf32> to vector<1xf32>
        %squeeze3A_367 = vector.extract %slice3A_366[0] : f32 from vector<1xf32>
        %slice3A_368 = vector.extract_strided_slice %add3A_365 {offsets = [1], sizes = [1], strides = [1]} : vector<16xf32> to vector<1xf32>
        %squeeze3A_369 = vector.extract %slice3A_368[0] : f32 from vector<1xf32>
        %add3A_370 = arith.addf %squeeze3A_367, %squeeze3A_369 : f32
        %slice3A_371 = vector.extract_strided_slice %add3A_365 {offsets = [2], sizes = [1], strides = [1]} : vector<16xf32> to vector<1xf32>
        %squeeze3A_372 = vector.extract %slice3A_371[0] : f32 from vector<1xf32>
        %add3A_373 = arith.addf %add3A_370, %squeeze3A_372 : f32
        %slice3A_374 = vector.extract_strided_slice %add3A_365 {offsets = [3], sizes = [1], strides = [1]} : vector<16xf32> to vector<1xf32>
        %squeeze3A_375 = vector.extract %slice3A_374[0] : f32 from vector<1xf32>
        %add3A_376 = arith.addf %add3A_373, %squeeze3A_375 : f32
        %slice3A_377 = vector.extract_strided_slice %add3A_365 {offsets = [4], sizes = [1], strides = [1]} : vector<16xf32> to vector<1xf32>
        %squeeze3A_378 = vector.extract %slice3A_377[0] : f32 from vector<1xf32>
        %add3A_379 = arith.addf %add3A_376, %squeeze3A_378 : f32
        %slice3A_380 = vector.extract_strided_slice %add3A_365 {offsets = [5], sizes = [1], strides = [1]} : vector<16xf32> to vector<1xf32>
        %squeeze3A_381 = vector.extract %slice3A_380[0] : f32 from vector<1xf32>
        %add3A_382 = arith.addf %add3A_379, %squeeze3A_381 : f32
        %slice3A_383 = vector.extract_strided_slice %add3A_365 {offsets = [6], sizes = [1], strides = [1]} : vector<16xf32> to vector<1xf32>
        %squeeze3A_384 = vector.extract %slice3A_383[0] : f32 from vector<1xf32>
        %add3A_385 = arith.addf %add3A_382, %squeeze3A_384 : f32
        %slice3A_386 = vector.extract_strided_slice %add3A_365 {offsets = [7], sizes = [1], strides = [1]} : vector<16xf32> to vector<1xf32>
        %squeeze3A_387 = vector.extract %slice3A_386[0] : f32 from vector<1xf32>
        %add3A_388 = arith.addf %add3A_385, %squeeze3A_387 : f32
        %slice3A_389 = vector.extract_strided_slice %add3A_365 {offsets = [8], sizes = [1], strides = [1]} : vector<16xf32> to vector<1xf32>
        %squeeze3A_390 = vector.extract %slice3A_389[0] : f32 from vector<1xf32>
        %add3A_391 = arith.addf %add3A_388, %squeeze3A_390 : f32
        %slice3A_392 = vector.extract_strided_slice %add3A_365 {offsets = [9], sizes = [1], strides = [1]} : vector<16xf32> to vector<1xf32>
        %squeeze3A_393 = vector.extract %slice3A_392[0] : f32 from vector<1xf32>
        %add3A_394 = arith.addf %add3A_391, %squeeze3A_393 : f32
        %slice3A_395 = vector.extract_strided_slice %add3A_365 {offsets = [10], sizes = [1], strides = [1]} : vector<16xf32> to vector<1xf32>
        %squeeze3A_396 = vector.extract %slice3A_395[0] : f32 from vector<1xf32>
        %add3A_397 = arith.addf %add3A_394, %squeeze3A_396 : f32
        %slice3A_398 = vector.extract_strided_slice %add3A_365 {offsets = [11], sizes = [1], strides = [1]} : vector<16xf32> to vector<1xf32>
        %squeeze3A_399 = vector.extract %slice3A_398[0] : f32 from vector<1xf32>
        %add3A_400 = arith.addf %add3A_397, %squeeze3A_399 : f32
        %slice3A_401 = vector.extract_strided_slice %add3A_365 {offsets = [12], sizes = [1], strides = [1]} : vector<16xf32> to vector<1xf32>
        %squeeze3A_402 = vector.extract %slice3A_401[0] : f32 from vector<1xf32>
        %add3A_403 = arith.addf %add3A_400, %squeeze3A_402 : f32
        %slice3A_404 = vector.extract_strided_slice %add3A_365 {offsets = [13], sizes = [1], strides = [1]} : vector<16xf32> to vector<1xf32>
        %squeeze3A_405 = vector.extract %slice3A_404[0] : f32 from vector<1xf32>
        %add3A_406 = arith.addf %add3A_403, %squeeze3A_405 : f32
        %slice3A_407 = vector.extract_strided_slice %add3A_365 {offsets = [14], sizes = [1], strides = [1]} : vector<16xf32> to vector<1xf32>
        %squeeze3A_408 = vector.extract %slice3A_407[0] : f32 from vector<1xf32>
        %add3A_409 = arith.addf %add3A_406, %squeeze3A_408 : f32
        %slice3A_410 = vector.extract_strided_slice %add3A_365 {offsets = [15], sizes = [1], strides = [1]} : vector<16xf32> to vector<1xf32>
        %squeeze3A_411 = vector.extract %slice3A_410[0] : f32 from vector<1xf32>
        %add3A_412 = arith.addf %add3A_409, %squeeze3A_411 : f32
        %eq3A_413 = arith.constant 2 : i32
        %eq3A_414 = vector.broadcast %eq3A_413 : i32 to vector<16xi32>
        %eq3A_415 = arith.cmpi eq, %iota3A, %eq3A_414 : vector<16xi32>
        %broadcast_in_dim3A_416 = vector.broadcast %add3A_412 : f32 to vector<16xf32>
        %select_n3A_417 = arith.select %eq3A_415, %broadcast_in_dim3A_416, %select_n3A_299 : vector<16xi1>, vector<16xf32>
        %mul3A_418 = arith.constant 16 : i32
        %mul3A_419 = arith.muli %scan3A_65, %mul3A_418 : i32
        %add3A_420 = arith.constant 3 : i32
        %add3A_421 = arith.addi %mul3A_419, %add3A_420 : i32
        %mul3A_422 = arith.constant 32 : i32
        %mul3A_423 = arith.muli %scan3A_17, %mul3A_422 : i32
        %add3A_424 = arith.addi %mul3A_423, %add3A_421 : i32
        %jit3A_425 = arith.constant 4 : i32
        %div3A_426 = arith.divsi %add3A_424, %jit3A_425 : i32
        %sign3A_427 = arith.constant 0 : i32
        %sign3A_428 = arith.cmpi sgt, %add3A_424, %sign3A_427 : i32
        %sign3A_429 = arith.extui %sign3A_428 : i1 to i32
        %sign3A_430 = arith.constant 0 : i32
        %sign3A_431 = arith.cmpi slt, %add3A_424, %sign3A_430 : i32
        %sign3A_432 = arith.extui %sign3A_431 : i1 to i32
        %sign3A_433 = arith.subi %sign3A_429, %sign3A_432 : i32
        %sign3A_434 = arith.constant 0 : i32
        %sign3A_435 = arith.cmpi sgt, %jit3A_425, %sign3A_434 : i32
        %sign3A_436 = arith.extui %sign3A_435 : i1 to i32
        %sign3A_437 = arith.constant 0 : i32
        %sign3A_438 = arith.cmpi slt, %jit3A_425, %sign3A_437 : i32
        %sign3A_439 = arith.extui %sign3A_438 : i1 to i32
        %sign3A_440 = arith.subi %sign3A_436, %sign3A_439 : i32
        %ne3A_441 = arith.cmpi ne, %sign3A_433, %sign3A_440 : i32
        %rem3A_442 = arith.remsi %add3A_424, %jit3A_425 : i32
        %ne3A_443 = arith.constant 0 : i32
        %ne3A_444 = arith.cmpi ne, %rem3A_442, %ne3A_443 : i32
        %and3A_445 = arith.andi %ne3A_441, %ne3A_444 : i1
        %sub3A_446 = arith.constant 1 : i32
        %sub3A_447 = arith.subi %div3A_426, %sub3A_446 : i32
        %select_n3A_448 = arith.select %and3A_445, %sub3A_447, %div3A_426 : i32
        %jit3A_449 = arith.constant 4 : i32
        %eq3A_450 = arith.constant 0 : i32
        %eq3A_451 = arith.cmpi eq, %jit3A_449, %eq3A_450 : i32
        %jit3A_452 = arith.constant 1 : i32
        %select_n3A_453 = arith.select %eq3A_451, %jit3A_452, %jit3A_449 : i32
        %rem3A_454 = arith.remsi %add3A_424, %select_n3A_453 : i32
        %ne3A_455 = arith.constant 0 : i32
        %ne3A_456 = arith.cmpi ne, %rem3A_454, %ne3A_455 : i32
        %lt3A_457 = arith.constant 0 : i32
        %lt3A_458 = arith.cmpi slt, %rem3A_454, %lt3A_457 : i32
        %lt3A_459 = arith.constant 0 : i32
        %lt3A_460 = arith.cmpi slt, %select_n3A_453, %lt3A_459 : i32
        %ne3A_461 = arith.xori %lt3A_458, %lt3A_460 : i1
        %and3A_462 = arith.andi %ne3A_461, %ne3A_456 : i1
        %add3A_463 = arith.addi %rem3A_454, %select_n3A_453 : i32
        %select_n3A_464 = arith.select %and3A_462, %add3A_463, %rem3A_454 : i32
        %mul3A_465 = arith.constant 32 : i32
        %mul3A_466 = arith.muli %select_n3A_464, %mul3A_465 : i32
        %get3A_467 = arith.index_cast %select_n3A_448 : i32 to index
        %get3A_468 = arith.index_cast %mul3A_466 : i32 to index
        %get3A_469 = tpu.vector_load %arg10[%get3A_467, %get3A_468] {strides = array<i32>} : memref<128x128xf32, #tpu.memory_space<vmem>>, vector<16xf32>,
        %add3A_470 = arith.constant 16 : i32
        %add3A_471 = arith.addi %mul3A_466, %add3A_470 : i32
        %get3A_472 = arith.index_cast %select_n3A_448 : i32 to index
        %get3A_473 = arith.index_cast %add3A_471 : i32 to index
        %get3A_474 = tpu.vector_load %arg10[%get3A_472, %get3A_473] {strides = array<i32>} : memref<128x128xf32, #tpu.memory_space<vmem>>, vector<16xf32>,
        %get3A_475 = arith.index_cast %add3A_421 : i32 to index
        %get3A_476 = arith.constant 0 : index
        %get3A_477 = tpu.vector_load %arg13[%get3A_475, %get3A_476] {strides = array<i32>} : memref<32x128xf32, #tpu.memory_space<vmem>>, vector<16xf32>,
        %mul3A_478 = arith.mulf %get3A_469, %get3A_477 : vector<16xf32>
        %get3A_479 = arith.index_cast %add3A_421 : i32 to index
        %get3A_480 = arith.constant 16 : index
        %get3A_481 = tpu.vector_load %arg13[%get3A_479, %get3A_480] {strides = array<i32>} : memref<32x128xf32, #tpu.memory_space<vmem>>, vector<16xf32>,
        %mul3A_482 = arith.mulf %get3A_474, %get3A_481 : vector<16xf32>
        %add3A_483 = arith.addf %mul3A_478, %mul3A_482 : vector<16xf32>
        %slice3A_484 = vector.extract_strided_slice %add3A_483 {offsets = [0], sizes = [1], strides = [1]} : vector<16xf32> to vector<1xf32>
        %squeeze3A_485 = vector.extract %slice3A_484[0] : f32 from vector<1xf32>
        %slice3A_486 = vector.extract_strided_slice %add3A_483 {offsets = [1], sizes = [1], strides = [1]} : vector<16xf32> to vector<1xf32>
        %squeeze3A_487 = vector.extract %slice3A_486[0] : f32 from vector<1xf32>
        %add3A_488 = arith.addf %squeeze3A_485, %squeeze3A_487 : f32
        %slice3A_489 = vector.extract_strided_slice %add3A_483 {offsets = [2], sizes = [1], strides = [1]} : vector<16xf32> to vector<1xf32>
        %squeeze3A_490 = vector.extract %slice3A_489[0] : f32 from vector<1xf32>
        %add3A_491 = arith.addf %add3A_488, %squeeze3A_490 : f32
        %slice3A_492 = vector.extract_strided_slice %add3A_483 {offsets = [3], sizes = [1], strides = [1]} : vector<16xf32> to vector<1xf32>
        %squeeze3A_493 = vector.extract %slice3A_492[0] : f32 from vector<1xf32>
        %add3A_494 = arith.addf %add3A_491, %squeeze3A_493 : f32
        %slice3A_495 = vector.extract_strided_slice %add3A_483 {offsets = [4], sizes = [1], strides = [1]} : vector<16xf32> to vector<1xf32>
        %squeeze3A_496 = vector.extract %slice3A_495[0] : f32 from vector<1xf32>
        %add3A_497 = arith.addf %add3A_494, %squeeze3A_496 : f32
        %slice3A_498 = vector.extract_strided_slice %add3A_483 {offsets = [5], sizes = [1], strides = [1]} : vector<16xf32> to vector<1xf32>
        %squeeze3A_499 = vector.extract %slice3A_498[0] : f32 from vector<1xf32>
        %add3A_500 = arith.addf %add3A_497, %squeeze3A_499 : f32
        %slice3A_501 = vector.extract_strided_slice %add3A_483 {offsets = [6], sizes = [1], strides = [1]} : vector<16xf32> to vector<1xf32>
        %squeeze3A_502 = vector.extract %slice3A_501[0] : f32 from vector<1xf32>
        %add3A_503 = arith.addf %add3A_500, %squeeze3A_502 : f32
        %slice3A_504 = vector.extract_strided_slice %add3A_483 {offsets = [7], sizes = [1], strides = [1]} : vector<16xf32> to vector<1xf32>
        %squeeze3A_505 = vector.extract %slice3A_504[0] : f32 from vector<1xf32>
        %add3A_506 = arith.addf %add3A_503, %squeeze3A_505 : f32
        %slice3A_507 = vector.extract_strided_slice %add3A_483 {offsets = [8], sizes = [1], strides = [1]} : vector<16xf32> to vector<1xf32>
        %squeeze3A_508 = vector.extract %slice3A_507[0] : f32 from vector<1xf32>
        %add3A_509 = arith.addf %add3A_506, %squeeze3A_508 : f32
        %slice3A_510 = vector.extract_strided_slice %add3A_483 {offsets = [9], sizes = [1], strides = [1]} : vector<16xf32> to vector<1xf32>
        %squeeze3A_511 = vector.extract %slice3A_510[0] : f32 from vector<1xf32>
        %add3A_512 = arith.addf %add3A_509, %squeeze3A_511 : f32
        %slice3A_513 = vector.extract_strided_slice %add3A_483 {offsets = [10], sizes = [1], strides = [1]} : vector<16xf32> to vector<1xf32>
        %squeeze3A_514 = vector.extract %slice3A_513[0] : f32 from vector<1xf32>
        %add3A_515 = arith.addf %add3A_512, %squeeze3A_514 : f32
        %slice3A_516 = vector.extract_strided_slice %add3A_483 {offsets = [11], sizes = [1], strides = [1]} : vector<16xf32> to vector<1xf32>
        %squeeze3A_517 = vector.extract %slice3A_516[0] : f32 from vector<1xf32>
        %add3A_518 = arith.addf %add3A_515, %squeeze3A_517 : f32
        %slice3A_519 = vector.extract_strided_slice %add3A_483 {offsets = [12], sizes = [1], strides = [1]} : vector<16xf32> to vector<1xf32>
        %squeeze3A_520 = vector.extract %slice3A_519[0] : f32 from vector<1xf32>
        %add3A_521 = arith.addf %add3A_518, %squeeze3A_520 : f32
        %slice3A_522 = vector.extract_strided_slice %add3A_483 {offsets = [13], sizes = [1], strides = [1]} : vector<16xf32> to vector<1xf32>
        %squeeze3A_523 = vector.extract %slice3A_522[0] : f32 from vector<1xf32>
        %add3A_524 = arith.addf %add3A_521, %squeeze3A_523 : f32
        %slice3A_525 = vector.extract_strided_slice %add3A_483 {offsets = [14], sizes = [1], strides = [1]} : vector<16xf32> to vector<1xf32>
        %squeeze3A_526 = vector.extract %slice3A_525[0] : f32 from vector<1xf32>
        %add3A_527 = arith.addf %add3A_524, %squeeze3A_526 : f32
        %slice3A_528 = vector.extract_strided_slice %add3A_483 {offsets = [15], sizes = [1], strides = [1]} : vector<16xf32> to vector<1xf32>
        %squeeze3A_529 = vector.extract %slice3A_528[0] : f32 from vector<1xf32>
        %add3A_530 = arith.addf %add3A_527, %squeeze3A_529 : f32
        %eq3A_531 = arith.constant 3 : i32
        %eq3A_532 = vector.broadcast %eq3A_531 : i32 to vector<16xi32>
        %eq3A_533 = arith.cmpi eq, %iota3A, %eq3A_532 : vector<16xi32>
        %broadcast_in_dim3A_534 = vector.broadcast %add3A_530 : f32 to vector<16xf32>
        %select_n3A_535 = arith.select %eq3A_533, %broadcast_in_dim3A_534, %select_n3A_417 : vector<16xi1>, vector<16xf32>
        %mul3A_536 = arith.constant 16 : i32
        %mul3A_537 = arith.muli %scan3A_65, %mul3A_536 : i32
        %add3A_538 = arith.constant 4 : i32
        %add3A_539 = arith.addi %mul3A_537, %add3A_538 : i32
        %mul3A_540 = arith.constant 32 : i32
        %mul3A_541 = arith.muli %scan3A_17, %mul3A_540 : i32
        %add3A_542 = arith.addi %mul3A_541, %add3A_539 : i32
        %jit3A_543 = arith.constant 4 : i32
        %div3A_544 = arith.divsi %add3A_542, %jit3A_543 : i32
        %sign3A_545 = arith.constant 0 : i32
        %sign3A_546 = arith.cmpi sgt, %add3A_542, %sign3A_545 : i32
        %sign3A_547 = arith.extui %sign3A_546 : i1 to i32
        %sign3A_548 = arith.constant 0 : i32
        %sign3A_549 = arith.cmpi slt, %add3A_542, %sign3A_548 : i32
        %sign3A_550 = arith.extui %sign3A_549 : i1 to i32
        %sign3A_551 = arith.subi %sign3A_547, %sign3A_550 : i32
        %sign3A_552 = arith.constant 0 : i32
        %sign3A_553 = arith.cmpi sgt, %jit3A_543, %sign3A_552 : i32
        %sign3A_554 = arith.extui %sign3A_553 : i1 to i32
        %sign3A_555 = arith.constant 0 : i32
        %sign3A_556 = arith.cmpi slt, %jit3A_543, %sign3A_555 : i32
        %sign3A_557 = arith.extui %sign3A_556 : i1 to i32
        %sign3A_558 = arith.subi %sign3A_554, %sign3A_557 : i32
        %ne3A_559 = arith.cmpi ne, %sign3A_551, %sign3A_558 : i32
        %rem3A_560 = arith.remsi %add3A_542, %jit3A_543 : i32
        %ne3A_561 = arith.constant 0 : i32
        %ne3A_562 = arith.cmpi ne, %rem3A_560, %ne3A_561 : i32
        %and3A_563 = arith.andi %ne3A_559, %ne3A_562 : i1
        %sub3A_564 = arith.constant 1 : i32
        %sub3A_565 = arith.subi %div3A_544, %sub3A_564 : i32
        %select_n3A_566 = arith.select %and3A_563, %sub3A_565, %div3A_544 : i32
        %jit3A_567 = arith.constant 4 : i32
        %eq3A_568 = arith.constant 0 : i32
        %eq3A_569 = arith.cmpi eq, %jit3A_567, %eq3A_568 : i32
        %jit3A_570 = arith.constant 1 : i32
        %select_n3A_571 = arith.select %eq3A_569, %jit3A_570, %jit3A_567 : i32
        %rem3A_572 = arith.remsi %add3A_542, %select_n3A_571 : i32
        %ne3A_573 = arith.constant 0 : i32
        %ne3A_574 = arith.cmpi ne, %rem3A_572, %ne3A_573 : i32
        %lt3A_575 = arith.constant 0 : i32
        %lt3A_576 = arith.cmpi slt, %rem3A_572, %lt3A_575 : i32
        %lt3A_577 = arith.constant 0 : i32
        %lt3A_578 = arith.cmpi slt, %select_n3A_571, %lt3A_577 : i32
        %ne3A_579 = arith.xori %lt3A_576, %lt3A_578 : i1
        %and3A_580 = arith.andi %ne3A_579, %ne3A_574 : i1
        %add3A_581 = arith.addi %rem3A_572, %select_n3A_571 : i32
        %select_n3A_582 = arith.select %and3A_580, %add3A_581, %rem3A_572 : i32
        %mul3A_583 = arith.constant 32 : i32
        %mul3A_584 = arith.muli %select_n3A_582, %mul3A_583 : i32
        %get3A_585 = arith.index_cast %select_n3A_566 : i32 to index
        %get3A_586 = arith.index_cast %mul3A_584 : i32 to index
        %get3A_587 = tpu.vector_load %arg10[%get3A_585, %get3A_586] {strides = array<i32>} : memref<128x128xf32, #tpu.memory_space<vmem>>, vector<16xf32>,
        %add3A_588 = arith.constant 16 : i32
        %add3A_589 = arith.addi %mul3A_584, %add3A_588 : i32
        %get3A_590 = arith.index_cast %select_n3A_566 : i32 to index
        %get3A_591 = arith.index_cast %add3A_589 : i32 to index
        %get3A_592 = tpu.vector_load %arg10[%get3A_590, %get3A_591] {strides = array<i32>} : memref<128x128xf32, #tpu.memory_space<vmem>>, vector<16xf32>,
        %get3A_593 = arith.index_cast %add3A_539 : i32 to index
        %get3A_594 = arith.constant 0 : index
        %get3A_595 = tpu.vector_load %arg13[%get3A_593, %get3A_594] {strides = array<i32>} : memref<32x128xf32, #tpu.memory_space<vmem>>, vector<16xf32>,
        %mul3A_596 = arith.mulf %get3A_587, %get3A_595 : vector<16xf32>
        %get3A_597 = arith.index_cast %add3A_539 : i32 to index
        %get3A_598 = arith.constant 16 : index
        %get3A_599 = tpu.vector_load %arg13[%get3A_597, %get3A_598] {strides = array<i32>} : memref<32x128xf32, #tpu.memory_space<vmem>>, vector<16xf32>,
        %mul3A_600 = arith.mulf %get3A_592, %get3A_599 : vector<16xf32>
        %add3A_601 = arith.addf %mul3A_596, %mul3A_600 : vector<16xf32>
        %slice3A_602 = vector.extract_strided_slice %add3A_601 {offsets = [0], sizes = [1], strides = [1]} : vector<16xf32> to vector<1xf32>
        %squeeze3A_603 = vector.extract %slice3A_602[0] : f32 from vector<1xf32>
        %slice3A_604 = vector.extract_strided_slice %add3A_601 {offsets = [1], sizes = [1], strides = [1]} : vector<16xf32> to vector<1xf32>
        %squeeze3A_605 = vector.extract %slice3A_604[0] : f32 from vector<1xf32>
        %add3A_606 = arith.addf %squeeze3A_603, %squeeze3A_605 : f32
        %slice3A_607 = vector.extract_strided_slice %add3A_601 {offsets = [2], sizes = [1], strides = [1]} : vector<16xf32> to vector<1xf32>
        %squeeze3A_608 = vector.extract %slice3A_607[0] : f32 from vector<1xf32>
        %add3A_609 = arith.addf %add3A_606, %squeeze3A_608 : f32
        %slice3A_610 = vector.extract_strided_slice %add3A_601 {offsets = [3], sizes = [1], strides = [1]} : vector<16xf32> to vector<1xf32>
        %squeeze3A_611 = vector.extract %slice3A_610[0] : f32 from vector<1xf32>
        %add3A_612 = arith.addf %add3A_609, %squeeze3A_611 : f32
        %slice3A_613 = vector.extract_strided_slice %add3A_601 {offsets = [4], sizes = [1], strides = [1]} : vector<16xf32> to vector<1xf32>
        %squeeze3A_614 = vector.extract %slice3A_613[0] : f32 from vector<1xf32>
        %add3A_615 = arith.addf %add3A_612, %squeeze3A_614 : f32
        %slice3A_616 = vector.extract_strided_slice %add3A_601 {offsets = [5], sizes = [1], strides = [1]} : vector<16xf32> to vector<1xf32>
        %squeeze3A_617 = vector.extract %slice3A_616[0] : f32 from vector<1xf32>
        %add3A_618 = arith.addf %add3A_615, %squeeze3A_617 : f32
        %slice3A_619 = vector.extract_strided_slice %add3A_601 {offsets = [6], sizes = [1], strides = [1]} : vector<16xf32> to vector<1xf32>
        %squeeze3A_620 = vector.extract %slice3A_619[0] : f32 from vector<1xf32>
        %add3A_621 = arith.addf %add3A_618, %squeeze3A_620 : f32
        %slice3A_622 = vector.extract_strided_slice %add3A_601 {offsets = [7], sizes = [1], strides = [1]} : vector<16xf32> to vector<1xf32>
        %squeeze3A_623 = vector.extract %slice3A_622[0] : f32 from vector<1xf32>
        %add3A_624 = arith.addf %add3A_621, %squeeze3A_623 : f32
        %slice3A_625 = vector.extract_strided_slice %add3A_601 {offsets = [8], sizes = [1], strides = [1]} : vector<16xf32> to vector<1xf32>
        %squeeze3A_626 = vector.extract %slice3A_625[0] : f32 from vector<1xf32>
        %add3A_627 = arith.addf %add3A_624, %squeeze3A_626 : f32
        %slice3A_628 = vector.extract_strided_slice %add3A_601 {offsets = [9], sizes = [1], strides = [1]} : vector<16xf32> to vector<1xf32>
        %squeeze3A_629 = vector.extract %slice3A_628[0] : f32 from vector<1xf32>
        %add3A_630 = arith.addf %add3A_627, %squeeze3A_629 : f32
        %slice3A_631 = vector.extract_strided_slice %add3A_601 {offsets = [10], sizes = [1], strides = [1]} : vector<16xf32> to vector<1xf32>
        %squeeze3A_632 = vector.extract %slice3A_631[0] : f32 from vector<1xf32>
        %add3A_633 = arith.addf %add3A_630, %squeeze3A_632 : f32
        %slice3A_634 = vector.extract_strided_slice %add3A_601 {offsets = [11], sizes = [1], strides = [1]} : vector<16xf32> to vector<1xf32>
        %squeeze3A_635 = vector.extract %slice3A_634[0] : f32 from vector<1xf32>
        %add3A_636 = arith.addf %add3A_633, %squeeze3A_635 : f32
        %slice3A_637 = vector.extract_strided_slice %add3A_601 {offsets = [12], sizes = [1], strides = [1]} : vector<16xf32> to vector<1xf32>
        %squeeze3A_638 = vector.extract %slice3A_637[0] : f32 from vector<1xf32>
        %add3A_639 = arith.addf %add3A_636, %squeeze3A_638 : f32
        %slice3A_640 = vector.extract_strided_slice %add3A_601 {offsets = [13], sizes = [1], strides = [1]} : vector<16xf32> to vector<1xf32>
        %squeeze3A_641 = vector.extract %slice3A_640[0] : f32 from vector<1xf32>
        %add3A_642 = arith.addf %add3A_639, %squeeze3A_641 : f32
        %slice3A_643 = vector.extract_strided_slice %add3A_601 {offsets = [14], sizes = [1], strides = [1]} : vector<16xf32> to vector<1xf32>
        %squeeze3A_644 = vector.extract %slice3A_643[0] : f32 from vector<1xf32>
        %add3A_645 = arith.addf %add3A_642, %squeeze3A_644 : f32
        %slice3A_646 = vector.extract_strided_slice %add3A_601 {offsets = [15], sizes = [1], strides = [1]} : vector<16xf32> to vector<1xf32>
        %squeeze3A_647 = vector.extract %slice3A_646[0] : f32 from vector<1xf32>
        %add3A_648 = arith.addf %add3A_645, %squeeze3A_647 : f32
        %eq3A_649 = arith.constant 4 : i32
        %eq3A_650 = vector.broadcast %eq3A_649 : i32 to vector<16xi32>
        %eq3A_651 = arith.cmpi eq, %iota3A, %eq3A_650 : vector<16xi32>
        %broadcast_in_dim3A_652 = vector.broadcast %add3A_648 : f32 to vector<16xf32>
        %select_n3A_653 = arith.select %eq3A_651, %broadcast_in_dim3A_652, %select_n3A_535 : vector<16xi1>, vector<16xf32>
        %mul3A_654 = arith.constant 16 : i32
        %mul3A_655 = arith.muli %scan3A_65, %mul3A_654 : i32
        %add3A_656 = arith.constant 5 : i32
        %add3A_657 = arith.addi %mul3A_655, %add3A_656 : i32
        %mul3A_658 = arith.constant 32 : i32
        %mul3A_659 = arith.muli %scan3A_17, %mul3A_658 : i32
        %add3A_660 = arith.addi %mul3A_659, %add3A_657 : i32
        %jit3A_661 = arith.constant 4 : i32
        %div3A_662 = arith.divsi %add3A_660, %jit3A_661 : i32
        %sign3A_663 = arith.constant 0 : i32
        %sign3A_664 = arith.cmpi sgt, %add3A_660, %sign3A_663 : i32
        %sign3A_665 = arith.extui %sign3A_664 : i1 to i32
        %sign3A_666 = arith.constant 0 : i32
        %sign3A_667 = arith.cmpi slt, %add3A_660, %sign3A_666 : i32
        %sign3A_668 = arith.extui %sign3A_667 : i1 to i32
        %sign3A_669 = arith.subi %sign3A_665, %sign3A_668 : i32
        %sign3A_670 = arith.constant 0 : i32
        %sign3A_671 = arith.cmpi sgt, %jit3A_661, %sign3A_670 : i32
        %sign3A_672 = arith.extui %sign3A_671 : i1 to i32
        %sign3A_673 = arith.constant 0 : i32
        %sign3A_674 = arith.cmpi slt, %jit3A_661, %sign3A_673 : i32
        %sign3A_675 = arith.extui %sign3A_674 : i1 to i32
        %sign3A_676 = arith.subi %sign3A_672, %sign3A_675 : i32
        %ne3A_677 = arith.cmpi ne, %sign3A_669, %sign3A_676 : i32
        %rem3A_678 = arith.remsi %add3A_660, %jit3A_661 : i32
        %ne3A_679 = arith.constant 0 : i32
        %ne3A_680 = arith.cmpi ne, %rem3A_678, %ne3A_679 : i32
        %and3A_681 = arith.andi %ne3A_677, %ne3A_680 : i1
        %sub3A_682 = arith.constant 1 : i32
        %sub3A_683 = arith.subi %div3A_662, %sub3A_682 : i32
        %select_n3A_684 = arith.select %and3A_681, %sub3A_683, %div3A_662 : i32
        %jit3A_685 = arith.constant 4 : i32
        %eq3A_686 = arith.constant 0 : i32
        %eq3A_687 = arith.cmpi eq, %jit3A_685, %eq3A_686 : i32
        %jit3A_688 = arith.constant 1 : i32
        %select_n3A_689 = arith.select %eq3A_687, %jit3A_688, %jit3A_685 : i32
        %rem3A_690 = arith.remsi %add3A_660, %select_n3A_689 : i32
        %ne3A_691 = arith.constant 0 : i32
        %ne3A_692 = arith.cmpi ne, %rem3A_690, %ne3A_691 : i32
        %lt3A_693 = arith.constant 0 : i32
        %lt3A_694 = arith.cmpi slt, %rem3A_690, %lt3A_693 : i32
        %lt3A_695 = arith.constant 0 : i32
        %lt3A_696 = arith.cmpi slt, %select_n3A_689, %lt3A_695 : i32
        %ne3A_697 = arith.xori %lt3A_694, %lt3A_696 : i1
        %and3A_698 = arith.andi %ne3A_697, %ne3A_692 : i1
        %add3A_699 = arith.addi %rem3A_690, %select_n3A_689 : i32
        %select_n3A_700 = arith.select %and3A_698, %add3A_699, %rem3A_690 : i32
        %mul3A_701 = arith.constant 32 : i32
        %mul3A_702 = arith.muli %select_n3A_700, %mul3A_701 : i32
        %get3A_703 = arith.index_cast %select_n3A_684 : i32 to index
        %get3A_704 = arith.index_cast %mul3A_702 : i32 to index
        %get3A_705 = tpu.vector_load %arg10[%get3A_703, %get3A_704] {strides = array<i32>} : memref<128x128xf32, #tpu.memory_space<vmem>>, vector<16xf32>,
        %add3A_706 = arith.constant 16 : i32
        %add3A_707 = arith.addi %mul3A_702, %add3A_706 : i32
        %get3A_708 = arith.index_cast %select_n3A_684 : i32 to index
        %get3A_709 = arith.index_cast %add3A_707 : i32 to index
        %get3A_710 = tpu.vector_load %arg10[%get3A_708, %get3A_709] {strides = array<i32>} : memref<128x128xf32, #tpu.memory_space<vmem>>, vector<16xf32>,
        %get3A_711 = arith.index_cast %add3A_657 : i32 to index
        %get3A_712 = arith.constant 0 : index
        %get3A_713 = tpu.vector_load %arg13[%get3A_711, %get3A_712] {strides = array<i32>} : memref<32x128xf32, #tpu.memory_space<vmem>>, vector<16xf32>,
        %mul3A_714 = arith.mulf %get3A_705, %get3A_713 : vector<16xf32>
        %get3A_715 = arith.index_cast %add3A_657 : i32 to index
        %get3A_716 = arith.constant 16 : index
        %get3A_717 = tpu.vector_load %arg13[%get3A_715, %get3A_716] {strides = array<i32>} : memref<32x128xf32, #tpu.memory_space<vmem>>, vector<16xf32>,
        %mul3A_718 = arith.mulf %get3A_710, %get3A_717 : vector<16xf32>
        %add3A_719 = arith.addf %mul3A_714, %mul3A_718 : vector<16xf32>
        %slice3A_720 = vector.extract_strided_slice %add3A_719 {offsets = [0], sizes = [1], strides = [1]} : vector<16xf32> to vector<1xf32>
        %squeeze3A_721 = vector.extract %slice3A_720[0] : f32 from vector<1xf32>
        %slice3A_722 = vector.extract_strided_slice %add3A_719 {offsets = [1], sizes = [1], strides = [1]} : vector<16xf32> to vector<1xf32>
        %squeeze3A_723 = vector.extract %slice3A_722[0] : f32 from vector<1xf32>
        %add3A_724 = arith.addf %squeeze3A_721, %squeeze3A_723 : f32
        %slice3A_725 = vector.extract_strided_slice %add3A_719 {offsets = [2], sizes = [1], strides = [1]} : vector<16xf32> to vector<1xf32>
        %squeeze3A_726 = vector.extract %slice3A_725[0] : f32 from vector<1xf32>
        %add3A_727 = arith.addf %add3A_724, %squeeze3A_726 : f32
        %slice3A_728 = vector.extract_strided_slice %add3A_719 {offsets = [3], sizes = [1], strides = [1]} : vector<16xf32> to vector<1xf32>
        %squeeze3A_729 = vector.extract %slice3A_728[0] : f32 from vector<1xf32>
        %add3A_730 = arith.addf %add3A_727, %squeeze3A_729 : f32
        %slice3A_731 = vector.extract_strided_slice %add3A_719 {offsets = [4], sizes = [1], strides = [1]} : vector<16xf32> to vector<1xf32>
        %squeeze3A_732 = vector.extract %slice3A_731[0] : f32 from vector<1xf32>
        %add3A_733 = arith.addf %add3A_730, %squeeze3A_732 : f32
        %slice3A_734 = vector.extract_strided_slice %add3A_719 {offsets = [5], sizes = [1], strides = [1]} : vector<16xf32> to vector<1xf32>
        %squeeze3A_735 = vector.extract %slice3A_734[0] : f32 from vector<1xf32>
        %add3A_736 = arith.addf %add3A_733, %squeeze3A_735 : f32
        %slice3A_737 = vector.extract_strided_slice %add3A_719 {offsets = [6], sizes = [1], strides = [1]} : vector<16xf32> to vector<1xf32>
        %squeeze3A_738 = vector.extract %slice3A_737[0] : f32 from vector<1xf32>
        %add3A_739 = arith.addf %add3A_736, %squeeze3A_738 : f32
        %slice3A_740 = vector.extract_strided_slice %add3A_719 {offsets = [7], sizes = [1], strides = [1]} : vector<16xf32> to vector<1xf32>
        %squeeze3A_741 = vector.extract %slice3A_740[0] : f32 from vector<1xf32>
        %add3A_742 = arith.addf %add3A_739, %squeeze3A_741 : f32
        %slice3A_743 = vector.extract_strided_slice %add3A_719 {offsets = [8], sizes = [1], strides = [1]} : vector<16xf32> to vector<1xf32>
        %squeeze3A_744 = vector.extract %slice3A_743[0] : f32 from vector<1xf32>
        %add3A_745 = arith.addf %add3A_742, %squeeze3A_744 : f32
        %slice3A_746 = vector.extract_strided_slice %add3A_719 {offsets = [9], sizes = [1], strides = [1]} : vector<16xf32> to vector<1xf32>
        %squeeze3A_747 = vector.extract %slice3A_746[0] : f32 from vector<1xf32>
        %add3A_748 = arith.addf %add3A_745, %squeeze3A_747 : f32
        %slice3A_749 = vector.extract_strided_slice %add3A_719 {offsets = [10], sizes = [1], strides = [1]} : vector<16xf32> to vector<1xf32>
        %squeeze3A_750 = vector.extract %slice3A_749[0] : f32 from vector<1xf32>
        %add3A_751 = arith.addf %add3A_748, %squeeze3A_750 : f32
        %slice3A_752 = vector.extract_strided_slice %add3A_719 {offsets = [11], sizes = [1], strides = [1]} : vector<16xf32> to vector<1xf32>
        %squeeze3A_753 = vector.extract %slice3A_752[0] : f32 from vector<1xf32>
        %add3A_754 = arith.addf %add3A_751, %squeeze3A_753 : f32
        %slice3A_755 = vector.extract_strided_slice %add3A_719 {offsets = [12], sizes = [1], strides = [1]} : vector<16xf32> to vector<1xf32>
        %squeeze3A_756 = vector.extract %slice3A_755[0] : f32 from vector<1xf32>
        %add3A_757 = arith.addf %add3A_754, %squeeze3A_756 : f32
        %slice3A_758 = vector.extract_strided_slice %add3A_719 {offsets = [13], sizes = [1], strides = [1]} : vector<16xf32> to vector<1xf32>
        %squeeze3A_759 = vector.extract %slice3A_758[0] : f32 from vector<1xf32>
        %add3A_760 = arith.addf %add3A_757, %squeeze3A_759 : f32
        %slice3A_761 = vector.extract_strided_slice %add3A_719 {offsets = [14], sizes = [1], strides = [1]} : vector<16xf32> to vector<1xf32>
        %squeeze3A_762 = vector.extract %slice3A_761[0] : f32 from vector<1xf32>
        %add3A_763 = arith.addf %add3A_760, %squeeze3A_762 : f32
        %slice3A_764 = vector.extract_strided_slice %add3A_719 {offsets = [15], sizes = [1], strides = [1]} : vector<16xf32> to vector<1xf32>
        %squeeze3A_765 = vector.extract %slice3A_764[0] : f32 from vector<1xf32>
        %add3A_766 = arith.addf %add3A_763, %squeeze3A_765 : f32
        %eq3A_767 = arith.constant 5 : i32
        %eq3A_768 = vector.broadcast %eq3A_767 : i32 to vector<16xi32>
        %eq3A_769 = arith.cmpi eq, %iota3A, %eq3A_768 : vector<16xi32>
        %broadcast_in_dim3A_770 = vector.broadcast %add3A_766 : f32 to vector<16xf32>
        %select_n3A_771 = arith.select %eq3A_769, %broadcast_in_dim3A_770, %select_n3A_653 : vector<16xi1>, vector<16xf32>
        %mul3A_772 = arith.constant 16 : i32
        %mul3A_773 = arith.muli %scan3A_65, %mul3A_772 : i32
        %add3A_774 = arith.constant 6 : i32
        %add3A_775 = arith.addi %mul3A_773, %add3A_774 : i32
        %mul3A_776 = arith.constant 32 : i32
        %mul3A_777 = arith.muli %scan3A_17, %mul3A_776 : i32
        %add3A_778 = arith.addi %mul3A_777, %add3A_775 : i32
        %jit3A_779 = arith.constant 4 : i32
        %div3A_780 = arith.divsi %add3A_778, %jit3A_779 : i32
        %sign3A_781 = arith.constant 0 : i32
        %sign3A_782 = arith.cmpi sgt, %add3A_778, %sign3A_781 : i32
        %sign3A_783 = arith.extui %sign3A_782 : i1 to i32
        %sign3A_784 = arith.constant 0 : i32
        %sign3A_785 = arith.cmpi slt, %add3A_778, %sign3A_784 : i32
        %sign3A_786 = arith.extui %sign3A_785 : i1 to i32
        %sign3A_787 = arith.subi %sign3A_783, %sign3A_786 : i32
        %sign3A_788 = arith.constant 0 : i32
        %sign3A_789 = arith.cmpi sgt, %jit3A_779, %sign3A_788 : i32
        %sign3A_790 = arith.extui %sign3A_789 : i1 to i32
        %sign3A_791 = arith.constant 0 : i32
        %sign3A_792 = arith.cmpi slt, %jit3A_779, %sign3A_791 : i32
        %sign3A_793 = arith.extui %sign3A_792 : i1 to i32
        %sign3A_794 = arith.subi %sign3A_790, %sign3A_793 : i32
        %ne3A_795 = arith.cmpi ne, %sign3A_787, %sign3A_794 : i32
        %rem3A_796 = arith.remsi %add3A_778, %jit3A_779 : i32
        %ne3A_797 = arith.constant 0 : i32
        %ne3A_798 = arith.cmpi ne, %rem3A_796, %ne3A_797 : i32
        %and3A_799 = arith.andi %ne3A_795, %ne3A_798 : i1
        %sub3A_800 = arith.constant 1 : i32
        %sub3A_801 = arith.subi %div3A_780, %sub3A_800 : i32
        %select_n3A_802 = arith.select %and3A_799, %sub3A_801, %div3A_780 : i32
        %jit3A_803 = arith.constant 4 : i32
        %eq3A_804 = arith.constant 0 : i32
        %eq3A_805 = arith.cmpi eq, %jit3A_803, %eq3A_804 : i32
        %jit3A_806 = arith.constant 1 : i32
        %select_n3A_807 = arith.select %eq3A_805, %jit3A_806, %jit3A_803 : i32
        %rem3A_808 = arith.remsi %add3A_778, %select_n3A_807 : i32
        %ne3A_809 = arith.constant 0 : i32
        %ne3A_810 = arith.cmpi ne, %rem3A_808, %ne3A_809 : i32
        %lt3A_811 = arith.constant 0 : i32
        %lt3A_812 = arith.cmpi slt, %rem3A_808, %lt3A_811 : i32
        %lt3A_813 = arith.constant 0 : i32
        %lt3A_814 = arith.cmpi slt, %select_n3A_807, %lt3A_813 : i32
        %ne3A_815 = arith.xori %lt3A_812, %lt3A_814 : i1
        %and3A_816 = arith.andi %ne3A_815, %ne3A_810 : i1
        %add3A_817 = arith.addi %rem3A_808, %select_n3A_807 : i32
        %select_n3A_818 = arith.select %and3A_816, %add3A_817, %rem3A_808 : i32
        %mul3A_819 = arith.constant 32 : i32
        %mul3A_820 = arith.muli %select_n3A_818, %mul3A_819 : i32
        %get3A_821 = arith.index_cast %select_n3A_802 : i32 to index
        %get3A_822 = arith.index_cast %mul3A_820 : i32 to index
        %get3A_823 = tpu.vector_load %arg10[%get3A_821, %get3A_822] {strides = array<i32>} : memref<128x128xf32, #tpu.memory_space<vmem>>, vector<16xf32>,
        %add3A_824 = arith.constant 16 : i32
        %add3A_825 = arith.addi %mul3A_820, %add3A_824 : i32
        %get3A_826 = arith.index_cast %select_n3A_802 : i32 to index
        %get3A_827 = arith.index_cast %add3A_825 : i32 to index
        %get3A_828 = tpu.vector_load %arg10[%get3A_826, %get3A_827] {strides = array<i32>} : memref<128x128xf32, #tpu.memory_space<vmem>>, vector<16xf32>,
        %get3A_829 = arith.index_cast %add3A_775 : i32 to index
        %get3A_830 = arith.constant 0 : index
        %get3A_831 = tpu.vector_load %arg13[%get3A_829, %get3A_830] {strides = array<i32>} : memref<32x128xf32, #tpu.memory_space<vmem>>, vector<16xf32>,
        %mul3A_832 = arith.mulf %get3A_823, %get3A_831 : vector<16xf32>
        %get3A_833 = arith.index_cast %add3A_775 : i32 to index
        %get3A_834 = arith.constant 16 : index
        %get3A_835 = tpu.vector_load %arg13[%get3A_833, %get3A_834] {strides = array<i32>} : memref<32x128xf32, #tpu.memory_space<vmem>>, vector<16xf32>,
        %mul3A_836 = arith.mulf %get3A_828, %get3A_835 : vector<16xf32>
        %add3A_837 = arith.addf %mul3A_832, %mul3A_836 : vector<16xf32>
        %slice3A_838 = vector.extract_strided_slice %add3A_837 {offsets = [0], sizes = [1], strides = [1]} : vector<16xf32> to vector<1xf32>
        %squeeze3A_839 = vector.extract %slice3A_838[0] : f32 from vector<1xf32>
        %slice3A_840 = vector.extract_strided_slice %add3A_837 {offsets = [1], sizes = [1], strides = [1]} : vector<16xf32> to vector<1xf32>
        %squeeze3A_841 = vector.extract %slice3A_840[0] : f32 from vector<1xf32>
        %add3A_842 = arith.addf %squeeze3A_839, %squeeze3A_841 : f32
        %slice3A_843 = vector.extract_strided_slice %add3A_837 {offsets = [2], sizes = [1], strides = [1]} : vector<16xf32> to vector<1xf32>
        %squeeze3A_844 = vector.extract %slice3A_843[0] : f32 from vector<1xf32>
        %add3A_845 = arith.addf %add3A_842, %squeeze3A_844 : f32
        %slice3A_846 = vector.extract_strided_slice %add3A_837 {offsets = [3], sizes = [1], strides = [1]} : vector<16xf32> to vector<1xf32>
        %squeeze3A_847 = vector.extract %slice3A_846[0] : f32 from vector<1xf32>
        %add3A_848 = arith.addf %add3A_845, %squeeze3A_847 : f32
        %slice3A_849 = vector.extract_strided_slice %add3A_837 {offsets = [4], sizes = [1], strides = [1]} : vector<16xf32> to vector<1xf32>
        %squeeze3A_850 = vector.extract %slice3A_849[0] : f32 from vector<1xf32>
        %add3A_851 = arith.addf %add3A_848, %squeeze3A_850 : f32
        %slice3A_852 = vector.extract_strided_slice %add3A_837 {offsets = [5], sizes = [1], strides = [1]} : vector<16xf32> to vector<1xf32>
        %squeeze3A_853 = vector.extract %slice3A_852[0] : f32 from vector<1xf32>
        %add3A_854 = arith.addf %add3A_851, %squeeze3A_853 : f32
        %slice3A_855 = vector.extract_strided_slice %add3A_837 {offsets = [6], sizes = [1], strides = [1]} : vector<16xf32> to vector<1xf32>
        %squeeze3A_856 = vector.extract %slice3A_855[0] : f32 from vector<1xf32>
        %add3A_857 = arith.addf %add3A_854, %squeeze3A_856 : f32
        %slice3A_858 = vector.extract_strided_slice %add3A_837 {offsets = [7], sizes = [1], strides = [1]} : vector<16xf32> to vector<1xf32>
        %squeeze3A_859 = vector.extract %slice3A_858[0] : f32 from vector<1xf32>
        %add3A_860 = arith.addf %add3A_857, %squeeze3A_859 : f32
        %slice3A_861 = vector.extract_strided_slice %add3A_837 {offsets = [8], sizes = [1], strides = [1]} : vector<16xf32> to vector<1xf32>
        %squeeze3A_862 = vector.extract %slice3A_861[0] : f32 from vector<1xf32>
        %add3A_863 = arith.addf %add3A_860, %squeeze3A_862 : f32
        %slice3A_864 = vector.extract_strided_slice %add3A_837 {offsets = [9], sizes = [1], strides = [1]} : vector<16xf32> to vector<1xf32>
        %squeeze3A_865 = vector.extract %slice3A_864[0] : f32 from vector<1xf32>
        %add3A_866 = arith.addf %add3A_863, %squeeze3A_865 : f32
        %slice3A_867 = vector.extract_strided_slice %add3A_837 {offsets = [10], sizes = [1], strides = [1]} : vector<16xf32> to vector<1xf32>
        %squeeze3A_868 = vector.extract %slice3A_867[0] : f32 from vector<1xf32>
        %add3A_869 = arith.addf %add3A_866, %squeeze3A_868 : f32
        %slice3A_870 = vector.extract_strided_slice %add3A_837 {offsets = [11], sizes = [1], strides = [1]} : vector<16xf32> to vector<1xf32>
        %squeeze3A_871 = vector.extract %slice3A_870[0] : f32 from vector<1xf32>
        %add3A_872 = arith.addf %add3A_869, %squeeze3A_871 : f32
        %slice3A_873 = vector.extract_strided_slice %add3A_837 {offsets = [12], sizes = [1], strides = [1]} : vector<16xf32> to vector<1xf32>
        %squeeze3A_874 = vector.extract %slice3A_873[0] : f32 from vector<1xf32>
        %add3A_875 = arith.addf %add3A_872, %squeeze3A_874 : f32
        %slice3A_876 = vector.extract_strided_slice %add3A_837 {offsets = [13], sizes = [1], strides = [1]} : vector<16xf32> to vector<1xf32>
        %squeeze3A_877 = vector.extract %slice3A_876[0] : f32 from vector<1xf32>
        %add3A_878 = arith.addf %add3A_875, %squeeze3A_877 : f32
        %slice3A_879 = vector.extract_strided_slice %add3A_837 {offsets = [14], sizes = [1], strides = [1]} : vector<16xf32> to vector<1xf32>
        %squeeze3A_880 = vector.extract %slice3A_879[0] : f32 from vector<1xf32>
        %add3A_881 = arith.addf %add3A_878, %squeeze3A_880 : f32
        %slice3A_882 = vector.extract_strided_slice %add3A_837 {offsets = [15], sizes = [1], strides = [1]} : vector<16xf32> to vector<1xf32>
        %squeeze3A_883 = vector.extract %slice3A_882[0] : f32 from vector<1xf32>
        %add3A_884 = arith.addf %add3A_881, %squeeze3A_883 : f32
        %eq3A_885 = arith.constant 6 : i32
        %eq3A_886 = vector.broadcast %eq3A_885 : i32 to vector<16xi32>
        %eq3A_887 = arith.cmpi eq, %iota3A, %eq3A_886 : vector<16xi32>
        %broadcast_in_dim3A_888 = vector.broadcast %add3A_884 : f32 to vector<16xf32>
        %select_n3A_889 = arith.select %eq3A_887, %broadcast_in_dim3A_888, %select_n3A_771 : vector<16xi1>, vector<16xf32>
        %mul3A_890 = arith.constant 16 : i32
        %mul3A_891 = arith.muli %scan3A_65, %mul3A_890 : i32
        %add3A_892 = arith.constant 7 : i32
        %add3A_893 = arith.addi %mul3A_891, %add3A_892 : i32
        %mul3A_894 = arith.constant 32 : i32
        %mul3A_895 = arith.muli %scan3A_17, %mul3A_894 : i32
        %add3A_896 = arith.addi %mul3A_895, %add3A_893 : i32
        %jit3A_897 = arith.constant 4 : i32
        %div3A_898 = arith.divsi %add3A_896, %jit3A_897 : i32
        %sign3A_899 = arith.constant 0 : i32
        %sign3A_900 = arith.cmpi sgt, %add3A_896, %sign3A_899 : i32
        %sign3A_901 = arith.extui %sign3A_900 : i1 to i32
        %sign3A_902 = arith.constant 0 : i32
        %sign3A_903 = arith.cmpi slt, %add3A_896, %sign3A_902 : i32
        %sign3A_904 = arith.extui %sign3A_903 : i1 to i32
        %sign3A_905 = arith.subi %sign3A_901, %sign3A_904 : i32
        %sign3A_906 = arith.constant 0 : i32
        %sign3A_907 = arith.cmpi sgt, %jit3A_897, %sign3A_906 : i32
        %sign3A_908 = arith.extui %sign3A_907 : i1 to i32
        %sign3A_909 = arith.constant 0 : i32
        %sign3A_910 = arith.cmpi slt, %jit3A_897, %sign3A_909 : i32
        %sign3A_911 = arith.extui %sign3A_910 : i1 to i32
        %sign3A_912 = arith.subi %sign3A_908, %sign3A_911 : i32
        %ne3A_913 = arith.cmpi ne, %sign3A_905, %sign3A_912 : i32
        %rem3A_914 = arith.remsi %add3A_896, %jit3A_897 : i32
        %ne3A_915 = arith.constant 0 : i32
        %ne3A_916 = arith.cmpi ne, %rem3A_914, %ne3A_915 : i32
        %and3A_917 = arith.andi %ne3A_913, %ne3A_916 : i1
        %sub3A_918 = arith.constant 1 : i32
        %sub3A_919 = arith.subi %div3A_898, %sub3A_918 : i32
        %select_n3A_920 = arith.select %and3A_917, %sub3A_919, %div3A_898 : i32
        %jit3A_921 = arith.constant 4 : i32
        %eq3A_922 = arith.constant 0 : i32
        %eq3A_923 = arith.cmpi eq, %jit3A_921, %eq3A_922 : i32
        %jit3A_924 = arith.constant 1 : i32
        %select_n3A_925 = arith.select %eq3A_923, %jit3A_924, %jit3A_921 : i32
        %rem3A_926 = arith.remsi %add3A_896, %select_n3A_925 : i32
        %ne3A_927 = arith.constant 0 : i32
        %ne3A_928 = arith.cmpi ne, %rem3A_926, %ne3A_927 : i32
        %lt3A_929 = arith.constant 0 : i32
        %lt3A_930 = arith.cmpi slt, %rem3A_926, %lt3A_929 : i32
        %lt3A_931 = arith.constant 0 : i32
        %lt3A_932 = arith.cmpi slt, %select_n3A_925, %lt3A_931 : i32
        %ne3A_933 = arith.xori %lt3A_930, %lt3A_932 : i1
        %and3A_934 = arith.andi %ne3A_933, %ne3A_928 : i1
        %add3A_935 = arith.addi %rem3A_926, %select_n3A_925 : i32
        %select_n3A_936 = arith.select %and3A_934, %add3A_935, %rem3A_926 : i32
        %mul3A_937 = arith.constant 32 : i32
        %mul3A_938 = arith.muli %select_n3A_936, %mul3A_937 : i32
        %get3A_939 = arith.index_cast %select_n3A_920 : i32 to index
        %get3A_940 = arith.index_cast %mul3A_938 : i32 to index
        %get3A_941 = tpu.vector_load %arg10[%get3A_939, %get3A_940] {strides = array<i32>} : memref<128x128xf32, #tpu.memory_space<vmem>>, vector<16xf32>,
        %add3A_942 = arith.constant 16 : i32
        %add3A_943 = arith.addi %mul3A_938, %add3A_942 : i32
        %get3A_944 = arith.index_cast %select_n3A_920 : i32 to index
        %get3A_945 = arith.index_cast %add3A_943 : i32 to index
        %get3A_946 = tpu.vector_load %arg10[%get3A_944, %get3A_945] {strides = array<i32>} : memref<128x128xf32, #tpu.memory_space<vmem>>, vector<16xf32>,
        %get3A_947 = arith.index_cast %add3A_893 : i32 to index
        %get3A_948 = arith.constant 0 : index
        %get3A_949 = tpu.vector_load %arg13[%get3A_947, %get3A_948] {strides = array<i32>} : memref<32x128xf32, #tpu.memory_space<vmem>>, vector<16xf32>,
        %mul3A_950 = arith.mulf %get3A_941, %get3A_949 : vector<16xf32>
        %get3A_951 = arith.index_cast %add3A_893 : i32 to index
        %get3A_952 = arith.constant 16 : index
        %get3A_953 = tpu.vector_load %arg13[%get3A_951, %get3A_952] {strides = array<i32>} : memref<32x128xf32, #tpu.memory_space<vmem>>, vector<16xf32>,
        %mul3A_954 = arith.mulf %get3A_946, %get3A_953 : vector<16xf32>
        %add3A_955 = arith.addf %mul3A_950, %mul3A_954 : vector<16xf32>
        %slice3A_956 = vector.extract_strided_slice %add3A_955 {offsets = [0], sizes = [1], strides = [1]} : vector<16xf32> to vector<1xf32>
        %squeeze3A_957 = vector.extract %slice3A_956[0] : f32 from vector<1xf32>
        %slice3A_958 = vector.extract_strided_slice %add3A_955 {offsets = [1], sizes = [1], strides = [1]} : vector<16xf32> to vector<1xf32>
        %squeeze3A_959 = vector.extract %slice3A_958[0] : f32 from vector<1xf32>
        %add3A_960 = arith.addf %squeeze3A_957, %squeeze3A_959 : f32
        %slice3A_961 = vector.extract_strided_slice %add3A_955 {offsets = [2], sizes = [1], strides = [1]} : vector<16xf32> to vector<1xf32>
        %squeeze3A_962 = vector.extract %slice3A_961[0] : f32 from vector<1xf32>
        %add3A_963 = arith.addf %add3A_960, %squeeze3A_962 : f32
        %slice3A_964 = vector.extract_strided_slice %add3A_955 {offsets = [3], sizes = [1], strides = [1]} : vector<16xf32> to vector<1xf32>
        %squeeze3A_965 = vector.extract %slice3A_964[0] : f32 from vector<1xf32>
        %add3A_966 = arith.addf %add3A_963, %squeeze3A_965 : f32
        %slice3A_967 = vector.extract_strided_slice %add3A_955 {offsets = [4], sizes = [1], strides = [1]} : vector<16xf32> to vector<1xf32>
        %squeeze3A_968 = vector.extract %slice3A_967[0] : f32 from vector<1xf32>
        %add3A_969 = arith.addf %add3A_966, %squeeze3A_968 : f32
        %slice3A_970 = vector.extract_strided_slice %add3A_955 {offsets = [5], sizes = [1], strides = [1]} : vector<16xf32> to vector<1xf32>
        %squeeze3A_971 = vector.extract %slice3A_970[0] : f32 from vector<1xf32>
        %add3A_972 = arith.addf %add3A_969, %squeeze3A_971 : f32
        %slice3A_973 = vector.extract_strided_slice %add3A_955 {offsets = [6], sizes = [1], strides = [1]} : vector<16xf32> to vector<1xf32>
        %squeeze3A_974 = vector.extract %slice3A_973[0] : f32 from vector<1xf32>
        %add3A_975 = arith.addf %add3A_972, %squeeze3A_974 : f32
        %slice3A_976 = vector.extract_strided_slice %add3A_955 {offsets = [7], sizes = [1], strides = [1]} : vector<16xf32> to vector<1xf32>
        %squeeze3A_977 = vector.extract %slice3A_976[0] : f32 from vector<1xf32>
        %add3A_978 = arith.addf %add3A_975, %squeeze3A_977 : f32
        %slice3A_979 = vector.extract_strided_slice %add3A_955 {offsets = [8], sizes = [1], strides = [1]} : vector<16xf32> to vector<1xf32>
        %squeeze3A_980 = vector.extract %slice3A_979[0] : f32 from vector<1xf32>
        %add3A_981 = arith.addf %add3A_978, %squeeze3A_980 : f32
        %slice3A_982 = vector.extract_strided_slice %add3A_955 {offsets = [9], sizes = [1], strides = [1]} : vector<16xf32> to vector<1xf32>
        %squeeze3A_983 = vector.extract %slice3A_982[0] : f32 from vector<1xf32>
        %add3A_984 = arith.addf %add3A_981, %squeeze3A_983 : f32
        %slice3A_985 = vector.extract_strided_slice %add3A_955 {offsets = [10], sizes = [1], strides = [1]} : vector<16xf32> to vector<1xf32>
        %squeeze3A_986 = vector.extract %slice3A_985[0] : f32 from vector<1xf32>
        %add3A_987 = arith.addf %add3A_984, %squeeze3A_986 : f32
        %slice3A_988 = vector.extract_strided_slice %add3A_955 {offsets = [11], sizes = [1], strides = [1]} : vector<16xf32> to vector<1xf32>
        %squeeze3A_989 = vector.extract %slice3A_988[0] : f32 from vector<1xf32>
        %add3A_990 = arith.addf %add3A_987, %squeeze3A_989 : f32
        %slice3A_991 = vector.extract_strided_slice %add3A_955 {offsets = [12], sizes = [1], strides = [1]} : vector<16xf32> to vector<1xf32>
        %squeeze3A_992 = vector.extract %slice3A_991[0] : f32 from vector<1xf32>
        %add3A_993 = arith.addf %add3A_990, %squeeze3A_992 : f32
        %slice3A_994 = vector.extract_strided_slice %add3A_955 {offsets = [13], sizes = [1], strides = [1]} : vector<16xf32> to vector<1xf32>
        %squeeze3A_995 = vector.extract %slice3A_994[0] : f32 from vector<1xf32>
        %add3A_996 = arith.addf %add3A_993, %squeeze3A_995 : f32
        %slice3A_997 = vector.extract_strided_slice %add3A_955 {offsets = [14], sizes = [1], strides = [1]} : vector<16xf32> to vector<1xf32>
        %squeeze3A_998 = vector.extract %slice3A_997[0] : f32 from vector<1xf32>
        %add3A_999 = arith.addf %add3A_996, %squeeze3A_998 : f32
        %slice3A_1000 = vector.extract_strided_slice %add3A_955 {offsets = [15], sizes = [1], strides = [1]} : vector<16xf32> to vector<1xf32>
        %squeeze3A_1001 = vector.extract %slice3A_1000[0] : f32 from vector<1xf32>
        %add3A_1002 = arith.addf %add3A_999, %squeeze3A_1001 : f32
        %eq3A_1003 = arith.constant 7 : i32
        %eq3A_1004 = vector.broadcast %eq3A_1003 : i32 to vector<16xi32>
        %eq3A_1005 = arith.cmpi eq, %iota3A, %eq3A_1004 : vector<16xi32>
        %broadcast_in_dim3A_1006 = vector.broadcast %add3A_1002 : f32 to vector<16xf32>
        %select_n3A_1007 = arith.select %eq3A_1005, %broadcast_in_dim3A_1006, %select_n3A_889 : vector<16xi1>, vector<16xf32>
        %mul3A_1008 = arith.constant 16 : i32
        %mul3A_1009 = arith.muli %scan3A_65, %mul3A_1008 : i32
        %add3A_1010 = arith.constant 8 : i32
        %add3A_1011 = arith.addi %mul3A_1009, %add3A_1010 : i32
        %mul3A_1012 = arith.constant 32 : i32
        %mul3A_1013 = arith.muli %scan3A_17, %mul3A_1012 : i32
        %add3A_1014 = arith.addi %mul3A_1013, %add3A_1011 : i32
        %jit3A_1015 = arith.constant 4 : i32
        %div3A_1016 = arith.divsi %add3A_1014, %jit3A_1015 : i32
        %sign3A_1017 = arith.constant 0 : i32
        %sign3A_1018 = arith.cmpi sgt, %add3A_1014, %sign3A_1017 : i32
        %sign3A_1019 = arith.extui %sign3A_1018 : i1 to i32
        %sign3A_1020 = arith.constant 0 : i32
        %sign3A_1021 = arith.cmpi slt, %add3A_1014, %sign3A_1020 : i32
        %sign3A_1022 = arith.extui %sign3A_1021 : i1 to i32
        %sign3A_1023 = arith.subi %sign3A_1019, %sign3A_1022 : i32
        %sign3A_1024 = arith.constant 0 : i32
        %sign3A_1025 = arith.cmpi sgt, %jit3A_1015, %sign3A_1024 : i32
        %sign3A_1026 = arith.extui %sign3A_1025 : i1 to i32
        %sign3A_1027 = arith.constant 0 : i32
        %sign3A_1028 = arith.cmpi slt, %jit3A_1015, %sign3A_1027 : i32
        %sign3A_1029 = arith.extui %sign3A_1028 : i1 to i32
        %sign3A_1030 = arith.subi %sign3A_1026, %sign3A_1029 : i32
        %ne3A_1031 = arith.cmpi ne, %sign3A_1023, %sign3A_1030 : i32
        %rem3A_1032 = arith.remsi %add3A_1014, %jit3A_1015 : i32
        %ne3A_1033 = arith.constant 0 : i32
        %ne3A_1034 = arith.cmpi ne, %rem3A_1032, %ne3A_1033 : i32
        %and3A_1035 = arith.andi %ne3A_1031, %ne3A_1034 : i1
        %sub3A_1036 = arith.constant 1 : i32
        %sub3A_1037 = arith.subi %div3A_1016, %sub3A_1036 : i32
        %select_n3A_1038 = arith.select %and3A_1035, %sub3A_1037, %div3A_1016 : i32
        %jit3A_1039 = arith.constant 4 : i32
        %eq3A_1040 = arith.constant 0 : i32
        %eq3A_1041 = arith.cmpi eq, %jit3A_1039, %eq3A_1040 : i32
        %jit3A_1042 = arith.constant 1 : i32
        %select_n3A_1043 = arith.select %eq3A_1041, %jit3A_1042, %jit3A_1039 : i32
        %rem3A_1044 = arith.remsi %add3A_1014, %select_n3A_1043 : i32
        %ne3A_1045 = arith.constant 0 : i32
        %ne3A_1046 = arith.cmpi ne, %rem3A_1044, %ne3A_1045 : i32
        %lt3A_1047 = arith.constant 0 : i32
        %lt3A_1048 = arith.cmpi slt, %rem3A_1044, %lt3A_1047 : i32
        %lt3A_1049 = arith.constant 0 : i32
        %lt3A_1050 = arith.cmpi slt, %select_n3A_1043, %lt3A_1049 : i32
        %ne3A_1051 = arith.xori %lt3A_1048, %lt3A_1050 : i1
        %and3A_1052 = arith.andi %ne3A_1051, %ne3A_1046 : i1
        %add3A_1053 = arith.addi %rem3A_1044, %select_n3A_1043 : i32
        %select_n3A_1054 = arith.select %and3A_1052, %add3A_1053, %rem3A_1044 : i32
        %mul3A_1055 = arith.constant 32 : i32
        %mul3A_1056 = arith.muli %select_n3A_1054, %mul3A_1055 : i32
        %get3A_1057 = arith.index_cast %select_n3A_1038 : i32 to index
        %get3A_1058 = arith.index_cast %mul3A_1056 : i32 to index
        %get3A_1059 = tpu.vector_load %arg10[%get3A_1057, %get3A_1058] {strides = array<i32>} : memref<128x128xf32, #tpu.memory_space<vmem>>, vector<16xf32>,
        %add3A_1060 = arith.constant 16 : i32
        %add3A_1061 = arith.addi %mul3A_1056, %add3A_1060 : i32
        %get3A_1062 = arith.index_cast %select_n3A_1038 : i32 to index
        %get3A_1063 = arith.index_cast %add3A_1061 : i32 to index
        %get3A_1064 = tpu.vector_load %arg10[%get3A_1062, %get3A_1063] {strides = array<i32>} : memref<128x128xf32, #tpu.memory_space<vmem>>, vector<16xf32>,
        %get3A_1065 = arith.index_cast %add3A_1011 : i32 to index
        %get3A_1066 = arith.constant 0 : index
        %get3A_1067 = tpu.vector_load %arg13[%get3A_1065, %get3A_1066] {strides = array<i32>} : memref<32x128xf32, #tpu.memory_space<vmem>>, vector<16xf32>,
        %mul3A_1068 = arith.mulf %get3A_1059, %get3A_1067 : vector<16xf32>
        %get3A_1069 = arith.index_cast %add3A_1011 : i32 to index
        %get3A_1070 = arith.constant 16 : index
        %get3A_1071 = tpu.vector_load %arg13[%get3A_1069, %get3A_1070] {strides = array<i32>} : memref<32x128xf32, #tpu.memory_space<vmem>>, vector<16xf32>,
        %mul3A_1072 = arith.mulf %get3A_1064, %get3A_1071 : vector<16xf32>
        %add3A_1073 = arith.addf %mul3A_1068, %mul3A_1072 : vector<16xf32>
        %slice3A_1074 = vector.extract_strided_slice %add3A_1073 {offsets = [0], sizes = [1], strides = [1]} : vector<16xf32> to vector<1xf32>
        %squeeze3A_1075 = vector.extract %slice3A_1074[0] : f32 from vector<1xf32>
        %slice3A_1076 = vector.extract_strided_slice %add3A_1073 {offsets = [1], sizes = [1], strides = [1]} : vector<16xf32> to vector<1xf32>
        %squeeze3A_1077 = vector.extract %slice3A_1076[0] : f32 from vector<1xf32>
        %add3A_1078 = arith.addf %squeeze3A_1075, %squeeze3A_1077 : f32
        %slice3A_1079 = vector.extract_strided_slice %add3A_1073 {offsets = [2], sizes = [1], strides = [1]} : vector<16xf32> to vector<1xf32>
        %squeeze3A_1080 = vector.extract %slice3A_1079[0] : f32 from vector<1xf32>
        %add3A_1081 = arith.addf %add3A_1078, %squeeze3A_1080 : f32
        %slice3A_1082 = vector.extract_strided_slice %add3A_1073 {offsets = [3], sizes = [1], strides = [1]} : vector<16xf32> to vector<1xf32>
        %squeeze3A_1083 = vector.extract %slice3A_1082[0] : f32 from vector<1xf32>
        %add3A_1084 = arith.addf %add3A_1081, %squeeze3A_1083 : f32
        %slice3A_1085 = vector.extract_strided_slice %add3A_1073 {offsets = [4], sizes = [1], strides = [1]} : vector<16xf32> to vector<1xf32>
        %squeeze3A_1086 = vector.extract %slice3A_1085[0] : f32 from vector<1xf32>
        %add3A_1087 = arith.addf %add3A_1084, %squeeze3A_1086 : f32
        %slice3A_1088 = vector.extract_strided_slice %add3A_1073 {offsets = [5], sizes = [1], strides = [1]} : vector<16xf32> to vector<1xf32>
        %squeeze3A_1089 = vector.extract %slice3A_1088[0] : f32 from vector<1xf32>
        %add3A_1090 = arith.addf %add3A_1087, %squeeze3A_1089 : f32
        %slice3A_1091 = vector.extract_strided_slice %add3A_1073 {offsets = [6], sizes = [1], strides = [1]} : vector<16xf32> to vector<1xf32>
        %squeeze3A_1092 = vector.extract %slice3A_1091[0] : f32 from vector<1xf32>
        %add3A_1093 = arith.addf %add3A_1090, %squeeze3A_1092 : f32
        %slice3A_1094 = vector.extract_strided_slice %add3A_1073 {offsets = [7], sizes = [1], strides = [1]} : vector<16xf32> to vector<1xf32>
        %squeeze3A_1095 = vector.extract %slice3A_1094[0] : f32 from vector<1xf32>
        %add3A_1096 = arith.addf %add3A_1093, %squeeze3A_1095 : f32
        %slice3A_1097 = vector.extract_strided_slice %add3A_1073 {offsets = [8], sizes = [1], strides = [1]} : vector<16xf32> to vector<1xf32>
        %squeeze3A_1098 = vector.extract %slice3A_1097[0] : f32 from vector<1xf32>
        %add3A_1099 = arith.addf %add3A_1096, %squeeze3A_1098 : f32
        %slice3A_1100 = vector.extract_strided_slice %add3A_1073 {offsets = [9], sizes = [1], strides = [1]} : vector<16xf32> to vector<1xf32>
        %squeeze3A_1101 = vector.extract %slice3A_1100[0] : f32 from vector<1xf32>
        %add3A_1102 = arith.addf %add3A_1099, %squeeze3A_1101 : f32
        %slice3A_1103 = vector.extract_strided_slice %add3A_1073 {offsets = [10], sizes = [1], strides = [1]} : vector<16xf32> to vector<1xf32>
        %squeeze3A_1104 = vector.extract %slice3A_1103[0] : f32 from vector<1xf32>
        %add3A_1105 = arith.addf %add3A_1102, %squeeze3A_1104 : f32
        %slice3A_1106 = vector.extract_strided_slice %add3A_1073 {offsets = [11], sizes = [1], strides = [1]} : vector<16xf32> to vector<1xf32>
        %squeeze3A_1107 = vector.extract %slice3A_1106[0] : f32 from vector<1xf32>
        %add3A_1108 = arith.addf %add3A_1105, %squeeze3A_1107 : f32
        %slice3A_1109 = vector.extract_strided_slice %add3A_1073 {offsets = [12], sizes = [1], strides = [1]} : vector<16xf32> to vector<1xf32>
        %squeeze3A_1110 = vector.extract %slice3A_1109[0] : f32 from vector<1xf32>
        %add3A_1111 = arith.addf %add3A_1108, %squeeze3A_1110 : f32
        %slice3A_1112 = vector.extract_strided_slice %add3A_1073 {offsets = [13], sizes = [1], strides = [1]} : vector<16xf32> to vector<1xf32>
        %squeeze3A_1113 = vector.extract %slice3A_1112[0] : f32 from vector<1xf32>
        %add3A_1114 = arith.addf %add3A_1111, %squeeze3A_1113 : f32
        %slice3A_1115 = vector.extract_strided_slice %add3A_1073 {offsets = [14], sizes = [1], strides = [1]} : vector<16xf32> to vector<1xf32>
        %squeeze3A_1116 = vector.extract %slice3A_1115[0] : f32 from vector<1xf32>
        %add3A_1117 = arith.addf %add3A_1114, %squeeze3A_1116 : f32
        %slice3A_1118 = vector.extract_strided_slice %add3A_1073 {offsets = [15], sizes = [1], strides = [1]} : vector<16xf32> to vector<1xf32>
        %squeeze3A_1119 = vector.extract %slice3A_1118[0] : f32 from vector<1xf32>
        %add3A_1120 = arith.addf %add3A_1117, %squeeze3A_1119 : f32
        %eq3A_1121 = arith.constant 8 : i32
        %eq3A_1122 = vector.broadcast %eq3A_1121 : i32 to vector<16xi32>
        %eq3A_1123 = arith.cmpi eq, %iota3A, %eq3A_1122 : vector<16xi32>
        %broadcast_in_dim3A_1124 = vector.broadcast %add3A_1120 : f32 to vector<16xf32>
        %select_n3A_1125 = arith.select %eq3A_1123, %broadcast_in_dim3A_1124, %select_n3A_1007 : vector<16xi1>, vector<16xf32>
        %mul3A_1126 = arith.constant 16 : i32
        %mul3A_1127 = arith.muli %scan3A_65, %mul3A_1126 : i32
        %add3A_1128 = arith.constant 9 : i32
        %add3A_1129 = arith.addi %mul3A_1127, %add3A_1128 : i32
        %mul3A_1130 = arith.constant 32 : i32
        %mul3A_1131 = arith.muli %scan3A_17, %mul3A_1130 : i32
        %add3A_1132 = arith.addi %mul3A_1131, %add3A_1129 : i32
        %jit3A_1133 = arith.constant 4 : i32
        %div3A_1134 = arith.divsi %add3A_1132, %jit3A_1133 : i32
        %sign3A_1135 = arith.constant 0 : i32
        %sign3A_1136 = arith.cmpi sgt, %add3A_1132, %sign3A_1135 : i32
        %sign3A_1137 = arith.extui %sign3A_1136 : i1 to i32
        %sign3A_1138 = arith.constant 0 : i32
        %sign3A_1139 = arith.cmpi slt, %add3A_1132, %sign3A_1138 : i32
        %sign3A_1140 = arith.extui %sign3A_1139 : i1 to i32
        %sign3A_1141 = arith.subi %sign3A_1137, %sign3A_1140 : i32
        %sign3A_1142 = arith.constant 0 : i32
        %sign3A_1143 = arith.cmpi sgt, %jit3A_1133, %sign3A_1142 : i32
        %sign3A_1144 = arith.extui %sign3A_1143 : i1 to i32
        %sign3A_1145 = arith.constant 0 : i32
        %sign3A_1146 = arith.cmpi slt, %jit3A_1133, %sign3A_1145 : i32
        %sign3A_1147 = arith.extui %sign3A_1146 : i1 to i32
        %sign3A_1148 = arith.subi %sign3A_1144, %sign3A_1147 : i32
        %ne3A_1149 = arith.cmpi ne, %sign3A_1141, %sign3A_1148 : i32
        %rem3A_1150 = arith.remsi %add3A_1132, %jit3A_1133 : i32
        %ne3A_1151 = arith.constant 0 : i32
        %ne3A_1152 = arith.cmpi ne, %rem3A_1150, %ne3A_1151 : i32
        %and3A_1153 = arith.andi %ne3A_1149, %ne3A_1152 : i1
        %sub3A_1154 = arith.constant 1 : i32
        %sub3A_1155 = arith.subi %div3A_1134, %sub3A_1154 : i32
        %select_n3A_1156 = arith.select %and3A_1153, %sub3A_1155, %div3A_1134 : i32
        %jit3A_1157 = arith.constant 4 : i32
        %eq3A_1158 = arith.constant 0 : i32
        %eq3A_1159 = arith.cmpi eq, %jit3A_1157, %eq3A_1158 : i32
        %jit3A_1160 = arith.constant 1 : i32
        %select_n3A_1161 = arith.select %eq3A_1159, %jit3A_1160, %jit3A_1157 : i32
        %rem3A_1162 = arith.remsi %add3A_1132, %select_n3A_1161 : i32
        %ne3A_1163 = arith.constant 0 : i32
        %ne3A_1164 = arith.cmpi ne, %rem3A_1162, %ne3A_1163 : i32
        %lt3A_1165 = arith.constant 0 : i32
        %lt3A_1166 = arith.cmpi slt, %rem3A_1162, %lt3A_1165 : i32
        %lt3A_1167 = arith.constant 0 : i32
        %lt3A_1168 = arith.cmpi slt, %select_n3A_1161, %lt3A_1167 : i32
        %ne3A_1169 = arith.xori %lt3A_1166, %lt3A_1168 : i1
        %and3A_1170 = arith.andi %ne3A_1169, %ne3A_1164 : i1
        %add3A_1171 = arith.addi %rem3A_1162, %select_n3A_1161 : i32
        %select_n3A_1172 = arith.select %and3A_1170, %add3A_1171, %rem3A_1162 : i32
        %mul3A_1173 = arith.constant 32 : i32
        %mul3A_1174 = arith.muli %select_n3A_1172, %mul3A_1173 : i32
        %get3A_1175 = arith.index_cast %select_n3A_1156 : i32 to index
        %get3A_1176 = arith.index_cast %mul3A_1174 : i32 to index
        %get3A_1177 = tpu.vector_load %arg10[%get3A_1175, %get3A_1176] {strides = array<i32>} : memref<128x128xf32, #tpu.memory_space<vmem>>, vector<16xf32>,
        %add3A_1178 = arith.constant 16 : i32
        %add3A_1179 = arith.addi %mul3A_1174, %add3A_1178 : i32
        %get3A_1180 = arith.index_cast %select_n3A_1156 : i32 to index
        %get3A_1181 = arith.index_cast %add3A_1179 : i32 to index
        %get3A_1182 = tpu.vector_load %arg10[%get3A_1180, %get3A_1181] {strides = array<i32>} : memref<128x128xf32, #tpu.memory_space<vmem>>, vector<16xf32>,
        %get3A_1183 = arith.index_cast %add3A_1129 : i32 to index
        %get3A_1184 = arith.constant 0 : index
        %get3A_1185 = tpu.vector_load %arg13[%get3A_1183, %get3A_1184] {strides = array<i32>} : memref<32x128xf32, #tpu.memory_space<vmem>>, vector<16xf32>,
        %mul3A_1186 = arith.mulf %get3A_1177, %get3A_1185 : vector<16xf32>
        %get3A_1187 = arith.index_cast %add3A_1129 : i32 to index
        %get3A_1188 = arith.constant 16 : index
        %get3A_1189 = tpu.vector_load %arg13[%get3A_1187, %get3A_1188] {strides = array<i32>} : memref<32x128xf32, #tpu.memory_space<vmem>>, vector<16xf32>,
        %mul3A_1190 = arith.mulf %get3A_1182, %get3A_1189 : vector<16xf32>
        %add3A_1191 = arith.addf %mul3A_1186, %mul3A_1190 : vector<16xf32>
        %slice3A_1192 = vector.extract_strided_slice %add3A_1191 {offsets = [0], sizes = [1], strides = [1]} : vector<16xf32> to vector<1xf32>
        %squeeze3A_1193 = vector.extract %slice3A_1192[0] : f32 from vector<1xf32>
        %slice3A_1194 = vector.extract_strided_slice %add3A_1191 {offsets = [1], sizes = [1], strides = [1]} : vector<16xf32> to vector<1xf32>
        %squeeze3A_1195 = vector.extract %slice3A_1194[0] : f32 from vector<1xf32>
        %add3A_1196 = arith.addf %squeeze3A_1193, %squeeze3A_1195 : f32
        %slice3A_1197 = vector.extract_strided_slice %add3A_1191 {offsets = [2], sizes = [1], strides = [1]} : vector<16xf32> to vector<1xf32>
        %squeeze3A_1198 = vector.extract %slice3A_1197[0] : f32 from vector<1xf32>
        %add3A_1199 = arith.addf %add3A_1196, %squeeze3A_1198 : f32
        %slice3A_1200 = vector.extract_strided_slice %add3A_1191 {offsets = [3], sizes = [1], strides = [1]} : vector<16xf32> to vector<1xf32>
        %squeeze3A_1201 = vector.extract %slice3A_1200[0] : f32 from vector<1xf32>
        %add3A_1202 = arith.addf %add3A_1199, %squeeze3A_1201 : f32
        %slice3A_1203 = vector.extract_strided_slice %add3A_1191 {offsets = [4], sizes = [1], strides = [1]} : vector<16xf32> to vector<1xf32>
        %squeeze3A_1204 = vector.extract %slice3A_1203[0] : f32 from vector<1xf32>
        %add3A_1205 = arith.addf %add3A_1202, %squeeze3A_1204 : f32
        %slice3A_1206 = vector.extract_strided_slice %add3A_1191 {offsets = [5], sizes = [1], strides = [1]} : vector<16xf32> to vector<1xf32>
        %squeeze3A_1207 = vector.extract %slice3A_1206[0] : f32 from vector<1xf32>
        %add3A_1208 = arith.addf %add3A_1205, %squeeze3A_1207 : f32
        %slice3A_1209 = vector.extract_strided_slice %add3A_1191 {offsets = [6], sizes = [1], strides = [1]} : vector<16xf32> to vector<1xf32>
        %squeeze3A_1210 = vector.extract %slice3A_1209[0] : f32 from vector<1xf32>
        %add3A_1211 = arith.addf %add3A_1208, %squeeze3A_1210 : f32
        %slice3A_1212 = vector.extract_strided_slice %add3A_1191 {offsets = [7], sizes = [1], strides = [1]} : vector<16xf32> to vector<1xf32>
        %squeeze3A_1213 = vector.extract %slice3A_1212[0] : f32 from vector<1xf32>
        %add3A_1214 = arith.addf %add3A_1211, %squeeze3A_1213 : f32
        %slice3A_1215 = vector.extract_strided_slice %add3A_1191 {offsets = [8], sizes = [1], strides = [1]} : vector<16xf32> to vector<1xf32>
        %squeeze3A_1216 = vector.extract %slice3A_1215[0] : f32 from vector<1xf32>
        %add3A_1217 = arith.addf %add3A_1214, %squeeze3A_1216 : f32
        %slice3A_1218 = vector.extract_strided_slice %add3A_1191 {offsets = [9], sizes = [1], strides = [1]} : vector<16xf32> to vector<1xf32>
        %squeeze3A_1219 = vector.extract %slice3A_1218[0] : f32 from vector<1xf32>
        %add3A_1220 = arith.addf %add3A_1217, %squeeze3A_1219 : f32
        %slice3A_1221 = vector.extract_strided_slice %add3A_1191 {offsets = [10], sizes = [1], strides = [1]} : vector<16xf32> to vector<1xf32>
        %squeeze3A_1222 = vector.extract %slice3A_1221[0] : f32 from vector<1xf32>
        %add3A_1223 = arith.addf %add3A_1220, %squeeze3A_1222 : f32
        %slice3A_1224 = vector.extract_strided_slice %add3A_1191 {offsets = [11], sizes = [1], strides = [1]} : vector<16xf32> to vector<1xf32>
        %squeeze3A_1225 = vector.extract %slice3A_1224[0] : f32 from vector<1xf32>
        %add3A_1226 = arith.addf %add3A_1223, %squeeze3A_1225 : f32
        %slice3A_1227 = vector.extract_strided_slice %add3A_1191 {offsets = [12], sizes = [1], strides = [1]} : vector<16xf32> to vector<1xf32>
        %squeeze3A_1228 = vector.extract %slice3A_1227[0] : f32 from vector<1xf32>
        %add3A_1229 = arith.addf %add3A_1226, %squeeze3A_1228 : f32
        %slice3A_1230 = vector.extract_strided_slice %add3A_1191 {offsets = [13], sizes = [1], strides = [1]} : vector<16xf32> to vector<1xf32>
        %squeeze3A_1231 = vector.extract %slice3A_1230[0] : f32 from vector<1xf32>
        %add3A_1232 = arith.addf %add3A_1229, %squeeze3A_1231 : f32
        %slice3A_1233 = vector.extract_strided_slice %add3A_1191 {offsets = [14], sizes = [1], strides = [1]} : vector<16xf32> to vector<1xf32>
        %squeeze3A_1234 = vector.extract %slice3A_1233[0] : f32 from vector<1xf32>
        %add3A_1235 = arith.addf %add3A_1232, %squeeze3A_1234 : f32
        %slice3A_1236 = vector.extract_strided_slice %add3A_1191 {offsets = [15], sizes = [1], strides = [1]} : vector<16xf32> to vector<1xf32>
        %squeeze3A_1237 = vector.extract %slice3A_1236[0] : f32 from vector<1xf32>
        %add3A_1238 = arith.addf %add3A_1235, %squeeze3A_1237 : f32
        %eq3A_1239 = arith.constant 9 : i32
        %eq3A_1240 = vector.broadcast %eq3A_1239 : i32 to vector<16xi32>
        %eq3A_1241 = arith.cmpi eq, %iota3A, %eq3A_1240 : vector<16xi32>
        %broadcast_in_dim3A_1242 = vector.broadcast %add3A_1238 : f32 to vector<16xf32>
        %select_n3A_1243 = arith.select %eq3A_1241, %broadcast_in_dim3A_1242, %select_n3A_1125 : vector<16xi1>, vector<16xf32>
        %mul3A_1244 = arith.constant 16 : i32
        %mul3A_1245 = arith.muli %scan3A_65, %mul3A_1244 : i32
        %add3A_1246 = arith.constant 10 : i32
        %add3A_1247 = arith.addi %mul3A_1245, %add3A_1246 : i32
        %mul3A_1248 = arith.constant 32 : i32
        %mul3A_1249 = arith.muli %scan3A_17, %mul3A_1248 : i32
        %add3A_1250 = arith.addi %mul3A_1249, %add3A_1247 : i32
        %jit3A_1251 = arith.constant 4 : i32
        %div3A_1252 = arith.divsi %add3A_1250, %jit3A_1251 : i32
        %sign3A_1253 = arith.constant 0 : i32
        %sign3A_1254 = arith.cmpi sgt, %add3A_1250, %sign3A_1253 : i32
        %sign3A_1255 = arith.extui %sign3A_1254 : i1 to i32
        %sign3A_1256 = arith.constant 0 : i32
        %sign3A_1257 = arith.cmpi slt, %add3A_1250, %sign3A_1256 : i32
        %sign3A_1258 = arith.extui %sign3A_1257 : i1 to i32
        %sign3A_1259 = arith.subi %sign3A_1255, %sign3A_1258 : i32
        %sign3A_1260 = arith.constant 0 : i32
        %sign3A_1261 = arith.cmpi sgt, %jit3A_1251, %sign3A_1260 : i32
        %sign3A_1262 = arith.extui %sign3A_1261 : i1 to i32
        %sign3A_1263 = arith.constant 0 : i32
        %sign3A_1264 = arith.cmpi slt, %jit3A_1251, %sign3A_1263 : i32
        %sign3A_1265 = arith.extui %sign3A_1264 : i1 to i32
        %sign3A_1266 = arith.subi %sign3A_1262, %sign3A_1265 : i32
        %ne3A_1267 = arith.cmpi ne, %sign3A_1259, %sign3A_1266 : i32
        %rem3A_1268 = arith.remsi %add3A_1250, %jit3A_1251 : i32
        %ne3A_1269 = arith.constant 0 : i32
        %ne3A_1270 = arith.cmpi ne, %rem3A_1268, %ne3A_1269 : i32
        %and3A_1271 = arith.andi %ne3A_1267, %ne3A_1270 : i1
        %sub3A_1272 = arith.constant 1 : i32
        %sub3A_1273 = arith.subi %div3A_1252, %sub3A_1272 : i32
        %select_n3A_1274 = arith.select %and3A_1271, %sub3A_1273, %div3A_1252 : i32
        %jit3A_1275 = arith.constant 4 : i32
        %eq3A_1276 = arith.constant 0 : i32
        %eq3A_1277 = arith.cmpi eq, %jit3A_1275, %eq3A_1276 : i32
        %jit3A_1278 = arith.constant 1 : i32
        %select_n3A_1279 = arith.select %eq3A_1277, %jit3A_1278, %jit3A_1275 : i32
        %rem3A_1280 = arith.remsi %add3A_1250, %select_n3A_1279 : i32
        %ne3A_1281 = arith.constant 0 : i32
        %ne3A_1282 = arith.cmpi ne, %rem3A_1280, %ne3A_1281 : i32
        %lt3A_1283 = arith.constant 0 : i32
        %lt3A_1284 = arith.cmpi slt, %rem3A_1280, %lt3A_1283 : i32
        %lt3A_1285 = arith.constant 0 : i32
        %lt3A_1286 = arith.cmpi slt, %select_n3A_1279, %lt3A_1285 : i32
        %ne3A_1287 = arith.xori %lt3A_1284, %lt3A_1286 : i1
        %and3A_1288 = arith.andi %ne3A_1287, %ne3A_1282 : i1
        %add3A_1289 = arith.addi %rem3A_1280, %select_n3A_1279 : i32
        %select_n3A_1290 = arith.select %and3A_1288, %add3A_1289, %rem3A_1280 : i32
        %mul3A_1291 = arith.constant 32 : i32
        %mul3A_1292 = arith.muli %select_n3A_1290, %mul3A_1291 : i32
        %get3A_1293 = arith.index_cast %select_n3A_1274 : i32 to index
        %get3A_1294 = arith.index_cast %mul3A_1292 : i32 to index
        %get3A_1295 = tpu.vector_load %arg10[%get3A_1293, %get3A_1294] {strides = array<i32>} : memref<128x128xf32, #tpu.memory_space<vmem>>, vector<16xf32>,
        %add3A_1296 = arith.constant 16 : i32
        %add3A_1297 = arith.addi %mul3A_1292, %add3A_1296 : i32
        %get3A_1298 = arith.index_cast %select_n3A_1274 : i32 to index
        %get3A_1299 = arith.index_cast %add3A_1297 : i32 to index
        %get3A_1300 = tpu.vector_load %arg10[%get3A_1298, %get3A_1299] {strides = array<i32>} : memref<128x128xf32, #tpu.memory_space<vmem>>, vector<16xf32>,
        %get3A_1301 = arith.index_cast %add3A_1247 : i32 to index
        %get3A_1302 = arith.constant 0 : index
        %get3A_1303 = tpu.vector_load %arg13[%get3A_1301, %get3A_1302] {strides = array<i32>} : memref<32x128xf32, #tpu.memory_space<vmem>>, vector<16xf32>,
        %mul3A_1304 = arith.mulf %get3A_1295, %get3A_1303 : vector<16xf32>
        %get3A_1305 = arith.index_cast %add3A_1247 : i32 to index
        %get3A_1306 = arith.constant 16 : index
        %get3A_1307 = tpu.vector_load %arg13[%get3A_1305, %get3A_1306] {strides = array<i32>} : memref<32x128xf32, #tpu.memory_space<vmem>>, vector<16xf32>,
        %mul3A_1308 = arith.mulf %get3A_1300, %get3A_1307 : vector<16xf32>
        %add3A_1309 = arith.addf %mul3A_1304, %mul3A_1308 : vector<16xf32>
        %slice3A_1310 = vector.extract_strided_slice %add3A_1309 {offsets = [0], sizes = [1], strides = [1]} : vector<16xf32> to vector<1xf32>
        %squeeze3A_1311 = vector.extract %slice3A_1310[0] : f32 from vector<1xf32>
        %slice3A_1312 = vector.extract_strided_slice %add3A_1309 {offsets = [1], sizes = [1], strides = [1]} : vector<16xf32> to vector<1xf32>
        %squeeze3A_1313 = vector.extract %slice3A_1312[0] : f32 from vector<1xf32>
        %add3A_1314 = arith.addf %squeeze3A_1311, %squeeze3A_1313 : f32
        %slice3A_1315 = vector.extract_strided_slice %add3A_1309 {offsets = [2], sizes = [1], strides = [1]} : vector<16xf32> to vector<1xf32>
        %squeeze3A_1316 = vector.extract %slice3A_1315[0] : f32 from vector<1xf32>
        %add3A_1317 = arith.addf %add3A_1314, %squeeze3A_1316 : f32
        %slice3A_1318 = vector.extract_strided_slice %add3A_1309 {offsets = [3], sizes = [1], strides = [1]} : vector<16xf32> to vector<1xf32>
        %squeeze3A_1319 = vector.extract %slice3A_1318[0] : f32 from vector<1xf32>
        %add3A_1320 = arith.addf %add3A_1317, %squeeze3A_1319 : f32
        %slice3A_1321 = vector.extract_strided_slice %add3A_1309 {offsets = [4], sizes = [1], strides = [1]} : vector<16xf32> to vector<1xf32>
        %squeeze3A_1322 = vector.extract %slice3A_1321[0] : f32 from vector<1xf32>
        %add3A_1323 = arith.addf %add3A_1320, %squeeze3A_1322 : f32
        %slice3A_1324 = vector.extract_strided_slice %add3A_1309 {offsets = [5], sizes = [1], strides = [1]} : vector<16xf32> to vector<1xf32>
        %squeeze3A_1325 = vector.extract %slice3A_1324[0] : f32 from vector<1xf32>
        %add3A_1326 = arith.addf %add3A_1323, %squeeze3A_1325 : f32
        %slice3A_1327 = vector.extract_strided_slice %add3A_1309 {offsets = [6], sizes = [1], strides = [1]} : vector<16xf32> to vector<1xf32>
        %squeeze3A_1328 = vector.extract %slice3A_1327[0] : f32 from vector<1xf32>
        %add3A_1329 = arith.addf %add3A_1326, %squeeze3A_1328 : f32
        %slice3A_1330 = vector.extract_strided_slice %add3A_1309 {offsets = [7], sizes = [1], strides = [1]} : vector<16xf32> to vector<1xf32>
        %squeeze3A_1331 = vector.extract %slice3A_1330[0] : f32 from vector<1xf32>
        %add3A_1332 = arith.addf %add3A_1329, %squeeze3A_1331 : f32
        %slice3A_1333 = vector.extract_strided_slice %add3A_1309 {offsets = [8], sizes = [1], strides = [1]} : vector<16xf32> to vector<1xf32>
        %squeeze3A_1334 = vector.extract %slice3A_1333[0] : f32 from vector<1xf32>
        %add3A_1335 = arith.addf %add3A_1332, %squeeze3A_1334 : f32
        %slice3A_1336 = vector.extract_strided_slice %add3A_1309 {offsets = [9], sizes = [1], strides = [1]} : vector<16xf32> to vector<1xf32>
        %squeeze3A_1337 = vector.extract %slice3A_1336[0] : f32 from vector<1xf32>
        %add3A_1338 = arith.addf %add3A_1335, %squeeze3A_1337 : f32
        %slice3A_1339 = vector.extract_strided_slice %add3A_1309 {offsets = [10], sizes = [1], strides = [1]} : vector<16xf32> to vector<1xf32>
        %squeeze3A_1340 = vector.extract %slice3A_1339[0] : f32 from vector<1xf32>
        %add3A_1341 = arith.addf %add3A_1338, %squeeze3A_1340 : f32
        %slice3A_1342 = vector.extract_strided_slice %add3A_1309 {offsets = [11], sizes = [1], strides = [1]} : vector<16xf32> to vector<1xf32>
        %squeeze3A_1343 = vector.extract %slice3A_1342[0] : f32 from vector<1xf32>
        %add3A_1344 = arith.addf %add3A_1341, %squeeze3A_1343 : f32
        %slice3A_1345 = vector.extract_strided_slice %add3A_1309 {offsets = [12], sizes = [1], strides = [1]} : vector<16xf32> to vector<1xf32>
        %squeeze3A_1346 = vector.extract %slice3A_1345[0] : f32 from vector<1xf32>
        %add3A_1347 = arith.addf %add3A_1344, %squeeze3A_1346 : f32
        %slice3A_1348 = vector.extract_strided_slice %add3A_1309 {offsets = [13], sizes = [1], strides = [1]} : vector<16xf32> to vector<1xf32>
        %squeeze3A_1349 = vector.extract %slice3A_1348[0] : f32 from vector<1xf32>
        %add3A_1350 = arith.addf %add3A_1347, %squeeze3A_1349 : f32
        %slice3A_1351 = vector.extract_strided_slice %add3A_1309 {offsets = [14], sizes = [1], strides = [1]} : vector<16xf32> to vector<1xf32>
        %squeeze3A_1352 = vector.extract %slice3A_1351[0] : f32 from vector<1xf32>
        %add3A_1353 = arith.addf %add3A_1350, %squeeze3A_1352 : f32
        %slice3A_1354 = vector.extract_strided_slice %add3A_1309 {offsets = [15], sizes = [1], strides = [1]} : vector<16xf32> to vector<1xf32>
        %squeeze3A_1355 = vector.extract %slice3A_1354[0] : f32 from vector<1xf32>
        %add3A_1356 = arith.addf %add3A_1353, %squeeze3A_1355 : f32
        %eq3A_1357 = arith.constant 10 : i32
        %eq3A_1358 = vector.broadcast %eq3A_1357 : i32 to vector<16xi32>
        %eq3A_1359 = arith.cmpi eq, %iota3A, %eq3A_1358 : vector<16xi32>
        %broadcast_in_dim3A_1360 = vector.broadcast %add3A_1356 : f32 to vector<16xf32>
        %select_n3A_1361 = arith.select %eq3A_1359, %broadcast_in_dim3A_1360, %select_n3A_1243 : vector<16xi1>, vector<16xf32>
        %mul3A_1362 = arith.constant 16 : i32
        %mul3A_1363 = arith.muli %scan3A_65, %mul3A_1362 : i32
        %add3A_1364 = arith.constant 11 : i32
        %add3A_1365 = arith.addi %mul3A_1363, %add3A_1364 : i32
        %mul3A_1366 = arith.constant 32 : i32
        %mul3A_1367 = arith.muli %scan3A_17, %mul3A_1366 : i32
        %add3A_1368 = arith.addi %mul3A_1367, %add3A_1365 : i32
        %jit3A_1369 = arith.constant 4 : i32
        %div3A_1370 = arith.divsi %add3A_1368, %jit3A_1369 : i32
        %sign3A_1371 = arith.constant 0 : i32
        %sign3A_1372 = arith.cmpi sgt, %add3A_1368, %sign3A_1371 : i32
        %sign3A_1373 = arith.extui %sign3A_1372 : i1 to i32
        %sign3A_1374 = arith.constant 0 : i32
        %sign3A_1375 = arith.cmpi slt, %add3A_1368, %sign3A_1374 : i32
        %sign3A_1376 = arith.extui %sign3A_1375 : i1 to i32
        %sign3A_1377 = arith.subi %sign3A_1373, %sign3A_1376 : i32
        %sign3A_1378 = arith.constant 0 : i32
        %sign3A_1379 = arith.cmpi sgt, %jit3A_1369, %sign3A_1378 : i32
        %sign3A_1380 = arith.extui %sign3A_1379 : i1 to i32
        %sign3A_1381 = arith.constant 0 : i32
        %sign3A_1382 = arith.cmpi slt, %jit3A_1369, %sign3A_1381 : i32
        %sign3A_1383 = arith.extui %sign3A_1382 : i1 to i32
        %sign3A_1384 = arith.subi %sign3A_1380, %sign3A_1383 : i32
        %ne3A_1385 = arith.cmpi ne, %sign3A_1377, %sign3A_1384 : i32
        %rem3A_1386 = arith.remsi %add3A_1368, %jit3A_1369 : i32
        %ne3A_1387 = arith.constant 0 : i32
        %ne3A_1388 = arith.cmpi ne, %rem3A_1386, %ne3A_1387 : i32
        %and3A_1389 = arith.andi %ne3A_1385, %ne3A_1388 : i1
        %sub3A_1390 = arith.constant 1 : i32
        %sub3A_1391 = arith.subi %div3A_1370, %sub3A_1390 : i32
        %select_n3A_1392 = arith.select %and3A_1389, %sub3A_1391, %div3A_1370 : i32
        %jit3A_1393 = arith.constant 4 : i32
        %eq3A_1394 = arith.constant 0 : i32
        %eq3A_1395 = arith.cmpi eq, %jit3A_1393, %eq3A_1394 : i32
        %jit3A_1396 = arith.constant 1 : i32
        %select_n3A_1397 = arith.select %eq3A_1395, %jit3A_1396, %jit3A_1393 : i32
        %rem3A_1398 = arith.remsi %add3A_1368, %select_n3A_1397 : i32
        %ne3A_1399 = arith.constant 0 : i32
        %ne3A_1400 = arith.cmpi ne, %rem3A_1398, %ne3A_1399 : i32
        %lt3A_1401 = arith.constant 0 : i32
        %lt3A_1402 = arith.cmpi slt, %rem3A_1398, %lt3A_1401 : i32
        %lt3A_1403 = arith.constant 0 : i32
        %lt3A_1404 = arith.cmpi slt, %select_n3A_1397, %lt3A_1403 : i32
        %ne3A_1405 = arith.xori %lt3A_1402, %lt3A_1404 : i1
        %and3A_1406 = arith.andi %ne3A_1405, %ne3A_1400 : i1
        %add3A_1407 = arith.addi %rem3A_1398, %select_n3A_1397 : i32
        %select_n3A_1408 = arith.select %and3A_1406, %add3A_1407, %rem3A_1398 : i32
        %mul3A_1409 = arith.constant 32 : i32
        %mul3A_1410 = arith.muli %select_n3A_1408, %mul3A_1409 : i32
        %get3A_1411 = arith.index_cast %select_n3A_1392 : i32 to index
        %get3A_1412 = arith.index_cast %mul3A_1410 : i32 to index
        %get3A_1413 = tpu.vector_load %arg10[%get3A_1411, %get3A_1412] {strides = array<i32>} : memref<128x128xf32, #tpu.memory_space<vmem>>, vector<16xf32>,
        %add3A_1414 = arith.constant 16 : i32
        %add3A_1415 = arith.addi %mul3A_1410, %add3A_1414 : i32
        %get3A_1416 = arith.index_cast %select_n3A_1392 : i32 to index
        %get3A_1417 = arith.index_cast %add3A_1415 : i32 to index
        %get3A_1418 = tpu.vector_load %arg10[%get3A_1416, %get3A_1417] {strides = array<i32>} : memref<128x128xf32, #tpu.memory_space<vmem>>, vector<16xf32>,
        %get3A_1419 = arith.index_cast %add3A_1365 : i32 to index
        %get3A_1420 = arith.constant 0 : index
        %get3A_1421 = tpu.vector_load %arg13[%get3A_1419, %get3A_1420] {strides = array<i32>} : memref<32x128xf32, #tpu.memory_space<vmem>>, vector<16xf32>,
        %mul3A_1422 = arith.mulf %get3A_1413, %get3A_1421 : vector<16xf32>
        %get3A_1423 = arith.index_cast %add3A_1365 : i32 to index
        %get3A_1424 = arith.constant 16 : index
        %get3A_1425 = tpu.vector_load %arg13[%get3A_1423, %get3A_1424] {strides = array<i32>} : memref<32x128xf32, #tpu.memory_space<vmem>>, vector<16xf32>,
        %mul3A_1426 = arith.mulf %get3A_1418, %get3A_1425 : vector<16xf32>
        %add3A_1427 = arith.addf %mul3A_1422, %mul3A_1426 : vector<16xf32>
        %slice3A_1428 = vector.extract_strided_slice %add3A_1427 {offsets = [0], sizes = [1], strides = [1]} : vector<16xf32> to vector<1xf32>
        %squeeze3A_1429 = vector.extract %slice3A_1428[0] : f32 from vector<1xf32>
        %slice3A_1430 = vector.extract_strided_slice %add3A_1427 {offsets = [1], sizes = [1], strides = [1]} : vector<16xf32> to vector<1xf32>
        %squeeze3A_1431 = vector.extract %slice3A_1430[0] : f32 from vector<1xf32>
        %add3A_1432 = arith.addf %squeeze3A_1429, %squeeze3A_1431 : f32
        %slice3A_1433 = vector.extract_strided_slice %add3A_1427 {offsets = [2], sizes = [1], strides = [1]} : vector<16xf32> to vector<1xf32>
        %squeeze3A_1434 = vector.extract %slice3A_1433[0] : f32 from vector<1xf32>
        %add3A_1435 = arith.addf %add3A_1432, %squeeze3A_1434 : f32
        %slice3A_1436 = vector.extract_strided_slice %add3A_1427 {offsets = [3], sizes = [1], strides = [1]} : vector<16xf32> to vector<1xf32>
        %squeeze3A_1437 = vector.extract %slice3A_1436[0] : f32 from vector<1xf32>
        %add3A_1438 = arith.addf %add3A_1435, %squeeze3A_1437 : f32
        %slice3A_1439 = vector.extract_strided_slice %add3A_1427 {offsets = [4], sizes = [1], strides = [1]} : vector<16xf32> to vector<1xf32>
        %squeeze3A_1440 = vector.extract %slice3A_1439[0] : f32 from vector<1xf32>
        %add3A_1441 = arith.addf %add3A_1438, %squeeze3A_1440 : f32
        %slice3A_1442 = vector.extract_strided_slice %add3A_1427 {offsets = [5], sizes = [1], strides = [1]} : vector<16xf32> to vector<1xf32>
        %squeeze3A_1443 = vector.extract %slice3A_1442[0] : f32 from vector<1xf32>
        %add3A_1444 = arith.addf %add3A_1441, %squeeze3A_1443 : f32
        %slice3A_1445 = vector.extract_strided_slice %add3A_1427 {offsets = [6], sizes = [1], strides = [1]} : vector<16xf32> to vector<1xf32>
        %squeeze3A_1446 = vector.extract %slice3A_1445[0] : f32 from vector<1xf32>
        %add3A_1447 = arith.addf %add3A_1444, %squeeze3A_1446 : f32
        %slice3A_1448 = vector.extract_strided_slice %add3A_1427 {offsets = [7], sizes = [1], strides = [1]} : vector<16xf32> to vector<1xf32>
        %squeeze3A_1449 = vector.extract %slice3A_1448[0] : f32 from vector<1xf32>
        %add3A_1450 = arith.addf %add3A_1447, %squeeze3A_1449 : f32
        %slice3A_1451 = vector.extract_strided_slice %add3A_1427 {offsets = [8], sizes = [1], strides = [1]} : vector<16xf32> to vector<1xf32>
        %squeeze3A_1452 = vector.extract %slice3A_1451[0] : f32 from vector<1xf32>
        %add3A_1453 = arith.addf %add3A_1450, %squeeze3A_1452 : f32
        %slice3A_1454 = vector.extract_strided_slice %add3A_1427 {offsets = [9], sizes = [1], strides = [1]} : vector<16xf32> to vector<1xf32>
        %squeeze3A_1455 = vector.extract %slice3A_1454[0] : f32 from vector<1xf32>
        %add3A_1456 = arith.addf %add3A_1453, %squeeze3A_1455 : f32
        %slice3A_1457 = vector.extract_strided_slice %add3A_1427 {offsets = [10], sizes = [1], strides = [1]} : vector<16xf32> to vector<1xf32>
        %squeeze3A_1458 = vector.extract %slice3A_1457[0] : f32 from vector<1xf32>
        %add3A_1459 = arith.addf %add3A_1456, %squeeze3A_1458 : f32
        %slice3A_1460 = vector.extract_strided_slice %add3A_1427 {offsets = [11], sizes = [1], strides = [1]} : vector<16xf32> to vector<1xf32>
        %squeeze3A_1461 = vector.extract %slice3A_1460[0] : f32 from vector<1xf32>
        %add3A_1462 = arith.addf %add3A_1459, %squeeze3A_1461 : f32
        %slice3A_1463 = vector.extract_strided_slice %add3A_1427 {offsets = [12], sizes = [1], strides = [1]} : vector<16xf32> to vector<1xf32>
        %squeeze3A_1464 = vector.extract %slice3A_1463[0] : f32 from vector<1xf32>
        %add3A_1465 = arith.addf %add3A_1462, %squeeze3A_1464 : f32
        %slice3A_1466 = vector.extract_strided_slice %add3A_1427 {offsets = [13], sizes = [1], strides = [1]} : vector<16xf32> to vector<1xf32>
        %squeeze3A_1467 = vector.extract %slice3A_1466[0] : f32 from vector<1xf32>
        %add3A_1468 = arith.addf %add3A_1465, %squeeze3A_1467 : f32
        %slice3A_1469 = vector.extract_strided_slice %add3A_1427 {offsets = [14], sizes = [1], strides = [1]} : vector<16xf32> to vector<1xf32>
        %squeeze3A_1470 = vector.extract %slice3A_1469[0] : f32 from vector<1xf32>
        %add3A_1471 = arith.addf %add3A_1468, %squeeze3A_1470 : f32
        %slice3A_1472 = vector.extract_strided_slice %add3A_1427 {offsets = [15], sizes = [1], strides = [1]} : vector<16xf32> to vector<1xf32>
        %squeeze3A_1473 = vector.extract %slice3A_1472[0] : f32 from vector<1xf32>
        %add3A_1474 = arith.addf %add3A_1471, %squeeze3A_1473 : f32
        %eq3A_1475 = arith.constant 11 : i32
        %eq3A_1476 = vector.broadcast %eq3A_1475 : i32 to vector<16xi32>
        %eq3A_1477 = arith.cmpi eq, %iota3A, %eq3A_1476 : vector<16xi32>
        %broadcast_in_dim3A_1478 = vector.broadcast %add3A_1474 : f32 to vector<16xf32>
        %select_n3A_1479 = arith.select %eq3A_1477, %broadcast_in_dim3A_1478, %select_n3A_1361 : vector<16xi1>, vector<16xf32>
        %mul3A_1480 = arith.constant 16 : i32
        %mul3A_1481 = arith.muli %scan3A_65, %mul3A_1480 : i32
        %add3A_1482 = arith.constant 12 : i32
        %add3A_1483 = arith.addi %mul3A_1481, %add3A_1482 : i32
        %mul3A_1484 = arith.constant 32 : i32
        %mul3A_1485 = arith.muli %scan3A_17, %mul3A_1484 : i32
        %add3A_1486 = arith.addi %mul3A_1485, %add3A_1483 : i32
        %jit3A_1487 = arith.constant 4 : i32
        %div3A_1488 = arith.divsi %add3A_1486, %jit3A_1487 : i32
        %sign3A_1489 = arith.constant 0 : i32
        %sign3A_1490 = arith.cmpi sgt, %add3A_1486, %sign3A_1489 : i32
        %sign3A_1491 = arith.extui %sign3A_1490 : i1 to i32
        %sign3A_1492 = arith.constant 0 : i32
        %sign3A_1493 = arith.cmpi slt, %add3A_1486, %sign3A_1492 : i32
        %sign3A_1494 = arith.extui %sign3A_1493 : i1 to i32
        %sign3A_1495 = arith.subi %sign3A_1491, %sign3A_1494 : i32
        %sign3A_1496 = arith.constant 0 : i32
        %sign3A_1497 = arith.cmpi sgt, %jit3A_1487, %sign3A_1496 : i32
        %sign3A_1498 = arith.extui %sign3A_1497 : i1 to i32
        %sign3A_1499 = arith.constant 0 : i32
        %sign3A_1500 = arith.cmpi slt, %jit3A_1487, %sign3A_1499 : i32
        %sign3A_1501 = arith.extui %sign3A_1500 : i1 to i32
        %sign3A_1502 = arith.subi %sign3A_1498, %sign3A_1501 : i32
        %ne3A_1503 = arith.cmpi ne, %sign3A_1495, %sign3A_1502 : i32
        %rem3A_1504 = arith.remsi %add3A_1486, %jit3A_1487 : i32
        %ne3A_1505 = arith.constant 0 : i32
        %ne3A_1506 = arith.cmpi ne, %rem3A_1504, %ne3A_1505 : i32
        %and3A_1507 = arith.andi %ne3A_1503, %ne3A_1506 : i1
        %sub3A_1508 = arith.constant 1 : i32
        %sub3A_1509 = arith.subi %div3A_1488, %sub3A_1508 : i32
        %select_n3A_1510 = arith.select %and3A_1507, %sub3A_1509, %div3A_1488 : i32
        %jit3A_1511 = arith.constant 4 : i32
        %eq3A_1512 = arith.constant 0 : i32
        %eq3A_1513 = arith.cmpi eq, %jit3A_1511, %eq3A_1512 : i32
        %jit3A_1514 = arith.constant 1 : i32
        %select_n3A_1515 = arith.select %eq3A_1513, %jit3A_1514, %jit3A_1511 : i32
        %rem3A_1516 = arith.remsi %add3A_1486, %select_n3A_1515 : i32
        %ne3A_1517 = arith.constant 0 : i32
        %ne3A_1518 = arith.cmpi ne, %rem3A_1516, %ne3A_1517 : i32
        %lt3A_1519 = arith.constant 0 : i32
        %lt3A_1520 = arith.cmpi slt, %rem3A_1516, %lt3A_1519 : i32
        %lt3A_1521 = arith.constant 0 : i32
        %lt3A_1522 = arith.cmpi slt, %select_n3A_1515, %lt3A_1521 : i32
        %ne3A_1523 = arith.xori %lt3A_1520, %lt3A_1522 : i1
        %and3A_1524 = arith.andi %ne3A_1523, %ne3A_1518 : i1
        %add3A_1525 = arith.addi %rem3A_1516, %select_n3A_1515 : i32
        %select_n3A_1526 = arith.select %and3A_1524, %add3A_1525, %rem3A_1516 : i32
        %mul3A_1527 = arith.constant 32 : i32
        %mul3A_1528 = arith.muli %select_n3A_1526, %mul3A_1527 : i32
        %get3A_1529 = arith.index_cast %select_n3A_1510 : i32 to index
        %get3A_1530 = arith.index_cast %mul3A_1528 : i32 to index
        %get3A_1531 = tpu.vector_load %arg10[%get3A_1529, %get3A_1530] {strides = array<i32>} : memref<128x128xf32, #tpu.memory_space<vmem>>, vector<16xf32>,
        %add3A_1532 = arith.constant 16 : i32
        %add3A_1533 = arith.addi %mul3A_1528, %add3A_1532 : i32
        %get3A_1534 = arith.index_cast %select_n3A_1510 : i32 to index
        %get3A_1535 = arith.index_cast %add3A_1533 : i32 to index
        %get3A_1536 = tpu.vector_load %arg10[%get3A_1534, %get3A_1535] {strides = array<i32>} : memref<128x128xf32, #tpu.memory_space<vmem>>, vector<16xf32>,
        %get3A_1537 = arith.index_cast %add3A_1483 : i32 to index
        %get3A_1538 = arith.constant 0 : index
        %get3A_1539 = tpu.vector_load %arg13[%get3A_1537, %get3A_1538] {strides = array<i32>} : memref<32x128xf32, #tpu.memory_space<vmem>>, vector<16xf32>,
        %mul3A_1540 = arith.mulf %get3A_1531, %get3A_1539 : vector<16xf32>
        %get3A_1541 = arith.index_cast %add3A_1483 : i32 to index
        %get3A_1542 = arith.constant 16 : index
        %get3A_1543 = tpu.vector_load %arg13[%get3A_1541, %get3A_1542] {strides = array<i32>} : memref<32x128xf32, #tpu.memory_space<vmem>>, vector<16xf32>,
        %mul3A_1544 = arith.mulf %get3A_1536, %get3A_1543 : vector<16xf32>
        %add3A_1545 = arith.addf %mul3A_1540, %mul3A_1544 : vector<16xf32>
        %slice3A_1546 = vector.extract_strided_slice %add3A_1545 {offsets = [0], sizes = [1], strides = [1]} : vector<16xf32> to vector<1xf32>
        %squeeze3A_1547 = vector.extract %slice3A_1546[0] : f32 from vector<1xf32>
        %slice3A_1548 = vector.extract_strided_slice %add3A_1545 {offsets = [1], sizes = [1], strides = [1]} : vector<16xf32> to vector<1xf32>
        %squeeze3A_1549 = vector.extract %slice3A_1548[0] : f32 from vector<1xf32>
        %add3A_1550 = arith.addf %squeeze3A_1547, %squeeze3A_1549 : f32
        %slice3A_1551 = vector.extract_strided_slice %add3A_1545 {offsets = [2], sizes = [1], strides = [1]} : vector<16xf32> to vector<1xf32>
        %squeeze3A_1552 = vector.extract %slice3A_1551[0] : f32 from vector<1xf32>
        %add3A_1553 = arith.addf %add3A_1550, %squeeze3A_1552 : f32
        %slice3A_1554 = vector.extract_strided_slice %add3A_1545 {offsets = [3], sizes = [1], strides = [1]} : vector<16xf32> to vector<1xf32>
        %squeeze3A_1555 = vector.extract %slice3A_1554[0] : f32 from vector<1xf32>
        %add3A_1556 = arith.addf %add3A_1553, %squeeze3A_1555 : f32
        %slice3A_1557 = vector.extract_strided_slice %add3A_1545 {offsets = [4], sizes = [1], strides = [1]} : vector<16xf32> to vector<1xf32>
        %squeeze3A_1558 = vector.extract %slice3A_1557[0] : f32 from vector<1xf32>
        %add3A_1559 = arith.addf %add3A_1556, %squeeze3A_1558 : f32
        %slice3A_1560 = vector.extract_strided_slice %add3A_1545 {offsets = [5], sizes = [1], strides = [1]} : vector<16xf32> to vector<1xf32>
        %squeeze3A_1561 = vector.extract %slice3A_1560[0] : f32 from vector<1xf32>
        %add3A_1562 = arith.addf %add3A_1559, %squeeze3A_1561 : f32
        %slice3A_1563 = vector.extract_strided_slice %add3A_1545 {offsets = [6], sizes = [1], strides = [1]} : vector<16xf32> to vector<1xf32>
        %squeeze3A_1564 = vector.extract %slice3A_1563[0] : f32 from vector<1xf32>
        %add3A_1565 = arith.addf %add3A_1562, %squeeze3A_1564 : f32
        %slice3A_1566 = vector.extract_strided_slice %add3A_1545 {offsets = [7], sizes = [1], strides = [1]} : vector<16xf32> to vector<1xf32>
        %squeeze3A_1567 = vector.extract %slice3A_1566[0] : f32 from vector<1xf32>
        %add3A_1568 = arith.addf %add3A_1565, %squeeze3A_1567 : f32
        %slice3A_1569 = vector.extract_strided_slice %add3A_1545 {offsets = [8], sizes = [1], strides = [1]} : vector<16xf32> to vector<1xf32>
        %squeeze3A_1570 = vector.extract %slice3A_1569[0] : f32 from vector<1xf32>
        %add3A_1571 = arith.addf %add3A_1568, %squeeze3A_1570 : f32
        %slice3A_1572 = vector.extract_strided_slice %add3A_1545 {offsets = [9], sizes = [1], strides = [1]} : vector<16xf32> to vector<1xf32>
        %squeeze3A_1573 = vector.extract %slice3A_1572[0] : f32 from vector<1xf32>
        %add3A_1574 = arith.addf %add3A_1571, %squeeze3A_1573 : f32
        %slice3A_1575 = vector.extract_strided_slice %add3A_1545 {offsets = [10], sizes = [1], strides = [1]} : vector<16xf32> to vector<1xf32>
        %squeeze3A_1576 = vector.extract %slice3A_1575[0] : f32 from vector<1xf32>
        %add3A_1577 = arith.addf %add3A_1574, %squeeze3A_1576 : f32
        %slice3A_1578 = vector.extract_strided_slice %add3A_1545 {offsets = [11], sizes = [1], strides = [1]} : vector<16xf32> to vector<1xf32>
        %squeeze3A_1579 = vector.extract %slice3A_1578[0] : f32 from vector<1xf32>
        %add3A_1580 = arith.addf %add3A_1577, %squeeze3A_1579 : f32
        %slice3A_1581 = vector.extract_strided_slice %add3A_1545 {offsets = [12], sizes = [1], strides = [1]} : vector<16xf32> to vector<1xf32>
        %squeeze3A_1582 = vector.extract %slice3A_1581[0] : f32 from vector<1xf32>
        %add3A_1583 = arith.addf %add3A_1580, %squeeze3A_1582 : f32
        %slice3A_1584 = vector.extract_strided_slice %add3A_1545 {offsets = [13], sizes = [1], strides = [1]} : vector<16xf32> to vector<1xf32>
        %squeeze3A_1585 = vector.extract %slice3A_1584[0] : f32 from vector<1xf32>
        %add3A_1586 = arith.addf %add3A_1583, %squeeze3A_1585 : f32
        %slice3A_1587 = vector.extract_strided_slice %add3A_1545 {offsets = [14], sizes = [1], strides = [1]} : vector<16xf32> to vector<1xf32>
        %squeeze3A_1588 = vector.extract %slice3A_1587[0] : f32 from vector<1xf32>
        %add3A_1589 = arith.addf %add3A_1586, %squeeze3A_1588 : f32
        %slice3A_1590 = vector.extract_strided_slice %add3A_1545 {offsets = [15], sizes = [1], strides = [1]} : vector<16xf32> to vector<1xf32>
        %squeeze3A_1591 = vector.extract %slice3A_1590[0] : f32 from vector<1xf32>
        %add3A_1592 = arith.addf %add3A_1589, %squeeze3A_1591 : f32
        %eq3A_1593 = arith.constant 12 : i32
        %eq3A_1594 = vector.broadcast %eq3A_1593 : i32 to vector<16xi32>
        %eq3A_1595 = arith.cmpi eq, %iota3A, %eq3A_1594 : vector<16xi32>
        %broadcast_in_dim3A_1596 = vector.broadcast %add3A_1592 : f32 to vector<16xf32>
        %select_n3A_1597 = arith.select %eq3A_1595, %broadcast_in_dim3A_1596, %select_n3A_1479 : vector<16xi1>, vector<16xf32>
        %mul3A_1598 = arith.constant 16 : i32
        %mul3A_1599 = arith.muli %scan3A_65, %mul3A_1598 : i32
        %add3A_1600 = arith.constant 13 : i32
        %add3A_1601 = arith.addi %mul3A_1599, %add3A_1600 : i32
        %mul3A_1602 = arith.constant 32 : i32
        %mul3A_1603 = arith.muli %scan3A_17, %mul3A_1602 : i32
        %add3A_1604 = arith.addi %mul3A_1603, %add3A_1601 : i32
        %jit3A_1605 = arith.constant 4 : i32
        %div3A_1606 = arith.divsi %add3A_1604, %jit3A_1605 : i32
        %sign3A_1607 = arith.constant 0 : i32
        %sign3A_1608 = arith.cmpi sgt, %add3A_1604, %sign3A_1607 : i32
        %sign3A_1609 = arith.extui %sign3A_1608 : i1 to i32
        %sign3A_1610 = arith.constant 0 : i32
        %sign3A_1611 = arith.cmpi slt, %add3A_1604, %sign3A_1610 : i32
        %sign3A_1612 = arith.extui %sign3A_1611 : i1 to i32
        %sign3A_1613 = arith.subi %sign3A_1609, %sign3A_1612 : i32
        %sign3A_1614 = arith.constant 0 : i32
        %sign3A_1615 = arith.cmpi sgt, %jit3A_1605, %sign3A_1614 : i32
        %sign3A_1616 = arith.extui %sign3A_1615 : i1 to i32
        %sign3A_1617 = arith.constant 0 : i32
        %sign3A_1618 = arith.cmpi slt, %jit3A_1605, %sign3A_1617 : i32
        %sign3A_1619 = arith.extui %sign3A_1618 : i1 to i32
        %sign3A_1620 = arith.subi %sign3A_1616, %sign3A_1619 : i32
        %ne3A_1621 = arith.cmpi ne, %sign3A_1613, %sign3A_1620 : i32
        %rem3A_1622 = arith.remsi %add3A_1604, %jit3A_1605 : i32
        %ne3A_1623 = arith.constant 0 : i32
        %ne3A_1624 = arith.cmpi ne, %rem3A_1622, %ne3A_1623 : i32
        %and3A_1625 = arith.andi %ne3A_1621, %ne3A_1624 : i1
        %sub3A_1626 = arith.constant 1 : i32
        %sub3A_1627 = arith.subi %div3A_1606, %sub3A_1626 : i32
        %select_n3A_1628 = arith.select %and3A_1625, %sub3A_1627, %div3A_1606 : i32
        %jit3A_1629 = arith.constant 4 : i32
        %eq3A_1630 = arith.constant 0 : i32
        %eq3A_1631 = arith.cmpi eq, %jit3A_1629, %eq3A_1630 : i32
        %jit3A_1632 = arith.constant 1 : i32
        %select_n3A_1633 = arith.select %eq3A_1631, %jit3A_1632, %jit3A_1629 : i32
        %rem3A_1634 = arith.remsi %add3A_1604, %select_n3A_1633 : i32
        %ne3A_1635 = arith.constant 0 : i32
        %ne3A_1636 = arith.cmpi ne, %rem3A_1634, %ne3A_1635 : i32
        %lt3A_1637 = arith.constant 0 : i32
        %lt3A_1638 = arith.cmpi slt, %rem3A_1634, %lt3A_1637 : i32
        %lt3A_1639 = arith.constant 0 : i32
        %lt3A_1640 = arith.cmpi slt, %select_n3A_1633, %lt3A_1639 : i32
        %ne3A_1641 = arith.xori %lt3A_1638, %lt3A_1640 : i1
        %and3A_1642 = arith.andi %ne3A_1641, %ne3A_1636 : i1
        %add3A_1643 = arith.addi %rem3A_1634, %select_n3A_1633 : i32
        %select_n3A_1644 = arith.select %and3A_1642, %add3A_1643, %rem3A_1634 : i32
        %mul3A_1645 = arith.constant 32 : i32
        %mul3A_1646 = arith.muli %select_n3A_1644, %mul3A_1645 : i32
        %get3A_1647 = arith.index_cast %select_n3A_1628 : i32 to index
        %get3A_1648 = arith.index_cast %mul3A_1646 : i32 to index
        %get3A_1649 = tpu.vector_load %arg10[%get3A_1647, %get3A_1648] {strides = array<i32>} : memref<128x128xf32, #tpu.memory_space<vmem>>, vector<16xf32>,
        %add3A_1650 = arith.constant 16 : i32
        %add3A_1651 = arith.addi %mul3A_1646, %add3A_1650 : i32
        %get3A_1652 = arith.index_cast %select_n3A_1628 : i32 to index
        %get3A_1653 = arith.index_cast %add3A_1651 : i32 to index
        %get3A_1654 = tpu.vector_load %arg10[%get3A_1652, %get3A_1653] {strides = array<i32>} : memref<128x128xf32, #tpu.memory_space<vmem>>, vector<16xf32>,
        %get3A_1655 = arith.index_cast %add3A_1601 : i32 to index
        %get3A_1656 = arith.constant 0 : index
        %get3A_1657 = tpu.vector_load %arg13[%get3A_1655, %get3A_1656] {strides = array<i32>} : memref<32x128xf32, #tpu.memory_space<vmem>>, vector<16xf32>,
        %mul3A_1658 = arith.mulf %get3A_1649, %get3A_1657 : vector<16xf32>
        %get3A_1659 = arith.index_cast %add3A_1601 : i32 to index
        %get3A_1660 = arith.constant 16 : index
        %get3A_1661 = tpu.vector_load %arg13[%get3A_1659, %get3A_1660] {strides = array<i32>} : memref<32x128xf32, #tpu.memory_space<vmem>>, vector<16xf32>,
        %mul3A_1662 = arith.mulf %get3A_1654, %get3A_1661 : vector<16xf32>
        %add3A_1663 = arith.addf %mul3A_1658, %mul3A_1662 : vector<16xf32>
        %slice3A_1664 = vector.extract_strided_slice %add3A_1663 {offsets = [0], sizes = [1], strides = [1]} : vector<16xf32> to vector<1xf32>
        %squeeze3A_1665 = vector.extract %slice3A_1664[0] : f32 from vector<1xf32>
        %slice3A_1666 = vector.extract_strided_slice %add3A_1663 {offsets = [1], sizes = [1], strides = [1]} : vector<16xf32> to vector<1xf32>
        %squeeze3A_1667 = vector.extract %slice3A_1666[0] : f32 from vector<1xf32>
        %add3A_1668 = arith.addf %squeeze3A_1665, %squeeze3A_1667 : f32
        %slice3A_1669 = vector.extract_strided_slice %add3A_1663 {offsets = [2], sizes = [1], strides = [1]} : vector<16xf32> to vector<1xf32>
        %squeeze3A_1670 = vector.extract %slice3A_1669[0] : f32 from vector<1xf32>
        %add3A_1671 = arith.addf %add3A_1668, %squeeze3A_1670 : f32
        %slice3A_1672 = vector.extract_strided_slice %add3A_1663 {offsets = [3], sizes = [1], strides = [1]} : vector<16xf32> to vector<1xf32>
        %squeeze3A_1673 = vector.extract %slice3A_1672[0] : f32 from vector<1xf32>
        %add3A_1674 = arith.addf %add3A_1671, %squeeze3A_1673 : f32
        %slice3A_1675 = vector.extract_strided_slice %add3A_1663 {offsets = [4], sizes = [1], strides = [1]} : vector<16xf32> to vector<1xf32>
        %squeeze3A_1676 = vector.extract %slice3A_1675[0] : f32 from vector<1xf32>
        %add3A_1677 = arith.addf %add3A_1674, %squeeze3A_1676 : f32
        %slice3A_1678 = vector.extract_strided_slice %add3A_1663 {offsets = [5], sizes = [1], strides = [1]} : vector<16xf32> to vector<1xf32>
        %squeeze3A_1679 = vector.extract %slice3A_1678[0] : f32 from vector<1xf32>
        %add3A_1680 = arith.addf %add3A_1677, %squeeze3A_1679 : f32
        %slice3A_1681 = vector.extract_strided_slice %add3A_1663 {offsets = [6], sizes = [1], strides = [1]} : vector<16xf32> to vector<1xf32>
        %squeeze3A_1682 = vector.extract %slice3A_1681[0] : f32 from vector<1xf32>
        %add3A_1683 = arith.addf %add3A_1680, %squeeze3A_1682 : f32
        %slice3A_1684 = vector.extract_strided_slice %add3A_1663 {offsets = [7], sizes = [1], strides = [1]} : vector<16xf32> to vector<1xf32>
        %squeeze3A_1685 = vector.extract %slice3A_1684[0] : f32 from vector<1xf32>
        %add3A_1686 = arith.addf %add3A_1683, %squeeze3A_1685 : f32
        %slice3A_1687 = vector.extract_strided_slice %add3A_1663 {offsets = [8], sizes = [1], strides = [1]} : vector<16xf32> to vector<1xf32>
        %squeeze3A_1688 = vector.extract %slice3A_1687[0] : f32 from vector<1xf32>
        %add3A_1689 = arith.addf %add3A_1686, %squeeze3A_1688 : f32
        %slice3A_1690 = vector.extract_strided_slice %add3A_1663 {offsets = [9], sizes = [1], strides = [1]} : vector<16xf32> to vector<1xf32>
        %squeeze3A_1691 = vector.extract %slice3A_1690[0] : f32 from vector<1xf32>
        %add3A_1692 = arith.addf %add3A_1689, %squeeze3A_1691 : f32
        %slice3A_1693 = vector.extract_strided_slice %add3A_1663 {offsets = [10], sizes = [1], strides = [1]} : vector<16xf32> to vector<1xf32>
        %squeeze3A_1694 = vector.extract %slice3A_1693[0] : f32 from vector<1xf32>
        %add3A_1695 = arith.addf %add3A_1692, %squeeze3A_1694 : f32
        %slice3A_1696 = vector.extract_strided_slice %add3A_1663 {offsets = [11], sizes = [1], strides = [1]} : vector<16xf32> to vector<1xf32>
        %squeeze3A_1697 = vector.extract %slice3A_1696[0] : f32 from vector<1xf32>
        %add3A_1698 = arith.addf %add3A_1695, %squeeze3A_1697 : f32
        %slice3A_1699 = vector.extract_strided_slice %add3A_1663 {offsets = [12], sizes = [1], strides = [1]} : vector<16xf32> to vector<1xf32>
        %squeeze3A_1700 = vector.extract %slice3A_1699[0] : f32 from vector<1xf32>
        %add3A_1701 = arith.addf %add3A_1698, %squeeze3A_1700 : f32
        %slice3A_1702 = vector.extract_strided_slice %add3A_1663 {offsets = [13], sizes = [1], strides = [1]} : vector<16xf32> to vector<1xf32>
        %squeeze3A_1703 = vector.extract %slice3A_1702[0] : f32 from vector<1xf32>
        %add3A_1704 = arith.addf %add3A_1701, %squeeze3A_1703 : f32
        %slice3A_1705 = vector.extract_strided_slice %add3A_1663 {offsets = [14], sizes = [1], strides = [1]} : vector<16xf32> to vector<1xf32>
        %squeeze3A_1706 = vector.extract %slice3A_1705[0] : f32 from vector<1xf32>
        %add3A_1707 = arith.addf %add3A_1704, %squeeze3A_1706 : f32
        %slice3A_1708 = vector.extract_strided_slice %add3A_1663 {offsets = [15], sizes = [1], strides = [1]} : vector<16xf32> to vector<1xf32>
        %squeeze3A_1709 = vector.extract %slice3A_1708[0] : f32 from vector<1xf32>
        %add3A_1710 = arith.addf %add3A_1707, %squeeze3A_1709 : f32
        %eq3A_1711 = arith.constant 13 : i32
        %eq3A_1712 = vector.broadcast %eq3A_1711 : i32 to vector<16xi32>
        %eq3A_1713 = arith.cmpi eq, %iota3A, %eq3A_1712 : vector<16xi32>
        %broadcast_in_dim3A_1714 = vector.broadcast %add3A_1710 : f32 to vector<16xf32>
        %select_n3A_1715 = arith.select %eq3A_1713, %broadcast_in_dim3A_1714, %select_n3A_1597 : vector<16xi1>, vector<16xf32>
        %mul3A_1716 = arith.constant 16 : i32
        %mul3A_1717 = arith.muli %scan3A_65, %mul3A_1716 : i32
        %add3A_1718 = arith.constant 14 : i32
        %add3A_1719 = arith.addi %mul3A_1717, %add3A_1718 : i32
        %mul3A_1720 = arith.constant 32 : i32
        %mul3A_1721 = arith.muli %scan3A_17, %mul3A_1720 : i32
        %add3A_1722 = arith.addi %mul3A_1721, %add3A_1719 : i32
        %jit3A_1723 = arith.constant 4 : i32
        %div3A_1724 = arith.divsi %add3A_1722, %jit3A_1723 : i32
        %sign3A_1725 = arith.constant 0 : i32
        %sign3A_1726 = arith.cmpi sgt, %add3A_1722, %sign3A_1725 : i32
        %sign3A_1727 = arith.extui %sign3A_1726 : i1 to i32
        %sign3A_1728 = arith.constant 0 : i32
        %sign3A_1729 = arith.cmpi slt, %add3A_1722, %sign3A_1728 : i32
        %sign3A_1730 = arith.extui %sign3A_1729 : i1 to i32
        %sign3A_1731 = arith.subi %sign3A_1727, %sign3A_1730 : i32
        %sign3A_1732 = arith.constant 0 : i32
        %sign3A_1733 = arith.cmpi sgt, %jit3A_1723, %sign3A_1732 : i32
        %sign3A_1734 = arith.extui %sign3A_1733 : i1 to i32
        %sign3A_1735 = arith.constant 0 : i32
        %sign3A_1736 = arith.cmpi slt, %jit3A_1723, %sign3A_1735 : i32
        %sign3A_1737 = arith.extui %sign3A_1736 : i1 to i32
        %sign3A_1738 = arith.subi %sign3A_1734, %sign3A_1737 : i32
        %ne3A_1739 = arith.cmpi ne, %sign3A_1731, %sign3A_1738 : i32
        %rem3A_1740 = arith.remsi %add3A_1722, %jit3A_1723 : i32
        %ne3A_1741 = arith.constant 0 : i32
        %ne3A_1742 = arith.cmpi ne, %rem3A_1740, %ne3A_1741 : i32
        %and3A_1743 = arith.andi %ne3A_1739, %ne3A_1742 : i1
        %sub3A_1744 = arith.constant 1 : i32
        %sub3A_1745 = arith.subi %div3A_1724, %sub3A_1744 : i32
        %select_n3A_1746 = arith.select %and3A_1743, %sub3A_1745, %div3A_1724 : i32
        %jit3A_1747 = arith.constant 4 : i32
        %eq3A_1748 = arith.constant 0 : i32
        %eq3A_1749 = arith.cmpi eq, %jit3A_1747, %eq3A_1748 : i32
        %jit3A_1750 = arith.constant 1 : i32
        %select_n3A_1751 = arith.select %eq3A_1749, %jit3A_1750, %jit3A_1747 : i32
        %rem3A_1752 = arith.remsi %add3A_1722, %select_n3A_1751 : i32
        %ne3A_1753 = arith.constant 0 : i32
        %ne3A_1754 = arith.cmpi ne, %rem3A_1752, %ne3A_1753 : i32
        %lt3A_1755 = arith.constant 0 : i32
        %lt3A_1756 = arith.cmpi slt, %rem3A_1752, %lt3A_1755 : i32
        %lt3A_1757 = arith.constant 0 : i32
        %lt3A_1758 = arith.cmpi slt, %select_n3A_1751, %lt3A_1757 : i32
        %ne3A_1759 = arith.xori %lt3A_1756, %lt3A_1758 : i1
        %and3A_1760 = arith.andi %ne3A_1759, %ne3A_1754 : i1
        %add3A_1761 = arith.addi %rem3A_1752, %select_n3A_1751 : i32
        %select_n3A_1762 = arith.select %and3A_1760, %add3A_1761, %rem3A_1752 : i32
        %mul3A_1763 = arith.constant 32 : i32
        %mul3A_1764 = arith.muli %select_n3A_1762, %mul3A_1763 : i32
        %get3A_1765 = arith.index_cast %select_n3A_1746 : i32 to index
        %get3A_1766 = arith.index_cast %mul3A_1764 : i32 to index
        %get3A_1767 = tpu.vector_load %arg10[%get3A_1765, %get3A_1766] {strides = array<i32>} : memref<128x128xf32, #tpu.memory_space<vmem>>, vector<16xf32>,
        %add3A_1768 = arith.constant 16 : i32
        %add3A_1769 = arith.addi %mul3A_1764, %add3A_1768 : i32
        %get3A_1770 = arith.index_cast %select_n3A_1746 : i32 to index
        %get3A_1771 = arith.index_cast %add3A_1769 : i32 to index
        %get3A_1772 = tpu.vector_load %arg10[%get3A_1770, %get3A_1771] {strides = array<i32>} : memref<128x128xf32, #tpu.memory_space<vmem>>, vector<16xf32>,
        %get3A_1773 = arith.index_cast %add3A_1719 : i32 to index
        %get3A_1774 = arith.constant 0 : index
        %get3A_1775 = tpu.vector_load %arg13[%get3A_1773, %get3A_1774] {strides = array<i32>} : memref<32x128xf32, #tpu.memory_space<vmem>>, vector<16xf32>,
        %mul3A_1776 = arith.mulf %get3A_1767, %get3A_1775 : vector<16xf32>
        %get3A_1777 = arith.index_cast %add3A_1719 : i32 to index
        %get3A_1778 = arith.constant 16 : index
        %get3A_1779 = tpu.vector_load %arg13[%get3A_1777, %get3A_1778] {strides = array<i32>} : memref<32x128xf32, #tpu.memory_space<vmem>>, vector<16xf32>,
        %mul3A_1780 = arith.mulf %get3A_1772, %get3A_1779 : vector<16xf32>
        %add3A_1781 = arith.addf %mul3A_1776, %mul3A_1780 : vector<16xf32>
        %slice3A_1782 = vector.extract_strided_slice %add3A_1781 {offsets = [0], sizes = [1], strides = [1]} : vector<16xf32> to vector<1xf32>
        %squeeze3A_1783 = vector.extract %slice3A_1782[0] : f32 from vector<1xf32>
        %slice3A_1784 = vector.extract_strided_slice %add3A_1781 {offsets = [1], sizes = [1], strides = [1]} : vector<16xf32> to vector<1xf32>
        %squeeze3A_1785 = vector.extract %slice3A_1784[0] : f32 from vector<1xf32>
        %add3A_1786 = arith.addf %squeeze3A_1783, %squeeze3A_1785 : f32
        %slice3A_1787 = vector.extract_strided_slice %add3A_1781 {offsets = [2], sizes = [1], strides = [1]} : vector<16xf32> to vector<1xf32>
        %squeeze3A_1788 = vector.extract %slice3A_1787[0] : f32 from vector<1xf32>
        %add3A_1789 = arith.addf %add3A_1786, %squeeze3A_1788 : f32
        %slice3A_1790 = vector.extract_strided_slice %add3A_1781 {offsets = [3], sizes = [1], strides = [1]} : vector<16xf32> to vector<1xf32>
        %squeeze3A_1791 = vector.extract %slice3A_1790[0] : f32 from vector<1xf32>
        %add3A_1792 = arith.addf %add3A_1789, %squeeze3A_1791 : f32
        %slice3A_1793 = vector.extract_strided_slice %add3A_1781 {offsets = [4], sizes = [1], strides = [1]} : vector<16xf32> to vector<1xf32>
        %squeeze3A_1794 = vector.extract %slice3A_1793[0] : f32 from vector<1xf32>
        %add3A_1795 = arith.addf %add3A_1792, %squeeze3A_1794 : f32
        %slice3A_1796 = vector.extract_strided_slice %add3A_1781 {offsets = [5], sizes = [1], strides = [1]} : vector<16xf32> to vector<1xf32>
        %squeeze3A_1797 = vector.extract %slice3A_1796[0] : f32 from vector<1xf32>
        %add3A_1798 = arith.addf %add3A_1795, %squeeze3A_1797 : f32
        %slice3A_1799 = vector.extract_strided_slice %add3A_1781 {offsets = [6], sizes = [1], strides = [1]} : vector<16xf32> to vector<1xf32>
        %squeeze3A_1800 = vector.extract %slice3A_1799[0] : f32 from vector<1xf32>
        %add3A_1801 = arith.addf %add3A_1798, %squeeze3A_1800 : f32
        %slice3A_1802 = vector.extract_strided_slice %add3A_1781 {offsets = [7], sizes = [1], strides = [1]} : vector<16xf32> to vector<1xf32>
        %squeeze3A_1803 = vector.extract %slice3A_1802[0] : f32 from vector<1xf32>
        %add3A_1804 = arith.addf %add3A_1801, %squeeze3A_1803 : f32
        %slice3A_1805 = vector.extract_strided_slice %add3A_1781 {offsets = [8], sizes = [1], strides = [1]} : vector<16xf32> to vector<1xf32>
        %squeeze3A_1806 = vector.extract %slice3A_1805[0] : f32 from vector<1xf32>
        %add3A_1807 = arith.addf %add3A_1804, %squeeze3A_1806 : f32
        %slice3A_1808 = vector.extract_strided_slice %add3A_1781 {offsets = [9], sizes = [1], strides = [1]} : vector<16xf32> to vector<1xf32>
        %squeeze3A_1809 = vector.extract %slice3A_1808[0] : f32 from vector<1xf32>
        %add3A_1810 = arith.addf %add3A_1807, %squeeze3A_1809 : f32
        %slice3A_1811 = vector.extract_strided_slice %add3A_1781 {offsets = [10], sizes = [1], strides = [1]} : vector<16xf32> to vector<1xf32>
        %squeeze3A_1812 = vector.extract %slice3A_1811[0] : f32 from vector<1xf32>
        %add3A_1813 = arith.addf %add3A_1810, %squeeze3A_1812 : f32
        %slice3A_1814 = vector.extract_strided_slice %add3A_1781 {offsets = [11], sizes = [1], strides = [1]} : vector<16xf32> to vector<1xf32>
        %squeeze3A_1815 = vector.extract %slice3A_1814[0] : f32 from vector<1xf32>
        %add3A_1816 = arith.addf %add3A_1813, %squeeze3A_1815 : f32
        %slice3A_1817 = vector.extract_strided_slice %add3A_1781 {offsets = [12], sizes = [1], strides = [1]} : vector<16xf32> to vector<1xf32>
        %squeeze3A_1818 = vector.extract %slice3A_1817[0] : f32 from vector<1xf32>
        %add3A_1819 = arith.addf %add3A_1816, %squeeze3A_1818 : f32
        %slice3A_1820 = vector.extract_strided_slice %add3A_1781 {offsets = [13], sizes = [1], strides = [1]} : vector<16xf32> to vector<1xf32>
        %squeeze3A_1821 = vector.extract %slice3A_1820[0] : f32 from vector<1xf32>
        %add3A_1822 = arith.addf %add3A_1819, %squeeze3A_1821 : f32
        %slice3A_1823 = vector.extract_strided_slice %add3A_1781 {offsets = [14], sizes = [1], strides = [1]} : vector<16xf32> to vector<1xf32>
        %squeeze3A_1824 = vector.extract %slice3A_1823[0] : f32 from vector<1xf32>
        %add3A_1825 = arith.addf %add3A_1822, %squeeze3A_1824 : f32
        %slice3A_1826 = vector.extract_strided_slice %add3A_1781 {offsets = [15], sizes = [1], strides = [1]} : vector<16xf32> to vector<1xf32>
        %squeeze3A_1827 = vector.extract %slice3A_1826[0] : f32 from vector<1xf32>
        %add3A_1828 = arith.addf %add3A_1825, %squeeze3A_1827 : f32
        %eq3A_1829 = arith.constant 14 : i32
        %eq3A_1830 = vector.broadcast %eq3A_1829 : i32 to vector<16xi32>
        %eq3A_1831 = arith.cmpi eq, %iota3A, %eq3A_1830 : vector<16xi32>
        %broadcast_in_dim3A_1832 = vector.broadcast %add3A_1828 : f32 to vector<16xf32>
        %select_n3A_1833 = arith.select %eq3A_1831, %broadcast_in_dim3A_1832, %select_n3A_1715 : vector<16xi1>, vector<16xf32>
        %mul3A_1834 = arith.constant 16 : i32
        %mul3A_1835 = arith.muli %scan3A_65, %mul3A_1834 : i32
        %add3A_1836 = arith.constant 15 : i32
        %add3A_1837 = arith.addi %mul3A_1835, %add3A_1836 : i32
        %mul3A_1838 = arith.constant 32 : i32
        %mul3A_1839 = arith.muli %scan3A_17, %mul3A_1838 : i32
        %add3A_1840 = arith.addi %mul3A_1839, %add3A_1837 : i32
        %jit3A_1841 = arith.constant 4 : i32
        %div3A_1842 = arith.divsi %add3A_1840, %jit3A_1841 : i32
        %sign3A_1843 = arith.constant 0 : i32
        %sign3A_1844 = arith.cmpi sgt, %add3A_1840, %sign3A_1843 : i32
        %sign3A_1845 = arith.extui %sign3A_1844 : i1 to i32
        %sign3A_1846 = arith.constant 0 : i32
        %sign3A_1847 = arith.cmpi slt, %add3A_1840, %sign3A_1846 : i32
        %sign3A_1848 = arith.extui %sign3A_1847 : i1 to i32
        %sign3A_1849 = arith.subi %sign3A_1845, %sign3A_1848 : i32
        %sign3A_1850 = arith.constant 0 : i32
        %sign3A_1851 = arith.cmpi sgt, %jit3A_1841, %sign3A_1850 : i32
        %sign3A_1852 = arith.extui %sign3A_1851 : i1 to i32
        %sign3A_1853 = arith.constant 0 : i32
        %sign3A_1854 = arith.cmpi slt, %jit3A_1841, %sign3A_1853 : i32
        %sign3A_1855 = arith.extui %sign3A_1854 : i1 to i32
        %sign3A_1856 = arith.subi %sign3A_1852, %sign3A_1855 : i32
        %ne3A_1857 = arith.cmpi ne, %sign3A_1849, %sign3A_1856 : i32
        %rem3A_1858 = arith.remsi %add3A_1840, %jit3A_1841 : i32
        %ne3A_1859 = arith.constant 0 : i32
        %ne3A_1860 = arith.cmpi ne, %rem3A_1858, %ne3A_1859 : i32
        %and3A_1861 = arith.andi %ne3A_1857, %ne3A_1860 : i1
        %sub3A_1862 = arith.constant 1 : i32
        %sub3A_1863 = arith.subi %div3A_1842, %sub3A_1862 : i32
        %select_n3A_1864 = arith.select %and3A_1861, %sub3A_1863, %div3A_1842 : i32
        %jit3A_1865 = arith.constant 4 : i32
        %eq3A_1866 = arith.constant 0 : i32
        %eq3A_1867 = arith.cmpi eq, %jit3A_1865, %eq3A_1866 : i32
        %jit3A_1868 = arith.constant 1 : i32
        %select_n3A_1869 = arith.select %eq3A_1867, %jit3A_1868, %jit3A_1865 : i32
        %rem3A_1870 = arith.remsi %add3A_1840, %select_n3A_1869 : i32
        %ne3A_1871 = arith.constant 0 : i32
        %ne3A_1872 = arith.cmpi ne, %rem3A_1870, %ne3A_1871 : i32
        %lt3A_1873 = arith.constant 0 : i32
        %lt3A_1874 = arith.cmpi slt, %rem3A_1870, %lt3A_1873 : i32
        %lt3A_1875 = arith.constant 0 : i32
        %lt3A_1876 = arith.cmpi slt, %select_n3A_1869, %lt3A_1875 : i32
        %ne3A_1877 = arith.xori %lt3A_1874, %lt3A_1876 : i1
        %and3A_1878 = arith.andi %ne3A_1877, %ne3A_1872 : i1
        %add3A_1879 = arith.addi %rem3A_1870, %select_n3A_1869 : i32
        %select_n3A_1880 = arith.select %and3A_1878, %add3A_1879, %rem3A_1870 : i32
        %mul3A_1881 = arith.constant 32 : i32
        %mul3A_1882 = arith.muli %select_n3A_1880, %mul3A_1881 : i32
        %get3A_1883 = arith.index_cast %select_n3A_1864 : i32 to index
        %get3A_1884 = arith.index_cast %mul3A_1882 : i32 to index
        %get3A_1885 = tpu.vector_load %arg10[%get3A_1883, %get3A_1884] {strides = array<i32>} : memref<128x128xf32, #tpu.memory_space<vmem>>, vector<16xf32>,
        %add3A_1886 = arith.constant 16 : i32
        %add3A_1887 = arith.addi %mul3A_1882, %add3A_1886 : i32
        %get3A_1888 = arith.index_cast %select_n3A_1864 : i32 to index
        %get3A_1889 = arith.index_cast %add3A_1887 : i32 to index
        %get3A_1890 = tpu.vector_load %arg10[%get3A_1888, %get3A_1889] {strides = array<i32>} : memref<128x128xf32, #tpu.memory_space<vmem>>, vector<16xf32>,
        %get3A_1891 = arith.index_cast %add3A_1837 : i32 to index
        %get3A_1892 = arith.constant 0 : index
        %get3A_1893 = tpu.vector_load %arg13[%get3A_1891, %get3A_1892] {strides = array<i32>} : memref<32x128xf32, #tpu.memory_space<vmem>>, vector<16xf32>,
        %mul3A_1894 = arith.mulf %get3A_1885, %get3A_1893 : vector<16xf32>
        %get3A_1895 = arith.index_cast %add3A_1837 : i32 to index
        %get3A_1896 = arith.constant 16 : index
        %get3A_1897 = tpu.vector_load %arg13[%get3A_1895, %get3A_1896] {strides = array<i32>} : memref<32x128xf32, #tpu.memory_space<vmem>>, vector<16xf32>,
        %mul3A_1898 = arith.mulf %get3A_1890, %get3A_1897 : vector<16xf32>
        %add3A_1899 = arith.addf %mul3A_1894, %mul3A_1898 : vector<16xf32>
        %slice3A_1900 = vector.extract_strided_slice %add3A_1899 {offsets = [0], sizes = [1], strides = [1]} : vector<16xf32> to vector<1xf32>
        %squeeze3A_1901 = vector.extract %slice3A_1900[0] : f32 from vector<1xf32>
        %slice3A_1902 = vector.extract_strided_slice %add3A_1899 {offsets = [1], sizes = [1], strides = [1]} : vector<16xf32> to vector<1xf32>
        %squeeze3A_1903 = vector.extract %slice3A_1902[0] : f32 from vector<1xf32>
        %add3A_1904 = arith.addf %squeeze3A_1901, %squeeze3A_1903 : f32
        %slice3A_1905 = vector.extract_strided_slice %add3A_1899 {offsets = [2], sizes = [1], strides = [1]} : vector<16xf32> to vector<1xf32>
        %squeeze3A_1906 = vector.extract %slice3A_1905[0] : f32 from vector<1xf32>
        %add3A_1907 = arith.addf %add3A_1904, %squeeze3A_1906 : f32
        %slice3A_1908 = vector.extract_strided_slice %add3A_1899 {offsets = [3], sizes = [1], strides = [1]} : vector<16xf32> to vector<1xf32>
        %squeeze3A_1909 = vector.extract %slice3A_1908[0] : f32 from vector<1xf32>
        %add3A_1910 = arith.addf %add3A_1907, %squeeze3A_1909 : f32
        %slice3A_1911 = vector.extract_strided_slice %add3A_1899 {offsets = [4], sizes = [1], strides = [1]} : vector<16xf32> to vector<1xf32>
        %squeeze3A_1912 = vector.extract %slice3A_1911[0] : f32 from vector<1xf32>
        %add3A_1913 = arith.addf %add3A_1910, %squeeze3A_1912 : f32
        %slice3A_1914 = vector.extract_strided_slice %add3A_1899 {offsets = [5], sizes = [1], strides = [1]} : vector<16xf32> to vector<1xf32>
        %squeeze3A_1915 = vector.extract %slice3A_1914[0] : f32 from vector<1xf32>
        %add3A_1916 = arith.addf %add3A_1913, %squeeze3A_1915 : f32
        %slice3A_1917 = vector.extract_strided_slice %add3A_1899 {offsets = [6], sizes = [1], strides = [1]} : vector<16xf32> to vector<1xf32>
        %squeeze3A_1918 = vector.extract %slice3A_1917[0] : f32 from vector<1xf32>
        %add3A_1919 = arith.addf %add3A_1916, %squeeze3A_1918 : f32
        %slice3A_1920 = vector.extract_strided_slice %add3A_1899 {offsets = [7], sizes = [1], strides = [1]} : vector<16xf32> to vector<1xf32>
        %squeeze3A_1921 = vector.extract %slice3A_1920[0] : f32 from vector<1xf32>
        %add3A_1922 = arith.addf %add3A_1919, %squeeze3A_1921 : f32
        %slice3A_1923 = vector.extract_strided_slice %add3A_1899 {offsets = [8], sizes = [1], strides = [1]} : vector<16xf32> to vector<1xf32>
        %squeeze3A_1924 = vector.extract %slice3A_1923[0] : f32 from vector<1xf32>
        %add3A_1925 = arith.addf %add3A_1922, %squeeze3A_1924 : f32
        %slice3A_1926 = vector.extract_strided_slice %add3A_1899 {offsets = [9], sizes = [1], strides = [1]} : vector<16xf32> to vector<1xf32>
        %squeeze3A_1927 = vector.extract %slice3A_1926[0] : f32 from vector<1xf32>
        %add3A_1928 = arith.addf %add3A_1925, %squeeze3A_1927 : f32
        %slice3A_1929 = vector.extract_strided_slice %add3A_1899 {offsets = [10], sizes = [1], strides = [1]} : vector<16xf32> to vector<1xf32>
        %squeeze3A_1930 = vector.extract %slice3A_1929[0] : f32 from vector<1xf32>
        %add3A_1931 = arith.addf %add3A_1928, %squeeze3A_1930 : f32
        %slice3A_1932 = vector.extract_strided_slice %add3A_1899 {offsets = [11], sizes = [1], strides = [1]} : vector<16xf32> to vector<1xf32>
        %squeeze3A_1933 = vector.extract %slice3A_1932[0] : f32 from vector<1xf32>
        %add3A_1934 = arith.addf %add3A_1931, %squeeze3A_1933 : f32
        %slice3A_1935 = vector.extract_strided_slice %add3A_1899 {offsets = [12], sizes = [1], strides = [1]} : vector<16xf32> to vector<1xf32>
        %squeeze3A_1936 = vector.extract %slice3A_1935[0] : f32 from vector<1xf32>
        %add3A_1937 = arith.addf %add3A_1934, %squeeze3A_1936 : f32
        %slice3A_1938 = vector.extract_strided_slice %add3A_1899 {offsets = [13], sizes = [1], strides = [1]} : vector<16xf32> to vector<1xf32>
        %squeeze3A_1939 = vector.extract %slice3A_1938[0] : f32 from vector<1xf32>
        %add3A_1940 = arith.addf %add3A_1937, %squeeze3A_1939 : f32
        %slice3A_1941 = vector.extract_strided_slice %add3A_1899 {offsets = [14], sizes = [1], strides = [1]} : vector<16xf32> to vector<1xf32>
        %squeeze3A_1942 = vector.extract %slice3A_1941[0] : f32 from vector<1xf32>
        %add3A_1943 = arith.addf %add3A_1940, %squeeze3A_1942 : f32
        %slice3A_1944 = vector.extract_strided_slice %add3A_1899 {offsets = [15], sizes = [1], strides = [1]} : vector<16xf32> to vector<1xf32>
        %squeeze3A_1945 = vector.extract %slice3A_1944[0] : f32 from vector<1xf32>
        %add3A_1946 = arith.addf %add3A_1943, %squeeze3A_1945 : f32
        %eq3A_1947 = arith.constant 15 : i32
        %eq3A_1948 = vector.broadcast %eq3A_1947 : i32 to vector<16xi32>
        %eq3A_1949 = arith.cmpi eq, %iota3A, %eq3A_1948 : vector<16xi32>
        %broadcast_in_dim3A_1950 = vector.broadcast %add3A_1946 : f32 to vector<16xf32>
        %select_n3A_1951 = arith.select %eq3A_1949, %broadcast_in_dim3A_1950, %select_n3A_1833 : vector<16xi1>, vector<16xf32>
        %mul3A_1952 = arith.constant 32 : i32
        %mul3A_1953 = arith.muli %scan3A_17, %mul3A_1952 : i32
        %mul3A_1954 = arith.constant 16 : i32
        %mul3A_1955 = arith.muli %scan3A_65, %mul3A_1954 : i32
        %add3A_1956 = arith.addi %mul3A_1953, %mul3A_1955 : i32
        %swap3A = arith.index_cast %add3A_1956 : i32 to index
        %swap3A_1957 = tpu.vector_load %arg14[%swap3A] {strides = array<i32>} : memref<512xf32, #tpu.memory_space<vmem>>, vector<16xf32>,
        tpu.vector_store %arg14[%swap3A], %select_n3A_1951 {strides = array<i32>} : memref<512xf32, #tpu.memory_space<vmem>>, vector<16xf32>,
      }
      %scan3A_64 = arith.constant 2 : i32
    }
    %scan3A_14 = arith.constant 16 : i32
    %mul3A_15 = arith.constant 512 : i32
    %mul3A_16 = arith.muli %add3A, %mul3A_15 : i32
    "tpu.region"() ({
      %run_scoped3A = tpu.sem_alloc : memref<!tpu.dma_semaphore, #tpu.memory_space<semaphore_mem>>
      %dma_start3A = tpu.memref_slice %arg7[%mul3A_16] : memref<16384xf32, #tpu.memory_space<hbm>> -> memref<512xf32, #tpu.memory_space<hbm>>
      %dma_start3A_17 = tpu.memref_slice %arg7[%mul3A_16] : memref<16384xf32, #tpu.memory_space<hbm>> -> memref<512xf32, #tpu.memory_space<hbm>>
      tpu.enqueue_dma source(%arg14 : memref<512xf32, #tpu.memory_space<vmem>>) target(%dma_start3A_17 : memref<512xf32, #tpu.memory_space<hbm>>) target_semaphore(%run_scoped3A : memref<!tpu.dma_semaphore, #tpu.memory_space<semaphore_mem>>)
      %dma_wait3A = tpu.memref_slice %arg7[%mul3A_16] : memref<16384xf32, #tpu.memory_space<hbm>> -> memref<512xf32, #tpu.memory_space<hbm>>
      %dma_wait3A_18 = tpu.memref_slice %arg7[%mul3A_16] : memref<16384xf32, #tpu.memory_space<hbm>> -> memref<512xf32, #tpu.memory_space<hbm>>
      tpu.wait_dma2 semaphore(%run_scoped3A : memref<!tpu.dma_semaphore, #tpu.memory_space<semaphore_mem>>) src(%arg14 : memref<512xf32, #tpu.memory_space<vmem>>) dst(%dma_wait3A_18 : memref<512xf32, #tpu.memory_space<hbm>>)
      tpu.yield
    }) : () -> ()
    return
  }
}

</mosaic_0001>

<sc_bundles>
// kernel: kernel.3.cloned.1.call-start
scs
__scs_entry_jumppad:
0x0: {  	(pc) =	sbr.rel $0x88, $3  }
0x1: {  	(tag) =	ssettag $0x0;
	lr =	simm.s32 $0x1  }
0x2: {  	[smem:$0x3F98] =	sst lr;
	_ =	strace $0xD0000000  }
0x3: {  	_ = 	snop  }
0x4: {  	_ = 	snop  }
0x5: {  	_ = 	snop  }
0x6: {  	_ = 	snop  }
0x7: {  	_ = 	snop  }
__scs_overlays_trampoline_lowered:
0x8: {  	[smem:$0x3FA7] =	sst s0  }
0x9: {  	[smem:$0x3FA8] =	sst s1  }
0xa: {  	[smem:$0x3FA9] =	sst s2  }
0xb: {  	[smem:$0x3FAA] =	sst s3  }
0xc: {  	[smem:$0x3FAB] =	sst s4  }
0xd: {  	[smem:$0x3FAC] =	sst s5  }
0xe: {  	[smem:$0x3FAD] =	sst s6  }
0xf: {  	[smem:$0x3FAE] =	sst s7  }
0x10: {  	[smem:$0x3FAF] =	sst s8  }
0x11: {  	[smem:$0x3FB0] =	sst s9;
	s0 =	simm.s32 @!p0 $0x0  }
0x12: {  	s1 =	sld [smem:$0x3F96];
	s0 =	simm.s32 @p0 $0x1  }
0x13: {  	[smem:$0x3FB1] =	sst s0;
	s0 =	simm.s32 @!p1 $0x0  }
0x14: {  	s2 =	sld [smem:$0x3F95];
	s0 =	simm.s32 @p1 $0x1  }
0x15: {  	[smem:$0x3FB2] =	sst s0;
	s0 =	simm.s32 @!p2 $0x0  }
0x16: {  	s3 =	sld [smem:$0x3FDB];
	s0 =	simm.s32 @p2 $0x1  }
0x17: {  	s4 =	simm.s32 $0x1BF5;
	[smem:$0x3FB4] =	sst s0  }
0x18: {  	s0 =	sld [smem:$0x3F97];
	_ =	swait.ge [sflag:s4], $0x0  }
0x19: {  	s7 =	sld [smem:$0x3F98]  }
0x1a: {  	s8 =	sadd.s32 $0xFFFFE003, lr  }
0x1b: {  	s9 =	sadd.s32 $0xFFFFFEF7, lr;
	s5 =	simm.s32 $0xFFFFFFFF;
	p2 =	slt.u32 s8, $0xFFFFF086  }
0x1c: {  	p1 =	slt.u32 s9, $0xF7A;
	s5 =	simm.s32 @!p2 $0x0  }
0x1d: {  	s5 =	simm.s32 @p1 $0x1;
	p0 =	seq.s32 s7, s2  }
0x1e: {  	s7 =	smul.u32 @!p0 $0xF7A, s2;
	p2 =	seq.s32 @!p0 s5, $0x0  }
0x1f: {  	s9 =	smul.u32 $0xF7A, s1;
	s8 =	simm.s32 @!p0 $0x1BF5;
	p2 =	por !p2, p0  }
0x20: {  	[sflag:s8] =	ssyncset.s32 @!p0 $0xFFFFF086;
	s6 =	sadd.s32 @!p0 s3, s7;
	s7 =	simm.s32 @!p0 $0x108  }
0x21: {  	s3 =	sadd.s32 s3, s9;
	s6 =	sadd.s32 @!p0 $0x88, s6;
	s7 =	simm.s32 @p2 $0x1082  }
0x22: {  	[simem:s7], [sflag:s8] =	dma.local @!p0 [hbm:s6], $0xF7A  }
0x23: {  	s9 =	sor.u32 $0xD0000000, s2;
	s6 =	simm.s32 $0x108;
	_ =	swait.ge @!p0 [sflag:s8], $0x0  }
0x24: {  	s3 =	sadd.s32 $0x88, s3;
	s6 =	simm.s32 @!p1 $0x1082;
	[sflag:s4] =	ssyncset.s32 $0xFFFFF086  }
0x25: {  	[simem:s6], [sflag:s4] =	dma.local [hbm:s3], $0xF7A  }
0x26: {  	[smem:$0x3F98] =	sst s1;
	(tag) =	ssettag s2;
	_ =	strace s9  }
0x27: {  	s1 =	sld [smem:$0x3FA8]  }
0x28: {  	s2 =	sld [smem:$0x3FA9]  }
0x29: {  	s4 =	sld [smem:$0x3FAB]  }
0x2a: {  	p0 =	seq.s32 s5, $0x0;
	s5 =	sld [smem:$0x3FAC]  }
0x2b: {  	s6 =	sld [smem:$0x3FAD]  }
0x2c: {  	s7 =	sld [smem:$0x3FAE]  }
0x2d: {  	s3 =	simm.s32 $0x108;
	s8 =	sld [smem:$0x3FAF]  }
0x2e: {  	s3 =	simm.s32 @!p0 $0x1082;
	s9 =	sld [smem:$0x3FB0]  }
0x2f: {  	lr =	sadd.s32 s0, s3;
	s0 =	sld [smem:$0x3FA7]  }
0x30: {  	s3 =	sld [smem:$0x3FAA]  }
0x31: {  	[smem:$0x3FB3] =	sst s10  }
0x32: {  	s10 =	sld [smem:$0x3FB1];
	_ =	sdelay $0x3  }
0x33: {  	p0 =	seq.s32 s10, $0x1;
	s10 =	sld [smem:$0x3FB3];
	_ =	sdelay $0x3  }
0x34: {  	[smem:$0x3FB3] =	sst s10  }
0x35: {  	s10 =	sld [smem:$0x3FB2];
	_ =	sdelay $0x3  }
0x36: {  	p1 =	seq.s32 s10, $0x1;
	s10 =	sld [smem:$0x3FB3];
	_ =	sdelay $0x3  }
0x37: {  	[smem:$0x3FB3] =	sst s10  }
0x38: {  	s10 =	sld [smem:$0x3FB4]  }
0x39: {  	_ = 	snop;
	(pc) =	sbr.ind lr, $3  }
0x3a: {  	_ = 	snop  }
0x3b: {  	_ = 	snop  }
0x3c: {  	p2 =	seq.s32 s10, $0x1;
	s10 =	sld [smem:$0x3FB3]  }
0x3d: {  	_ =	shalt  }
0x3e: {  	_ =	shalt  }
0x3f: {  	_ =	shalt  }
0x40: {  	_ =	shalt  }
0x41: {  	_ =	shalt  }
0x42: {  	_ =	shalt  }
0x43: {  	_ =	shalt  }
0x44: {  	_ =	shalt  }
0x45: {  	_ =	shalt  }
0x46: {  	_ =	shalt  }
0x47: {  	_ =	shalt  }
0x48: {  	_ =	shalt  }
0x49: {  	_ =	shalt  }
0x4a: {  	_ =	shalt  }
0x4b: {  	_ =	shalt  }
0x4c: {  	_ =	shalt  }
0x4d: {  	_ =	shalt  }
0x4e: {  	_ =	shalt  }
0x4f: {  	_ =	shalt  }
0x50: {  	_ =	shalt  }
0x51: {  	_ =	shalt  }
0x52: {  	_ =	shalt  }
0x53: {  	_ =	shalt  }
0x54: {  	_ =	shalt  }
0x55: {  	_ =	shalt  }
0x56: {  	_ =	shalt  }
0x57: {  	_ =	shalt  }
0x58: {  	_ =	shalt  }
0x59: {  	_ =	shalt  }
0x5a: {  	_ =	shalt  }
0x5b: {  	_ =	shalt  }
0x5c: {  	_ =	shalt  }
0x5d: {  	_ =	shalt  }
0x5e: {  	_ =	shalt  }
0x5f: {  	_ =	shalt  }
0x60: {  	_ =	shalt  }
0x61: {  	_ =	shalt  }
0x62: {  	_ =	shalt  }
0x63: {  	_ =	shalt  }
0x64: {  	_ =	shalt  }
0x65: {  	_ =	shalt  }
0x66: {  	_ =	shalt  }
0x67: {  	_ =	shalt  }
0x68: {  	_ =	shalt  }
0x69: {  	_ =	shalt  }
0x6a: {  	_ =	shalt  }
0x6b: {  	_ =	shalt  }
0x6c: {  	_ =	shalt  }
0x6d: {  	_ =	shalt  }
0x6e: {  	_ =	shalt  }
0x6f: {  	_ =	shalt  }
0x70: {  	_ =	shalt  }
0x71: {  	_ =	shalt  }
0x72: {  	_ =	shalt  }
0x73: {  	_ =	shalt  }
0x74: {  	_ =	shalt  }
0x75: {  	_ =	shalt  }
0x76: {  	_ =	shalt  }
0x77: {  	_ =	shalt  }
0x78: {  	_ =	shalt  }
0x79: {  	_ =	shalt  }
0x7a: {  	_ =	shalt  }
0x7b: {  	_ =	shalt  }
0x7c: {  	_ =	shalt  }
0x7d: {  	_ =	shalt  }
0x7e: {  	_ =	shalt  }
0x7f: {  	_ =	shalt  }
0x80: {  	_ =	shalt  }
0x81: {  	_ =	shalt  }
0x82: {  	_ =	shalt  }
0x83: {  	_ =	shalt  }
0x84: {  	_ =	shalt  }
0x85: {  	_ =	shalt  }
0x86: {  	_ =	shalt  }
0x87: {  	_ =	shalt  }
.Lfunc_end0:
.L_simem_size_0:
called_computation_lowered:
.L_overlay_start_0:
0x88: {  	s2 =	sld [smem:$0x3FD9]  }
0x89: {  	s3 =	sld [smem:$0x3FFE];
	_ =	sdelay $0x1  }
0x8a: {  	s1 =	srdreg.scid  }
0x8b: {  	s0 =	sand.u32 $0x1, s1  }
0x8c: {  	s17 =	sshll.u32 s0, $0xA;
	s2 =	sadd.s32 s3, s2  }
0x8d: {  	s2 =	sadd.s32 s2, s17  }
0x8e: {  	[smem:$0x3FBF] =	sst s2  }
0x8f: {  	_ = 	snop  }
0x90: {  	s2 =	sld [smem:$0x3FD0];
	(tm) =	ssettm $0x1  }
0x91: {  	s18 =	sld [smem:$0x3FFB];
	_ =	sdelay $0x3  }
0x92: {  	_ =	strace s18  }
0x93: {  	s3 =	sld [smem:$0x3FFC];
	_ =	sdelay $0x3  }
0x94: {  	_ =	strace s3  }
0x95: {  	s3 =	sld [smem:$0x3FFD];
	_ =	sdelay $0x3  }
0x96: {  	_ =	strace s3  }
0x97: {  	_ =	strace $0x8FFFFFFF  }
0x98: {  	s19 =	sld [smem:$0x3FDB];
	_ =	sdelay $0x1  }
0x99: {  	s4 =	simm.s32 $_scs_section_size  }
0x9a: {  	s5 =	simm.s32 $_size__tile_overlayer_lowered;
	s6 =	simm.s32 $_tile_overlayer_lowered  }
0x9b: {  	s22 =	simm.s32 $0x1BFF;
	s21 =	sshll.u32 s6, $0x1;
	s3 =	sadd.s32 s4, s19  }
0x9c: {  	s7 =	simm.s32 $0x0;
	s20 =	sshll.u32 s5, $0x1;
	s5 =	sadd.s32 s21, s3  }
0x9d: {  	[timem:s7], [sflag:s22] =	dma.local [hbm:s5], s20  }
0x9e: {  	_ =	swait.ge [sflag:s22], s20  }
0x9f: {  	s4 =	ssub.s32 $0x0, s20;
	[sflag:s22] =	ssyncset.done $0x0  }
0xa0: {  	[sflag:s22] =	ssyncadd.s32 s4;
	_ =	sdelay $0x1  }
0xa1: {  	s23 =	simm.s32 $0x1B8B  }
0xa2: {  	_ =	swait.ge [sflag:s23], $0x1  }
0xa3: {  	[sflag:s23] =	ssyncset.done $0x0  }
0xa4: {  	s25 =	simm.s32 $0x1B8E;
	s24 =	sld [smem:$0x3FFE];
	[sflag:s23] =	ssyncadd.s32 $0xFFFFFFFF  }
0xa5: {  	s26 =	simm.s32 $execute0_lowered;
	[smem:$0x3FD2] =	sst s25  }
0xa6: {  	s5 =	sshll.u32 s26, $0x1;
	_ =	strace $0x80000046;
	[dreg:$0x1] =	wrdreg $0xFFFFFFFF  }
0xa7: {  	s28 =	simm.s32 $_size_execute0_lowered;
	s3 =	sadd.s32 s3, s5;
	[dreg:$0x0] =	wrdreg $0x0  }
0xa8: {  	s5 =	sshll.u32 s28, $0x1;
	[dreg:$0x2] =	wrdreg s3  }
0xa9: {  	[dreg:$0x3] =	wrdreg s5  }
0xaa: {  	[dreg:$0x4] =	wrdreg $0xC0  }
0xab: {  	_ =	task [dreg:s7], $0x5FFFF  }
0xac: {  	[dreg:$0x1] =	wrdreg $0xFFFFFFFF  }
0xad: {  	[dreg:$0x0] =	wrdreg $0x60  }
0xae: {  	[dreg:$0x2] =	wrdreg s24  }
0xaf: {  	[dreg:$0x3] =	wrdreg s2  }
0xb0: {  	[dreg:$0x4] =	wrdreg $0x9  }
0xb1: {  	_ =	task.clear_ibuf [dreg:s7], $0x5FFFF;
	_ =	strace $0x90000046  }
0xb2: {  	s29 =	simm.s32 $0x9;
	_ =	strace $0x80000048  }
0xb3: {  	_ =	swait.ge [sflag:s29], $0x1  }
0xb4: {  	[sflag:s29] =	ssyncadd.s32 $0xFFFFFFFF  }
0xb5: {  	_ =	strace $0x90000048  }
0xb6: {  	_ =	sfence  }
0xb7: {  	s30 =	sld [smem:$0x0];
	_ =	sdelay $0x2  }
0xb8: {  	s31 =	sshll.u32 s1, $0xD;
	s1 =	sshrl.u32 s1, $0x2  }
0xb9: {  	s3 =	sand.u32 $0x4000, s31;
	s1 =	sadd.s32 s1, s30  }
0xba: {  	s0 =	sor.u32 s3, s0;
	s1 =	sshll.u32 s1, $0x11  }
0xbb: {  	s0 =	sor.u32 s1, s0  }
0xbc: {  	s0 =	sadd.s32 $0x8F2B, s0  }
0xbd: {  	[sflag:s0] =	ssyncadd.remote.s32 $0x1  }
0xbe: {  	_ =	sfence.sel $0xFFFF  }
0xbf: {  	[dreg:$0x0] =	wrdreg $0xFFFFFFFF;
	(pc) =	sbr.abs _section_cstart, $3  }
0xc0: {  	[dreg:$0x1] =	wrdreg $0xFFFFFFFF  }
0xc1: {  	_ =	task.clear_ibuf [dreg:s7], $0x2FFFF;
	_ =	strace $0x9FFFFFFF  }
0xc2: {  	(tm) =	ssettm $0x7FFFFFFF  }
0xc3: {  	_ =	shalt  }
tec
execute0_lowered:
.L_overlay_start_1:
0x0: {  	(tag) =	ssettag $0x1  }
0x1: {  	s0 =	rddreg [dreg:$0x0];
	s1 =	srdreg.scid  }
0x2: {  	s3 =	stileid.u32;
	s2 =	rddreg [dreg:$0x1];
	s7 =	simm.s32 $0x0  }
0x3: {  	s1 =	sand.u32 $0x1, s1;
	s3 =	sshll.u32 s3, $0x1;
	[smem:$0x7FF] =	sst s7  }
0x4: {  	s8 =	sadd.s32 $0x11200, s0;
	s3 =	sor.u32 s1, s3;
	_ =	strace $0x80000047  }
0x5: {  	s1 =	ssub.s32 $0x2, s1;
	[dreg:$0x4] =	wrdreg s8;
	s4 =	smul.u32 $0x180, s3  }
0x6: {  	s5 =	sshll.u32 s3, $0x7;
	s6 =	sshrl.u32 s1, $0x1;
	s31 =	sshll.u32 s3, $0x6  }
0x7: {  	s5 =	sadd.s32 s5, s0;
	s28 =	ssub.s32 s1, s6;
	s1 =	sadd.s32 s2, s31  }
0x8: {  	vm0 =	vcmask $0x300;
	vm1 =	vcmask $0x704;
	vm2 =	vcmask $0xB08;
	s4 =	sadd.s32 s4, s0;
	s0 =	sadd.s32 $0x11A00, s0;
	[dreg:$0x8] =	wrdreg s1  }
0x9: {  	vm3 =	vcmask $0xF0C;
	vm4 =	vcmask $0x1310;
	vm5 =	vcmask $0x1714;
	s9 =	simm.s32 $0x20;
	s29 =	sadd.s32 $0x1200, s5;
	[dreg:$0x5] =	wrdreg s0  }
0xa: {  	vm6 =	vcmask $0x1B18;
	vm7 =	vcmask $0x1F1C;
	vm8 =	vcmask $0x2320;
	s10 =	simm.s32 $0xD000;
	[dreg:$0x6] =	wrdreg s29;
	s30 =	sadd.s32 $0xE200, s4  }
0xb: {  	vm9 =	vcmask $0x2724;
	vm10 =	vcmask $0x2B28;
	vm11 =	vcmask $0x2F2C;
	s11 =	simm.s32 $0x1;
	s0 =	smax.u32 s28, $0x1;
	[dreg:$0x7] =	wrdreg s30  }
0xc: {  	vm12 =	vcmask $0x3330;
	vm13 =	vcmask $0x3734;
	vm14 =	vcmask $0x3B38;
	s2 =	simm.s32 $0x0;
	s1 =	simm.s32 $0x2;
	[dreg:$0x9] =	wrdreg s0  }
.LBB2_1:
0xd: {  	[dreg:$0xa] =	wrdreg s2  }
0xe: {  	s0 =	rddreg [dreg:$0x6]  }
0xf: {  	[tilespmem:s7], [sflag:$0x2] =	stream.linear.gather [hbm4b:s0+s7], $0x400, $0x38;
	[tilespmem:$0xE200] =	vst v63  }
0x10: {  	_ =	swait.ge [sflag:s1], $0x400  }
0x11: {  	[sflag:s1] =	ssyncset.done $0x0  }
0x12: {  	s31 =	simm.s32 $0x400;
	s30 =	rddreg [dreg:$0x7];
	[sflag:s1] =	ssyncadd.s32 $0xFFFFFC00  }
0x13: {  	[tilespmem:s31], [sflag:$0x2] =	stream.linear.gather [hbm4b:s30+s7], $0xC00, $0x38;
	[tilespmem:$0xE200] =	vst v63  }
0x14: {  	_ =	swait.ge [sflag:s1], $0xC00  }
0x15: {  	[sflag:s1] =	ssyncset.done $0x0  }
0x16: {  	s0 =	simm.s32 $0x0;
	[sflag:s1] =	ssyncadd.s32 $0xFFFFF400;
	s1 =	simm.s32 $0x0  }
.LBB2_2:
0x17: {  	s2 =	sshll.u32 s1, $0x5  }
0x18: {  	s30 =	simm.s32 $0x0;
	s2 =	sand.u32 $0x1E0, s2  }
0x19: {  	[tilespmem:s10], [sflag:$0x1] =	stream.indirect.gather [hbm4b:s8+s9], $0x80, s2, s9, $0xb8;
	[tilespmem:$0xE200] =	vst v63  }
0x1a: {  	s3 =	sadd.s32 $0xFFFFFFE0, s0;
	s4 =	simm.s32 $0x1;
	s2 =	sand.u32 $0x3, s30  }
0x1b: {  	p0 =	seq.s32 s3, $0xFFFFFFE0;
	_ =	swait.ge [sflag:s11], $0x1000;
	p1 =	sne.s32 s2, $0x0  }
0x1c: {  	s3 =	sadd.s32 $0x20, s3;
	[sflag:s11] =	ssyncset.done $0x0;
	p0 =	por !p0, !p1  }
0x1d: {  	s2 =	simm.s32 $0xD010;
	[sflag:s11] =	ssyncadd.s32 $0xFFFFF000;
	p0 =	por !p0, !p0  }
0x1e: {  	s3 =	sshrl.u32 s3, $0x2;
	s4 =	simm.s32 @!p0 $0x0;
	v0 =	vld [tilespmem:s2+$0xFFFFFFF0]  }
0x1f: {  	p0 =	por $0x0, $0x0;
	s3 =	ssub.s32 s3, s4  }
.Ltmp0:
0x20: {  	s16 =	simm.s32 $0x0;
	s3 =	sshll.u32 s3, $0x9;
	(pc) =	sbr.rel @p0 .LBB2_4-.Ltmp0, $4  }
0x21: {  	s31 =	sand.u32 $0x60, s16;
	s3 =	sshra.s32 s3, $0x2  }
0x22: {  	s5 =	sor.u32 s31, s3  }
0x23: {  	[tilespmem:s5+$0x1000] =	vst v0  }
0x24: {  	s4 =	simm.s32 $0x0;
	s3 =	simm.s32 $0xFFFFFFE1;
	v0 =	vld [tilespmem:s2+$0x0]  }
.LBB2_3:
0x25: {  	s6 =	sadd.s32 $0x20, s3;
	s7 =	smov.u32 s3;
	s3 =	sadd.s32 $0x1, s3  }
0x26: {  	s7 =	sadd.s32 s7, s0;
	s6 =	sand.u32 $0x3, s6;
	p0 =	seq.s32 s3, $0x0  }
0x27: {  	p1 =	seq.s32 s7, $0xFFFFFFE0;
	p2 =	sne.s32 s6, $0x0  }
0x28: {  	s2 =	sadd.s32 $0x80, s2;
	s6 =	sadd.s32 $0x20, s7;
	p1 =	por !p1, !p2  }
0x29: {  	p1 =	por !p1, !p1;
	[tilespmem:s5+$0x1010] =	vst v0;
	s5 =	sshrl.u32 s6, $0x2;
	s6 =	simm.s32 $0x1  }
0x2a: {  	s6 =	simm.s32 @!p1 $0x0;
	v0 =	vld [tilespmem:s2+$0xFFFFFFF0]  }
0x2b: {  	s5 =	ssub.s32 s5, s6  }
.Ltmp1:
0x2c: {  	s4 =	sadd.s32 $0x20, s4;
	s5 =	sshll.u32 s5, $0x9;
	(pc) =	sbr.rel @!p0 .LBB2_3-.Ltmp1, $4  }
0x2d: {  	s6 =	sand.u32 $0x60, s4;
	s5 =	sshra.s32 s5, $0x2  }
0x2e: {  	s5 =	sor.u32 s6, s5  }
0x2f: {  	[tilespmem:s5+$0x1000] =	vst v0  }
0x30: {  	v0 =	vld [tilespmem:s2+$0x0]  }
.LBB2_4:
0x31: {  	s1 =	sadd.s32 $0x1, s1  }
0x32: {  	p0 =	sne.s32 s1, $0x10  }
.Ltmp2:
0x33: {  	_ = 	snop;
	(pc) =	sbr.rel @p0 .LBB2_2-.Ltmp2, $2  }
0x34: {  	_ =	sdelay $0x2  }
0x35: {  	s0 =	sadd.s32 $0x20, s0;
	[tilespmem:s5+$0x1010] =	vst v0  }
0x36: {  	s17 =	simm.s32 $0x0;
	s18 =	simm.s32 $0x0  }
.LBB2_6:
0x37: {  	s0 =	sand.u32 $0x7, s16  }
0x38: {  	s20 =	simm.s32 $0x0;
	s21 =	simm.s32 $0x0;
	s22 =	simm.s32 $0x0  }
0x39: {  	s23 =	simm.s32 $0x0;
	s24 =	simm.s32 $0x0;
	s1 =	sshll.u32 s0, $0xF  }
0x3a: {  	s25 =	simm.s32 $0x0;
	s19 =	sshll.u32 s0, $0x6;
	[dreg:$0x3] =	wrdreg s1  }
.LBB2_7:
0x3b: {  	s0 =	rddreg [dreg:$0x3]  }
0x3c: {  	s1 =	sand.u32 $0x1, s25;
	s0 =	sadd.s32 s24, s0  }
0x3d: {  	p1 =	seq.s32 s1, $0x1;
	p0 =	seq.s32 s0, $0x0  }
0x3e: {  	p0 =	por !p0, !p1  }
0x3f: {  	s0 =	simm.s32 $0x1;
	p0 =	por !p0, !p0  }
0x40: {  	s7 =	sshrl.u32 s19, $0x2;
	s0 =	simm.s32 @!p0 $0x0  }
0x41: {  	s0 =	ssub.s32 s7, s0  }
0x42: {  	s0 =	sshll.u32 s0, $0x9  }
0x43: {  	s8 =	sand.u32 $0x40, s20;
	s2 =	sand.u32 $0x3000, s24;
	s0 =	sshra.s32 s0, $0x2  }
0x44: {  	s12 =	sand.u32 $0x300, s23;
	s26 =	sadd.s32 $0x5000, s2;
	s28 =	sor.u32 s8, s0  }
0x45: {  	s0 =	sor.u32 s12, s26;
	v1 =	vld [tilespmem:s28+$0x1000]  }
0x46: {  	v0 =	vld [tilespmem:s0+$0x0]  }
0x47: {  	v3 =	vld [tilespmem:s0+$0x10]  }
0x48: {  	v5 =	vld [tilespmem:s0+$0x20]  }
0x49: {  	v47 =	vld [tilespmem:s0+$0x30]  }
0x4a: {  	v9 =	vld [tilespmem:s0+$0x40]  }
0x4b: {  	v11 =	vld [tilespmem:s0+$0x50];
	v2 =	vbroadcast v1, $0x0  }
0x4c: {  	v55 =	vld [tilespmem:s0+$0x60];
	v4 =	vshll.u32 v0, $0x10;
	v0 =	vand.u32 $0xFFFF0000, v0;
	v6 =	vbroadcast v1, $0x1  }
0x4d: {  	v12 =	vld [tilespmem:s0+$0x70];
	v7 =	vshll.u32 v3, $0x10;
	v3 =	vand.u32 $0xFFFF0000, v3;
	v8 =	vbroadcast v1, $0x2  }
0x4e: {  	v59 =	vld [tilespmem:s0+$0x400];
	v48 =	vshll.u32 v5, $0x10;
	v5 =	vand.u32 $0xFFFF0000, v5;
	v10 =	vbroadcast v1, $0x3  }
0x4f: {  	v17 =	vld [tilespmem:s0+$0x410];
	v49 =	vshll.u32 v47, $0x10;
	v51 =	vbroadcast v1, $0x4;
	v52 =	vshll.u32 v9, $0x10  }
0x50: {  	v53 =	vand.u32 $0xFFFF0000, v9;
	v54 =	vbroadcast v1, $0x5;
	v56 =	vshll.u32 v11, $0x10  }
0x51: {  	v22 =	vld [tilespmem:s0+$0x420];
	v11 =	vand.u32 $0xFFFF0000, v11;
	v60 =	vbroadcast v1, $0x6;
	v61 =	vshll.u32 v55, $0x10  }
0x52: {  	v28 =	vld [tilespmem:s0+$0x430];
	v62 =	vand.u32 $0xFFFF0000, v55;
	v63 =	vbroadcast v1, $0x7;
	v16 =	vshll.u32 v12, $0x10  }
0x53: {  	v18 =	vand.u32 $0xFFFF0000, v12;
	v19 =	vbroadcast v1, $0x8;
	v21 =	vshll.u32 v59, $0x10  }
0x54: {  	v30 =	vld [tilespmem:s0+$0x440];
	v24 =	vbroadcast v1, $0x9;
	v25 =	vshll.u32 v17, $0x10;
	v27 =	vbroadcast v1, $0xA  }
0x55: {  	v26 =	vand.u32 $0xFFFF0000, v17;
	v34 =	vbroadcast v1, $0xB;
	v37 =	vbroadcast v1, $0xC  }
0x56: {  	v33 =	vld [tilespmem:s0+$0x450];
	v29 =	vshll.u32 v22, $0x10;
	v41 =	vbroadcast v1, $0xD;
	v46 =	vbroadcast v1, $0xE  }
0x57: {  	v35 =	vshll.u32 v28, $0x10;
	v1 =	vbroadcast v1, $0xF;
	v4 =	vmul.f32 v4, v2  }
0x58: {  	v36 =	vand.u32 $0xFFFF0000, v28;
	v0 =	vmul.f32 v0, v2;
	v7 =	vmul.f32 v7, v6  }
0x59: {  	v39 =	vld [tilespmem:s0+$0x460];
	v38 =	vshll.u32 v30, $0x10;
	v3 =	vmul.f32 v3, v6;
	v6 =	vmul.f32 v48, v8  }
0x5a: {  	v40 =	vand.u32 $0xFFFF0000, v30;
	v5 =	vmul.f32 v5, v8;
	v50 =	vmul.f32 v49, v10  }
0x5b: {  	v43 =	vshll.u32 v33, $0x10;
	v57 =	vmul.f32 v56, v54;
	v58 =	vmul.f32 v11, v54  }
0x5c: {  	s13 =	sand.u32 $0x3, s21;
	v44 =	vld [tilespmem:s0+$0x470];
	v2 =	vand.u32 $0xFFFF0000, v47;
	v8 =	vmul.f32 v16, v63;
	v20 =	vmul.f32 v18, v63  }
0x5d: {  	s1 =	sshll.u32 s13, $0x8;
	v55 =	vld [tilespmem:s0+$0x820];
	v23 =	vmul.f32 v21, v19;
	v11 =	vand.u32 $0xFFFF0000, v22;
	v31 =	vmul.f32 v29, v27  }
0x5e: {  	s14 =	sadd.s32 s1, s24;
	v17 =	vld [tilespmem:s0+$0x840];
	v42 =	vmul.f32 v40, v37;
	v45 =	vmul.f32 v43, v41;
	v48 =	vshll.u32 v39, $0x10  }
0x5f: {  	s15 =	sor.u32 $0xC10, s14;
	v49 =	vand.u32 $0xFFFF0000, v39;
	v29 =	vld [tilespmem:s0+$0x870];
	v2 =	vmul.f32 v2, v10;
	v4 =	vadd.f32 $0.0e+00, v4  }
0x60: {  	v40 =	vld [tilespmem:s15+$0x5000];
	v32 =	vmul.f32 v11, v27;
	v0 =	vadd.f32 $0.0e+00, v0;
	v7 =	vadd.f32 $0.0e+00, v7  }
0x61: {  	v11 =	vand.u32 $0xFFFF0000, v44;
	v3 =	vadd.f32 $0.0e+00, v3;
	v4 =	vadd.f32 v6, v4  }
0x62: {  	v16 =	vshll.u32 v55, $0x10;
	v0 =	vadd.f32 v5, v0;
	v6 =	vadd.f32 v50, v7  }
0x63: {  	v7 =	vmul.f32 v52, v51;
	v5 =	vmul.f32 v53, v51;
	v51 =	vshll.u32 v44, $0x10  }
0x64: {  	v2 =	vadd.f32 v2, v3;
	v53 =	vmul.f32 v51, v1;
	v1 =	vmul.f32 v11, v1  }
0x65: {  	v11 =	vand.u32 $0xFFFF0000, v17;
	v39 =	vshll.u32 v29, $0x10;
	v51 =	vand.u32 $0xFFFF0000, v40  }
0x66: {  	s2 =	sor.u32 $0xC50, s14;
	v0 =	vadd.f32 v5, v0;
	v3 =	vadd.f32 v57, v6;
	v6 =	vmul.f32 v62, v60  }
0x67: {  	v13 =	vld [tilespmem:s2+$0x5000];
	v4 =	vadd.f32 v7, v4;
	v7 =	vmul.f32 v61, v60;
	v5 =	vand.u32 $0xFFFF0000, v59  }
0x68: {  	v50 =	vld [tilespmem:s0+$0x800];
	v2 =	vadd.f32 v58, v2;
	v5 =	vmul.f32 v5, v19;
	v0 =	vadd.f32 v6, v0  }
0x69: {  	v4 =	vadd.f32 v7, v4;
	v3 =	vadd.f32 v8, v3;
	v6 =	vmul.f32 v25, v24  }
0x6a: {  	v52 =	vld [tilespmem:s0+$0x810];
	v2 =	vadd.f32 v20, v2;
	v7 =	vmul.f32 v26, v24;
	v0 =	vadd.f32 v5, v0  }
0x6b: {  	v19 =	vand.u32 $0xFFFF0000, v55;
	v8 =	vmul.f32 v38, v37;
	v3 =	vadd.f32 v6, v3  }
0x6c: {  	v2 =	vadd.f32 v7, v2;
	v7 =	vmul.f32 v35, v34;
	v0 =	vadd.f32 v32, v0  }
0x6d: {  	v61 =	vld [tilespmem:s0+$0x830];
	v25 =	vshll.u32 v17, $0x10;
	v17 =	vand.u32 $0xFFFF0000, v13;
	v57 =	vshll.u32 v50, $0x10  }
0x6e: {  	v58 =	vand.u32 $0xFFFF0000, v50;
	v3 =	vadd.f32 v7, v3;
	v7 =	vadd.f32 v42, v0;
	v0 =	vld [tilespmem:s28+$0x1010]  }
0x6f: {  	v24 =	vld [tilespmem:s0+$0x850];
	v60 =	vshll.u32 v52, $0x10;
	v62 =	vand.u32 $0xFFFF0000, v52;
	v4 =	vadd.f32 v23, v4  }
0x70: {  	v50 =	vshll.u32 v40, $0x10;
	v5 =	vmul.f32 v36, v34;
	v6 =	vand.u32 $0xFFFF0000, v33  }
0x71: {  	v47 =	vmul.f32 v6, v41;
	v6 =	vmul.f32 v48, v46;
	v4 =	vadd.f32 v31, v4  }
0x72: {  	v21 =	vshll.u32 v61, $0x10;
	v22 =	vand.u32 $0xFFFF0000, v61;
	v2 =	vadd.f32 v5, v2  }
0x73: {  	v4 =	vadd.f32 v8, v4;
	v8 =	vmul.f32 v49, v46;
	v56 =	vbroadcast v0, $0x0  }
0x74: {  	v26 =	vld [tilespmem:s0+$0x860];
	v31 =	vshll.u32 v24, $0x10;
	v59 =	vbroadcast v0, $0x1;
	v63 =	vbroadcast v0, $0x2  }
0x75: {  	v32 =	vand.u32 $0xFFFF0000, v24;
	v20 =	vbroadcast v0, $0x3;
	v23 =	vbroadcast v0, $0x4  }
0x76: {  	v3 =	vadd.f32 v45, v3;
	v30 =	vbroadcast v0, $0x5;
	v33 =	vbroadcast v0, $0x6  }
0x77: {  	v2 =	vadd.f32 v47, v2;
	v37 =	vbroadcast v0, $0x7;
	v42 =	vbroadcast v0, $0x8  }
0x78: {  	s1 =	sor.u32 $0xC00, s14;
	v3 =	vadd.f32 v53, v3;
	v47 =	vbroadcast v0, $0x9;
	v53 =	vbroadcast v0, $0xA  }
0x79: {  	v35 =	vld [tilespmem:s1+$0x5000];
	v34 =	vshll.u32 v26, $0x10;
	v55 =	vbroadcast v0, $0xB;
	v61 =	vbroadcast v0, $0xC  }
0x7a: {  	s30 =	sor.u32 $0xC30, s14;
	v54 =	vadd.f32 v8, v7;
	v14 =	vbroadcast v0, $0xD;
	v5 =	vmul.f32 v57, v56  }
0x7b: {  	v48 =	vld [tilespmem:s30+$0x5000];
	v1 =	vadd.f32 v1, v2;
	v2 =	vmul.f32 v58, v56;
	v8 =	vmul.f32 v60, v59  }
0x7c: {  	v36 =	vand.u32 $0xFFFF0000, v26;
	v15 =	vmul.f32 v62, v59;
	v18 =	vmul.f32 v16, v63  }
0x7d: {  	v4 =	vadd.f32 v6, v4;
	v6 =	vmul.f32 v21, v20;
	v7 =	vmul.f32 v22, v20  }
0x7e: {  	s29 =	sor.u32 $0xC20, s14;
	v44 =	vshll.u32 v35, $0x10;
	v27 =	vmul.f32 v25, v23;
	v28 =	vmul.f32 v11, v23  }
0x7f: {  	v45 =	vld [tilespmem:s29+$0x5000];
	v46 =	vand.u32 $0xFFFF0000, v35;
	v38 =	vmul.f32 v36, v33;
	v41 =	vmul.f32 v39, v37  }
0x80: {  	v49 =	vmul.f32 v46, v42;
	v52 =	vmul.f32 v51, v47;
	v57 =	vshll.u32 v48, $0x10  }
0x81: {  	v59 =	vand.u32 $0xFFFF0000, v48;
	v16 =	vshll.u32 v13, $0x10;
	v58 =	vmul.f32 v57, v55  }
0x82: {  	s31 =	sor.u32 $0xC40, s14;
	v60 =	vmul.f32 v59, v55;
	v4 =	vadd.f32 v5, v4;
	v2 =	vadd.f32 v2, v54  }
0x83: {  	v56 =	vld [tilespmem:s31+$0x5000];
	v3 =	vadd.f32 v8, v3;
	v1 =	vadd.f32 v15, v1;
	v5 =	vmul.f32 v19, v63  }
0x84: {  	s3 =	sor.u32 $0xC60, s14;
	v8 =	vmul.f32 v34, v33;
	v54 =	vshll.u32 v45, $0x10;
	v4 =	vadd.f32 v18, v4  }
0x85: {  	s0 =	sor.u32 $0xC70, s14;
	v62 =	vld [tilespmem:s3+$0x5000];
	v9 =	vmul.f32 v54, v53;
	v2 =	vadd.f32 v5, v2;
	v3 =	vadd.f32 v6, v3  }
0x86: {  	v15 =	vld [tilespmem:s0+$0x5000];
	v1 =	vadd.f32 v7, v1;
	v7 =	vmul.f32 v31, v30;
	v5 =	vmul.f32 v32, v30  }
0x87: {  	v6 =	vand.u32 $0xFFFF0000, v29;
	v18 =	vbroadcast v0, $0xE;
	v0 =	vbroadcast v0, $0xF  }
0x88: {  	v43 =	vmul.f32 v6, v37;
	v6 =	vmul.f32 v44, v42;
	v63 =	vshll.u32 v56, $0x10  }
0x89: {  	v12 =	vand.u32 $0xFFFF0000, v56;
	v4 =	vadd.f32 v27, v4;
	v2 =	vadd.f32 v28, v2  }
0x8a: {  	v19 =	vshll.u32 v62, $0x10;
	v3 =	vadd.f32 v7, v3;
	v1 =	vadd.f32 v5, v1  }
0x8b: {  	v7 =	vmul.f32 v50, v47;
	v5 =	vmul.f32 v17, v14;
	v20 =	vshll.u32 v15, $0x10  }
0x8c: {  	v21 =	vand.u32 $0xFFFF0000, v15;
	v4 =	vadd.f32 v8, v4;
	v2 =	vadd.f32 v38, v2  }
0x8d: {  	v3 =	vadd.f32 v41, v3;
	v1 =	vadd.f32 v43, v1;
	v8 =	vand.u32 $0xFFFF0000, v45  }
0x8e: {  	v4 =	vadd.f32 v6, v4;
	v2 =	vadd.f32 v49, v2;
	v6 =	vmul.f32 v8, v53  }
0x8f: {  	v3 =	vadd.f32 v7, v3;
	v1 =	vadd.f32 v52, v1;
	v7 =	vand.u32 $0xFFFF0000, v62  }
0x90: {  	v8 =	vmul.f32 v63, v61;
	v22 =	vmul.f32 v7, v18;
	v4 =	vadd.f32 v9, v4  }
0x91: {  	v2 =	vadd.f32 v6, v2;
	v3 =	vadd.f32 v58, v3;
	v9 =	vmul.f32 v16, v14  }
0x92: {  	v6 =	vmul.f32 v12, v61;
	v1 =	vadd.f32 v60, v1;
	v4 =	vadd.f32 v8, v4  }
0x93: {  	v3 =	vadd.f32 v9, v3;
	v8 =	vmul.f32 v19, v18;
	v9 =	vmul.f32 v20, v0  }
0x94: {  	v2 =	vadd.f32 v6, v2;
	v1 =	vadd.f32 v5, v1;
	v0 =	vmul.f32 v21, v0  }
0x95: {  	v4 =	vadd.f32 v8, v4;
	v3 =	vadd.f32 v9, v3  }
0x96: {  	v2 =	vadd.f32 v22, v2;
	v0 =	vadd.f32 v0, v1  }
0x97: {  	v23 =	vadd.f32 v3, v4  }
0x98: {  	s4 =	sadd.s32 $0x20, s20;
	s5 =	sadd.s32 s20, s17;
	v0 =	vadd.f32 v0, v2  }
0x99: {  	s6 =	sadd.s32 $0x80, s23;
	s1 =	sand.u32 $0x3B80, s5;
	s0 =	sand.u32 $0x60, s4;
	[tilespmem:s28+$0x1000] =	vst v23  }
0x9a: {  	s8 =	sand.u32 $0x380, s6;
	s7 =	sor.u32 s0, s1;
	[tilespmem:s28+$0x1010] =	vst v0  }
0x9b: {  	s0 =	sor.u32 s8, s26;
	v1 =	vld [tilespmem:s7+$0x1000]  }
0x9c: {  	v0 =	vld [tilespmem:s0+$0x0]  }
0x9d: {  	v25 =	vld [tilespmem:s0+$0x10]  }
0x9e: {  	v27 =	vld [tilespmem:s0+$0x20]  }
0x9f: {  	v28 =	vld [tilespmem:s0+$0x30]  }
0xa0: {  	v33 =	vld [tilespmem:s0+$0x40];
	v24 =	vbroadcast v1, $0x0  }
0xa1: {  	v36 =	vld [tilespmem:s0+$0x50];
	v26 =	vshll.u32 v0, $0x10;
	v0 =	vand.u32 $0xFFFF0000, v0;
	v29 =	vbroadcast v1, $0x1  }
0xa2: {  	v42 =	vld [tilespmem:s0+$0x60];
	v30 =	vshll.u32 v25, $0x10;
	v3 =	vand.u32 $0xFFFF0000, v25;
	v31 =	vbroadcast v1, $0x2  }
0xa3: {  	v44 =	vld [tilespmem:s0+$0x70];
	v32 =	vshll.u32 v27, $0x10;
	v5 =	vand.u32 $0xFFFF0000, v27;
	v34 =	vbroadcast v1, $0x3  }
0xa4: {  	v35 =	vshll.u32 v28, $0x10;
	v2 =	vand.u32 $0xFFFF0000, v28;
	v38 =	vbroadcast v1, $0x4  }
0xa5: {  	v47 =	vld [tilespmem:s0+$0x400];
	v39 =	vshll.u32 v33, $0x10;
	v40 =	vand.u32 $0xFFFF0000, v33;
	v41 =	vbroadcast v1, $0x5  }
0xa6: {  	v53 =	vld [tilespmem:s0+$0x410];
	v43 =	vshll.u32 v36, $0x10;
	v11 =	vand.u32 $0xFFFF0000, v36;
	v48 =	vbroadcast v1, $0x6  }
0xa7: {  	v49 =	vshll.u32 v42, $0x10;
	v50 =	vand.u32 $0xFFFF0000, v42;
	v51 =	vbroadcast v1, $0x7  }
0xa8: {  	v58 =	vld [tilespmem:s0+$0x420];
	v52 =	vshll.u32 v44, $0x10;
	v55 =	vbroadcast v1, $0x8;
	v60 =	vbroadcast v1, $0x9  }
0xa9: {  	v16 =	vld [tilespmem:s0+$0x430];
	v54 =	vand.u32 $0xFFFF0000, v44;
	v63 =	vbroadcast v1, $0xA;
	v22 =	vbroadcast v1, $0xB  }
0xaa: {  	v18 =	vld [tilespmem:s0+$0x440];
	v57 =	vshll.u32 v47, $0x10;
	v25 =	vbroadcast v1, $0xC;
	v4 =	vmul.f32 v26, v24  }
0xab: {  	v61 =	vshll.u32 v53, $0x10;
	v0 =	vmul.f32 v0, v24;
	v7 =	vmul.f32 v30, v29  }
0xac: {  	v62 =	vand.u32 $0xFFFF0000, v53;
	v3 =	vmul.f32 v3, v29;
	v6 =	vmul.f32 v32, v31  }
0xad: {  	v21 =	vld [tilespmem:s0+$0x450];
	v17 =	vshll.u32 v58, $0x10;
	v5 =	vmul.f32 v5, v31;
	v37 =	vmul.f32 v35, v34  }
0xae: {  	v23 =	vshll.u32 v16, $0x10;
	v2 =	vmul.f32 v2, v34;
	v45 =	vmul.f32 v43, v41  }
0xaf: {  	v28 =	vand.u32 $0xFFFF0000, v18;
	v46 =	vmul.f32 v11, v41;
	v8 =	vmul.f32 v52, v51  }
0xb0: {  	v56 =	vmul.f32 v54, v51;
	v59 =	vmul.f32 v57, v55;
	v11 =	vand.u32 $0xFFFF0000, v58  }
0xb1: {  	v27 =	vld [tilespmem:s0+$0x460];
	v19 =	vmul.f32 v17, v63;
	v24 =	vand.u32 $0xFFFF0000, v16;
	v26 =	vshll.u32 v18, $0x10  }
0xb2: {  	v29 =	vbroadcast v1, $0xD;
	v30 =	vmul.f32 v28, v25;
	v31 =	vshll.u32 v21, $0x10  }
0xb3: {  	s12 =	sand.u32 $0x7, s22;
	v32 =	vld [tilespmem:s0+$0x470];
	v34 =	vbroadcast v1, $0xE;
	v1 =	vbroadcast v1, $0xF;
	v4 =	vadd.f32 $0.0e+00, v4  }
0xb4: {  	s1 =	sshll.u32 s12, $0x7;
	v43 =	vld [tilespmem:s0+$0x820];
	v20 =	vmul.f32 v11, v63;
	v0 =	vadd.f32 $0.0e+00, v0;
	v7 =	vadd.f32 $0.0e+00, v7  }
0xb5: {  	s1 =	sadd.s32 s24, s1;
	v17 =	vld [tilespmem:s0+$0x870];
	v3 =	vadd.f32 $0.0e+00, v3;
	v33 =	vmul.f32 v31, v29;
	v4 =	vadd.f32 v6, v4  }
0xb6: {  	s13 =	sadd.s32 $0x80, s1;
	v36 =	vshll.u32 v27, $0x10;
	v0 =	vadd.f32 v5, v0;
	v6 =	vadd.f32 v37, v7  }
0xb7: {  	s14 =	sor.u32 $0xC10, s13;
	v54 =	vld [tilespmem:s0+$0x840];
	v7 =	vmul.f32 v39, v38;
	v5 =	vmul.f32 v40, v38;
	v2 =	vadd.f32 v2, v3  }
0xb8: {  	v28 =	vld [tilespmem:s14+$0x5000];
	v37 =	vand.u32 $0xFFFF0000, v27;
	v39 =	vshll.u32 v32, $0x10;
	v11 =	vand.u32 $0xFFFF0000, v32  }
0xb9: {  	v53 =	vshll.u32 v43, $0x10;
	v4 =	vadd.f32 v7, v4;
	v0 =	vadd.f32 v5, v0  }
0xba: {  	v27 =	vshll.u32 v17, $0x10;
	v3 =	vadd.f32 v45, v6;
	v2 =	vadd.f32 v46, v2  }
0xbb: {  	v7 =	vmul.f32 v49, v48;
	v6 =	vmul.f32 v50, v48;
	v5 =	vand.u32 $0xFFFF0000, v47  }
0xbc: {  	v41 =	vmul.f32 v39, v1;
	v1 =	vmul.f32 v11, v1;
	v11 =	vand.u32 $0xFFFF0000, v54  }
0xbd: {  	v38 =	vld [tilespmem:s0+$0x800];
	v39 =	vand.u32 $0xFFFF0000, v28;
	v5 =	vmul.f32 v5, v55;
	v0 =	vadd.f32 v6, v0  }
0xbe: {  	v4 =	vadd.f32 v7, v4;
	v3 =	vadd.f32 v8, v3;
	v6 =	vmul.f32 v61, v60  }
0xbf: {  	v40 =	vld [tilespmem:s0+$0x810];
	v2 =	vadd.f32 v56, v2;
	v7 =	vmul.f32 v62, v60;
	v0 =	vadd.f32 v5, v0  }
0xc0: {  	v8 =	vmul.f32 v26, v25;
	v56 =	vand.u32 $0xFFFF0000, v43;
	v3 =	vadd.f32 v6, v3  }
0xc1: {  	v63 =	vld [tilespmem:s0+$0x860];
	v2 =	vadd.f32 v7, v2;
	v7 =	vmul.f32 v23, v22;
	v0 =	vadd.f32 v20, v0  }
0xc2: {  	v49 =	vld [tilespmem:s0+$0x830];
	v62 =	vshll.u32 v54, $0x10;
	v45 =	vshll.u32 v38, $0x10;
	v4 =	vadd.f32 v59, v4  }
0xc3: {  	v46 =	vand.u32 $0xFFFF0000, v38;
	v3 =	vadd.f32 v7, v3;
	v7 =	vadd.f32 v30, v0;
	v0 =	vld [tilespmem:s7+$0x1010]  }
0xc4: {  	v48 =	vshll.u32 v40, $0x10;
	v50 =	vand.u32 $0xFFFF0000, v40;
	v38 =	vshll.u32 v28, $0x10  }
0xc5: {  	v5 =	vmul.f32 v24, v22;
	v6 =	vand.u32 $0xFFFF0000, v21;
	v4 =	vadd.f32 v19, v4  }
0xc6: {  	v22 =	vshll.u32 v63, $0x10;
	v24 =	vand.u32 $0xFFFF0000, v63;
	v35 =	vmul.f32 v6, v29  }
0xc7: {  	v6 =	vmul.f32 v36, v34;
	v4 =	vadd.f32 v8, v4;
	v8 =	vmul.f32 v37, v34  }
0xc8: {  	v58 =	vshll.u32 v49, $0x10;
	v44 =	vbroadcast v0, $0x0;
	v47 =	vbroadcast v0, $0x1  }
0xc9: {  	v59 =	vand.u32 $0xFFFF0000, v49;
	v51 =	vbroadcast v0, $0x2;
	v57 =	vbroadcast v0, $0x3  }
0xca: {  	v2 =	vadd.f32 v5, v2;
	v60 =	vbroadcast v0, $0x4;
	v18 =	vbroadcast v0, $0x5  }
0xcb: {  	v61 =	vld [tilespmem:s0+$0x850];
	v3 =	vadd.f32 v33, v3;
	v21 =	vbroadcast v0, $0x6;
	v25 =	vbroadcast v0, $0x7  }
0xcc: {  	v2 =	vadd.f32 v35, v2;
	v30 =	vbroadcast v0, $0x8;
	v35 =	vbroadcast v0, $0x9  }
0xcd: {  	s1 =	sor.u32 $0xC00, s13;
	v3 =	vadd.f32 v41, v3;
	v41 =	vbroadcast v0, $0xA;
	v43 =	vbroadcast v0, $0xB  }
0xce: {  	v23 =	vld [tilespmem:s1+$0x5000];
	v42 =	vadd.f32 v8, v7;
	v54 =	vbroadcast v0, $0xD;
	v5 =	vmul.f32 v45, v44  }
0xcf: {  	s26 =	sor.u32 $0xC30, s13;
	v1 =	vadd.f32 v1, v2;
	v2 =	vmul.f32 v46, v44;
	v8 =	vmul.f32 v48, v47  }
0xd0: {  	v36 =	vld [tilespmem:s26+$0x5000];
	v19 =	vshll.u32 v61, $0x10;
	v52 =	vmul.f32 v50, v47;
	v55 =	vmul.f32 v53, v51  }
0xd1: {  	v4 =	vadd.f32 v6, v4;
	v6 =	vmul.f32 v58, v57;
	v7 =	vmul.f32 v59, v57  }
0xd2: {  	v20 =	vand.u32 $0xFFFF0000, v61;
	v15 =	vmul.f32 v62, v60;
	v16 =	vmul.f32 v11, v60  }
0xd3: {  	s15 =	sor.u32 $0xC20, s13;
	v34 =	vand.u32 $0xFFFF0000, v23;
	v26 =	vmul.f32 v24, v21;
	v29 =	vmul.f32 v27, v25  }
0xd4: {  	v33 =	vld [tilespmem:s15+$0x5000];
	v32 =	vshll.u32 v23, $0x10;
	v37 =	vmul.f32 v34, v30;
	v40 =	vmul.f32 v39, v35  }
0xd5: {  	v45 =	vshll.u32 v36, $0x10;
	v50 =	vbroadcast v0, $0xC;
	v58 =	vbroadcast v0, $0xE  }
0xd6: {  	s29 =	sor.u32 $0xC40, s13;
	v48 =	vand.u32 $0xFFFF0000, v36;
	v0 =	vbroadcast v0, $0xF;
	v47 =	vmul.f32 v45, v43  }
0xd7: {  	s30 =	sor.u32 $0xC50, s13;
	v44 =	vld [tilespmem:s29+$0x5000];
	v4 =	vadd.f32 v5, v4;
	v2 =	vadd.f32 v2, v42;
	v5 =	vmul.f32 v56, v51  }
0xd8: {  	v46 =	vld [tilespmem:s30+$0x5000];
	v49 =	vmul.f32 v48, v43;
	v3 =	vadd.f32 v8, v3;
	v1 =	vadd.f32 v52, v1  }
0xd9: {  	v8 =	vmul.f32 v22, v21;
	v42 =	vshll.u32 v33, $0x10;
	v2 =	vadd.f32 v5, v2  }
0xda: {  	v9 =	vmul.f32 v42, v41;
	v3 =	vadd.f32 v6, v3;
	v1 =	vadd.f32 v7, v1  }
0xdb: {  	s31 =	sor.u32 $0xC60, s13;
	v7 =	vmul.f32 v19, v18;
	v5 =	vmul.f32 v20, v18;
	v6 =	vand.u32 $0xFFFF0000, v17  }
0xdc: {  	s0 =	sor.u32 $0xC70, s13;
	v51 =	vld [tilespmem:s31+$0x5000];
	v4 =	vadd.f32 v55, v4;
	v31 =	vmul.f32 v6, v25;
	v6 =	vmul.f32 v32, v30  }
0xdd: {  	v55 =	vld [tilespmem:s0+$0x5000];
	v52 =	vshll.u32 v44, $0x10;
	v53 =	vand.u32 $0xFFFF0000, v44;
	v56 =	vshll.u32 v46, $0x10  }
0xde: {  	v57 =	vand.u32 $0xFFFF0000, v46;
	v4 =	vadd.f32 v15, v4;
	v2 =	vadd.f32 v16, v2  }
0xdf: {  	v3 =	vadd.f32 v7, v3;
	v1 =	vadd.f32 v5, v1;
	v7 =	vmul.f32 v38, v35  }
0xe0: {  	v5 =	vmul.f32 v57, v54;
	v4 =	vadd.f32 v8, v4;
	v2 =	vadd.f32 v26, v2  }
0xe1: {  	v59 =	vshll.u32 v51, $0x10;
	v3 =	vadd.f32 v29, v3;
	v1 =	vadd.f32 v31, v1  }
0xe2: {  	v8 =	vand.u32 $0xFFFF0000, v33;
	v60 =	vshll.u32 v55, $0x10;
	v61 =	vand.u32 $0xFFFF0000, v55  }
0xe3: {  	v4 =	vadd.f32 v6, v4;
	v2 =	vadd.f32 v37, v2;
	v6 =	vmul.f32 v8, v41  }
0xe4: {  	v3 =	vadd.f32 v7, v3;
	v1 =	vadd.f32 v40, v1;
	v7 =	vand.u32 $0xFFFF0000, v51  }
0xe5: {  	v8 =	vmul.f32 v52, v50;
	v62 =	vmul.f32 v7, v58;
	v4 =	vadd.f32 v9, v4  }
0xe6: {  	v2 =	vadd.f32 v6, v2;
	v3 =	vadd.f32 v47, v3;
	v9 =	vmul.f32 v56, v54  }
0xe7: {  	v6 =	vmul.f32 v53, v50;
	v1 =	vadd.f32 v49, v1;
	v4 =	vadd.f32 v8, v4  }
0xe8: {  	v3 =	vadd.f32 v9, v3;
	v8 =	vmul.f32 v59, v58;
	v9 =	vmul.f32 v60, v0  }
0xe9: {  	v2 =	vadd.f32 v6, v2;
	v1 =	vadd.f32 v5, v1;
	v0 =	vmul.f32 v61, v0  }
0xea: {  	p0 =	sne.s32 s24, $0x3C00;
	v4 =	vadd.f32 v8, v4;
	v3 =	vadd.f32 v9, v3  }
.Ltmp3:
0xeb: {  	v2 =	vadd.f32 v62, v2;
	v0 =	vadd.f32 v0, v1;
	(pc) =	sbr.rel @p0 .LBB2_7-.Ltmp3, $4  }
0xec: {  	v63 =	vadd.f32 v3, v4  }
0xed: {  	s25 =	sadd.s32 $0x1, s25;
	v0 =	vadd.f32 v0, v2  }
0xee: {  	s23 =	sadd.s32 $0x100, s23;
	s21 =	sadd.s32 $0x1, s21;
	s20 =	sadd.s32 $0x40, s20;
	[tilespmem:s7+$0x1000] =	vst v63  }
0xef: {  	s19 =	sadd.s32 $0x2, s19;
	s22 =	sadd.s32 $0x2, s22;
	s24 =	sadd.s32 $0x400, s24;
	[tilespmem:s7+$0x1010] =	vst v0  }
0xf0: {  	s19 =	simm.s32 $0x0;
	s20 =	simm.s32 $0x0  }
0xf1: {  	s21 =	simm.s32 $0x0;
	s22 =	simm.s32 $0x0;
	s23 =	simm.s32 $0x0  }
.LBB2_9:
0xf2: {  	s0 =	sadd.s32 s19, s17;
	s28 =	sand.u32 $0x3000, s23  }
0xf3: {  	s29 =	sand.u32 $0x300, s22;
	s0 =	sand.u32 $0x3B80, s0;
	s25 =	sadd.s32 $0x9000, s28  }
0xf4: {  	s24 =	sadd.s32 $0x1400, s0;
	s0 =	sor.u32 s29, s25  }
0xf5: {  	v0 =	vld [tilespmem:s0+$0x0]  }
0xf6: {  	v3 =	vld [tilespmem:s0+$0x10]  }
0xf7: {  	v5 =	vld [tilespmem:s0+$0x20]  }
0xf8: {  	v47 =	vld [tilespmem:s0+$0x30]  }
0xf9: {  	v9 =	vld [tilespmem:s0+$0x40]  }
0xfa: {  	s1 =	sand.u32 $0x40, s19;
	v11 =	vld [tilespmem:s0+$0x50]  }
0xfb: {  	s26 =	sor.u32 s1, s24;
	v55 =	vld [tilespmem:s0+$0x60]  }
0xfc: {  	v1 =	vld [tilespmem:s26+$0x0]  }
0xfd: {  	v4 =	vshll.u32 v0, $0x10  }
0xfe: {  	v12 =	vld [tilespmem:s0+$0x70];
	v0 =	vand.u32 $0xFFFF0000, v0;
	v7 =	vshll.u32 v3, $0x10;
	v3 =	vand.u32 $0xFFFF0000, v3  }
0xff: {  	v48 =	vshll.u32 v5, $0x10;
	v5 =	vand.u32 $0xFFFF0000, v5;
	v49 =	vshll.u32 v47, $0x10  }
0x100: {  	v59 =	vld [tilespmem:s0+$0x400];
	v52 =	vshll.u32 v9, $0x10;
	v53 =	vand.u32 $0xFFFF0000, v9;
	v56 =	vshll.u32 v11, $0x10  }
0x101: {  	v17 =	vld [tilespmem:s0+$0x410];
	v11 =	vand.u32 $0xFFFF0000, v11;
	v61 =	vshll.u32 v55, $0x10;
	v2 =	vbroadcast v1, $0x0  }
0x102: {  	v62 =	vand.u32 $0xFFFF0000, v55;
	v6 =	vbroadcast v1, $0x1;
	v8 =	vbroadcast v1, $0x2  }
0x103: {  	v22 =	vld [tilespmem:s0+$0x420];
	v16 =	vshll.u32 v12, $0x10;
	v10 =	vbroadcast v1, $0x3;
	v51 =	vbroadcast v1, $0x4  }
0x104: {  	v28 =	vld [tilespmem:s0+$0x430];
	v18 =	vand.u32 $0xFFFF0000, v12;
	v54 =	vbroadcast v1, $0x5;
	v60 =	vbroadcast v1, $0x6  }
0x105: {  	v21 =	vshll.u32 v59, $0x10;
	v63 =	vbroadcast v1, $0x7;
	v19 =	vbroadcast v1, $0x8  }
0x106: {  	v30 =	vld [tilespmem:s0+$0x440];
	v25 =	vshll.u32 v17, $0x10;
	v24 =	vbroadcast v1, $0x9;
	v27 =	vbroadcast v1, $0xA  }
0x107: {  	v26 =	vand.u32 $0xFFFF0000, v17;
	v34 =	vbroadcast v1, $0xB;
	v37 =	vbroadcast v1, $0xC  }
0x108: {  	v33 =	vld [tilespmem:s0+$0x450];
	v29 =	vshll.u32 v22, $0x10;
	v41 =	vbroadcast v1, $0xD;
	v46 =	vbroadcast v1, $0xE  }
0x109: {  	v35 =	vshll.u32 v28, $0x10;
	v1 =	vbroadcast v1, $0xF;
	v4 =	vmul.f32 v4, v2  }
0x10a: {  	v36 =	vand.u32 $0xFFFF0000, v28;
	v0 =	vmul.f32 v0, v2;
	v7 =	vmul.f32 v7, v6  }
0x10b: {  	v39 =	vld [tilespmem:s0+$0x460];
	v38 =	vshll.u32 v30, $0x10;
	v3 =	vmul.f32 v3, v6;
	v6 =	vmul.f32 v48, v8  }
0x10c: {  	v40 =	vand.u32 $0xFFFF0000, v30;
	v5 =	vmul.f32 v5, v8;
	v50 =	vmul.f32 v49, v10  }
0x10d: {  	v43 =	vshll.u32 v33, $0x10;
	v57 =	vmul.f32 v56, v54;
	v58 =	vmul.f32 v11, v54  }
0x10e: {  	s30 =	sand.u32 $0x3, s20;
	v44 =	vld [tilespmem:s0+$0x470];
	v2 =	vand.u32 $0xFFFF0000, v47;
	v8 =	vmul.f32 v16, v63;
	v20 =	vmul.f32 v18, v63  }
0x10f: {  	s1 =	sshll.u32 s30, $0x8;
	v55 =	vld [tilespmem:s0+$0x820];
	v23 =	vmul.f32 v21, v19;
	v11 =	vand.u32 $0xFFFF0000, v22;
	v31 =	vmul.f32 v29, v27  }
0x110: {  	s31 =	sadd.s32 s1, s23;
	v17 =	vld [tilespmem:s0+$0x840];
	v42 =	vmul.f32 v40, v37;
	v45 =	vmul.f32 v43, v41;
	v48 =	vshll.u32 v39, $0x10  }
0x111: {  	s2 =	sor.u32 $0xC10, s31;
	v49 =	vand.u32 $0xFFFF0000, v39;
	v29 =	vld [tilespmem:s0+$0x870];
	v2 =	vmul.f32 v2, v10;
	v4 =	vadd.f32 $0.0e+00, v4  }
0x112: {  	v40 =	vld [tilespmem:s2+$0x9000];
	v32 =	vmul.f32 v11, v27;
	v0 =	vadd.f32 $0.0e+00, v0;
	v7 =	vadd.f32 $0.0e+00, v7  }
0x113: {  	v11 =	vand.u32 $0xFFFF0000, v44;
	v3 =	vadd.f32 $0.0e+00, v3;
	v4 =	vadd.f32 v6, v4  }
0x114: {  	v16 =	vshll.u32 v55, $0x10;
	v0 =	vadd.f32 v5, v0;
	v6 =	vadd.f32 v50, v7  }
0x115: {  	v7 =	vmul.f32 v52, v51;
	v5 =	vmul.f32 v53, v51;
	v51 =	vshll.u32 v44, $0x10  }
0x116: {  	v2 =	vadd.f32 v2, v3;
	v53 =	vmul.f32 v51, v1;
	v1 =	vmul.f32 v11, v1  }
0x117: {  	v11 =	vand.u32 $0xFFFF0000, v17;
	v39 =	vshll.u32 v29, $0x10;
	v51 =	vand.u32 $0xFFFF0000, v40  }
0x118: {  	s6 =	sor.u32 $0xC50, s31;
	v0 =	vadd.f32 v5, v0;
	v3 =	vadd.f32 v57, v6;
	v6 =	vmul.f32 v62, v60  }
0x119: {  	v13 =	vld [tilespmem:s6+$0x9000];
	v4 =	vadd.f32 v7, v4;
	v7 =	vmul.f32 v61, v60;
	v5 =	vand.u32 $0xFFFF0000, v59  }
0x11a: {  	v50 =	vld [tilespmem:s0+$0x800];
	v2 =	vadd.f32 v58, v2;
	v5 =	vmul.f32 v5, v19;
	v0 =	vadd.f32 v6, v0  }
0x11b: {  	v4 =	vadd.f32 v7, v4;
	v3 =	vadd.f32 v8, v3;
	v6 =	vmul.f32 v25, v24  }
0x11c: {  	v52 =	vld [tilespmem:s0+$0x810];
	v2 =	vadd.f32 v20, v2;
	v7 =	vmul.f32 v26, v24;
	v0 =	vadd.f32 v5, v0  }
0x11d: {  	v19 =	vand.u32 $0xFFFF0000, v55;
	v8 =	vmul.f32 v38, v37;
	v3 =	vadd.f32 v6, v3  }
0x11e: {  	v2 =	vadd.f32 v7, v2;
	v7 =	vmul.f32 v35, v34;
	v0 =	vadd.f32 v32, v0  }
0x11f: {  	v61 =	vld [tilespmem:s0+$0x830];
	v25 =	vshll.u32 v17, $0x10;
	v17 =	vand.u32 $0xFFFF0000, v13;
	v57 =	vshll.u32 v50, $0x10  }
0x120: {  	v58 =	vand.u32 $0xFFFF0000, v50;
	v3 =	vadd.f32 v7, v3;
	v7 =	vadd.f32 v42, v0;
	v0 =	vld [tilespmem:s26+$0x10]  }
0x121: {  	v24 =	vld [tilespmem:s0+$0x850];
	v60 =	vshll.u32 v52, $0x10;
	v62 =	vand.u32 $0xFFFF0000, v52;
	v4 =	vadd.f32 v23, v4  }
0x122: {  	v50 =	vshll.u32 v40, $0x10;
	v5 =	vmul.f32 v36, v34;
	v6 =	vand.u32 $0xFFFF0000, v33  }
0x123: {  	v47 =	vmul.f32 v6, v41;
	v6 =	vmul.f32 v48, v46;
	v4 =	vadd.f32 v31, v4  }
0x124: {  	v21 =	vshll.u32 v61, $0x10;
	v22 =	vand.u32 $0xFFFF0000, v61;
	v2 =	vadd.f32 v5, v2  }
0x125: {  	v4 =	vadd.f32 v8, v4;
	v8 =	vmul.f32 v49, v46;
	v56 =	vbroadcast v0, $0x0  }
0x126: {  	v26 =	vld [tilespmem:s0+$0x860];
	v31 =	vshll.u32 v24, $0x10;
	v59 =	vbroadcast v0, $0x1;
	v63 =	vbroadcast v0, $0x2  }
0x127: {  	v32 =	vand.u32 $0xFFFF0000, v24;
	v20 =	vbroadcast v0, $0x3;
	v23 =	vbroadcast v0, $0x4  }
0x128: {  	v3 =	vadd.f32 v45, v3;
	v30 =	vbroadcast v0, $0x5;
	v33 =	vbroadcast v0, $0x6  }
0x129: {  	v2 =	vadd.f32 v47, v2;
	v37 =	vbroadcast v0, $0x7;
	v42 =	vbroadcast v0, $0x8  }
0x12a: {  	s1 =	sor.u32 $0xC00, s31;
	v3 =	vadd.f32 v53, v3;
	v47 =	vbroadcast v0, $0x9;
	v53 =	vbroadcast v0, $0xA  }
0x12b: {  	v35 =	vld [tilespmem:s1+$0x9000];
	v34 =	vshll.u32 v26, $0x10;
	v55 =	vbroadcast v0, $0xB;
	v61 =	vbroadcast v0, $0xC  }
0x12c: {  	s4 =	sor.u32 $0xC30, s31;
	v54 =	vadd.f32 v8, v7;
	v14 =	vbroadcast v0, $0xD;
	v5 =	vmul.f32 v57, v56  }
0x12d: {  	v48 =	vld [tilespmem:s4+$0x9000];
	v1 =	vadd.f32 v1, v2;
	v2 =	vmul.f32 v58, v56;
	v8 =	vmul.f32 v60, v59  }
0x12e: {  	v36 =	vand.u32 $0xFFFF0000, v26;
	v15 =	vmul.f32 v62, v59;
	v18 =	vmul.f32 v16, v63  }
0x12f: {  	v4 =	vadd.f32 v6, v4;
	v6 =	vmul.f32 v21, v20;
	v7 =	vmul.f32 v22, v20  }
0x130: {  	s3 =	sor.u32 $0xC20, s31;
	v44 =	vshll.u32 v35, $0x10;
	v27 =	vmul.f32 v25, v23;
	v28 =	vmul.f32 v11, v23  }
0x131: {  	v45 =	vld [tilespmem:s3+$0x9000];
	v46 =	vand.u32 $0xFFFF0000, v35;
	v38 =	vmul.f32 v36, v33;
	v41 =	vmul.f32 v39, v37  }
0x132: {  	v49 =	vmul.f32 v46, v42;
	v52 =	vmul.f32 v51, v47;
	v57 =	vshll.u32 v48, $0x10  }
0x133: {  	v59 =	vand.u32 $0xFFFF0000, v48;
	v16 =	vshll.u32 v13, $0x10;
	v58 =	vmul.f32 v57, v55  }
0x134: {  	s5 =	sor.u32 $0xC40, s31;
	v60 =	vmul.f32 v59, v55;
	v4 =	vadd.f32 v5, v4;
	v2 =	vadd.f32 v2, v54  }
0x135: {  	v56 =	vld [tilespmem:s5+$0x9000];
	v3 =	vadd.f32 v8, v3;
	v1 =	vadd.f32 v15, v1;
	v5 =	vmul.f32 v19, v63  }
0x136: {  	s7 =	sor.u32 $0xC60, s31;
	v8 =	vmul.f32 v34, v33;
	v54 =	vshll.u32 v45, $0x10;
	v4 =	vadd.f32 v18, v4  }
0x137: {  	s0 =	sor.u32 $0xC70, s31;
	v62 =	vld [tilespmem:s7+$0x9000];
	v9 =	vmul.f32 v54, v53;
	v2 =	vadd.f32 v5, v2;
	v3 =	vadd.f32 v6, v3  }
0x138: {  	v15 =	vld [tilespmem:s0+$0x9000];
	v1 =	vadd.f32 v7, v1;
	v7 =	vmul.f32 v31, v30;
	v5 =	vmul.f32 v32, v30  }
0x139: {  	v6 =	vand.u32 $0xFFFF0000, v29;
	v18 =	vbroadcast v0, $0xE;
	v0 =	vbroadcast v0, $0xF  }
0x13a: {  	v43 =	vmul.f32 v6, v37;
	v6 =	vmul.f32 v44, v42;
	v63 =	vshll.u32 v56, $0x10  }
0x13b: {  	v12 =	vand.u32 $0xFFFF0000, v56;
	v4 =	vadd.f32 v27, v4;
	v2 =	vadd.f32 v28, v2  }
0x13c: {  	v19 =	vshll.u32 v62, $0x10;
	v3 =	vadd.f32 v7, v3;
	v1 =	vadd.f32 v5, v1  }
0x13d: {  	v7 =	vmul.f32 v50, v47;
	v5 =	vmul.f32 v17, v14;
	v20 =	vshll.u32 v15, $0x10  }
0x13e: {  	v21 =	vand.u32 $0xFFFF0000, v15;
	v4 =	vadd.f32 v8, v4;
	v2 =	vadd.f32 v38, v2  }
0x13f: {  	v3 =	vadd.f32 v41, v3;
	v1 =	vadd.f32 v43, v1;
	v8 =	vand.u32 $0xFFFF0000, v45  }
0x140: {  	v4 =	vadd.f32 v6, v4;
	v2 =	vadd.f32 v49, v2;
	v6 =	vmul.f32 v8, v53  }
0x141: {  	v3 =	vadd.f32 v7, v3;
	v1 =	vadd.f32 v52, v1;
	v7 =	vand.u32 $0xFFFF0000, v62  }
0x142: {  	v8 =	vmul.f32 v63, v61;
	v22 =	vmul.f32 v7, v18;
	v4 =	vadd.f32 v9, v4  }
0x143: {  	v2 =	vadd.f32 v6, v2;
	v3 =	vadd.f32 v58, v3;
	v9 =	vmul.f32 v16, v14  }
0x144: {  	v6 =	vmul.f32 v12, v61;
	v1 =	vadd.f32 v60, v1;
	v4 =	vadd.f32 v8, v4  }
0x145: {  	v3 =	vadd.f32 v9, v3;
	v8 =	vmul.f32 v19, v18;
	v9 =	vmul.f32 v20, v0  }
0x146: {  	v2 =	vadd.f32 v6, v2;
	v1 =	vadd.f32 v5, v1;
	v0 =	vmul.f32 v21, v0  }
0x147: {  	v4 =	vadd.f32 v8, v4;
	v3 =	vadd.f32 v9, v3  }
0x148: {  	v2 =	vadd.f32 v22, v2;
	v0 =	vadd.f32 v0, v1  }
0x149: {  	v23 =	vadd.f32 v3, v4  }
0x14a: {  	s8 =	sadd.s32 $0x20, s19;
	v0 =	vadd.f32 v0, v2  }
0x14b: {  	s12 =	sadd.s32 $0x80, s22;
	s0 =	sand.u32 $0x60, s8;
	[tilespmem:s26+$0x0] =	vst v23  }
0x14c: {  	s13 =	sand.u32 $0x380, s12;
	s24 =	sor.u32 s0, s24;
	[tilespmem:s26+$0x10] =	vst v0  }
0x14d: {  	s0 =	sor.u32 s13, s25;
	v1 =	vld [tilespmem:s24+$0x0]  }
0x14e: {  	v0 =	vld [tilespmem:s0+$0x0]  }
0x14f: {  	v25 =	vld [tilespmem:s0+$0x10]  }
0x150: {  	v27 =	vld [tilespmem:s0+$0x20]  }
0x151: {  	v28 =	vld [tilespmem:s0+$0x30]  }
0x152: {  	v33 =	vld [tilespmem:s0+$0x40];
	v24 =	vbroadcast v1, $0x0  }
0x153: {  	v36 =	vld [tilespmem:s0+$0x50];
	v26 =	vshll.u32 v0, $0x10;
	v0 =	vand.u32 $0xFFFF0000, v0;
	v29 =	vbroadcast v1, $0x1  }
0x154: {  	v42 =	vld [tilespmem:s0+$0x60];
	v30 =	vshll.u32 v25, $0x10;
	v3 =	vand.u32 $0xFFFF0000, v25;
	v31 =	vbroadcast v1, $0x2  }
0x155: {  	v44 =	vld [tilespmem:s0+$0x70];
	v32 =	vshll.u32 v27, $0x10;
	v5 =	vand.u32 $0xFFFF0000, v27;
	v34 =	vbroadcast v1, $0x3  }
0x156: {  	v35 =	vshll.u32 v28, $0x10;
	v2 =	vand.u32 $0xFFFF0000, v28;
	v38 =	vbroadcast v1, $0x4  }
0x157: {  	v47 =	vld [tilespmem:s0+$0x400];
	v39 =	vshll.u32 v33, $0x10;
	v40 =	vand.u32 $0xFFFF0000, v33;
	v41 =	vbroadcast v1, $0x5  }
0x158: {  	v53 =	vld [tilespmem:s0+$0x410];
	v43 =	vshll.u32 v36, $0x10;
	v11 =	vand.u32 $0xFFFF0000, v36;
	v48 =	vbroadcast v1, $0x6  }
0x159: {  	v49 =	vshll.u32 v42, $0x10;
	v50 =	vand.u32 $0xFFFF0000, v42;
	v51 =	vbroadcast v1, $0x7  }
0x15a: {  	v58 =	vld [tilespmem:s0+$0x420];
	v52 =	vshll.u32 v44, $0x10;
	v55 =	vbroadcast v1, $0x8;
	v60 =	vbroadcast v1, $0x9  }
0x15b: {  	v16 =	vld [tilespmem:s0+$0x430];
	v54 =	vand.u32 $0xFFFF0000, v44;
	v63 =	vbroadcast v1, $0xA;
	v22 =	vbroadcast v1, $0xB  }
0x15c: {  	v18 =	vld [tilespmem:s0+$0x440];
	v57 =	vshll.u32 v47, $0x10;
	v25 =	vbroadcast v1, $0xC;
	v4 =	vmul.f32 v26, v24  }
0x15d: {  	v61 =	vshll.u32 v53, $0x10;
	v0 =	vmul.f32 v0, v24;
	v7 =	vmul.f32 v30, v29  }
0x15e: {  	v62 =	vand.u32 $0xFFFF0000, v53;
	v3 =	vmul.f32 v3, v29;
	v6 =	vmul.f32 v32, v31  }
0x15f: {  	v21 =	vld [tilespmem:s0+$0x450];
	v17 =	vshll.u32 v58, $0x10;
	v5 =	vmul.f32 v5, v31;
	v37 =	vmul.f32 v35, v34  }
0x160: {  	v23 =	vshll.u32 v16, $0x10;
	v2 =	vmul.f32 v2, v34;
	v45 =	vmul.f32 v43, v41  }
0x161: {  	v28 =	vand.u32 $0xFFFF0000, v18;
	v46 =	vmul.f32 v11, v41;
	v8 =	vmul.f32 v52, v51  }
0x162: {  	v56 =	vmul.f32 v54, v51;
	v59 =	vmul.f32 v57, v55;
	v11 =	vand.u32 $0xFFFF0000, v58  }
0x163: {  	v27 =	vld [tilespmem:s0+$0x460];
	v19 =	vmul.f32 v17, v63;
	v24 =	vand.u32 $0xFFFF0000, v16;
	v26 =	vshll.u32 v18, $0x10  }
0x164: {  	v29 =	vbroadcast v1, $0xD;
	v30 =	vmul.f32 v28, v25;
	v31 =	vshll.u32 v21, $0x10  }
0x165: {  	s14 =	sand.u32 $0x7, s21;
	v32 =	vld [tilespmem:s0+$0x470];
	v34 =	vbroadcast v1, $0xE;
	v1 =	vbroadcast v1, $0xF;
	v4 =	vadd.f32 $0.0e+00, v4  }
0x166: {  	s1 =	sshll.u32 s14, $0x7;
	v43 =	vld [tilespmem:s0+$0x820];
	v20 =	vmul.f32 v11, v63;
	v0 =	vadd.f32 $0.0e+00, v0;
	v7 =	vadd.f32 $0.0e+00, v7  }
0x167: {  	s1 =	sadd.s32 s23, s1;
	v17 =	vld [tilespmem:s0+$0x870];
	v3 =	vadd.f32 $0.0e+00, v3;
	v33 =	vmul.f32 v31, v29;
	v4 =	vadd.f32 v6, v4  }
0x168: {  	s15 =	sadd.s32 $0x80, s1;
	v36 =	vshll.u32 v27, $0x10;
	v0 =	vadd.f32 v5, v0;
	v6 =	vadd.f32 v37, v7  }
0x169: {  	s25 =	sor.u32 $0xC10, s15;
	v54 =	vld [tilespmem:s0+$0x840];
	v7 =	vmul.f32 v39, v38;
	v5 =	vmul.f32 v40, v38;
	v2 =	vadd.f32 v2, v3  }
0x16a: {  	v28 =	vld [tilespmem:s25+$0x9000];
	v37 =	vand.u32 $0xFFFF0000, v27;
	v39 =	vshll.u32 v32, $0x10;
	v11 =	vand.u32 $0xFFFF0000, v32  }
0x16b: {  	v53 =	vshll.u32 v43, $0x10;
	v4 =	vadd.f32 v7, v4;
	v0 =	vadd.f32 v5, v0  }
0x16c: {  	v27 =	vshll.u32 v17, $0x10;
	v3 =	vadd.f32 v45, v6;
	v2 =	vadd.f32 v46, v2  }
0x16d: {  	v7 =	vmul.f32 v49, v48;
	v6 =	vmul.f32 v50, v48;
	v5 =	vand.u32 $0xFFFF0000, v47  }
0x16e: {  	v41 =	vmul.f32 v39, v1;
	v1 =	vmul.f32 v11, v1;
	v11 =	vand.u32 $0xFFFF0000, v54  }
0x16f: {  	v38 =	vld [tilespmem:s0+$0x800];
	v39 =	vand.u32 $0xFFFF0000, v28;
	v5 =	vmul.f32 v5, v55;
	v0 =	vadd.f32 v6, v0  }
0x170: {  	v4 =	vadd.f32 v7, v4;
	v3 =	vadd.f32 v8, v3;
	v6 =	vmul.f32 v61, v60  }
0x171: {  	v40 =	vld [tilespmem:s0+$0x810];
	v2 =	vadd.f32 v56, v2;
	v7 =	vmul.f32 v62, v60;
	v0 =	vadd.f32 v5, v0  }
0x172: {  	v8 =	vmul.f32 v26, v25;
	v56 =	vand.u32 $0xFFFF0000, v43;
	v3 =	vadd.f32 v6, v3  }
0x173: {  	v63 =	vld [tilespmem:s0+$0x860];
	v2 =	vadd.f32 v7, v2;
	v7 =	vmul.f32 v23, v22;
	v0 =	vadd.f32 v20, v0  }
0x174: {  	v49 =	vld [tilespmem:s0+$0x830];
	v62 =	vshll.u32 v54, $0x10;
	v45 =	vshll.u32 v38, $0x10;
	v4 =	vadd.f32 v59, v4  }
0x175: {  	v46 =	vand.u32 $0xFFFF0000, v38;
	v3 =	vadd.f32 v7, v3;
	v7 =	vadd.f32 v30, v0;
	v0 =	vld [tilespmem:s24+$0x10]  }
0x176: {  	v48 =	vshll.u32 v40, $0x10;
	v50 =	vand.u32 $0xFFFF0000, v40;
	v38 =	vshll.u32 v28, $0x10  }
0x177: {  	v5 =	vmul.f32 v24, v22;
	v6 =	vand.u32 $0xFFFF0000, v21;
	v4 =	vadd.f32 v19, v4  }
0x178: {  	v22 =	vshll.u32 v63, $0x10;
	v24 =	vand.u32 $0xFFFF0000, v63;
	v35 =	vmul.f32 v6, v29  }
0x179: {  	v6 =	vmul.f32 v36, v34;
	v4 =	vadd.f32 v8, v4;
	v8 =	vmul.f32 v37, v34  }
0x17a: {  	v58 =	vshll.u32 v49, $0x10;
	v44 =	vbroadcast v0, $0x0;
	v47 =	vbroadcast v0, $0x1  }
0x17b: {  	v59 =	vand.u32 $0xFFFF0000, v49;
	v51 =	vbroadcast v0, $0x2;
	v57 =	vbroadcast v0, $0x3  }
0x17c: {  	v2 =	vadd.f32 v5, v2;
	v60 =	vbroadcast v0, $0x4;
	v18 =	vbroadcast v0, $0x5  }
0x17d: {  	v61 =	vld [tilespmem:s0+$0x850];
	v3 =	vadd.f32 v33, v3;
	v21 =	vbroadcast v0, $0x6;
	v25 =	vbroadcast v0, $0x7  }
0x17e: {  	v2 =	vadd.f32 v35, v2;
	v30 =	vbroadcast v0, $0x8;
	v35 =	vbroadcast v0, $0x9  }
0x17f: {  	s1 =	sor.u32 $0xC00, s15;
	v3 =	vadd.f32 v41, v3;
	v41 =	vbroadcast v0, $0xA;
	v43 =	vbroadcast v0, $0xB  }
0x180: {  	v23 =	vld [tilespmem:s1+$0x9000];
	v42 =	vadd.f32 v8, v7;
	v54 =	vbroadcast v0, $0xD;
	v5 =	vmul.f32 v45, v44  }
0x181: {  	s28 =	sor.u32 $0xC30, s15;
	v1 =	vadd.f32 v1, v2;
	v2 =	vmul.f32 v46, v44;
	v8 =	vmul.f32 v48, v47  }
0x182: {  	v36 =	vld [tilespmem:s28+$0x9000];
	v19 =	vshll.u32 v61, $0x10;
	v52 =	vmul.f32 v50, v47;
	v55 =	vmul.f32 v53, v51  }
0x183: {  	v4 =	vadd.f32 v6, v4;
	v6 =	vmul.f32 v58, v57;
	v7 =	vmul.f32 v59, v57  }
0x184: {  	v20 =	vand.u32 $0xFFFF0000, v61;
	v15 =	vmul.f32 v62, v60;
	v16 =	vmul.f32 v11, v60  }
0x185: {  	s26 =	sor.u32 $0xC20, s15;
	v34 =	vand.u32 $0xFFFF0000, v23;
	v26 =	vmul.f32 v24, v21;
	v29 =	vmul.f32 v27, v25  }
0x186: {  	v33 =	vld [tilespmem:s26+$0x9000];
	v32 =	vshll.u32 v23, $0x10;
	v37 =	vmul.f32 v34, v30;
	v40 =	vmul.f32 v39, v35  }
0x187: {  	v45 =	vshll.u32 v36, $0x10;
	v50 =	vbroadcast v0, $0xC;
	v58 =	vbroadcast v0, $0xE  }
0x188: {  	s29 =	sor.u32 $0xC40, s15;
	v48 =	vand.u32 $0xFFFF0000, v36;
	v0 =	vbroadcast v0, $0xF;
	v47 =	vmul.f32 v45, v43  }
0x189: {  	s30 =	sor.u32 $0xC50, s15;
	v44 =	vld [tilespmem:s29+$0x9000];
	v4 =	vadd.f32 v5, v4;
	v2 =	vadd.f32 v2, v42;
	v5 =	vmul.f32 v56, v51  }
0x18a: {  	v46 =	vld [tilespmem:s30+$0x9000];
	v49 =	vmul.f32 v48, v43;
	v3 =	vadd.f32 v8, v3;
	v1 =	vadd.f32 v52, v1  }
0x18b: {  	v8 =	vmul.f32 v22, v21;
	v42 =	vshll.u32 v33, $0x10;
	v2 =	vadd.f32 v5, v2  }
0x18c: {  	v9 =	vmul.f32 v42, v41;
	v3 =	vadd.f32 v6, v3;
	v1 =	vadd.f32 v7, v1  }
0x18d: {  	s31 =	sor.u32 $0xC60, s15;
	v7 =	vmul.f32 v19, v18;
	v5 =	vmul.f32 v20, v18;
	v6 =	vand.u32 $0xFFFF0000, v17  }
0x18e: {  	s0 =	sor.u32 $0xC70, s15;
	v51 =	vld [tilespmem:s31+$0x9000];
	v4 =	vadd.f32 v55, v4;
	v31 =	vmul.f32 v6, v25;
	v6 =	vmul.f32 v32, v30  }
0x18f: {  	v55 =	vld [tilespmem:s0+$0x9000];
	v52 =	vshll.u32 v44, $0x10;
	v53 =	vand.u32 $0xFFFF0000, v44;
	v56 =	vshll.u32 v46, $0x10  }
0x190: {  	v57 =	vand.u32 $0xFFFF0000, v46;
	v4 =	vadd.f32 v15, v4;
	v2 =	vadd.f32 v16, v2  }
0x191: {  	v3 =	vadd.f32 v7, v3;
	v1 =	vadd.f32 v5, v1;
	v7 =	vmul.f32 v38, v35  }
0x192: {  	v5 =	vmul.f32 v57, v54;
	v4 =	vadd.f32 v8, v4;
	v2 =	vadd.f32 v26, v2  }
0x193: {  	v59 =	vshll.u32 v51, $0x10;
	v3 =	vadd.f32 v29, v3;
	v1 =	vadd.f32 v31, v1  }
0x194: {  	v8 =	vand.u32 $0xFFFF0000, v33;
	v60 =	vshll.u32 v55, $0x10;
	v61 =	vand.u32 $0xFFFF0000, v55  }
0x195: {  	v4 =	vadd.f32 v6, v4;
	v2 =	vadd.f32 v37, v2;
	v6 =	vmul.f32 v8, v41  }
0x196: {  	v3 =	vadd.f32 v7, v3;
	v1 =	vadd.f32 v40, v1;
	v7 =	vand.u32 $0xFFFF0000, v51  }
0x197: {  	v8 =	vmul.f32 v52, v50;
	v62 =	vmul.f32 v7, v58;
	v4 =	vadd.f32 v9, v4  }
0x198: {  	v2 =	vadd.f32 v6, v2;
	v3 =	vadd.f32 v47, v3;
	v9 =	vmul.f32 v56, v54  }
0x199: {  	v6 =	vmul.f32 v53, v50;
	v1 =	vadd.f32 v49, v1;
	v4 =	vadd.f32 v8, v4  }
0x19a: {  	v3 =	vadd.f32 v9, v3;
	v8 =	vmul.f32 v59, v58;
	v9 =	vmul.f32 v60, v0  }
0x19b: {  	v2 =	vadd.f32 v6, v2;
	v1 =	vadd.f32 v5, v1;
	v0 =	vmul.f32 v61, v0  }
0x19c: {  	p0 =	sne.s32 s23, $0x3C00;
	v4 =	vadd.f32 v8, v4;
	v3 =	vadd.f32 v9, v3  }
.Ltmp4:
0x19d: {  	v2 =	vadd.f32 v62, v2;
	v0 =	vadd.f32 v0, v1;
	(pc) =	sbr.rel @p0 .LBB2_9-.Ltmp4, $4  }
0x19e: {  	v63 =	vadd.f32 v3, v4  }
0x19f: {  	v0 =	vadd.f32 v0, v2  }
0x1a0: {  	s22 =	sadd.s32 $0x100, s22;
	s21 =	sadd.s32 $0x2, s21;
	[tilespmem:s24+$0x0] =	vst v63  }
0x1a1: {  	s20 =	sadd.s32 $0x1, s20;
	s19 =	sadd.s32 $0x40, s19;
	s23 =	sadd.s32 $0x400, s23;
	[tilespmem:s24+$0x10] =	vst v0  }
0x1a2: {  	s18 =	sadd.s32 $0x1, s18  }
0x1a3: {  	p0 =	sne.s32 s18, $0x30  }
.Ltmp5:
0x1a4: {  	_ = 	snop;
	(pc) =	sbr.rel @p0 .LBB2_6-.Ltmp5, $2  }
0x1a5: {  	_ =	sdelay $0x2  }
0x1a6: {  	s17 =	sadd.s32 $0x800, s17;
	s16 =	sadd.s32 $0x1, s16;
	s0 =	simm.s32 $0x0  }
.LBB2_11:
0x1a7: {  	[dreg:$0xb] =	wrdreg s0;
	s31 =	sshll.u32 s0, $0x5  }
0x1a8: {  	s1 =	rddreg [dreg:$0x5];
	s0 =	sand.u32 $0x1E0, s31  }
0x1a9: {  	[dreg:$0xc] =	wrdreg s31;
	s0 =	sor.u32 $0x200, s0  }
0x1aa: {  	[tilespmem:s10], [sflag:$0x1] =	stream.indirect.gather [hbm4b:s1+s9], $0x80, s0, s9, $0xb8;
	[tilespmem:$0xE200] =	vst v63  }
0x1ab: {  	_ =	swait.ge [sflag:s11], $0x1000  }
0x1ac: {  	[sflag:s11] =	ssyncset.done $0x0  }
0x1ad: {  	p0 =	por $0x1, $0x1;
	s0 =	simm.s32 $0x0;
	[sflag:s11] =	ssyncadd.s32 $0xFFFFF000  }
.LBB2_12:
0x1ae: {  	s1 =	smov.u32 s0  }
0x1af: {  	s21 =	sshll.u32 s0, $0x4;
	s11 =	rddreg [dreg:$0xc];
	s24 =	sshll.u32 s1, $0xB  }
0x1b0: {  	s23 =	sor.u32 s11, s21;
	s9 =	sand.u32 $0x3FFFF800, s24  }
0x1b1: {  	s0 =	sshll.u32 s23, $0x5;
	v2 =	vld [tilespmem:s9+$0xD000]  }
0x1b2: {  	s8 =	sand.u32 $0x3FFFFFE0, s0;
	v3 =	vld [tilespmem:s9+$0xD010]  }
0x1b3: {  	v0 =	vld [tilespmem:s8+$0x1000]  }
0x1b4: {  	v1 =	vld [tilespmem:s8+$0x1010];
	_ =	sdelay $0x4  }
0x1b5: {  	v0 =	vmul.f32 v2, v0;
	v1 =	vmul.f32 v3, v1;
	_ =	sdelay $0x1  }
0x1b6: {  	v0 =	vadd.f32 v1, v0;
	_ =	sdelay $0x1  }
0x1b7: {  	(v2sf) =	vpush v0, $0x0  }
0x1b8: {  	(v2sf) =	vpush v0, $0x1  }
0x1b9: {  	(v2sf) =	vpush v0, $0x2  }
0x1ba: {  	(v2sf) =	vpush v0, $0x3  }
0x1bb: {  	v62 =	vld [tilespmem:s9+$0xD080];
	(v2sf) =	vpush v0, $0x4  }
0x1bc: {  	v4 =	vld [tilespmem:s9+$0xD090];
	(v2sf) =	vpush v0, $0x5  }
0x1bd: {  	v60 =	vld [tilespmem:s8+$0x1020];
	(v2sf) =	vpush v0, $0x6  }
0x1be: {  	v61 =	vld [tilespmem:s8+$0x1030];
	(v2sf) =	vpush v0, $0x7  }
0x1bf: {  	(v2sf) =	vpush v0, $0x8  }
0x1c0: {  	(v2sf) =	vpush v0, $0x9  }
0x1c1: {  	(v2sf) =	vpush v0, $0xA  }
0x1c2: {  	(v2sf) =	vpush v0, $0xB  }
0x1c3: {  	v2 =	vmul.f32 v4, v61;
	v1 =	vmul.f32 v62, v60;
	(v2sf) =	vpush v0, $0xC  }
0x1c4: {  	(v2sf) =	vpush v0, $0xD  }
0x1c5: {  	v1 =	vadd.f32 v2, v1;
	(v2sf) =	vpush v0, $0xE  }
0x1c6: {  	s18 =	spop (v2sf);
	(v2sf) =	vpush v0, $0xF  }
0x1c7: {  	s26 =	spop (v2sf);
	(v2sf) =	vpush v1, $0x0  }
0x1c8: {  	[dreg:$0xd] =	wrdreg s23;
	s23 =	spop (v2sf);
	(v2sf) =	vpush v1, $0x1  }
0x1c9: {  	s19 =	spop (v2sf);
	(v2sf) =	vpush v1, $0x2  }
0x1ca: {  	s20 =	spop (v2sf);
	(v2sf) =	vpush v1, $0x3  }
0x1cb: {  	s0 =	spop (v2sf);
	(v2sf) =	vpush v1, $0x4  }
0x1cc: {  	[dreg:$0xe] =	wrdreg s1;
	s1 =	spop (v2sf);
	(v2sf) =	vpush v1, $0x5  }
0x1cd: {  	s16 =	spop (v2sf);
	(v2sf) =	vpush v1, $0x6  }
0x1ce: {  	s14 =	spop (v2sf);
	(v2sf) =	vpush v1, $0x7  }
0x1cf: {  	s10 =	spop (v2sf);
	(v2sf) =	vpush v1, $0x8  }
0x1d0: {  	s13 =	spop (v2sf);
	(v2sf) =	vpush v1, $0x9  }
0x1d1: {  	s17 =	spop (v2sf);
	(v2sf) =	vpush v1, $0xA  }
0x1d2: {  	s22 =	spop (v2sf);
	(v2sf) =	vpush v1, $0xB  }
0x1d3: {  	s31 =	spop (v2sf);
	(v2sf) =	vpush v1, $0xC  }
0x1d4: {  	s5 =	spop (v2sf);
	(v2sf) =	vpush v1, $0xD  }
0x1d5: {  	s15 =	spop (v2sf);
	(v2sf) =	vpush v1, $0xE  }
0x1d6: {  	s3 =	spop (v2sf);
	(v2sf) =	vpush v1, $0xF  }
0x1d7: {  	v9 =	vld [tilespmem:s9+$0xD100];
	s24 =	spop (v2sf)  }
0x1d8: {  	v10 =	vld [tilespmem:s9+$0xD110];
	s4 =	spop (v2sf)  }
0x1d9: {  	v63 =	vld [tilespmem:s8+$0x1040];
	s6 =	spop (v2sf)  }
0x1da: {  	v8 =	vld [tilespmem:s8+$0x1050];
	s7 =	spop (v2sf)  }
0x1db: {  	s2 =	spop (v2sf)  }
0x1dc: {  	s25 =	spop (v2sf)  }
0x1dd: {  	s28 =	spop (v2sf)  }
0x1de: {  	s29 =	spop (v2sf)  }
0x1df: {  	v2 =	vmul.f32 v10, v8;
	v0 =	vmul.f32 v9, v63;
	s30 =	spop (v2sf)  }
0x1e0: {  	s12 =	spop (v2sf)  }
0x1e1: {  	v0 =	vadd.f32 v2, v0;
	[smem:$0x7B3] =	sst s25;
	s25 =	spop (v2sf)  }
0x1e2: {  	[smem:$0x7B4] =	sst s28;
	s28 =	spop (v2sf)  }
0x1e3: {  	(v2sf) =	vpush v0, $0x0;
	[smem:$0x7B5] =	sst s29;
	s29 =	spop (v2sf)  }
0x1e4: {  	[smem:$0x7B6] =	sst s30;
	s30 =	spop (v2sf);
	(v2sf) =	vpush v0, $0x1  }
0x1e5: {  	[smem:$0x7B7] =	sst s12;
	s12 =	spop (v2sf);
	(v2sf) =	vpush v0, $0x2  }
0x1e6: {  	(v2sf) =	vpush v0, $0x3  }
0x1e7: {  	v13 =	vld [tilespmem:s9+$0xD180];
	[smem:$0x7B8] =	sst s25;
	(v2sf) =	vpush v0, $0x4  }
0x1e8: {  	v14 =	vld [tilespmem:s9+$0xD190];
	s25 =	sadd.f32 s26, s18;
	(v2sf) =	vpush v0, $0x5  }
0x1e9: {  	v11 =	vld [tilespmem:s8+$0x1060];
	(v2sf) =	vpush v0, $0x6  }
0x1ea: {  	v12 =	vld [tilespmem:s8+$0x1070];
	s8 =	sadd.f32 s25, s23;
	(v2sf) =	vpush v0, $0x7  }
0x1eb: {  	(v2sf) =	vpush v0, $0x8  }
0x1ec: {  	s8 =	sadd.f32 s8, s19;
	(v2sf) =	vpush v0, $0x9  }
0x1ed: {  	(v2sf) =	vpush v0, $0xA  }
0x1ee: {  	s8 =	sadd.f32 s8, s20;
	(v2sf) =	vpush v0, $0xB  }
0x1ef: {  	v2 =	vmul.f32 v14, v12;
	v1 =	vmul.f32 v13, v11;
	[dreg:$0x1d] =	wrdreg s28;
	(v2sf) =	vpush v0, $0xC  }
0x1f0: {  	s8 =	sadd.f32 s8, s0;
	(v2sf) =	vpush v0, $0xD  }
0x1f1: {  	v1 =	vadd.f32 v2, v1;
	[dreg:$0x18] =	wrdreg s12;
	(v2sf) =	vpush v0, $0xE  }
0x1f2: {  	s12 =	spop (v2sf);
	s0 =	sadd.f32 s8, s1;
	(v2sf) =	vpush v0, $0xF  }
0x1f3: {  	s26 =	sor.u32 $0x4, s21;
	[dreg:$0x1a] =	wrdreg s29;
	(v2sf) =	vpush v1, $0x0;
	s18 =	spop (v2sf)  }
0x1f4: {  	s28 =	sor.u32 s11, s26;
	s25 =	sadd.f32 s0, s16;
	(v2sf) =	vpush v1, $0x1;
	s29 =	spop (v2sf)  }
0x1f5: {  	s23 =	sshll.u32 s28, $0x5;
	[dreg:$0x19] =	wrdreg s30;
	(v2sf) =	vpush v1, $0x2;
	s28 =	spop (v2sf)  }
0x1f6: {  	s30 =	sand.u32 $0x3FFFFFE0, s23;
	s0 =	sadd.f32 s25, s14;
	s23 =	spop (v2sf)  }
0x1f7: {  	(v2sf) =	vpush v1, $0x3;
	s19 =	spop (v2sf)  }
0x1f8: {  	s9 =	sshll.u32 s26, $0x7;
	v15 =	vld [tilespmem:s30+$0x1000];
	s0 =	sadd.f32 s0, s10;
	(v2sf) =	vpush v1, $0x4;
	s20 =	spop (v2sf)  }
0x1f9: {  	[smem:$0x7B2] =	sst s2;
	s9 =	sand.u32 $0x3FFFFA00, s9;
	v16 =	vld [tilespmem:s30+$0x1010];
	(v2sf) =	vpush v1, $0x5;
	s30 =	spop (v2sf)  }
0x1fa: {  	v17 =	vld [tilespmem:s9+$0xD000];
	s0 =	sadd.f32 s0, s13;
	(v2sf) =	vpush v1, $0x6;
	s2 =	spop (v2sf)  }
0x1fb: {  	v18 =	vld [tilespmem:s9+$0xD010];
	(v2sf) =	vpush v1, $0x7;
	s9 =	spop (v2sf)  }
0x1fc: {  	s0 =	sadd.f32 s0, s17;
	(v2sf) =	vpush v1, $0x8;
	s8 =	spop (v2sf)  }
0x1fd: {  	s1 =	spop (v2sf)  }
0x1fe: {  	s0 =	sadd.f32 s0, s22;
	(v2sf) =	vpush v1, $0x9;
	s16 =	spop (v2sf)  }
0x1ff: {  	s3 =	sadd.f32 s24, s3;
	s26 =	spop (v2sf)  }
0x200: {  	s0 =	sadd.f32 s0, s31;
	s25 =	spop (v2sf)  }
0x201: {  	(v2sf) =	vpush v1, $0xA;
	[smem:$0x7B9] =	sst s25;
	s25 =	spop (v2sf)  }
0x202: {  	s0 =	sadd.f32 s0, s5;
	s14 =	spop (v2sf)  }
0x203: {  	(v2sf) =	vpush v1, $0xB;
	[smem:$0x7BA] =	sst s14;
	s14 =	spop (v2sf)  }
0x204: {  	s10 =	sor.u32 $0x5, s21;
	[smem:$0x7BB] =	sst s25;
	s25 =	spop (v2sf)  }
0x205: {  	(v2sf) =	vpush v1, $0xC;
	[smem:$0x7BC] =	sst s25;
	s25 =	sor.u32 s11, s10  }
0x206: {  	s0 =	sadd.f32 s0, s15;
	s13 =	sshll.u32 s25, $0x5;
	s25 =	spop (v2sf)  }
0x207: {  	[smem:$0x7BD] =	sst s25;
	s25 =	spop (v2sf)  }
0x208: {  	(v2sf) =	vpush v1, $0xD;
	[smem:$0x7BE] =	sst s25;
	s25 =	spop (v2sf)  }
0x209: {  	[dreg:$0xf] =	wrdreg s0;
	s13 =	sand.u32 $0x3E80, s13;
	s22 =	spop (v2sf)  }
0x20a: {  	v19 =	vld [tilespmem:s13+$0x1020];
	[smem:$0x7BF] =	sst s25;
	s25 =	spop (v2sf)  }
0x20b: {  	(v2sf) =	vpush v1, $0xE;
	v20 =	vld [tilespmem:s13+$0x1030];
	[smem:$0x7C0] =	sst s25;
	s13 =	spop (v2sf)  }
0x20c: {  	[smem:$0x7C1] =	sst s13  }
0x20d: {  	(v2sf) =	vpush v1, $0xF;
	s17 =	spop (v2sf);
	s13 =	sadd.f32 s3, s4  }
0x20e: {  	v2 =	vmul.f32 v18, v16;
	v0 =	vmul.f32 v17, v15;
	[smem:$0x7C2] =	sst s17  }
0x20f: {  	s17 =	sadd.f32 s18, s12  }
0x210: {  	v0 =	vadd.f32 v2, v0;
	s25 =	spop (v2sf);
	s12 =	sld [smem:$0x7B3]  }
0x211: {  	s10 =	sshll.u32 s10, $0x7;
	[smem:$0x7C3] =	sst s25  }
0x212: {  	(v2sf) =	vpush v0, $0x0;
	s10 =	sand.u32 $0x3FFFFA80, s10;
	s31 =	spop (v2sf);
	s0 =	sadd.f32 s13, s6  }
0x213: {  	(v2sf) =	vpush v0, $0x1;
	v21 =	vld [tilespmem:s10+$0xD000];
	[smem:$0x7C4] =	sst s31  }
0x214: {  	v22 =	vld [tilespmem:s10+$0xD010];
	s10 =	spop (v2sf);
	s3 =	sadd.f32 s17, s29  }
0x215: {  	[smem:$0x7C5] =	sst s10  }
0x216: {  	(v2sf) =	vpush v0, $0x2;
	s0 =	sadd.f32 s0, s7  }
0x217: {  	(v2sf) =	vpush v0, $0x3;
	s15 =	spop (v2sf);
	s10 =	sld [smem:$0x7B2]  }
0x218: {  	(v2sf) =	vpush v0, $0x4;
	[dreg:$0x1f] =	wrdreg s15  }
0x219: {  	(v2sf) =	vpush v0, $0x5;
	s3 =	sadd.f32 s3, s28  }
0x21a: {  	(v2sf) =	vpush v0, $0x6;
	s18 =	spop (v2sf);
	s28 =	sld [smem:$0x7B7]  }
0x21b: {  	(v2sf) =	vpush v0, $0x7;
	[dreg:$0x1c] =	wrdreg s18  }
0x21c: {  	(v2sf) =	vpush v0, $0x8;
	s24 =	spop (v2sf);
	s18 =	sld [smem:$0x7B4]  }
0x21d: {  	(v2sf) =	vpush v0, $0x9;
	[dreg:$0x1b] =	wrdreg s24  }
0x21e: {  	(v2sf) =	vpush v0, $0xA;
	s0 =	sadd.f32 s0, s10  }
0x21f: {  	(v2sf) =	vpush v0, $0xB;
	s3 =	sadd.f32 s3, s23  }
0x220: {  	(v2sf) =	vpush v0, $0xC;
	s0 =	sadd.f32 s0, s12  }
0x221: {  	(v2sf) =	vpush v0, $0xD;
	s24 =	spop (v2sf);
	s3 =	sadd.f32 s3, s19  }
0x222: {  	(v2sf) =	vpush v0, $0xE;
	s29 =	spop (v2sf);
	s19 =	sld [smem:$0x7B5]  }
0x223: {  	(v2sf) =	vpush v0, $0xF;
	s24 =	sadd.f32 s29, s24  }
0x224: {  	v1 =	vmul.f32 v21, v19;
	v2 =	vmul.f32 v22, v20;
	s0 =	sadd.f32 s0, s18  }
0x225: {  	s25 =	sor.u32 $0x6, s21;
	s5 =	spop (v2sf);
	s3 =	sadd.f32 s3, s20  }
0x226: {  	v1 =	vadd.f32 v2, v1;
	s31 =	sor.u32 s11, s25;
	s15 =	spop (v2sf);
	s20 =	sld [smem:$0x7B6]  }
0x227: {  	s4 =	sshll.u32 s25, $0x7;
	s23 =	spop (v2sf);
	s18 =	rddreg [dreg:$0x1d]  }
0x228: {  	s6 =	sshll.u32 s31, $0x5;
	(v2sf) =	vpush v1, $0x0;
	s25 =	spop (v2sf);
	s0 =	sadd.f32 s0, s19  }
0x229: {  	s6 =	sand.u32 $0x3E80, s6;
	(v2sf) =	vpush v1, $0x1;
	s17 =	spop (v2sf);
	s3 =	sadd.f32 s3, s30  }
0x22a: {  	s13 =	sand.u32 $0x3FFFFB00, s4;
	v23 =	vld [tilespmem:s6+$0x1040];
	(v2sf) =	vpush v1, $0x2;
	s30 =	sld [smem:$0x7B8];
	s4 =	spop (v2sf)  }
0x22b: {  	v24 =	vld [tilespmem:s6+$0x1050];
	(v2sf) =	vpush v1, $0x3;
	s6 =	spop (v2sf);
	s0 =	sadd.f32 s0, s20  }
0x22c: {  	(v2sf) =	vpush v1, $0x4;
	s2 =	sadd.f32 s3, s2;
	s7 =	spop (v2sf)  }
0x22d: {  	s10 =	spop (v2sf);
	s0 =	sadd.f32 s0, s28  }
0x22e: {  	v25 =	vld [tilespmem:s13+$0xD000];
	(v2sf) =	vpush v1, $0x5;
	s2 =	sadd.f32 s2, s9;
	s12 =	spop (v2sf)  }
0x22f: {  	v26 =	vld [tilespmem:s13+$0xD010];
	(v2sf) =	vpush v1, $0x6;
	s13 =	spop (v2sf);
	s0 =	sadd.f32 s0, s30  }
0x230: {  	s2 =	sadd.f32 s2, s8;
	s20 =	spop (v2sf)  }
0x231: {  	(v2sf) =	vpush v1, $0x7;
	s31 =	spop (v2sf);
	s0 =	sadd.f32 s0, s18  }
0x232: {  	(v2sf) =	vpush v1, $0x8;
	s1 =	sadd.f32 s2, s1;
	s9 =	spop (v2sf)  }
0x233: {  	(v2sf) =	vpush v1, $0x9;
	[smem:$0x7C6] =	sst s9  }
0x234: {  	(v2sf) =	vpush v1, $0xA;
	s9 =	rddreg [dreg:$0x1a]  }
0x235: {  	(v2sf) =	vpush v1, $0xB;
	s1 =	sadd.f32 s1, s16  }
0x236: {  	v0 =	vmul.f32 v25, v23;
	v2 =	vmul.f32 v26, v24;
	(v2sf) =	vpush v1, $0xC;
	s16 =	rddreg [dreg:$0x19]  }
0x237: {  	(v2sf) =	vpush v1, $0xD;
	s28 =	spop (v2sf);
	s0 =	sadd.f32 s0, s9  }
0x238: {  	v0 =	vadd.f32 v2, v0;
	s3 =	sor.u32 $0x7, s21;
	(v2sf) =	vpush v1, $0xE;
	s18 =	spop (v2sf);
	s1 =	sadd.f32 s1, s26  }
0x239: {  	s19 =	sor.u32 s11, s3;
	(v2sf) =	vpush v1, $0xF;
	s30 =	spop (v2sf);
	s0 =	sadd.f32 s0, s16  }
0x23a: {  	s2 =	sshll.u32 s19, $0x5;
	(v2sf) =	vpush v0, $0x0;
	s19 =	spop (v2sf);
	s16 =	rddreg [dreg:$0x18]  }
0x23b: {  	(v2sf) =	vpush v0, $0x1;
	[smem:$0x7C7] =	sst s19;
	s9 =	spop (v2sf)  }
0x23c: {  	(v2sf) =	vpush v0, $0x2;
	[smem:$0x7C8] =	sst s9  }
0x23d: {  	(v2sf) =	vpush v0, $0x3;
	s19 =	spop (v2sf);
	s0 =	sadd.f32 s0, s16  }
0x23e: {  	s2 =	sand.u32 $0x3E80, s2;
	(v2sf) =	vpush v0, $0x4;
	[smem:$0x7C9] =	sst s19;
	s9 =	spop (v2sf)  }
0x23f: {  	s3 =	sshll.u32 s3, $0x7;
	v27 =	vld [tilespmem:s2+$0x1060];
	(v2sf) =	vpush v0, $0x5;
	[smem:$0x7CA] =	sst s9  }
0x240: {  	s8 =	sand.u32 $0x3FFFFB80, s3;
	v28 =	vld [tilespmem:s2+$0x1070];
	(v2sf) =	vpush v0, $0x6;
	[dreg:$0x10] =	wrdreg s0  }
0x241: {  	v29 =	vld [tilespmem:s8+$0xD000];
	s26 =	sld [smem:$0x7B9]  }
0x242: {  	s3 =	sld [smem:$0x7BA]  }
0x243: {  	s9 =	sld [smem:$0x7BB]  }
0x244: {  	s16 =	sld [smem:$0x7BC]  }
0x245: {  	s19 =	spop (v2sf);
	s29 =	sld [smem:$0x7BD]  }
0x246: {  	[smem:$0x7CB] =	sst s19;
	s2 =	spop (v2sf)  }
0x247: {  	[smem:$0x7CC] =	sst s2  }
0x248: {  	s0 =	sadd.f32 s1, s26  }
0x249: {  	v30 =	vld [tilespmem:s8+$0xD010];
	s8 =	spop (v2sf);
	s1 =	sadd.f32 s14, s3  }
0x24a: {  	[smem:$0x7CD] =	sst s8;
	s14 =	spop (v2sf)  }
0x24b: {  	[smem:$0x7CE] =	sst s14  }
0x24c: {  	s19 =	spop (v2sf);
	s0 =	sadd.f32 s0, s9  }
0x24d: {  	[smem:$0x7CF] =	sst s19  }
0x24e: {  	s26 =	spop (v2sf);
	s9 =	sld [smem:$0x7BE]  }
0x24f: {  	[smem:$0x7D0] =	sst s26  }
0x250: {  	[dreg:$0x11] =	wrdreg s0  }
0x251: {  	s3 =	spop (v2sf);
	s0 =	sadd.f32 s1, s16  }
0x252: {  	[smem:$0x7D1] =	sst s3  }
0x253: {  	s1 =	sadd.f32 s24, s5  }
0x254: {  	s8 =	spop (v2sf);
	s16 =	sld [smem:$0x7BF]  }
0x255: {  	[smem:$0x7D2] =	sst s8  }
0x256: {  	s14 =	spop (v2sf);
	s0 =	sadd.f32 s0, s29  }
0x257: {  	[dreg:$0x1e] =	wrdreg s14  }
0x258: {  	s1 =	sadd.f32 s1, s15  }
0x259: {  	s29 =	sld [smem:$0x7C0]  }
0x25a: {  	s19 =	sor.u32 $0x8, s21;
	s0 =	sadd.f32 s0, s9  }
0x25b: {  	s24 =	sor.u32 s11, s19;
	s23 =	sadd.f32 s1, s23  }
0x25c: {  	s9 =	sshll.u32 s24, $0x5;
	s3 =	sadd.f32 s0, s16  }
0x25d: {  	s9 =	sand.u32 $0x3FFFFFE0, s9;
	s8 =	sadd.f32 s23, s25  }
0x25e: {  	s2 =	spop (v2sf);
	v31 =	vld [tilespmem:s9+$0x1000];
	s25 =	sld [smem:$0x7C2]  }
0x25f: {  	s0 =	spop (v2sf);
	v32 =	vld [tilespmem:s9+$0x1010];
	s9 =	sld [smem:$0x7C4]  }
0x260: {  	(v2sf) =	vpush v0, $0x7;
	s0 =	sadd.f32 s0, s2  }
0x261: {  	(v2sf) =	vpush v0, $0x8;
	s16 =	sshll.u32 s19, $0x7;
	s26 =	sadd.f32 s3, s22  }
0x262: {  	(v2sf) =	vpush v0, $0x9;
	s8 =	sadd.f32 s8, s17;
	s17 =	sand.u32 $0x3FFFFC00, s16  }
0x263: {  	(v2sf) =	vpush v0, $0xA;
	s22 =	sld [smem:$0x7C1];
	v33 =	vld [tilespmem:s17+$0xD000]  }
0x264: {  	(v2sf) =	vpush v0, $0xB;
	s1 =	spop (v2sf);
	v34 =	vld [tilespmem:s17+$0xD010];
	s17 =	rddreg [dreg:$0x1f]  }
0x265: {  	(v2sf) =	vpush v0, $0xC;
	s0 =	sadd.f32 s0, s1  }
0x266: {  	v1 =	vmul.f32 v29, v27;
	v2 =	vmul.f32 v30, v28;
	(v2sf) =	vpush v0, $0xD;
	s14 =	sadd.f32 s26, s29  }
0x267: {  	(v2sf) =	vpush v0, $0xE;
	s4 =	sadd.f32 s8, s4  }
0x268: {  	v1 =	vadd.f32 v2, v1;
	(v2sf) =	vpush v0, $0xF;
	s3 =	spop (v2sf);
	s29 =	sld [smem:$0x7C3]  }
0x269: {  	s0 =	sadd.f32 s0, s3  }
0x26a: {  	(v2sf) =	vpush v1, $0x0;
	s3 =	sld [smem:$0x7C9]  }
0x26b: {  	(v2sf) =	vpush v1, $0x1;
	s14 =	sadd.f32 s14, s22  }
0x26c: {  	s24 =	spop (v2sf);
	s4 =	sadd.f32 s4, s6  }
0x26d: {  	s5 =	spop (v2sf);
	s0 =	sadd.f32 s0, s24  }
0x26e: {  	s23 =	spop (v2sf);
	s8 =	sadd.f32 s14, s25  }
0x26f: {  	s19 =	spop (v2sf);
	s4 =	sadd.f32 s4, s7  }
0x270: {  	(v2sf) =	vpush v1, $0x2;
	s26 =	spop (v2sf);
	s25 =	rddreg [dreg:$0x1c]  }
0x271: {  	s16 =	spop (v2sf);
	s8 =	sadd.f32 s8, s29  }
0x272: {  	s6 =	spop (v2sf);
	s4 =	sadd.f32 s4, s10  }
0x273: {  	(v2sf) =	vpush v1, $0x3;
	s15 =	spop (v2sf);
	s10 =	sld [smem:$0x7C5]  }
0x274: {  	(v2sf) =	vpush v1, $0x4;
	s29 =	spop (v2sf);
	s7 =	sadd.f32 s8, s9  }
0x275: {  	(v2sf) =	vpush v1, $0x5;
	s9 =	spop (v2sf);
	s4 =	sadd.f32 s4, s12  }
0x276: {  	(v2sf) =	vpush v1, $0x6;
	s22 =	spop (v2sf);
	s7 =	sadd.f32 s7, s10  }
0x277: {  	s14 =	spop (v2sf);
	s4 =	sadd.f32 s4, s13  }
0x278: {  	[smem:$0x7D3] =	sst s14  }
0x279: {  	(v2sf) =	vpush v1, $0x7;
	s10 =	spop (v2sf);
	s8 =	sadd.f32 s7, s17  }
0x27a: {  	s7 =	spop (v2sf);
	s4 =	sadd.f32 s4, s20  }
0x27b: {  	(v2sf) =	vpush v1, $0x8;
	s7 =	sadd.f32 s7, s10  }
0x27c: {  	s17 =	sor.u32 $0x9, s21;
	s8 =	sadd.f32 s8, s25  }
0x27d: {  	(v2sf) =	vpush v1, $0x9;
	s14 =	sor.u32 s11, s17;
	s4 =	sadd.f32 s4, s31  }
0x27e: {  	s13 =	sshll.u32 s14, $0x5;
	s31 =	sadd.f32 s18, s28  }
0x27f: {  	(v2sf) =	vpush v1, $0xA;
	s12 =	spop (v2sf);
	s20 =	sand.u32 $0x3F00, s13;
	s13 =	rddreg [dreg:$0x1b]  }
0x280: {  	s7 =	sadd.f32 s7, s12  }
0x281: {  	s8 =	sadd.f32 s8, s13  }
0x282: {  	s14 =	spop (v2sf);
	s31 =	sadd.f32 s31, s30  }
0x283: {  	(v2sf) =	vpush v1, $0xB;
	s25 =	spop (v2sf);
	s30 =	sld [smem:$0x7C8]  }
0x284: {  	(v2sf) =	vpush v1, $0xC;
	v35 =	vld [tilespmem:s20+$0x1020];
	[dreg:$0x12] =	wrdreg s8;
	s8 =	sshll.u32 s17, $0x7;
	s17 =	spop (v2sf)  }
0x285: {  	v36 =	vld [tilespmem:s20+$0x1030];
	[smem:$0x7D4] =	sst s17;
	s20 =	spop (v2sf)  }
0x286: {  	(v2sf) =	vpush v1, $0xD;
	s8 =	sand.u32 $0x3FFFFC80, s8;
	[smem:$0x7D5] =	sst s20  }
0x287: {  	v37 =	vld [tilespmem:s8+$0xD000];
	s20 =	sld [smem:$0x7C6]  }
0x288: {  	(v2sf) =	vpush v1, $0xE;
	s18 =	spop (v2sf);
	v38 =	vld [tilespmem:s8+$0xD010];
	s8 =	sld [smem:$0x7CA]  }
0x289: {  	v0 =	vmul.f32 v33, v31;
	v2 =	vmul.f32 v34, v32;
	(v2sf) =	vpush v1, $0xF;
	[smem:$0x7D6] =	sst s18  }
0x28a: {  	s28 =	spop (v2sf);
	s18 =	sld [smem:$0x7C7]  }
0x28b: {  	v0 =	vadd.f32 v2, v0;
	[smem:$0x7D7] =	sst s28  }
0x28c: {  	s13 =	spop (v2sf);
	s4 =	sadd.f32 s4, s20  }
0x28d: {  	(v2sf) =	vpush v0, $0x0;
	[smem:$0x7D8] =	sst s13  }
0x28e: {  	(v2sf) =	vpush v0, $0x1;
	s17 =	spop (v2sf);
	s13 =	sadd.f32 s0, s5  }
0x28f: {  	[smem:$0x7D9] =	sst s17  }
0x290: {  	s2 =	sadd.f32 s31, s18  }
0x291: {  	s18 =	sld [smem:$0x7CB]  }
0x292: {  	(v2sf) =	vpush v0, $0x2;
	s20 =	spop (v2sf);
	[dreg:$0x13] =	wrdreg s4  }
0x293: {  	[smem:$0x7DA] =	sst s20;
	s28 =	spop (v2sf)  }
0x294: {  	[smem:$0x7DB] =	sst s28  }
0x295: {  	s1 =	sadd.f32 s2, s30;
	s31 =	spop (v2sf)  }
0x296: {  	(v2sf) =	vpush v0, $0x3;
	[smem:$0x7DC] =	sst s31  }
0x297: {  	s20 =	spop (v2sf);
	s31 =	sld [smem:$0x7CC]  }
0x298: {  	s2 =	sor.u32 $0xA, s21;
	s1 =	sadd.f32 s1, s3;
	s4 =	spop (v2sf)  }
0x299: {  	s17 =	sor.u32 s11, s2;
	[smem:$0x7DD] =	sst s4  }
0x29a: {  	(v2sf) =	vpush v0, $0x4;
	s24 =	sshll.u32 s17, $0x5;
	s4 =	sadd.f32 s13, s23  }
0x29b: {  	(v2sf) =	vpush v0, $0x5;
	s28 =	sand.u32 $0x3F00, s24;
	s24 =	sld [smem:$0x7CD]  }
0x29c: {  	(v2sf) =	vpush v0, $0x6;
	s30 =	spop (v2sf);
	s1 =	sadd.f32 s1, s8  }
0x29d: {  	(v2sf) =	vpush v0, $0x7;
	s8 =	spop (v2sf);
	s19 =	sadd.f32 s4, s19  }
0x29e: {  	(v2sf) =	vpush v0, $0x8;
	s8 =	sadd.f32 s8, s30  }
0x29f: {  	(v2sf) =	vpush v0, $0x9;
	s5 =	sadd.f32 s1, s18  }
0x2a0: {  	(v2sf) =	vpush v0, $0xA;
	s26 =	sadd.f32 s19, s26  }
0x2a1: {  	(v2sf) =	vpush v0, $0xB;
	s0 =	spop (v2sf);
	s18 =	sshll.u32 s2, $0x7;
	s19 =	sld [smem:$0x7CE]  }
0x2a2: {  	(v2sf) =	vpush v0, $0xC;
	s23 =	sand.u32 $0x3FFFFD00, s18;
	s0 =	sadd.f32 s8, s0  }
0x2a3: {  	(v2sf) =	vpush v0, $0xD;
	s5 =	sadd.f32 s5, s31;
	v41 =	vld [tilespmem:s23+$0xD000]  }
0x2a4: {  	(v2sf) =	vpush v0, $0xE;
	v42 =	vld [tilespmem:s23+$0xD010];
	s23 =	sld [smem:$0x7CF]  }
0x2a5: {  	s3 =	spop (v2sf);
	s16 =	sadd.f32 s26, s16  }
0x2a6: {  	v1 =	vmul.f32 v37, v35;
	v2 =	vmul.f32 v38, v36;
	s0 =	sadd.f32 s0, s3  }
0x2a7: {  	(v2sf) =	vpush v0, $0xF;
	s5 =	sadd.f32 s5, s24  }
0x2a8: {  	v1 =	vadd.f32 v2, v1;
	s24 =	sld [smem:$0x7D0]  }
0x2a9: {  	s1 =	spop (v2sf);
	s6 =	sadd.f32 s16, s6  }
0x2aa: {  	(v2sf) =	vpush v1, $0x0;
	s2 =	spop (v2sf);
	s0 =	sadd.f32 s0, s1  }
0x2ab: {  	(v2sf) =	vpush v1, $0x1;
	v39 =	vld [tilespmem:s28+$0x1040];
	s4 =	spop (v2sf);
	s5 =	sadd.f32 s5, s19  }
0x2ac: {  	v40 =	vld [tilespmem:s28+$0x1050];
	(v2sf) =	vpush v1, $0x2;
	s28 =	spop (v2sf);
	s19 =	sld [smem:$0x7D1]  }
0x2ad: {  	(v2sf) =	vpush v1, $0x3;
	s31 =	spop (v2sf);
	s6 =	sadd.f32 s6, s15  }
0x2ae: {  	s18 =	spop (v2sf);
	s2 =	sadd.f32 s0, s2  }
0x2af: {  	s13 =	spop (v2sf);
	s5 =	sadd.f32 s5, s23  }
0x2b0: {  	s26 =	spop (v2sf);
	s6 =	sadd.f32 s6, s29  }
0x2b1: {  	(v2sf) =	vpush v1, $0x4;
	s17 =	spop (v2sf);
	s2 =	sadd.f32 s2, s4  }
0x2b2: {  	s5 =	sadd.f32 s5, s24;
	s24 =	spop (v2sf)  }
0x2b3: {  	(v2sf) =	vpush v1, $0x5;
	s16 =	spop (v2sf);
	s9 =	sadd.f32 s6, s9  }
0x2b4: {  	[smem:$0x7DE] =	sst s16  }
0x2b5: {  	(v2sf) =	vpush v1, $0x6;
	s16 =	sld [smem:$0x7D2]  }
0x2b6: {  	s5 =	sadd.f32 s5, s19;
	s23 =	spop (v2sf)  }
0x2b7: {  	[smem:$0x7DF] =	sst s23  }
0x2b8: {  	(v2sf) =	vpush v1, $0x7;
	s5 =	sadd.f32 s5, s16  }
0x2b9: {  	s19 =	spop (v2sf);
	s16 =	rddreg [dreg:$0x1e]  }
0x2ba: {  	(v2sf) =	vpush v1, $0x8;
	s15 =	sor.u32 $0xB, s21;
	s29 =	spop (v2sf);
	s5 =	sadd.f32 s5, s16  }
0x2bb: {  	(v2sf) =	vpush v1, $0x9;
	s23 =	sor.u32 s11, s15;
	s9 =	sadd.f32 s9, s22;
	s6 =	spop (v2sf)  }
0x2bc: {  	[dreg:$0x14] =	wrdreg s5;
	s5 =	sshll.u32 s23, $0x5;
	s23 =	spop (v2sf)  }
0x2bd: {  	(v2sf) =	vpush v1, $0xA;
	[smem:$0x7E0] =	sst s23  }
0x2be: {  	s23 =	sshll.u32 s15, $0x7;
	s15 =	sadd.f32 s7, s14  }
0x2bf: {  	(v2sf) =	vpush v1, $0xB;
	s7 =	sld [smem:$0x7D4]  }
0x2c0: {  	s22 =	spop (v2sf);
	s14 =	sld [smem:$0x7D6]  }
0x2c1: {  	[smem:$0x7E1] =	sst s22  }
0x2c2: {  	(v2sf) =	vpush v1, $0xC;
	s5 =	sand.u32 $0x3F00, s5;
	s16 =	spop (v2sf);
	s22 =	sld [smem:$0x7D3]  }
0x2c3: {  	v43 =	vld [tilespmem:s5+$0x1060];
	[smem:$0x7E2] =	sst s16  }
0x2c4: {  	v44 =	vld [tilespmem:s5+$0x1070];
	s10 =	spop (v2sf);
	s5 =	sadd.f32 s15, s25  }
0x2c5: {  	[smem:$0x7E3] =	sst s10  }
0x2c6: {  	(v2sf) =	vpush v1, $0xD;
	s10 =	sld [smem:$0x7D5]  }
0x2c7: {  	s12 =	spop (v2sf);
	s9 =	sadd.f32 s9, s22  }
0x2c8: {  	[smem:$0x7E4] =	sst s12  }
0x2c9: {  	(v2sf) =	vpush v1, $0xE;
	s30 =	spop (v2sf);
	s3 =	sadd.f32 s5, s7  }
0x2ca: {  	s16 =	spop (v2sf);
	[dreg:$0x15] =	wrdreg s9  }
0x2cb: {  	[smem:$0x7E5] =	sst s16  }
0x2cc: {  	v0 =	vmul.f32 v41, v39;
	v2 =	vmul.f32 v42, v40;
	(v2sf) =	vpush v1, $0xF;
	s23 =	sand.u32 $0x3FFFFD80, s23;
	s22 =	spop (v2sf);
	s1 =	sadd.f32 s3, s10  }
0x2cd: {  	v45 =	vld [tilespmem:s23+$0xD000];
	[smem:$0x7E6] =	sst s22  }
0x2ce: {  	v0 =	vadd.f32 v2, v0;
	v46 =	vld [tilespmem:s23+$0xD010];
	s23 =	spop (v2sf);
	s22 =	sld [smem:$0x7D7]  }
0x2cf: {  	s15 =	sor.u32 $0xC, s21;
	[smem:$0x7E7] =	sst s23  }
0x2d0: {  	(v2sf) =	vpush v0, $0x0;
	s16 =	sor.u32 s11, s15;
	s1 =	sadd.f32 s1, s14  }
0x2d1: {  	(v2sf) =	vpush v0, $0x1;
	s25 =	spop (v2sf);
	s23 =	sshll.u32 s16, $0x5;
	s16 =	sld [smem:$0x7DA]  }
0x2d2: {  	[smem:$0x7E8] =	sst s25  }
0x2d3: {  	s25 =	sadd.f32 s2, s28  }
0x2d4: {  	s28 =	sld [smem:$0x7D8]  }
0x2d5: {  	(v2sf) =	vpush v0, $0x2;
	s8 =	spop (v2sf);
	s5 =	sand.u32 $0x3FFFFFE0, s23;
	s23 =	sld [smem:$0x7DD]  }
0x2d6: {  	[smem:$0x7E9] =	sst s8  }
0x2d7: {  	s1 =	sadd.f32 s1, s22  }
0x2d8: {  	(v2sf) =	vpush v0, $0x3;
	s9 =	spop (v2sf);
	s22 =	sld [smem:$0x7DC]  }
0x2d9: {  	[smem:$0x7EA] =	sst s9  }
0x2da: {  	s7 =	sadd.f32 s25, s31  }
0x2db: {  	s12 =	spop (v2sf);
	s9 =	sshll.u32 s15, $0x7;
	s15 =	sld [smem:$0x7D9]  }
0x2dc: {  	[smem:$0x7EB] =	sst s12  }
0x2dd: {  	s8 =	sadd.f32 s1, s28  }
0x2de: {  	(v2sf) =	vpush v0, $0x4;
	s7 =	sadd.f32 s7, s18  }
0x2df: {  	s0 =	spop (v2sf);
	s18 =	sld [smem:$0x7DB]  }
0x2e0: {  	s10 =	spop (v2sf);
	s8 =	sadd.f32 s8, s15  }
0x2e1: {  	s0 =	sadd.f32 s10, s0  }
0x2e2: {  	(v2sf) =	vpush v0, $0x5;
	s10 =	sld [smem:$0x7E1]  }
0x2e3: {  	(v2sf) =	vpush v0, $0x6;
	s7 =	sadd.f32 s7, s13  }
0x2e4: {  	(v2sf) =	vpush v0, $0x7;
	s14 =	sand.u32 $0x3FFFFE00, s9;
	s12 =	spop (v2sf);
	s9 =	sadd.f32 s8, s16  }
0x2e5: {  	(v2sf) =	vpush v0, $0x8;
	s0 =	sadd.f32 s0, s12  }
0x2e6: {  	(v2sf) =	vpush v0, $0x9;
	s7 =	sadd.f32 s7, s26  }
0x2e7: {  	(v2sf) =	vpush v0, $0xA;
	s4 =	spop (v2sf);
	s9 =	sadd.f32 s9, s18  }
0x2e8: {  	(v2sf) =	vpush v0, $0xB;
	s0 =	sadd.f32 s0, s4  }
0x2e9: {  	v1 =	vmul.f32 v45, v43;
	v2 =	vmul.f32 v46, v44;
	(v2sf) =	vpush v0, $0xC;
	s7 =	sadd.f32 s7, s17  }
0x2ea: {  	(v2sf) =	vpush v0, $0xD;
	s17 =	sadd.f32 s29, s19  }
0x2eb: {  	v1 =	vadd.f32 v2, v1;
	(v2sf) =	vpush v0, $0xE;
	s29 =	sld [smem:$0x7DF]  }
0x2ec: {  	(v2sf) =	vpush v0, $0xF;
	s19 =	sld [smem:$0x7E0]  }
0x2ed: {  	(v2sf) =	vpush v1, $0x0;
	s2 =	spop (v2sf);
	s9 =	sadd.f32 s9, s22  }
0x2ee: {  	(v2sf) =	vpush v1, $0x1;
	s0 =	sadd.f32 s0, s2  }
0x2ef: {  	(v2sf) =	vpush v1, $0x2;
	s7 =	sadd.f32 s7, s24  }
0x2f0: {  	(v2sf) =	vpush v1, $0x3;
	s24 =	sld [smem:$0x7DE]  }
0x2f1: {  	(v2sf) =	vpush v1, $0x4;
	s3 =	spop (v2sf);
	s6 =	sadd.f32 s17, s6  }
0x2f2: {  	(v2sf) =	vpush v1, $0x5;
	s1 =	spop (v2sf);
	s9 =	sadd.f32 s9, s20  }
0x2f3: {  	v47 =	vld [tilespmem:s5+$0x1000];
	(v2sf) =	vpush v1, $0x6;
	s25 =	spop (v2sf);
	s0 =	sadd.f32 s0, s3  }
0x2f4: {  	v48 =	vld [tilespmem:s5+$0x1010];
	s5 =	spop (v2sf);
	s6 =	sadd.f32 s6, s19  }
0x2f5: {  	v49 =	vld [tilespmem:s14+$0xD000];
	(v2sf) =	vpush v1, $0x7;
	s8 =	spop (v2sf);
	s9 =	sadd.f32 s9, s23  }
0x2f6: {  	v50 =	vld [tilespmem:s14+$0xD010];
	(v2sf) =	vpush v1, $0x8;
	s14 =	spop (v2sf);
	s7 =	sadd.f32 s7, s24  }
0x2f7: {  	s13 =	spop (v2sf);
	s1 =	sadd.f32 s0, s1  }
0x2f8: {  	(v2sf) =	vpush v1, $0x9;
	s16 =	spop (v2sf);
	s6 =	sadd.f32 s6, s10  }
0x2f9: {  	s26 =	spop (v2sf);
	s10 =	sld [smem:$0x7E4]  }
0x2fa: {  	(v2sf) =	vpush v1, $0xA;
	s18 =	spop (v2sf);
	[dreg:$0x16] =	wrdreg s9  }
0x2fb: {  	s1 =	sadd.f32 s1, s25;
	s20 =	spop (v2sf)  }
0x2fc: {  	(v2sf) =	vpush v1, $0xB;
	s7 =	sadd.f32 s7, s29;
	s31 =	spop (v2sf)  }
0x2fd: {  	s15 =	sor.u32 $0xD, s21;
	s5 =	sadd.f32 s1, s5;
	s9 =	spop (v2sf)  }
0x2fe: {  	s28 =	sor.u32 s11, s15;
	[dreg:$0x17] =	wrdreg s7;
	s23 =	spop (v2sf)  }
0x2ff: {  	s22 =	sshll.u32 s28, $0x5;
	(v2sf) =	vpush v1, $0xC;
	s5 =	sadd.f32 s5, s8;
	s28 =	spop (v2sf)  }
0x300: {  	s9 =	sadd.f32 s9, s31;
	s24 =	spop (v2sf)  }
0x301: {  	s14 =	sadd.f32 s5, s14;
	s29 =	spop (v2sf)  }
0x302: {  	s22 =	sand.u32 $0x3F80, s22;
	(v2sf) =	vpush v1, $0xD;
	[smem:$0x7EC] =	sst s29;
	s17 =	spop (v2sf)  }
0x303: {  	v51 =	vld [tilespmem:s22+$0x1020];
	[smem:$0x7ED] =	sst s17  }
0x304: {  	v52 =	vld [tilespmem:s22+$0x1030];
	s22 =	spop (v2sf);
	s17 =	sld [smem:$0x7E2]  }
0x305: {  	v0 =	vmul.f32 v49, v47;
	v2 =	vmul.f32 v50, v48;
	(v2sf) =	vpush v1, $0xE;
	[smem:$0x7EE] =	sst s22;
	s29 =	spop (v2sf)  }
0x306: {  	s15 =	sshll.u32 s15, $0x7;
	[smem:$0x7EF] =	sst s29  }
0x307: {  	s15 =	sand.u32 $0x3FFFFE80, s15;
	v0 =	vadd.f32 v2, v0;
	(v2sf) =	vpush v1, $0xF;
	s12 =	spop (v2sf);
	s29 =	sld [smem:$0x7E3]  }
0x308: {  	v53 =	vld [tilespmem:s15+$0xD000];
	[smem:$0x7F0] =	sst s12  }
0x309: {  	v54 =	vld [tilespmem:s15+$0xD010];
	(v2sf) =	vpush v0, $0x0;
	s15 =	spop (v2sf);
	s4 =	sadd.f32 s6, s17  }
0x30a: {  	(v2sf) =	vpush v0, $0x1;
	[smem:$0x7F1] =	sst s15  }
0x30b: {  	s19 =	spop (v2sf);
	s15 =	sor.u32 $0xE, s21;
	s21 =	sld [smem:$0x7E5]  }
0x30c: {  	[smem:$0x7F2] =	sst s19  }
0x30d: {  	s2 =	sadd.f32 s4, s29  }
0x30e: {  	s22 =	spop (v2sf);
	s29 =	sld [smem:$0x7E7]  }
0x30f: {  	(v2sf) =	vpush v0, $0x2;
	s17 =	sor.u32 s11, s15;
	s3 =	sshll.u32 s15, $0x7;
	s15 =	sld [smem:$0x7E8]  }
0x310: {  	[smem:$0x7F3] =	sst s22  }
0x311: {  	s6 =	spop (v2sf);
	s22 =	sld [smem:$0x7E6]  }
0x312: {  	s25 =	sand.u32 $0x3FFFFF00, s3;
	[smem:$0x7F4] =	sst s6  }
0x313: {  	(v2sf) =	vpush v0, $0x3;
	s2 =	sadd.f32 s2, s10;
	v57 =	vld [tilespmem:s25+$0xD000]  }
0x314: {  	s7 =	spop (v2sf);
	v58 =	vld [tilespmem:s25+$0xD010];
	s25 =	sld [smem:$0x7EA]  }
0x315: {  	[smem:$0x7F5] =	sst s7  }
0x316: {  	s12 =	spop (v2sf);
	s2 =	sadd.f32 s2, s30  }
0x317: {  	(v2sf) =	vpush v0, $0x4;
	[smem:$0x7F6] =	sst s12  }
0x318: {  	s0 =	spop (v2sf);
	s2 =	sadd.f32 s2, s21  }
0x319: {  	(v2sf) =	vpush v0, $0x5;
	s7 =	spop (v2sf);
	s21 =	sadd.f32 s14, s13  }
0x31a: {  	(v2sf) =	vpush v0, $0x6;
	s0 =	sadd.f32 s7, s0  }
0x31b: {  	s7 =	sld [smem:$0x7EF]  }
0x31c: {  	(v2sf) =	vpush v0, $0x7;
	s6 =	sadd.f32 s2, s22  }
0x31d: {  	(v2sf) =	vpush v0, $0x8;
	s22 =	sld [smem:$0x7E9]  }
0x31e: {  	(v2sf) =	vpush v0, $0x9;
	s19 =	spop (v2sf);
	s10 =	sadd.f32 s21, s16  }
0x31f: {  	(v2sf) =	vpush v0, $0xA;
	s0 =	sadd.f32 s0, s19  }
0x320: {  	(v2sf) =	vpush v0, $0xB;
	s30 =	sadd.f32 s6, s29  }
0x321: {  	v1 =	vmul.f32 v53, v51;
	v2 =	vmul.f32 v54, v52;
	(v2sf) =	vpush v0, $0xC;
	s10 =	sadd.f32 s10, s26  }
0x322: {  	(v2sf) =	vpush v0, $0xD;
	s12 =	spop (v2sf);
	s29 =	sld [smem:$0x7EB]  }
0x323: {  	v1 =	vadd.f32 v2, v1;
	(v2sf) =	vpush v0, $0xE;
	s0 =	sadd.f32 s0, s12  }
0x324: {  	s4 =	sshll.u32 s17, $0x5;
	(v2sf) =	vpush v0, $0xF;
	s17 =	sadd.f32 s30, s15  }
0x325: {  	(v2sf) =	vpush v1, $0x0;
	s16 =	sadd.f32 s10, s18  }
0x326: {  	(v2sf) =	vpush v1, $0x1;
	s1 =	spop (v2sf);
	s18 =	rddreg [dreg:$0xe]  }
0x327: {  	(v2sf) =	vpush v1, $0x2;
	s0 =	sadd.f32 s0, s1  }
0x328: {  	(v2sf) =	vpush v1, $0x3;
	s2 =	spop (v2sf);
	s8 =	sadd.f32 s17, s22  }
0x329: {  	s4 =	sand.u32 $0x3F80, s4;
	(v2sf) =	vpush v1, $0x4;
	s3 =	spop (v2sf);
	s0 =	sadd.f32 s0, s2  }
0x32a: {  	v55 =	vld [tilespmem:s4+$0x1040];
	(v2sf) =	vpush v1, $0x5;
	s10 =	sshllo.u32 s18, $0x4;
	s8 =	sadd.f32 s8, s25  }
0x32b: {  	v56 =	vld [tilespmem:s4+$0x1050];
	(v2sf) =	vpush v1, $0x6;
	s4 =	spop (v2sf);
	s25 =	sor.u32 s11, s10;
	s11 =	sadd.f32 s9, s23  }
0x32c: {  	(v2sf) =	vpush v1, $0x7;
	s6 =	spop (v2sf);
	s23 =	sld [smem:$0x7EC]  }
0x32d: {  	(v2sf) =	vpush v1, $0x8;
	s5 =	spop (v2sf);
	s9 =	sld [smem:$0x7ED]  }
0x32e: {  	(v2sf) =	vpush v1, $0x9;
	s13 =	spop (v2sf);
	s0 =	sadd.f32 s0, s3  }
0x32f: {  	(v2sf) =	vpush v1, $0xA;
	s17 =	spop (v2sf);
	s8 =	sadd.f32 s8, s29  }
0x330: {  	(v2sf) =	vpush v1, $0xB;
	s21 =	spop (v2sf);
	s3 =	sadd.f32 s0, s4  }
0x331: {  	s30 =	spop (v2sf);
	[smem:$0x7FB] =	sst s8  }
0x332: {  	s15 =	spop (v2sf);
	s8 =	sadd.f32 s16, s20  }
0x333: {  	s22 =	spop (v2sf);
	s2 =	sadd.f32 s3, s6  }
0x334: {  	(v2sf) =	vpush v1, $0xC;
	s29 =	spop (v2sf);
	[smem:$0x7FC] =	sst s8;
	s8 =	sshll.u32 s25, $0x5  }
0x335: {  	(v2sf) =	vpush v1, $0xD;
	s26 =	spop (v2sf);
	s2 =	sadd.f32 s2, s5;
	s8 =	sand.u32 $0x3F80, s8  }
0x336: {  	s18 =	spop (v2sf);
	s26 =	sadd.f32 s26, s29;
	v59 =	vld [tilespmem:s8+$0x1060]  }
0x337: {  	s31 =	spop (v2sf);
	v60 =	vld [tilespmem:s8+$0x1070];
	s8 =	sadd.f32 s11, s28  }
0x338: {  	s25 =	spop (v2sf);
	s18 =	sadd.f32 s26, s18  }
0x339: {  	s16 =	spop (v2sf);
	s20 =	sadd.f32 s8, s24  }
0x33a: {  	s14 =	sshll.u32 s10, $0x7;
	(v2sf) =	vpush v1, $0xE;
	s10 =	spop (v2sf);
	s18 =	sadd.f32 s18, s31  }
0x33b: {  	s19 =	sand.u32 $0x3FFFFF80, s14;
	(v2sf) =	vpush v1, $0xF;
	s14 =	spop (v2sf);
	s1 =	sadd.f32 s20, s23  }
0x33c: {  	v61 =	vld [tilespmem:s19+$0xD000];
	s12 =	spop (v2sf);
	s23 =	sld [smem:$0x7EE]  }
0x33d: {  	v0 =	vmul.f32 v57, v55;
	v2 =	vmul.f32 v58, v56;
	v62 =	vld [tilespmem:s19+$0xD010];
	s18 =	sadd.f32 s18, s25;
	s19 =	spop (v2sf)  }
0x33e: {  	s24 =	spop (v2sf);
	s1 =	sadd.f32 s1, s9  }
0x33f: {  	v0 =	vadd.f32 v2, v0;
	s16 =	sadd.f32 s18, s16;
	s28 =	spop (v2sf)  }
0x340: {  	[smem:$0x7F7] =	sst s28  }
0x341: {  	(v2sf) =	vpush v0, $0x0;
	s1 =	sadd.f32 s1, s23  }
0x342: {  	(v2sf) =	vpush v0, $0x1;
	s23 =	sld [smem:$0x7F1]  }
0x343: {  	s8 =	spop (v2sf);
	s10 =	sadd.f32 s16, s10  }
0x344: {  	[smem:$0x7F8] =	sst s8;
	s11 =	spop (v2sf)  }
0x345: {  	[smem:$0x7F9] =	sst s11  }
0x346: {  	s8 =	sadd.f32 s1, s7  }
0x347: {  	(v2sf) =	vpush v0, $0x2;
	s11 =	sld [smem:$0x7F0]  }
0x348: {  	s10 =	sadd.f32 s10, s14  }
0x349: {  	s20 =	spop (v2sf);
	s14 =	sld [smem:$0x7F7]  }
0x34a: {  	(v2sf) =	vpush v0, $0x3;
	[smem:$0x7FA] =	sst s20;
	s28 =	spop (v2sf)  }
0x34b: {  	(v2sf) =	vpush v0, $0x4;
	[smem:$0x7FD] =	sst s28  }
0x34c: {  	(v2sf) =	vpush v0, $0x5;
	s28 =	sadd.f32 s2, s13  }
0x34d: {  	(v2sf) =	vpush v0, $0x6;
	s10 =	sadd.f32 s10, s12  }
0x34e: {  	(v2sf) =	vpush v0, $0x7;
	s12 =	rddreg [dreg:$0x11]  }
0x34f: {  	(v2sf) =	vpush v0, $0x8;
	s20 =	sadd.f32 s8, s11  }
0x350: {  	(v2sf) =	vpush v0, $0x9;
	s9 =	spop (v2sf);
	s11 =	sld [smem:$0x7F2]  }
0x351: {  	(v2sf) =	vpush v0, $0xA;
	s4 =	spop (v2sf);
	s8 =	sadd.f32 s28, s17  }
0x352: {  	(v2sf) =	vpush v0, $0xB;
	s4 =	sadd.f32 s4, s9  }
0x353: {  	v1 =	vmul.f32 v61, v59;
	v2 =	vmul.f32 v62, v60;
	(v2sf) =	vpush v0, $0xC;
	s6 =	sadd.f32 s20, s23  }
0x354: {  	(v2sf) =	vpush v0, $0xD;
	s20 =	sld [smem:$0x7F3]  }
0x355: {  	v1 =	vadd.f32 v2, v1;
	(v2sf) =	vpush v0, $0xE;
	s8 =	sadd.f32 s8, s21  }
0x356: {  	(v2sf) =	vpush v0, $0xF;
	s1 =	spop (v2sf);
	s21 =	sld [smem:$0x7F4]  }
0x357: {  	(v2sf) =	vpush v1, $0x0;
	s1 =	sadd.f32 s4, s1  }
0x358: {  	(v2sf) =	vpush v1, $0x1;
	s13 =	sadd.f32 s6, s11  }
0x359: {  	s3 =	spop (v2sf);
	s30 =	sadd.f32 s8, s30  }
0x35a: {  	(v2sf) =	vpush v1, $0x2;
	s5 =	spop (v2sf);
	s1 =	sadd.f32 s1, s3  }
0x35b: {  	s7 =	spop (v2sf);
	s11 =	sadd.f32 s13, s20  }
0x35c: {  	(v2sf) =	vpush v1, $0x3;
	s2 =	spop (v2sf);
	s13 =	sld [smem:$0x7F5]  }
0x35d: {  	s6 =	spop (v2sf);
	s1 =	sadd.f32 s1, s5  }
0x35e: {  	(v2sf) =	vpush v1, $0x4;
	s28 =	spop (v2sf);
	s0 =	sadd.f32 s11, s21  }
0x35f: {  	s5 =	sadd.f32 s10, s19;
	s23 =	spop (v2sf)  }
0x360: {  	(v2sf) =	vpush v1, $0x5;
	s20 =	spop (v2sf);
	s21 =	sadd.f32 s0, s13  }
0x361: {  	s17 =	spop (v2sf);
	s0 =	sadd.f32 s30, s15  }
0x362: {  	(v2sf) =	vpush v1, $0x6;
	s15 =	sld [smem:$0x7F6];
	s11 =	spop (v2sf)  }
0x363: {  	s10 =	rddreg [dreg:$0x10];
	s8 =	spop (v2sf)  }
0x364: {  	(v2sf) =	vpush v1, $0x7;
	s19 =	sld [smem:$0x7F8];
	s30 =	spop (v2sf)  }
0x365: {  	s13 =	sadd.f32 s21, s15;
	s21 =	spop (v2sf)  }
0x366: {  	(v2sf) =	vpush v1, $0x8;
	s15 =	sadd.f32 s0, s22;
	s0 =	spop (v2sf)  }
0x367: {  	s1 =	sadd.f32 s1, s7;
	s22 =	spop (v2sf)  }
0x368: {  	(v2sf) =	vpush v1, $0x9;
	s0 =	sadd.f32 s22, s0  }
0x369: {  	s7 =	rddreg [dreg:$0xf];
	s29 =	spop (v2sf)  }
0x36a: {  	(v2sf) =	vpush v1, $0xA;
	s0 =	sadd.f32 s0, s29  }
0x36b: {  	s9 =	sadd.f32 s5, s24;
	s22 =	spop (v2sf)  }
0x36c: {  	(v2sf) =	vpush v1, $0xB;
	s0 =	sadd.f32 s0, s22  }
0x36d: {  	s24 =	rddreg [dreg:$0x16];
	s26 =	spop (v2sf)  }
0x36e: {  	(v2sf) =	vpush v1, $0xC;
	s0 =	sadd.f32 s0, s26  }
0x36f: {  	s1 =	sadd.f32 s1, s2;
	s29 =	spop (v2sf)  }
0x370: {  	(v2sf) =	vpush v1, $0xD;
	s0 =	sadd.f32 s0, s29  }
0x371: {  	s1 =	sadd.f32 s1, s6;
	s31 =	spop (v2sf)  }
0x372: {  	(v2sf) =	vpush v1, $0xE;
	s0 =	sadd.f32 s0, s31  }
0x373: {  	s1 =	sadd.f32 s1, s28;
	s16 =	spop (v2sf)  }
0x374: {  	(v2sf) =	vpush v1, $0xF;
	s0 =	sadd.f32 s0, s16  }
0x375: {  	s28 =	sld [smem:$0x7FB];
	s18 =	spop (v2sf)  }
0x376: {  	s0 =	sadd.f32 s0, s18  }
0x377: {  	s6 =	sadd.f32 s1, s23;
	s22 =	spop (v2sf)  }
0x378: {  	s0 =	sadd.f32 s0, s22  }
0x379: {  	s1 =	sadd.f32 s9, s14;
	s25 =	spop (v2sf)  }
0x37a: {  	s0 =	sadd.f32 s0, s25  }
0x37b: {  	s23 =	sld [smem:$0x7F9];
	s26 =	spop (v2sf)  }
0x37c: {  	s0 =	sadd.f32 s0, s26  }
0x37d: {  	s1 =	sadd.f32 s1, s19;
	s29 =	spop (v2sf)  }
0x37e: {  	s0 =	sadd.f32 s0, s29  }
0x37f: {  	s1 =	sadd.f32 s1, s23;
	s31 =	spop (v2sf)  }
0x380: {  	s0 =	sadd.f32 s0, s31  }
0x381: {  	s16 =	rddreg [dreg:$0x12];
	s3 =	spop (v2sf)  }
0x382: {  	s0 =	sadd.f32 s0, s3  }
0x383: {  	s18 =	rddreg [dreg:$0x13];
	s4 =	spop (v2sf)  }
0x384: {  	s0 =	sadd.f32 s0, s4  }
0x385: {  	s22 =	rddreg [dreg:$0x15]  }
0x386: {  	v63 =	vmov s0;
	s0 =	sadd.f32 s6, s20  }
0x387: {  	s25 =	rddreg [dreg:$0x17];
	v0 =	vsel vm0, s7, v63  }
0x388: {  	v0 =	vsel vm1, s10, v0;
	s0 =	sadd.f32 s0, s17  }
0x389: {  	s26 =	sld [smem:$0x7FA];
	v0 =	vsel vm2, s12, v0  }
0x38a: {  	v0 =	vsel vm3, s16, v0;
	s0 =	sadd.f32 s0, s11  }
0x38b: {  	s20 =	rddreg [dreg:$0x14];
	v0 =	vsel vm4, s18, v0  }
0x38c: {  	v0 =	vsel vm5, s20, v0;
	s0 =	sadd.f32 s0, s8  }
0x38d: {  	s29 =	sld [smem:$0x7FC];
	v0 =	vsel vm6, s22, v0  }
0x38e: {  	v0 =	vsel vm7, s24, v0;
	s0 =	sadd.f32 s0, s30  }
0x38f: {  	s30 =	sld [smem:$0x7FD];
	v0 =	vsel vm8, s25, v0  }
0x390: {  	s1 =	sadd.f32 s1, s26;
	v0 =	vsel vm9, s28, v0  }
0x391: {  	p1 =	por p0, p0;
	v0 =	vsel vm10, s29, v0  }
.Ltmp6:
0x392: {  	s1 =	sadd.f32 s1, s30;
	v0 =	vsel vm11, s13, v0;
	(pc) =	sbr.rel @p1 .LBB2_12-.Ltmp6, $4  }
0x393: {  	s0 =	sadd.f32 s0, s21;
	v0 =	vsel vm12, s15, v0  }
0x394: {  	v0 =	vsel vm13, s1, v0  }
0x395: {  	s31 =	rddreg [dreg:$0xd];
	v0 =	vsel vm14, s0, v0  }
0x396: {  	p0 =	por $0x0, $0x0;
	s0 =	simm.s32 $0x1;
	[tilespmem:s31+$0xE000] =	vst v0  }
0x397: {  	s0 =	rddreg [dreg:$0xb]  }
0x398: {  	s0 =	sadd.s32 $0x1, s0  }
0x399: {  	p0 =	sne.s32 s0, $0x10  }
.Ltmp7:
0x39a: {  	_ = 	snop;
	(pc) =	sbr.rel @p0 .LBB2_11-.Ltmp7, $2  }
0x39b: {  	_ =	sdelay $0x2  }
0x39c: {  	s9 =	simm.s32 $0x20;
	s10 =	simm.s32 $0xD000;
	s11 =	simm.s32 $0x1  }
0x39d: {  	s7 =	simm.s32 $0x0;
	s0 =	rddreg [dreg:$0x8];
	s1 =	simm.s32 $0xE000  }
0x39e: {  	[hbm4b:s0+s7] =	stream.linear.scatter [tilespmem:s1], [sflag:$0x2], $0x200, $0x38;
	[tilespmem:$0xE200] =	vst v63  }
0x39f: {  	s1 =	simm.s32 $0x2  }
0x3a0: {  	_ =	swait.ge [sflag:s1], $0x200  }
0x3a1: {  	s2 =	rddreg [dreg:$0xa]  }
0x3a2: {  	s31 =	rddreg [dreg:$0x9];
	s2 =	sadd.s32 $0x1, s2  }
0x3a3: {  	p0 =	sne.s32 s2, s31  }
.Ltmp8:
0x3a4: {  	_ = 	snop;
	(pc) =	sbr.rel @p0 .LBB2_1-.Ltmp8, $3  }
0x3a5: {  	_ =	sdelay $0x1  }
0x3a6: {  	[sflag:s1] =	ssyncset.done $0x0  }
0x3a7: {  	s8 =	rddreg [dreg:$0x4];
	[sflag:s1] =	ssyncadd.s32 $0xFFFFFE00  }
0x3a8: {  	_ =	sfence.sel $0x180000  }
0x3a9: {  	[bflag:$0x0] =	sbarrier.arrive $0xFFFF  }
0x3aa: {  	_ =	strace $0x90000047  }
0x3ab: {  	s0 =	stileid.u32;
	[bflag:$0x2] =	sbarrier.arrive $0xFFFF  }
0x3ac: {  	p0 =	sne.s32 s0, $0x0;
	s0 =	rddreg [dreg:$0x2]  }
0x3ad: {  	s0 =	sadd.s32 @!p0 $0x100000, s0  }
0x3ae: {  	[sflag:s0] =	ssyncadd.tile.s32 @!p0 $0x1;
	_ =	shalt  }
.Lfunc_end2:
_tile_overlayer_lowered:
.L_overlay_start_2:
0x3af: {  	(tag) =	ssettag $0x2  }
0x3b0: {  	s0 =	rddreg [dreg:$0x0];
	s2 =	stileid.u32  }
0x3b1: {  	s1 =	rddreg [dreg:$0x1];
	p0 =	sne.s32 s2, $0x0  }
0x3b2: {  	s3 =	rddreg [dreg:$0x2];
	[bflag:$0x3] =	sbarrier.arrive $0xFFFF;
	s2 =	simm.s32 @!p0 $0x1C02  }
0x3b3: {  	[timem:s3], [sflag:s2] =	dma.local @!p0 [hbm:s0], s1  }
0x3b4: {  	s0 =	simm.s32 @!p0 $0x2  }
0x3b5: {  	_ =	swait.ge @!p0 [sflag:s0], s1  }
0x3b6: {  	s1 =	ssub.s32 @!p0 $0x0, s1;
	[sflag:s0] =	ssyncset.done @!p0 $0x0  }
0x3b7: {  	[sflag:s0] =	ssyncadd.s32 @!p0 s1  }
0x3b8: {  	[bflag:$0x3] =	sbarrier.arrive $0xFFFF  }
0x3b9: {  	_ =	shalt  }

</sc_bundles>
